<compile_context>
chip_gen: v7x
topology: tpu7x:2x2x1
jax: 0.10.2.dev20260603
libtpu: 0.0.44.dev20260713+nightly
codegen_flags: <defaults>
</compile_context>

<pallas_src>
import functools

import jax
import jax.numpy as jnp
from jax import lax
from jax.experimental import pallas as pl
from jax.experimental.pallas import tpu as pltpu
from jax.experimental.pallas import tpu_sc as plsc

B, N, D_IN, D_H = 32, 128, 4, 64
BN = B * N
K = 3
BIG = 3.0e38
_PREC = lax.Precision.HIGHEST


def _mm(a, b):
    return lax.dot_general(a, b, (((1,), (1,)), ((), ())),
                           preferred_element_type=jnp.float32, precision=_PREC)


def _mmb(a, b):
    return lax.dot_general(a.astype(jnp.bfloat16), b.astype(jnp.bfloat16),
                           (((1,), (1,)), ((), ())),
                           preferred_element_type=jnp.float32)


def _full(s):
    return pl.BlockSpec(s, lambda: tuple(0 for _ in s))


def _stage_a_body(x_ref, W1_ref, b1_ref, W2_ref, b2_ref, Wm_ref, bm_ref,
                  h_ref, mh_ref, ht_ref, keys_ref):
    x = x_ref[...].reshape(BN, D_IN)
    h1 = jnp.maximum(_mmb(x, W1_ref[...]) + b1_ref[...], 0.0)
    h = jnp.maximum(_mmb(h1, W2_ref[...]) + b2_ref[...], 0.0)
    mh = jnp.maximum(_mmb(h, Wm_ref[...]) + bm_ref[...], 0.0)
    h_ref[...] = h
    mh_ref[...] = jnp.concatenate([mh, mh], axis=1)
    rid = lax.broadcasted_iota(jnp.int32, (N, N), 0)
    cid = lax.broadcasted_iota(jnp.int32, (N, N), 1)
    diag = rid == cid
    ones_row = jnp.ones((1, D_H), dtype=jnp.float32)
    for b in range(B):
        hb = h[b * N:(b + 1) * N]
        ht_ref[b] = hb.T
        hh = hb * hb
        sq_col = jnp.sum(hh, axis=1, keepdims=True)
        sq_row = lax.dot_general(ones_row, hh, (((1,), (1,)), ((), ())),
                                 preferred_element_type=jnp.float32,
                                 precision=_PREC)
        g = _mm(hb, hb)
        dist = jnp.maximum(sq_col + sq_row - 2.0 * g, 0.0)
        dist = jnp.where(diag, BIG, dist)
        bits = lax.bitcast_convert_type(dist, jnp.int32)
        keys_ref[b] = (bits & ~jnp.int32(127)) | rid
    return


def _stage_a(x, W1, b1, W2, b2, Wm, bm):
    return pl.pallas_call(
        _stage_a_body,
        in_specs=[
            _full((B, N, D_IN)),
            _full((D_H, D_IN)),
            _full((1, D_H)),
            _full((D_H, D_H)),
            _full((1, D_H)),
            _full((D_H, D_H)),
            _full((1, D_H)),
        ],
        out_specs=[
            _full((BN, D_H)),
            _full((BN, 2 * D_H)),
            _full((B, D_H, N)),
            _full((B, N, N)),
        ],
        out_shape=[
            jax.ShapeDtypeStruct((BN, D_H), jnp.float32),
            jax.ShapeDtypeStruct((BN, 2 * D_H), jnp.float32),
            jax.ShapeDtypeStruct((B, D_H, N), jnp.float32),
            jax.ShapeDtypeStruct((B, N, N), jnp.int32),
        ],
    )(x, W1, b1, W2, b2, Wm, bm)


def _sc_body(keys_hbm, ht_hbm, mh_hbm, msgs_hbm,
             keys_v, ht_v, msgs_v, idx1_v, idx2_v, idx3_v,
             rows1_v, rows2_v, rows3_v, sem_ht, sem_r1, sem_r2, sem_r3):
    c = lax.axis_index("c")
    s = lax.axis_index("s")
    w = s * 2 + c
    ht_cp = pltpu.async_copy(ht_hbm.at[w], ht_v, sem_ht)
    pltpu.sync_copy(keys_hbm.at[w], keys_v)
    big_key = jnp.full((16,), jnp.int32(0x7F000000), dtype=jnp.int32)
    zero_f = jnp.zeros((16,), dtype=jnp.float32)
    lane = jnp.arange(16, dtype=jnp.int32)
    for grp in range(N // 16):
        @plsc.parallel_loop(0, N, unroll=8,
                            carry=(big_key, big_key, big_key, big_key))
        def _scan(j, ks):
            k1, k2, k3, k4 = ks
            v = keys_v[j, pl.ds(grp * 16, 16)]
            lt1 = v < k1
            lt2 = v < k2
            lt3 = v < k3
            lt4 = v < k4
            k2n = jnp.where(lt1, k1, jnp.where(lt2, v, k2))
            k3n = jnp.where(lt2, k2, jnp.where(lt3, v, k3))
            k4n = jnp.where(lt3, k3, jnp.where(lt4, v, k4))
            k1n = jnp.where(lt1, v, k1)
            return (k1n, k2n, k3n, k4n)

        k1, k2, k3, k4 = _scan
        c1 = k1 & 127
        c2 = k2 & 127
        c3 = k3 & 127
        c4 = k4 & 127
        if grp == 0:
            ht_cp.wait()

        @plsc.parallel_loop(0, D_H, unroll=4,
                            carry=(zero_f, zero_f, zero_f, zero_f))
        def _recheck(d, accs):
            a1, a2, a3, a4 = accs
            dv = jnp.full((16,), 0, dtype=jnp.int32) + d
            hv = ht_v[d, pl.ds(grp * 16, 16)]
            e1 = hv - plsc.load_gather(ht_v, [dv, c1])
            e2 = hv - plsc.load_gather(ht_v, [dv, c2])
            e3 = hv - plsc.load_gather(ht_v, [dv, c3])
            e4 = hv - plsc.load_gather(ht_v, [dv, c4])
            return (a1 + e1 * e1, a2 + e2 * e2, a3 + e3 * e3, a4 + e4 * e4)

        inf_v = jnp.full((16,), BIG, dtype=jnp.float32)
        m1, m2, m3 = inf_v, inf_v, inf_v
        i1 = i2 = i3 = jnp.zeros((16,), dtype=jnp.int32)
        for ev, iv in zip(_recheck, (c1, c2, c3, c4)):
            lt1 = ev < m1
            lt2 = ev < m2
            lt3 = ev < m3
            m2n = jnp.where(lt1, m1, jnp.where(lt2, ev, m2))
            i2n = jnp.where(lt1, i1, jnp.where(lt2, iv, i2))
            m3 = jnp.where(lt2, m2, jnp.where(lt3, ev, m3))
            i3 = jnp.where(lt2, i2, jnp.where(lt3, iv, i3))
            m1 = jnp.where(lt1, ev, m1)
            i1 = jnp.where(lt1, iv, i1)
            m2, i2 = m2n, i2n

        base = w * N
        sl = pl.ds(grp * 16, 16)
        idx1_v[sl] = i1 + base
        idx2_v[sl] = i2 + base
        idx3_v[sl] = i3 + base

    r1 = pltpu.async_copy(mh_hbm.at[idx1_v], rows1_v, sem_r1)
    r2 = pltpu.async_copy(mh_hbm.at[idx2_v], rows2_v, sem_r2)
    r3 = pltpu.async_copy(mh_hbm.at[idx3_v], rows3_v, sem_r3)
    r1.wait()
    r2.wait()
    r3.wait()

    @plsc.parallel_loop(0, N * (D_H // 16), unroll=8)
    def _avg(t):
        node = t // (D_H // 16)
        ch = (t % (D_H // 16)) * 16
        v = (rows1_v[node, pl.ds(ch, 16)] + rows2_v[node, pl.ds(ch, 16)]
             + rows3_v[node, pl.ds(ch, 16)]) * (1.0 / 3.0)
        msgs_v[node, pl.ds(ch, 16)] = v

    pltpu.sync_copy(msgs_v, msgs_hbm.at[pl.ds(w * N, N)])


@functools.cache
def _sc_knn_call():
    return pl.kernel(
        _sc_body,
        out_type=jax.ShapeDtypeStruct((BN, D_H), jnp.float32),
        name="sc_knn_gather_mean",
        mesh=plsc.VectorSubcoreMesh(core_axis_name="c", subcore_axis_name="s",
                                    num_cores=2, num_subcores=16),
        scratch_types=[
            pltpu.VMEM((N, N), jnp.int32),
            pltpu.VMEM((D_H, N), jnp.float32),
            pltpu.VMEM((N, D_H), jnp.float32),
            pltpu.VMEM((N,), jnp.int32),
            pltpu.VMEM((N,), jnp.int32),
            pltpu.VMEM((N,), jnp.int32),
            pltpu.VMEM((N, 2 * D_H), jnp.float32),
            pltpu.VMEM((N, 2 * D_H), jnp.float32),
            pltpu.VMEM((N, 2 * D_H), jnp.float32),
            pltpu.SemaphoreType.DMA,
            pltpu.SemaphoreType.DMA,
            pltpu.SemaphoreType.DMA,
            pltpu.SemaphoreType.DMA,
        ],
        compiler_params=pltpu.CompilerParams(needs_layout_passes=False,
                                             use_tc_tiling_on_sc=True),
    )


def _sc_knn(keys, ht, mh):
    return _sc_knn_call()(keys, ht, mh)


def _stage_c_body(h_ref, msgs_ref, Wu1_ref, bu1_ref,
                  Wu2_ref, bu2_ref, Wmean_ref, Wval_ref, bmv_ref,
                  mean_ref, val_ref):
    h = h_ref[...]
    msgs = msgs_ref[...]
    Wu1 = Wu1_ref[...]
    z = _mmb(h, Wu1[:, :D_H]) + _mmb(msgs, Wu1[:, D_H:])
    u = jnp.maximum(z + bu1_ref[...], 0.0)
    u = jnp.maximum(_mmb(u, Wu2_ref[...]) + bu2_ref[...], 0.0)
    wmv = jnp.concatenate([Wmean_ref[...], Wval_ref[...]], axis=0)
    out = _mmb(u, wmv) + bmv_ref[...]
    for b in range(B):
        blk = out[b * N:(b + 1) * N]
        mean_ref[b] = blk[:, :2]
        val_ref[b] = blk[:, 2:3]


def _stage_c(h, msgs, Wu1, bu1, Wu2, bu2, Wmean, Wval, bmv):
    return pl.pallas_call(
        _stage_c_body,
        in_specs=[
            _full((BN, D_H)),
            _full((BN, D_H)),
            _full((2 * D_H, 2 * D_H)),
            _full((1, 2 * D_H)),
            _full((2 * D_H, 2 * D_H)),
            _full((1, 2 * D_H)),
            _full((2, 2 * D_H)),
            _full((1, 2 * D_H)),
            _full((1, 3)),
        ],
        out_specs=[
            _full((B, N, 2)),
            _full((B, N, 1)),
        ],
        out_shape=[
            jax.ShapeDtypeStruct((B, N, 2), jnp.float32),
            jax.ShapeDtypeStruct((B, N, 1), jnp.float32),
        ],
    )(h, msgs, Wu1, bu1, Wu2, bu2, Wmean, Wval, bmv)


def kernel(x, W1, b1, W2, b2, Wm, bm, Wu1, bu1, Wu2, bu2,
           Wmean, bmean, Wval, bval, log_std):
    h, mh, ht, keys = _stage_a(x, W1, b1.reshape(1, -1),
                               W2, b2.reshape(1, -1), Wm, bm.reshape(1, -1))
    msgs = _sc_knn(keys, ht, mh)
    bmv = jnp.concatenate([bmean, bval], axis=0).reshape(1, -1)
    mean, value = _stage_c(h, msgs, Wu1, bu1.reshape(1, -1),
                           Wu2, bu2.reshape(1, -1), Wmean, Wval, bmv)
    std = jnp.exp(log_std)
    return (mean, std, value)

# --- scband reference (transcript-rebuilt; emitter-appended) ---
"""Pipeline reference for scband-gnnpolicy-47090021433386 (READ-ONLY COPY).

The authoritative reference and input builder live on the scoring server;
editing this copy changes nothing except your own understanding.
"""

import jax, jax.numpy as jnp
import numpy as np

K_NEIGHBORS = 3
B, N, D_IN = 32, 128, 4


def _init_linear(key, fan_in, fan_out):
    k1, k2 = jax.random.split(key)
    lim = 1.0 / np.sqrt(fan_in)
    W = jax.random.uniform(k1, (fan_out, fan_in), minval=-lim, maxval=lim, dtype=jnp.float32)
    b = jax.random.uniform(k2, (fan_out,), minval=-lim, maxval=lim, dtype=jnp.float32)
    return W, b


def setup_inputs(seed: int = 0) -> dict:
    key = jax.random.key(seed)
    ks = jax.random.split(key, 8)
    x = jax.random.normal(ks[0], (B, N, D_IN), dtype=jnp.float32)
    W1, b1 = _init_linear(ks[1], 4, 64)
    W2, b2 = _init_linear(ks[2], 64, 64)
    Wm, bm = _init_linear(ks[3], 64, 64)
    Wu1, bu1 = _init_linear(ks[4], 128, 128)
    Wu2, bu2 = _init_linear(ks[5], 128, 128)
    Wmean, bmean = _init_linear(ks[6], 128, 2)
    Wval, bval = _init_linear(ks[7], 128, 1)
    log_std = jnp.zeros((2,), dtype=jnp.float32)
    return {"x": x, "W1": W1, "b1": b1, "W2": W2, "b2": b2,
            "Wm": Wm, "bm": bm, "Wu1": Wu1, "bu1": bu1, "Wu2": Wu2, "bu2": bu2,
            "Wmean": Wmean, "bmean": bmean, "Wval": Wval, "bval": bval,
            "log_std": log_std}


def reference(x, W1, b1, W2, b2, Wm, bm, Wu1, bu1, Wu2, bu2, Wmean, bmean, Wval, bval, log_std):
    # node MLP
    h = jax.nn.relu(x @ W1.T + b1)
    h = jax.nn.relu(h @ W2.T + b2)
    # pairwise squared distances in embedding space
    diff = h[:, :, None, :] - h[:, None, :, :]            # [B, N, N, 64]
    dist = jnp.sum(diff ** 2, axis=-1)                    # [B, N, N]
    # k smallest distances (self at index 0)
    _, idx = jax.lax.top_k(-dist, K_NEIGHBORS + 1)        # [B, N, K+1]
    knn_idx = idx[:, :, 1:]                               # [B, N, K]
    # gather neighbor features per batch element
    neigh = jax.vmap(lambda hb, ib: hb[ib])(h, knn_idx)   # [B, N, K, 64]
    m = jax.nn.relu(neigh @ Wm.T + bm)                    # msg MLP
    msgs = jnp.mean(m, axis=2)                            # mean over K neighbors
    hcat = jnp.concatenate([h, msgs], axis=-1)            # [B, N, 128]
    u = jax.nn.relu(hcat @ Wu1.T + bu1)
    u = jax.nn.relu(u @ Wu2.T + bu2)
    mean = u @ Wmean.T + bmean                            # [B, N, 2]
    std = jnp.exp(log_std)                                # [2]
    value = u @ Wval.T + bval                             # [B, N, 1]
    return (mean, std, value)

if __name__ == "__main__":
    import jax
    _d = setup_inputs()
    print(jax.jit(kernel)(*tuple(_d.values())))

</pallas_src>

<mosaic_0001>
#map = affine_map<(d0, d1) -> (0, 0, 0)>
#map1 = affine_map<(d0, d1) -> (0, 0)>
module attributes {stable_mosaic.version = 14 : i64} {
  func.func @sc_knn_gather_mean(%arg0: i32, %arg1: i32, %arg2: memref<32x128x128xi32, #tpu.memory_space<hbm>>, %arg3: memref<32x64x128xf32, #tpu.memory_space<hbm>>, %arg4: memref<4096x128xf32, #tpu.memory_space<hbm>>, %arg5: memref<4096x64xf32, #tpu.memory_space<hbm>>, %arg6: memref<128x128xi32, #tpu.memory_space<vmem>>, %arg7: memref<64x128xf32, #tpu.memory_space<vmem>>, %arg8: memref<128x64xf32, #tpu.memory_space<vmem>>, %arg9: memref<128xi32, #tpu.memory_space<vmem>>, %arg10: memref<128xi32, #tpu.memory_space<vmem>>, %arg11: memref<128xi32, #tpu.memory_space<vmem>>, %arg12: memref<128x128xf32, #tpu.memory_space<vmem>>, %arg13: memref<128x128xf32, #tpu.memory_space<vmem>>, %arg14: memref<128x128xf32, #tpu.memory_space<vmem>>, %arg15: memref<!tpu.dma_semaphore, #tpu.memory_space<semaphore_mem>>, %arg16: memref<!tpu.dma_semaphore, #tpu.memory_space<semaphore_mem>>, %arg17: memref<!tpu.dma_semaphore, #tpu.memory_space<semaphore_mem>>, %arg18: memref<!tpu.dma_semaphore, #tpu.memory_space<semaphore_mem>>) attributes {dimension_semantics = [#tpu.dimension_semantics<core_parallel>, #tpu.dimension_semantics<subcore_parallel>], iteration_bounds = array<i64: 2, 16>, scalar_prefetch = 0 : i64, scratch_operands = 13 : i64, tpu.core_type = #tpu.core_type<sc_vector_subcore>, window_params = [{transform_indices = #map}, {transform_indices = #map}, {transform_indices = #map1}, {transform_indices = #map1}]} {
    %mul3A = arith.constant 2 : i32
    %mul3A_0 = arith.muli %arg1, %mul3A : i32
    %add3A = arith.addi %mul3A_0, %arg0 : i32
    %dma_start3A = arith.constant 0 : i32
    %dma_start3A_1 = arith.constant 0 : i32
    %dma_start3A_2 = tpu.memref_slice %arg3[%add3A, %dma_start3A, %dma_start3A_1] : memref<32x64x128xf32, #tpu.memory_space<hbm>> -> memref<1x64x128xf32, #tpu.memory_space<hbm>>
    %dma_start3A_3 = tpu.memref_squeeze %dma_start3A_2 : memref<1x64x128xf32, #tpu.memory_space<hbm>> -> memref<64x128xf32, #tpu.memory_space<hbm>>
    %dma_start3A_4 = arith.constant 0 : i32
    %dma_start3A_5 = arith.constant 0 : i32
    %dma_start3A_6 = tpu.memref_slice %arg3[%add3A, %dma_start3A_4, %dma_start3A_5] : memref<32x64x128xf32, #tpu.memory_space<hbm>> -> memref<1x64x128xf32, #tpu.memory_space<hbm>>
    %dma_start3A_7 = tpu.memref_squeeze %dma_start3A_6 : memref<1x64x128xf32, #tpu.memory_space<hbm>> -> memref<64x128xf32, #tpu.memory_space<hbm>>
    tpu.enqueue_dma source(%dma_start3A_7 : memref<64x128xf32, #tpu.memory_space<hbm>>) target(%arg7 : memref<64x128xf32, #tpu.memory_space<vmem>>) target_semaphore(%arg15 : memref<!tpu.dma_semaphore, #tpu.memory_space<semaphore_mem>>)
    "tpu.region"() ({
      %run_scoped3A = tpu.sem_alloc : memref<!tpu.dma_semaphore, #tpu.memory_space<semaphore_mem>>
      %dma_start3A_756 = arith.constant 0 : i32
      %dma_start3A_757 = arith.constant 0 : i32
      %dma_start3A_758 = tpu.memref_slice %arg2[%add3A, %dma_start3A_756, %dma_start3A_757] : memref<32x128x128xi32, #tpu.memory_space<hbm>> -> memref<1x128x128xi32, #tpu.memory_space<hbm>>
      %dma_start3A_759 = tpu.memref_squeeze %dma_start3A_758 : memref<1x128x128xi32, #tpu.memory_space<hbm>> -> memref<128x128xi32, #tpu.memory_space<hbm>>
      %dma_start3A_760 = arith.constant 0 : i32
      %dma_start3A_761 = arith.constant 0 : i32
      %dma_start3A_762 = tpu.memref_slice %arg2[%add3A, %dma_start3A_760, %dma_start3A_761] : memref<32x128x128xi32, #tpu.memory_space<hbm>> -> memref<1x128x128xi32, #tpu.memory_space<hbm>>
      %dma_start3A_763 = tpu.memref_squeeze %dma_start3A_762 : memref<1x128x128xi32, #tpu.memory_space<hbm>> -> memref<128x128xi32, #tpu.memory_space<hbm>>
      tpu.enqueue_dma source(%dma_start3A_763 : memref<128x128xi32, #tpu.memory_space<hbm>>) target(%arg6 : memref<128x128xi32, #tpu.memory_space<vmem>>) target_semaphore(%run_scoped3A : memref<!tpu.dma_semaphore, #tpu.memory_space<semaphore_mem>>)
      %dma_wait3A_764 = arith.constant 0 : i32
      %dma_wait3A_765 = arith.constant 0 : i32
      %dma_wait3A_766 = tpu.memref_slice %arg2[%add3A, %dma_wait3A_764, %dma_wait3A_765] : memref<32x128x128xi32, #tpu.memory_space<hbm>> -> memref<1x128x128xi32, #tpu.memory_space<hbm>>
      %dma_wait3A_767 = tpu.memref_squeeze %dma_wait3A_766 : memref<1x128x128xi32, #tpu.memory_space<hbm>> -> memref<128x128xi32, #tpu.memory_space<hbm>>
      %dma_wait3A_768 = arith.constant 0 : i32
      %dma_wait3A_769 = arith.constant 0 : i32
      %dma_wait3A_770 = tpu.memref_slice %arg2[%add3A, %dma_wait3A_768, %dma_wait3A_769] : memref<32x128x128xi32, #tpu.memory_space<hbm>> -> memref<1x128x128xi32, #tpu.memory_space<hbm>>
      %dma_wait3A_771 = tpu.memref_squeeze %dma_wait3A_770 : memref<1x128x128xi32, #tpu.memory_space<hbm>> -> memref<128x128xi32, #tpu.memory_space<hbm>>
      tpu.wait_dma2 semaphore(%run_scoped3A : memref<!tpu.dma_semaphore, #tpu.memory_space<semaphore_mem>>) src(%dma_wait3A_771 : memref<128x128xi32, #tpu.memory_space<hbm>>) dst(%arg6 : memref<128x128xi32, #tpu.memory_space<vmem>>)
      tpu.yield
    }) : () -> ()
    %broadcast_in_dim3A = arith.constant 2130706432 : i32
    %broadcast_in_dim3A_8 = vector.broadcast %broadcast_in_dim3A : i32 to vector<16xi32>
    %broadcast_in_dim3A_9 = arith.constant 0.000000e+00 : f32
    %broadcast_in_dim3A_10 = vector.broadcast %broadcast_in_dim3A_9 : f32 to vector<16xf32>
    %iota3A = tpu.iota {dimensions = array<i32: 0>} : vector<16xi32>
    %parallel_loop3A = arith.constant 0 : i32
    %parallel_loop3A_11 = arith.constant 128 : i32
    %parallel_loop3A_12 = arith.constant 1 : i32
    %parallel_loop3A_13:4 = scf.for %parallel_loop3A_756 = %parallel_loop3A to %parallel_loop3A_11 step %parallel_loop3A_12 iter_args(%parallel_loop3A_757 = %broadcast_in_dim3A_8, %parallel_loop3A_758 = %broadcast_in_dim3A_8, %parallel_loop3A_759 = %broadcast_in_dim3A_8, %parallel_loop3A_760 = %broadcast_in_dim3A_8) -> (vector<16xi32>, vector<16xi32>, vector<16xi32>, vector<16xi32>)  : i32 {
      %parallel_loop3A_761 = arith.index_cast %parallel_loop3A_756 : i32 to index
      %parallel_loop3A_762 = arith.constant 0 : index
      %parallel_loop3A_763 = tpu.vector_load %arg6[%parallel_loop3A_761, %parallel_loop3A_762] {strides = array<i32>} : memref<128x128xi32, #tpu.memory_space<vmem>>, vector<16xi32>,
      %parallel_loop3A_764 = arith.cmpi slt, %parallel_loop3A_763, %parallel_loop3A_757 : vector<16xi32>
      %parallel_loop3A_765 = arith.cmpi slt, %parallel_loop3A_763, %parallel_loop3A_758 : vector<16xi32>
      %parallel_loop3A_766 = arith.cmpi slt, %parallel_loop3A_763, %parallel_loop3A_759 : vector<16xi32>
      %parallel_loop3A_767 = arith.cmpi slt, %parallel_loop3A_763, %parallel_loop3A_760 : vector<16xi32>
      %parallel_loop3A_768 = arith.select %parallel_loop3A_765, %parallel_loop3A_763, %parallel_loop3A_758 : vector<16xi1>, vector<16xi32>
      %parallel_loop3A_769 = arith.select %parallel_loop3A_764, %parallel_loop3A_757, %parallel_loop3A_768 : vector<16xi1>, vector<16xi32>
      %parallel_loop3A_770 = arith.select %parallel_loop3A_766, %parallel_loop3A_763, %parallel_loop3A_759 : vector<16xi1>, vector<16xi32>
      %parallel_loop3A_771 = arith.select %parallel_loop3A_765, %parallel_loop3A_758, %parallel_loop3A_770 : vector<16xi1>, vector<16xi32>
      %parallel_loop3A_772 = arith.select %parallel_loop3A_767, %parallel_loop3A_763, %parallel_loop3A_760 : vector<16xi1>, vector<16xi32>
      %parallel_loop3A_773 = arith.select %parallel_loop3A_766, %parallel_loop3A_759, %parallel_loop3A_772 : vector<16xi1>, vector<16xi32>
      %parallel_loop3A_774 = arith.select %parallel_loop3A_764, %parallel_loop3A_763, %parallel_loop3A_757 : vector<16xi1>, vector<16xi32>
      scf.yield %parallel_loop3A_774, %parallel_loop3A_769, %parallel_loop3A_771, %parallel_loop3A_773 : vector<16xi32>, vector<16xi32>, vector<16xi32>, vector<16xi32>
    } {sc.loop_unroll_factor = 8 : i64, sc.parallel_access}
    %and3A = arith.constant 127 : i32
    %and3A_14 = vector.broadcast %and3A : i32 to vector<16xi32>
    %and3A_15 = arith.andi %parallel_loop3A_13#0, %and3A_14 : vector<16xi32>
    %and3A_16 = arith.constant 127 : i32
    %and3A_17 = vector.broadcast %and3A_16 : i32 to vector<16xi32>
    %and3A_18 = arith.andi %parallel_loop3A_13#1, %and3A_17 : vector<16xi32>
    %and3A_19 = arith.constant 127 : i32
    %and3A_20 = vector.broadcast %and3A_19 : i32 to vector<16xi32>
    %and3A_21 = arith.andi %parallel_loop3A_13#2, %and3A_20 : vector<16xi32>
    %and3A_22 = arith.constant 127 : i32
    %and3A_23 = vector.broadcast %and3A_22 : i32 to vector<16xi32>
    %and3A_24 = arith.andi %parallel_loop3A_13#3, %and3A_23 : vector<16xi32>
    %dma_wait3A = arith.constant 0 : i32
    %dma_wait3A_25 = arith.constant 0 : i32
    %dma_wait3A_26 = tpu.memref_slice %arg3[%add3A, %dma_wait3A, %dma_wait3A_25] : memref<32x64x128xf32, #tpu.memory_space<hbm>> -> memref<1x64x128xf32, #tpu.memory_space<hbm>>
    %dma_wait3A_27 = tpu.memref_squeeze %dma_wait3A_26 : memref<1x64x128xf32, #tpu.memory_space<hbm>> -> memref<64x128xf32, #tpu.memory_space<hbm>>
    %dma_wait3A_28 = arith.constant 0 : i32
    %dma_wait3A_29 = arith.constant 0 : i32
    %dma_wait3A_30 = tpu.memref_slice %arg3[%add3A, %dma_wait3A_28, %dma_wait3A_29] : memref<32x64x128xf32, #tpu.memory_space<hbm>> -> memref<1x64x128xf32, #tpu.memory_space<hbm>>
    %dma_wait3A_31 = tpu.memref_squeeze %dma_wait3A_30 : memref<1x64x128xf32, #tpu.memory_space<hbm>> -> memref<64x128xf32, #tpu.memory_space<hbm>>
    tpu.wait_dma2 semaphore(%arg15 : memref<!tpu.dma_semaphore, #tpu.memory_space<semaphore_mem>>) src(%dma_wait3A_31 : memref<64x128xf32, #tpu.memory_space<hbm>>) dst(%arg7 : memref<64x128xf32, #tpu.memory_space<vmem>>)
    %parallel_loop3A_32 = arith.constant 0 : i32
    %parallel_loop3A_33 = arith.constant 64 : i32
    %parallel_loop3A_34 = arith.constant 1 : i32
    %parallel_loop3A_35:4 = scf.for %parallel_loop3A_756 = %parallel_loop3A_32 to %parallel_loop3A_33 step %parallel_loop3A_34 iter_args(%parallel_loop3A_757 = %broadcast_in_dim3A_10, %parallel_loop3A_758 = %broadcast_in_dim3A_10, %parallel_loop3A_759 = %broadcast_in_dim3A_10, %parallel_loop3A_760 = %broadcast_in_dim3A_10) -> (vector<16xf32>, vector<16xf32>, vector<16xf32>, vector<16xf32>)  : i32 {
      %parallel_loop3A_761 = arith.constant 0 : i32
      %parallel_loop3A_762 = vector.broadcast %parallel_loop3A_761 : i32 to vector<16xi32>
      %parallel_loop3A_763 = vector.broadcast %parallel_loop3A_756 : i32 to vector<16xi32>
      %parallel_loop3A_764 = arith.addi %parallel_loop3A_762, %parallel_loop3A_763 : vector<16xi32>
      %parallel_loop3A_765 = arith.index_cast %parallel_loop3A_756 : i32 to index
      %parallel_loop3A_766 = arith.constant 0 : index
      %parallel_loop3A_767 = tpu.vector_load %arg7[%parallel_loop3A_765, %parallel_loop3A_766] {strides = array<i32>} : memref<64x128xf32, #tpu.memory_space<vmem>>, vector<16xf32>,
      %parallel_loop3A_768 = tpu.vector_load_idx %arg7[%parallel_loop3A_764, %and3A_15] : memref<64x128xf32, #tpu.memory_space<vmem>>[vector<16xi32>, vector<16xi32>], vector<16xf32>,
      %parallel_loop3A_769 = arith.subf %parallel_loop3A_767, %parallel_loop3A_768 : vector<16xf32>
      %parallel_loop3A_770 = tpu.vector_load_idx %arg7[%parallel_loop3A_764, %and3A_18] : memref<64x128xf32, #tpu.memory_space<vmem>>[vector<16xi32>, vector<16xi32>], vector<16xf32>,
      %parallel_loop3A_771 = arith.subf %parallel_loop3A_767, %parallel_loop3A_770 : vector<16xf32>
      %parallel_loop3A_772 = tpu.vector_load_idx %arg7[%parallel_loop3A_764, %and3A_21] : memref<64x128xf32, #tpu.memory_space<vmem>>[vector<16xi32>, vector<16xi32>], vector<16xf32>,
      %parallel_loop3A_773 = arith.subf %parallel_loop3A_767, %parallel_loop3A_772 : vector<16xf32>
      %parallel_loop3A_774 = tpu.vector_load_idx %arg7[%parallel_loop3A_764, %and3A_24] : memref<64x128xf32, #tpu.memory_space<vmem>>[vector<16xi32>, vector<16xi32>], vector<16xf32>,
      %parallel_loop3A_775 = arith.subf %parallel_loop3A_767, %parallel_loop3A_774 : vector<16xf32>
      %parallel_loop3A_776 = arith.mulf %parallel_loop3A_769, %parallel_loop3A_769 : vector<16xf32>
      %parallel_loop3A_777 = arith.addf %parallel_loop3A_757, %parallel_loop3A_776 : vector<16xf32>
      %parallel_loop3A_778 = arith.mulf %parallel_loop3A_771, %parallel_loop3A_771 : vector<16xf32>
      %parallel_loop3A_779 = arith.addf %parallel_loop3A_758, %parallel_loop3A_778 : vector<16xf32>
      %parallel_loop3A_780 = arith.mulf %parallel_loop3A_773, %parallel_loop3A_773 : vector<16xf32>
      %parallel_loop3A_781 = arith.addf %parallel_loop3A_759, %parallel_loop3A_780 : vector<16xf32>
      %parallel_loop3A_782 = arith.mulf %parallel_loop3A_775, %parallel_loop3A_775 : vector<16xf32>
      %parallel_loop3A_783 = arith.addf %parallel_loop3A_760, %parallel_loop3A_782 : vector<16xf32>
      scf.yield %parallel_loop3A_777, %parallel_loop3A_779, %parallel_loop3A_781, %parallel_loop3A_783 : vector<16xf32>, vector<16xf32>, vector<16xf32>, vector<16xf32>
    } {sc.loop_unroll_factor = 4 : i64, sc.parallel_access}
    %broadcast_in_dim3A_36 = arith.constant 3.000000e+38 : f32
    %broadcast_in_dim3A_37 = vector.broadcast %broadcast_in_dim3A_36 : f32 to vector<16xf32>
    %broadcast_in_dim3A_38 = arith.constant 0 : i32
    %broadcast_in_dim3A_39 = vector.broadcast %broadcast_in_dim3A_38 : i32 to vector<16xi32>
    %lt3A = arith.cmpf olt, %parallel_loop3A_35#0, %broadcast_in_dim3A_37 : vector<16xf32>
    %lt3A_40 = arith.cmpf olt, %parallel_loop3A_35#0, %broadcast_in_dim3A_37 : vector<16xf32>
    %lt3A_41 = arith.cmpf olt, %parallel_loop3A_35#0, %broadcast_in_dim3A_37 : vector<16xf32>
    %select_n3A = arith.select %lt3A_40, %parallel_loop3A_35#0, %broadcast_in_dim3A_37 : vector<16xi1>, vector<16xf32>
    %select_n3A_42 = arith.select %lt3A, %broadcast_in_dim3A_37, %select_n3A : vector<16xi1>, vector<16xf32>
    %select_n3A_43 = arith.select %lt3A_40, %and3A_15, %broadcast_in_dim3A_39 : vector<16xi1>, vector<16xi32>
    %select_n3A_44 = arith.select %lt3A, %broadcast_in_dim3A_39, %select_n3A_43 : vector<16xi1>, vector<16xi32>
    %select_n3A_45 = arith.select %lt3A_41, %parallel_loop3A_35#0, %broadcast_in_dim3A_37 : vector<16xi1>, vector<16xf32>
    %select_n3A_46 = arith.select %lt3A_40, %broadcast_in_dim3A_37, %select_n3A_45 : vector<16xi1>, vector<16xf32>
    %select_n3A_47 = arith.select %lt3A_41, %and3A_15, %broadcast_in_dim3A_39 : vector<16xi1>, vector<16xi32>
    %select_n3A_48 = arith.select %lt3A_40, %broadcast_in_dim3A_39, %select_n3A_47 : vector<16xi1>, vector<16xi32>
    %select_n3A_49 = arith.select %lt3A, %parallel_loop3A_35#0, %broadcast_in_dim3A_37 : vector<16xi1>, vector<16xf32>
    %select_n3A_50 = arith.select %lt3A, %and3A_15, %broadcast_in_dim3A_39 : vector<16xi1>, vector<16xi32>
    %lt3A_51 = arith.cmpf olt, %parallel_loop3A_35#1, %select_n3A_49 : vector<16xf32>
    %lt3A_52 = arith.cmpf olt, %parallel_loop3A_35#1, %select_n3A_42 : vector<16xf32>
    %lt3A_53 = arith.cmpf olt, %parallel_loop3A_35#1, %select_n3A_46 : vector<16xf32>
    %select_n3A_54 = arith.select %lt3A_52, %parallel_loop3A_35#1, %select_n3A_42 : vector<16xi1>, vector<16xf32>
    %select_n3A_55 = arith.select %lt3A_51, %select_n3A_49, %select_n3A_54 : vector<16xi1>, vector<16xf32>
    %select_n3A_56 = arith.select %lt3A_52, %and3A_18, %select_n3A_44 : vector<16xi1>, vector<16xi32>
    %select_n3A_57 = arith.select %lt3A_51, %select_n3A_50, %select_n3A_56 : vector<16xi1>, vector<16xi32>
    %select_n3A_58 = arith.select %lt3A_53, %parallel_loop3A_35#1, %select_n3A_46 : vector<16xi1>, vector<16xf32>
    %select_n3A_59 = arith.select %lt3A_52, %select_n3A_42, %select_n3A_58 : vector<16xi1>, vector<16xf32>
    %select_n3A_60 = arith.select %lt3A_53, %and3A_18, %select_n3A_48 : vector<16xi1>, vector<16xi32>
    %select_n3A_61 = arith.select %lt3A_52, %select_n3A_44, %select_n3A_60 : vector<16xi1>, vector<16xi32>
    %select_n3A_62 = arith.select %lt3A_51, %parallel_loop3A_35#1, %select_n3A_49 : vector<16xi1>, vector<16xf32>
    %select_n3A_63 = arith.select %lt3A_51, %and3A_18, %select_n3A_50 : vector<16xi1>, vector<16xi32>
    %lt3A_64 = arith.cmpf olt, %parallel_loop3A_35#2, %select_n3A_62 : vector<16xf32>
    %lt3A_65 = arith.cmpf olt, %parallel_loop3A_35#2, %select_n3A_55 : vector<16xf32>
    %lt3A_66 = arith.cmpf olt, %parallel_loop3A_35#2, %select_n3A_59 : vector<16xf32>
    %select_n3A_67 = arith.select %lt3A_65, %parallel_loop3A_35#2, %select_n3A_55 : vector<16xi1>, vector<16xf32>
    %select_n3A_68 = arith.select %lt3A_64, %select_n3A_62, %select_n3A_67 : vector<16xi1>, vector<16xf32>
    %select_n3A_69 = arith.select %lt3A_65, %and3A_21, %select_n3A_57 : vector<16xi1>, vector<16xi32>
    %select_n3A_70 = arith.select %lt3A_64, %select_n3A_63, %select_n3A_69 : vector<16xi1>, vector<16xi32>
    %select_n3A_71 = arith.select %lt3A_66, %parallel_loop3A_35#2, %select_n3A_59 : vector<16xi1>, vector<16xf32>
    %select_n3A_72 = arith.select %lt3A_65, %select_n3A_55, %select_n3A_71 : vector<16xi1>, vector<16xf32>
    %select_n3A_73 = arith.select %lt3A_66, %and3A_21, %select_n3A_61 : vector<16xi1>, vector<16xi32>
    %select_n3A_74 = arith.select %lt3A_65, %select_n3A_57, %select_n3A_73 : vector<16xi1>, vector<16xi32>
    %select_n3A_75 = arith.select %lt3A_64, %parallel_loop3A_35#2, %select_n3A_62 : vector<16xi1>, vector<16xf32>
    %select_n3A_76 = arith.select %lt3A_64, %and3A_21, %select_n3A_63 : vector<16xi1>, vector<16xi32>
    %lt3A_77 = arith.cmpf olt, %parallel_loop3A_35#3, %select_n3A_75 : vector<16xf32>
    %lt3A_78 = arith.cmpf olt, %parallel_loop3A_35#3, %select_n3A_68 : vector<16xf32>
    %lt3A_79 = arith.cmpf olt, %parallel_loop3A_35#3, %select_n3A_72 : vector<16xf32>
    %select_n3A_80 = arith.select %lt3A_78, %parallel_loop3A_35#3, %select_n3A_68 : vector<16xi1>, vector<16xf32>
    %select_n3A_81 = arith.select %lt3A_77, %select_n3A_75, %select_n3A_80 : vector<16xi1>, vector<16xf32>
    %select_n3A_82 = arith.select %lt3A_78, %and3A_24, %select_n3A_70 : vector<16xi1>, vector<16xi32>
    %select_n3A_83 = arith.select %lt3A_77, %select_n3A_76, %select_n3A_82 : vector<16xi1>, vector<16xi32>
    %select_n3A_84 = arith.select %lt3A_79, %parallel_loop3A_35#3, %select_n3A_72 : vector<16xi1>, vector<16xf32>
    %select_n3A_85 = arith.select %lt3A_78, %select_n3A_68, %select_n3A_84 : vector<16xi1>, vector<16xf32>
    %select_n3A_86 = arith.select %lt3A_79, %and3A_24, %select_n3A_74 : vector<16xi1>, vector<16xi32>
    %select_n3A_87 = arith.select %lt3A_78, %select_n3A_70, %select_n3A_86 : vector<16xi1>, vector<16xi32>
    %select_n3A_88 = arith.select %lt3A_77, %parallel_loop3A_35#3, %select_n3A_75 : vector<16xi1>, vector<16xf32>
    %select_n3A_89 = arith.select %lt3A_77, %and3A_24, %select_n3A_76 : vector<16xi1>, vector<16xi32>
    %mul3A_90 = arith.constant 128 : i32
    %mul3A_91 = arith.muli %add3A, %mul3A_90 : i32
    %add3A_92 = vector.broadcast %mul3A_91 : i32 to vector<16xi32>
    %add3A_93 = arith.addi %select_n3A_89, %add3A_92 : vector<16xi32>
    %swap3A = arith.constant 0 : index
    %swap3A_94 = tpu.vector_load %arg9[%swap3A] {strides = array<i32>} : memref<128xi32, #tpu.memory_space<vmem>>, vector<16xi32>,
    tpu.vector_store %arg9[%swap3A], %add3A_93 {strides = array<i32>} : memref<128xi32, #tpu.memory_space<vmem>>, vector<16xi32>,
    %add3A_95 = vector.broadcast %mul3A_91 : i32 to vector<16xi32>
    %add3A_96 = arith.addi %select_n3A_83, %add3A_95 : vector<16xi32>
    %swap3A_97 = arith.constant 0 : index
    %swap3A_98 = tpu.vector_load %arg10[%swap3A_97] {strides = array<i32>} : memref<128xi32, #tpu.memory_space<vmem>>, vector<16xi32>,
    tpu.vector_store %arg10[%swap3A_97], %add3A_96 {strides = array<i32>} : memref<128xi32, #tpu.memory_space<vmem>>, vector<16xi32>,
    %add3A_99 = vector.broadcast %mul3A_91 : i32 to vector<16xi32>
    %add3A_100 = arith.addi %select_n3A_87, %add3A_99 : vector<16xi32>
    %swap3A_101 = arith.constant 0 : index
    %swap3A_102 = tpu.vector_load %arg11[%swap3A_101] {strides = array<i32>} : memref<128xi32, #tpu.memory_space<vmem>>, vector<16xi32>,
    tpu.vector_store %arg11[%swap3A_101], %add3A_100 {strides = array<i32>} : memref<128xi32, #tpu.memory_space<vmem>>, vector<16xi32>,
    %parallel_loop3A_103 = arith.constant 0 : i32
    %parallel_loop3A_104 = arith.constant 128 : i32
    %parallel_loop3A_105 = arith.constant 1 : i32
    %parallel_loop3A_106:4 = scf.for %parallel_loop3A_756 = %parallel_loop3A_103 to %parallel_loop3A_104 step %parallel_loop3A_105 iter_args(%parallel_loop3A_757 = %broadcast_in_dim3A_8, %parallel_loop3A_758 = %broadcast_in_dim3A_8, %parallel_loop3A_759 = %broadcast_in_dim3A_8, %parallel_loop3A_760 = %broadcast_in_dim3A_8) -> (vector<16xi32>, vector<16xi32>, vector<16xi32>, vector<16xi32>)  : i32 {
      %parallel_loop3A_761 = arith.index_cast %parallel_loop3A_756 : i32 to index
      %parallel_loop3A_762 = arith.constant 16 : index
      %parallel_loop3A_763 = tpu.vector_load %arg6[%parallel_loop3A_761, %parallel_loop3A_762] {strides = array<i32>} : memref<128x128xi32, #tpu.memory_space<vmem>>, vector<16xi32>,
      %parallel_loop3A_764 = arith.cmpi slt, %parallel_loop3A_763, %parallel_loop3A_757 : vector<16xi32>
      %parallel_loop3A_765 = arith.cmpi slt, %parallel_loop3A_763, %parallel_loop3A_758 : vector<16xi32>
      %parallel_loop3A_766 = arith.cmpi slt, %parallel_loop3A_763, %parallel_loop3A_759 : vector<16xi32>
      %parallel_loop3A_767 = arith.cmpi slt, %parallel_loop3A_763, %parallel_loop3A_760 : vector<16xi32>
      %parallel_loop3A_768 = arith.select %parallel_loop3A_765, %parallel_loop3A_763, %parallel_loop3A_758 : vector<16xi1>, vector<16xi32>
      %parallel_loop3A_769 = arith.select %parallel_loop3A_764, %parallel_loop3A_757, %parallel_loop3A_768 : vector<16xi1>, vector<16xi32>
      %parallel_loop3A_770 = arith.select %parallel_loop3A_766, %parallel_loop3A_763, %parallel_loop3A_759 : vector<16xi1>, vector<16xi32>
      %parallel_loop3A_771 = arith.select %parallel_loop3A_765, %parallel_loop3A_758, %parallel_loop3A_770 : vector<16xi1>, vector<16xi32>
      %parallel_loop3A_772 = arith.select %parallel_loop3A_767, %parallel_loop3A_763, %parallel_loop3A_760 : vector<16xi1>, vector<16xi32>
      %parallel_loop3A_773 = arith.select %parallel_loop3A_766, %parallel_loop3A_759, %parallel_loop3A_772 : vector<16xi1>, vector<16xi32>
      %parallel_loop3A_774 = arith.select %parallel_loop3A_764, %parallel_loop3A_763, %parallel_loop3A_757 : vector<16xi1>, vector<16xi32>
      scf.yield %parallel_loop3A_774, %parallel_loop3A_769, %parallel_loop3A_771, %parallel_loop3A_773 : vector<16xi32>, vector<16xi32>, vector<16xi32>, vector<16xi32>
    } {sc.loop_unroll_factor = 8 : i64, sc.parallel_access}
    %and3A_107 = arith.constant 127 : i32
    %and3A_108 = vector.broadcast %and3A_107 : i32 to vector<16xi32>
    %and3A_109 = arith.andi %parallel_loop3A_106#0, %and3A_108 : vector<16xi32>
    %and3A_110 = arith.constant 127 : i32
    %and3A_111 = vector.broadcast %and3A_110 : i32 to vector<16xi32>
    %and3A_112 = arith.andi %parallel_loop3A_106#1, %and3A_111 : vector<16xi32>
    %and3A_113 = arith.constant 127 : i32
    %and3A_114 = vector.broadcast %and3A_113 : i32 to vector<16xi32>
    %and3A_115 = arith.andi %parallel_loop3A_106#2, %and3A_114 : vector<16xi32>
    %and3A_116 = arith.constant 127 : i32
    %and3A_117 = vector.broadcast %and3A_116 : i32 to vector<16xi32>
    %and3A_118 = arith.andi %parallel_loop3A_106#3, %and3A_117 : vector<16xi32>
    %parallel_loop3A_119 = arith.constant 0 : i32
    %parallel_loop3A_120 = arith.constant 64 : i32
    %parallel_loop3A_121 = arith.constant 1 : i32
    %parallel_loop3A_122:4 = scf.for %parallel_loop3A_756 = %parallel_loop3A_119 to %parallel_loop3A_120 step %parallel_loop3A_121 iter_args(%parallel_loop3A_757 = %broadcast_in_dim3A_10, %parallel_loop3A_758 = %broadcast_in_dim3A_10, %parallel_loop3A_759 = %broadcast_in_dim3A_10, %parallel_loop3A_760 = %broadcast_in_dim3A_10) -> (vector<16xf32>, vector<16xf32>, vector<16xf32>, vector<16xf32>)  : i32 {
      %parallel_loop3A_761 = arith.constant 0 : i32
      %parallel_loop3A_762 = vector.broadcast %parallel_loop3A_761 : i32 to vector<16xi32>
      %parallel_loop3A_763 = vector.broadcast %parallel_loop3A_756 : i32 to vector<16xi32>
      %parallel_loop3A_764 = arith.addi %parallel_loop3A_762, %parallel_loop3A_763 : vector<16xi32>
      %parallel_loop3A_765 = arith.index_cast %parallel_loop3A_756 : i32 to index
      %parallel_loop3A_766 = arith.constant 16 : index
      %parallel_loop3A_767 = tpu.vector_load %arg7[%parallel_loop3A_765, %parallel_loop3A_766] {strides = array<i32>} : memref<64x128xf32, #tpu.memory_space<vmem>>, vector<16xf32>,
      %parallel_loop3A_768 = tpu.vector_load_idx %arg7[%parallel_loop3A_764, %and3A_109] : memref<64x128xf32, #tpu.memory_space<vmem>>[vector<16xi32>, vector<16xi32>], vector<16xf32>,
      %parallel_loop3A_769 = arith.subf %parallel_loop3A_767, %parallel_loop3A_768 : vector<16xf32>
      %parallel_loop3A_770 = tpu.vector_load_idx %arg7[%parallel_loop3A_764, %and3A_112] : memref<64x128xf32, #tpu.memory_space<vmem>>[vector<16xi32>, vector<16xi32>], vector<16xf32>,
      %parallel_loop3A_771 = arith.subf %parallel_loop3A_767, %parallel_loop3A_770 : vector<16xf32>
      %parallel_loop3A_772 = tpu.vector_load_idx %arg7[%parallel_loop3A_764, %and3A_115] : memref<64x128xf32, #tpu.memory_space<vmem>>[vector<16xi32>, vector<16xi32>], vector<16xf32>,
      %parallel_loop3A_773 = arith.subf %parallel_loop3A_767, %parallel_loop3A_772 : vector<16xf32>
      %parallel_loop3A_774 = tpu.vector_load_idx %arg7[%parallel_loop3A_764, %and3A_118] : memref<64x128xf32, #tpu.memory_space<vmem>>[vector<16xi32>, vector<16xi32>], vector<16xf32>,
      %parallel_loop3A_775 = arith.subf %parallel_loop3A_767, %parallel_loop3A_774 : vector<16xf32>
      %parallel_loop3A_776 = arith.mulf %parallel_loop3A_769, %parallel_loop3A_769 : vector<16xf32>
      %parallel_loop3A_777 = arith.addf %parallel_loop3A_757, %parallel_loop3A_776 : vector<16xf32>
      %parallel_loop3A_778 = arith.mulf %parallel_loop3A_771, %parallel_loop3A_771 : vector<16xf32>
      %parallel_loop3A_779 = arith.addf %parallel_loop3A_758, %parallel_loop3A_778 : vector<16xf32>
      %parallel_loop3A_780 = arith.mulf %parallel_loop3A_773, %parallel_loop3A_773 : vector<16xf32>
      %parallel_loop3A_781 = arith.addf %parallel_loop3A_759, %parallel_loop3A_780 : vector<16xf32>
      %parallel_loop3A_782 = arith.mulf %parallel_loop3A_775, %parallel_loop3A_775 : vector<16xf32>
      %parallel_loop3A_783 = arith.addf %parallel_loop3A_760, %parallel_loop3A_782 : vector<16xf32>
      scf.yield %parallel_loop3A_777, %parallel_loop3A_779, %parallel_loop3A_781, %parallel_loop3A_783 : vector<16xf32>, vector<16xf32>, vector<16xf32>, vector<16xf32>
    } {sc.loop_unroll_factor = 4 : i64, sc.parallel_access}
    %broadcast_in_dim3A_123 = arith.constant 3.000000e+38 : f32
    %broadcast_in_dim3A_124 = vector.broadcast %broadcast_in_dim3A_123 : f32 to vector<16xf32>
    %broadcast_in_dim3A_125 = arith.constant 0 : i32
    %broadcast_in_dim3A_126 = vector.broadcast %broadcast_in_dim3A_125 : i32 to vector<16xi32>
    %lt3A_127 = arith.cmpf olt, %parallel_loop3A_122#0, %broadcast_in_dim3A_124 : vector<16xf32>
    %lt3A_128 = arith.cmpf olt, %parallel_loop3A_122#0, %broadcast_in_dim3A_124 : vector<16xf32>
    %lt3A_129 = arith.cmpf olt, %parallel_loop3A_122#0, %broadcast_in_dim3A_124 : vector<16xf32>
    %select_n3A_130 = arith.select %lt3A_128, %parallel_loop3A_122#0, %broadcast_in_dim3A_124 : vector<16xi1>, vector<16xf32>
    %select_n3A_131 = arith.select %lt3A_127, %broadcast_in_dim3A_124, %select_n3A_130 : vector<16xi1>, vector<16xf32>
    %select_n3A_132 = arith.select %lt3A_128, %and3A_109, %broadcast_in_dim3A_126 : vector<16xi1>, vector<16xi32>
    %select_n3A_133 = arith.select %lt3A_127, %broadcast_in_dim3A_126, %select_n3A_132 : vector<16xi1>, vector<16xi32>
    %select_n3A_134 = arith.select %lt3A_129, %parallel_loop3A_122#0, %broadcast_in_dim3A_124 : vector<16xi1>, vector<16xf32>
    %select_n3A_135 = arith.select %lt3A_128, %broadcast_in_dim3A_124, %select_n3A_134 : vector<16xi1>, vector<16xf32>
    %select_n3A_136 = arith.select %lt3A_129, %and3A_109, %broadcast_in_dim3A_126 : vector<16xi1>, vector<16xi32>
    %select_n3A_137 = arith.select %lt3A_128, %broadcast_in_dim3A_126, %select_n3A_136 : vector<16xi1>, vector<16xi32>
    %select_n3A_138 = arith.select %lt3A_127, %parallel_loop3A_122#0, %broadcast_in_dim3A_124 : vector<16xi1>, vector<16xf32>
    %select_n3A_139 = arith.select %lt3A_127, %and3A_109, %broadcast_in_dim3A_126 : vector<16xi1>, vector<16xi32>
    %lt3A_140 = arith.cmpf olt, %parallel_loop3A_122#1, %select_n3A_138 : vector<16xf32>
    %lt3A_141 = arith.cmpf olt, %parallel_loop3A_122#1, %select_n3A_131 : vector<16xf32>
    %lt3A_142 = arith.cmpf olt, %parallel_loop3A_122#1, %select_n3A_135 : vector<16xf32>
    %select_n3A_143 = arith.select %lt3A_141, %parallel_loop3A_122#1, %select_n3A_131 : vector<16xi1>, vector<16xf32>
    %select_n3A_144 = arith.select %lt3A_140, %select_n3A_138, %select_n3A_143 : vector<16xi1>, vector<16xf32>
    %select_n3A_145 = arith.select %lt3A_141, %and3A_112, %select_n3A_133 : vector<16xi1>, vector<16xi32>
    %select_n3A_146 = arith.select %lt3A_140, %select_n3A_139, %select_n3A_145 : vector<16xi1>, vector<16xi32>
    %select_n3A_147 = arith.select %lt3A_142, %parallel_loop3A_122#1, %select_n3A_135 : vector<16xi1>, vector<16xf32>
    %select_n3A_148 = arith.select %lt3A_141, %select_n3A_131, %select_n3A_147 : vector<16xi1>, vector<16xf32>
    %select_n3A_149 = arith.select %lt3A_142, %and3A_112, %select_n3A_137 : vector<16xi1>, vector<16xi32>
    %select_n3A_150 = arith.select %lt3A_141, %select_n3A_133, %select_n3A_149 : vector<16xi1>, vector<16xi32>
    %select_n3A_151 = arith.select %lt3A_140, %parallel_loop3A_122#1, %select_n3A_138 : vector<16xi1>, vector<16xf32>
    %select_n3A_152 = arith.select %lt3A_140, %and3A_112, %select_n3A_139 : vector<16xi1>, vector<16xi32>
    %lt3A_153 = arith.cmpf olt, %parallel_loop3A_122#2, %select_n3A_151 : vector<16xf32>
    %lt3A_154 = arith.cmpf olt, %parallel_loop3A_122#2, %select_n3A_144 : vector<16xf32>
    %lt3A_155 = arith.cmpf olt, %parallel_loop3A_122#2, %select_n3A_148 : vector<16xf32>
    %select_n3A_156 = arith.select %lt3A_154, %parallel_loop3A_122#2, %select_n3A_144 : vector<16xi1>, vector<16xf32>
    %select_n3A_157 = arith.select %lt3A_153, %select_n3A_151, %select_n3A_156 : vector<16xi1>, vector<16xf32>
    %select_n3A_158 = arith.select %lt3A_154, %and3A_115, %select_n3A_146 : vector<16xi1>, vector<16xi32>
    %select_n3A_159 = arith.select %lt3A_153, %select_n3A_152, %select_n3A_158 : vector<16xi1>, vector<16xi32>
    %select_n3A_160 = arith.select %lt3A_155, %parallel_loop3A_122#2, %select_n3A_148 : vector<16xi1>, vector<16xf32>
    %select_n3A_161 = arith.select %lt3A_154, %select_n3A_144, %select_n3A_160 : vector<16xi1>, vector<16xf32>
    %select_n3A_162 = arith.select %lt3A_155, %and3A_115, %select_n3A_150 : vector<16xi1>, vector<16xi32>
    %select_n3A_163 = arith.select %lt3A_154, %select_n3A_146, %select_n3A_162 : vector<16xi1>, vector<16xi32>
    %select_n3A_164 = arith.select %lt3A_153, %parallel_loop3A_122#2, %select_n3A_151 : vector<16xi1>, vector<16xf32>
    %select_n3A_165 = arith.select %lt3A_153, %and3A_115, %select_n3A_152 : vector<16xi1>, vector<16xi32>
    %lt3A_166 = arith.cmpf olt, %parallel_loop3A_122#3, %select_n3A_164 : vector<16xf32>
    %lt3A_167 = arith.cmpf olt, %parallel_loop3A_122#3, %select_n3A_157 : vector<16xf32>
    %lt3A_168 = arith.cmpf olt, %parallel_loop3A_122#3, %select_n3A_161 : vector<16xf32>
    %select_n3A_169 = arith.select %lt3A_167, %parallel_loop3A_122#3, %select_n3A_157 : vector<16xi1>, vector<16xf32>
    %select_n3A_170 = arith.select %lt3A_166, %select_n3A_164, %select_n3A_169 : vector<16xi1>, vector<16xf32>
    %select_n3A_171 = arith.select %lt3A_167, %and3A_118, %select_n3A_159 : vector<16xi1>, vector<16xi32>
    %select_n3A_172 = arith.select %lt3A_166, %select_n3A_165, %select_n3A_171 : vector<16xi1>, vector<16xi32>
    %select_n3A_173 = arith.select %lt3A_168, %parallel_loop3A_122#3, %select_n3A_161 : vector<16xi1>, vector<16xf32>
    %select_n3A_174 = arith.select %lt3A_167, %select_n3A_157, %select_n3A_173 : vector<16xi1>, vector<16xf32>
    %select_n3A_175 = arith.select %lt3A_168, %and3A_118, %select_n3A_163 : vector<16xi1>, vector<16xi32>
    %select_n3A_176 = arith.select %lt3A_167, %select_n3A_159, %select_n3A_175 : vector<16xi1>, vector<16xi32>
    %select_n3A_177 = arith.select %lt3A_166, %parallel_loop3A_122#3, %select_n3A_164 : vector<16xi1>, vector<16xf32>
    %select_n3A_178 = arith.select %lt3A_166, %and3A_118, %select_n3A_165 : vector<16xi1>, vector<16xi32>
    %mul3A_179 = arith.constant 128 : i32
    %mul3A_180 = arith.muli %add3A, %mul3A_179 : i32
    %add3A_181 = vector.broadcast %mul3A_180 : i32 to vector<16xi32>
    %add3A_182 = arith.addi %select_n3A_178, %add3A_181 : vector<16xi32>
    %swap3A_183 = arith.constant 16 : index
    %swap3A_184 = tpu.vector_load %arg9[%swap3A_183] {strides = array<i32>} : memref<128xi32, #tpu.memory_space<vmem>>, vector<16xi32>,
    tpu.vector_store %arg9[%swap3A_183], %add3A_182 {strides = array<i32>} : memref<128xi32, #tpu.memory_space<vmem>>, vector<16xi32>,
    %add3A_185 = vector.broadcast %mul3A_180 : i32 to vector<16xi32>
    %add3A_186 = arith.addi %select_n3A_172, %add3A_185 : vector<16xi32>
    %swap3A_187 = arith.constant 16 : index
    %swap3A_188 = tpu.vector_load %arg10[%swap3A_187] {strides = array<i32>} : memref<128xi32, #tpu.memory_space<vmem>>, vector<16xi32>,
    tpu.vector_store %arg10[%swap3A_187], %add3A_186 {strides = array<i32>} : memref<128xi32, #tpu.memory_space<vmem>>, vector<16xi32>,
    %add3A_189 = vector.broadcast %mul3A_180 : i32 to vector<16xi32>
    %add3A_190 = arith.addi %select_n3A_176, %add3A_189 : vector<16xi32>
    %swap3A_191 = arith.constant 16 : index
    %swap3A_192 = tpu.vector_load %arg11[%swap3A_191] {strides = array<i32>} : memref<128xi32, #tpu.memory_space<vmem>>, vector<16xi32>,
    tpu.vector_store %arg11[%swap3A_191], %add3A_190 {strides = array<i32>} : memref<128xi32, #tpu.memory_space<vmem>>, vector<16xi32>,
    %parallel_loop3A_193 = arith.constant 0 : i32
    %parallel_loop3A_194 = arith.constant 128 : i32
    %parallel_loop3A_195 = arith.constant 1 : i32
    %parallel_loop3A_196:4 = scf.for %parallel_loop3A_756 = %parallel_loop3A_193 to %parallel_loop3A_194 step %parallel_loop3A_195 iter_args(%parallel_loop3A_757 = %broadcast_in_dim3A_8, %parallel_loop3A_758 = %broadcast_in_dim3A_8, %parallel_loop3A_759 = %broadcast_in_dim3A_8, %parallel_loop3A_760 = %broadcast_in_dim3A_8) -> (vector<16xi32>, vector<16xi32>, vector<16xi32>, vector<16xi32>)  : i32 {
      %parallel_loop3A_761 = arith.index_cast %parallel_loop3A_756 : i32 to index
      %parallel_loop3A_762 = arith.constant 32 : index
      %parallel_loop3A_763 = tpu.vector_load %arg6[%parallel_loop3A_761, %parallel_loop3A_762] {strides = array<i32>} : memref<128x128xi32, #tpu.memory_space<vmem>>, vector<16xi32>,
      %parallel_loop3A_764 = arith.cmpi slt, %parallel_loop3A_763, %parallel_loop3A_757 : vector<16xi32>
      %parallel_loop3A_765 = arith.cmpi slt, %parallel_loop3A_763, %parallel_loop3A_758 : vector<16xi32>
      %parallel_loop3A_766 = arith.cmpi slt, %parallel_loop3A_763, %parallel_loop3A_759 : vector<16xi32>
      %parallel_loop3A_767 = arith.cmpi slt, %parallel_loop3A_763, %parallel_loop3A_760 : vector<16xi32>
      %parallel_loop3A_768 = arith.select %parallel_loop3A_765, %parallel_loop3A_763, %parallel_loop3A_758 : vector<16xi1>, vector<16xi32>
      %parallel_loop3A_769 = arith.select %parallel_loop3A_764, %parallel_loop3A_757, %parallel_loop3A_768 : vector<16xi1>, vector<16xi32>
      %parallel_loop3A_770 = arith.select %parallel_loop3A_766, %parallel_loop3A_763, %parallel_loop3A_759 : vector<16xi1>, vector<16xi32>
      %parallel_loop3A_771 = arith.select %parallel_loop3A_765, %parallel_loop3A_758, %parallel_loop3A_770 : vector<16xi1>, vector<16xi32>
      %parallel_loop3A_772 = arith.select %parallel_loop3A_767, %parallel_loop3A_763, %parallel_loop3A_760 : vector<16xi1>, vector<16xi32>
      %parallel_loop3A_773 = arith.select %parallel_loop3A_766, %parallel_loop3A_759, %parallel_loop3A_772 : vector<16xi1>, vector<16xi32>
      %parallel_loop3A_774 = arith.select %parallel_loop3A_764, %parallel_loop3A_763, %parallel_loop3A_757 : vector<16xi1>, vector<16xi32>
      scf.yield %parallel_loop3A_774, %parallel_loop3A_769, %parallel_loop3A_771, %parallel_loop3A_773 : vector<16xi32>, vector<16xi32>, vector<16xi32>, vector<16xi32>
    } {sc.loop_unroll_factor = 8 : i64, sc.parallel_access}
    %and3A_197 = arith.constant 127 : i32
    %and3A_198 = vector.broadcast %and3A_197 : i32 to vector<16xi32>
    %and3A_199 = arith.andi %parallel_loop3A_196#0, %and3A_198 : vector<16xi32>
    %and3A_200 = arith.constant 127 : i32
    %and3A_201 = vector.broadcast %and3A_200 : i32 to vector<16xi32>
    %and3A_202 = arith.andi %parallel_loop3A_196#1, %and3A_201 : vector<16xi32>
    %and3A_203 = arith.constant 127 : i32
    %and3A_204 = vector.broadcast %and3A_203 : i32 to vector<16xi32>
    %and3A_205 = arith.andi %parallel_loop3A_196#2, %and3A_204 : vector<16xi32>
    %and3A_206 = arith.constant 127 : i32
    %and3A_207 = vector.broadcast %and3A_206 : i32 to vector<16xi32>
    %and3A_208 = arith.andi %parallel_loop3A_196#3, %and3A_207 : vector<16xi32>
    %parallel_loop3A_209 = arith.constant 0 : i32
    %parallel_loop3A_210 = arith.constant 64 : i32
    %parallel_loop3A_211 = arith.constant 1 : i32
    %parallel_loop3A_212:4 = scf.for %parallel_loop3A_756 = %parallel_loop3A_209 to %parallel_loop3A_210 step %parallel_loop3A_211 iter_args(%parallel_loop3A_757 = %broadcast_in_dim3A_10, %parallel_loop3A_758 = %broadcast_in_dim3A_10, %parallel_loop3A_759 = %broadcast_in_dim3A_10, %parallel_loop3A_760 = %broadcast_in_dim3A_10) -> (vector<16xf32>, vector<16xf32>, vector<16xf32>, vector<16xf32>)  : i32 {
      %parallel_loop3A_761 = arith.constant 0 : i32
      %parallel_loop3A_762 = vector.broadcast %parallel_loop3A_761 : i32 to vector<16xi32>
      %parallel_loop3A_763 = vector.broadcast %parallel_loop3A_756 : i32 to vector<16xi32>
      %parallel_loop3A_764 = arith.addi %parallel_loop3A_762, %parallel_loop3A_763 : vector<16xi32>
      %parallel_loop3A_765 = arith.index_cast %parallel_loop3A_756 : i32 to index
      %parallel_loop3A_766 = arith.constant 32 : index
      %parallel_loop3A_767 = tpu.vector_load %arg7[%parallel_loop3A_765, %parallel_loop3A_766] {strides = array<i32>} : memref<64x128xf32, #tpu.memory_space<vmem>>, vector<16xf32>,
      %parallel_loop3A_768 = tpu.vector_load_idx %arg7[%parallel_loop3A_764, %and3A_199] : memref<64x128xf32, #tpu.memory_space<vmem>>[vector<16xi32>, vector<16xi32>], vector<16xf32>,
      %parallel_loop3A_769 = arith.subf %parallel_loop3A_767, %parallel_loop3A_768 : vector<16xf32>
      %parallel_loop3A_770 = tpu.vector_load_idx %arg7[%parallel_loop3A_764, %and3A_202] : memref<64x128xf32, #tpu.memory_space<vmem>>[vector<16xi32>, vector<16xi32>], vector<16xf32>,
      %parallel_loop3A_771 = arith.subf %parallel_loop3A_767, %parallel_loop3A_770 : vector<16xf32>
      %parallel_loop3A_772 = tpu.vector_load_idx %arg7[%parallel_loop3A_764, %and3A_205] : memref<64x128xf32, #tpu.memory_space<vmem>>[vector<16xi32>, vector<16xi32>], vector<16xf32>,
      %parallel_loop3A_773 = arith.subf %parallel_loop3A_767, %parallel_loop3A_772 : vector<16xf32>
      %parallel_loop3A_774 = tpu.vector_load_idx %arg7[%parallel_loop3A_764, %and3A_208] : memref<64x128xf32, #tpu.memory_space<vmem>>[vector<16xi32>, vector<16xi32>], vector<16xf32>,
      %parallel_loop3A_775 = arith.subf %parallel_loop3A_767, %parallel_loop3A_774 : vector<16xf32>
      %parallel_loop3A_776 = arith.mulf %parallel_loop3A_769, %parallel_loop3A_769 : vector<16xf32>
      %parallel_loop3A_777 = arith.addf %parallel_loop3A_757, %parallel_loop3A_776 : vector<16xf32>
      %parallel_loop3A_778 = arith.mulf %parallel_loop3A_771, %parallel_loop3A_771 : vector<16xf32>
      %parallel_loop3A_779 = arith.addf %parallel_loop3A_758, %parallel_loop3A_778 : vector<16xf32>
      %parallel_loop3A_780 = arith.mulf %parallel_loop3A_773, %parallel_loop3A_773 : vector<16xf32>
      %parallel_loop3A_781 = arith.addf %parallel_loop3A_759, %parallel_loop3A_780 : vector<16xf32>
      %parallel_loop3A_782 = arith.mulf %parallel_loop3A_775, %parallel_loop3A_775 : vector<16xf32>
      %parallel_loop3A_783 = arith.addf %parallel_loop3A_760, %parallel_loop3A_782 : vector<16xf32>
      scf.yield %parallel_loop3A_777, %parallel_loop3A_779, %parallel_loop3A_781, %parallel_loop3A_783 : vector<16xf32>, vector<16xf32>, vector<16xf32>, vector<16xf32>
    } {sc.loop_unroll_factor = 4 : i64, sc.parallel_access}
    %broadcast_in_dim3A_213 = arith.constant 3.000000e+38 : f32
    %broadcast_in_dim3A_214 = vector.broadcast %broadcast_in_dim3A_213 : f32 to vector<16xf32>
    %broadcast_in_dim3A_215 = arith.constant 0 : i32
    %broadcast_in_dim3A_216 = vector.broadcast %broadcast_in_dim3A_215 : i32 to vector<16xi32>
    %lt3A_217 = arith.cmpf olt, %parallel_loop3A_212#0, %broadcast_in_dim3A_214 : vector<16xf32>
    %lt3A_218 = arith.cmpf olt, %parallel_loop3A_212#0, %broadcast_in_dim3A_214 : vector<16xf32>
    %lt3A_219 = arith.cmpf olt, %parallel_loop3A_212#0, %broadcast_in_dim3A_214 : vector<16xf32>
    %select_n3A_220 = arith.select %lt3A_218, %parallel_loop3A_212#0, %broadcast_in_dim3A_214 : vector<16xi1>, vector<16xf32>
    %select_n3A_221 = arith.select %lt3A_217, %broadcast_in_dim3A_214, %select_n3A_220 : vector<16xi1>, vector<16xf32>
    %select_n3A_222 = arith.select %lt3A_218, %and3A_199, %broadcast_in_dim3A_216 : vector<16xi1>, vector<16xi32>
    %select_n3A_223 = arith.select %lt3A_217, %broadcast_in_dim3A_216, %select_n3A_222 : vector<16xi1>, vector<16xi32>
    %select_n3A_224 = arith.select %lt3A_219, %parallel_loop3A_212#0, %broadcast_in_dim3A_214 : vector<16xi1>, vector<16xf32>
    %select_n3A_225 = arith.select %lt3A_218, %broadcast_in_dim3A_214, %select_n3A_224 : vector<16xi1>, vector<16xf32>
    %select_n3A_226 = arith.select %lt3A_219, %and3A_199, %broadcast_in_dim3A_216 : vector<16xi1>, vector<16xi32>
    %select_n3A_227 = arith.select %lt3A_218, %broadcast_in_dim3A_216, %select_n3A_226 : vector<16xi1>, vector<16xi32>
    %select_n3A_228 = arith.select %lt3A_217, %parallel_loop3A_212#0, %broadcast_in_dim3A_214 : vector<16xi1>, vector<16xf32>
    %select_n3A_229 = arith.select %lt3A_217, %and3A_199, %broadcast_in_dim3A_216 : vector<16xi1>, vector<16xi32>
    %lt3A_230 = arith.cmpf olt, %parallel_loop3A_212#1, %select_n3A_228 : vector<16xf32>
    %lt3A_231 = arith.cmpf olt, %parallel_loop3A_212#1, %select_n3A_221 : vector<16xf32>
    %lt3A_232 = arith.cmpf olt, %parallel_loop3A_212#1, %select_n3A_225 : vector<16xf32>
    %select_n3A_233 = arith.select %lt3A_231, %parallel_loop3A_212#1, %select_n3A_221 : vector<16xi1>, vector<16xf32>
    %select_n3A_234 = arith.select %lt3A_230, %select_n3A_228, %select_n3A_233 : vector<16xi1>, vector<16xf32>
    %select_n3A_235 = arith.select %lt3A_231, %and3A_202, %select_n3A_223 : vector<16xi1>, vector<16xi32>
    %select_n3A_236 = arith.select %lt3A_230, %select_n3A_229, %select_n3A_235 : vector<16xi1>, vector<16xi32>
    %select_n3A_237 = arith.select %lt3A_232, %parallel_loop3A_212#1, %select_n3A_225 : vector<16xi1>, vector<16xf32>
    %select_n3A_238 = arith.select %lt3A_231, %select_n3A_221, %select_n3A_237 : vector<16xi1>, vector<16xf32>
    %select_n3A_239 = arith.select %lt3A_232, %and3A_202, %select_n3A_227 : vector<16xi1>, vector<16xi32>
    %select_n3A_240 = arith.select %lt3A_231, %select_n3A_223, %select_n3A_239 : vector<16xi1>, vector<16xi32>
    %select_n3A_241 = arith.select %lt3A_230, %parallel_loop3A_212#1, %select_n3A_228 : vector<16xi1>, vector<16xf32>
    %select_n3A_242 = arith.select %lt3A_230, %and3A_202, %select_n3A_229 : vector<16xi1>, vector<16xi32>
    %lt3A_243 = arith.cmpf olt, %parallel_loop3A_212#2, %select_n3A_241 : vector<16xf32>
    %lt3A_244 = arith.cmpf olt, %parallel_loop3A_212#2, %select_n3A_234 : vector<16xf32>
    %lt3A_245 = arith.cmpf olt, %parallel_loop3A_212#2, %select_n3A_238 : vector<16xf32>
    %select_n3A_246 = arith.select %lt3A_244, %parallel_loop3A_212#2, %select_n3A_234 : vector<16xi1>, vector<16xf32>
    %select_n3A_247 = arith.select %lt3A_243, %select_n3A_241, %select_n3A_246 : vector<16xi1>, vector<16xf32>
    %select_n3A_248 = arith.select %lt3A_244, %and3A_205, %select_n3A_236 : vector<16xi1>, vector<16xi32>
    %select_n3A_249 = arith.select %lt3A_243, %select_n3A_242, %select_n3A_248 : vector<16xi1>, vector<16xi32>
    %select_n3A_250 = arith.select %lt3A_245, %parallel_loop3A_212#2, %select_n3A_238 : vector<16xi1>, vector<16xf32>
    %select_n3A_251 = arith.select %lt3A_244, %select_n3A_234, %select_n3A_250 : vector<16xi1>, vector<16xf32>
    %select_n3A_252 = arith.select %lt3A_245, %and3A_205, %select_n3A_240 : vector<16xi1>, vector<16xi32>
    %select_n3A_253 = arith.select %lt3A_244, %select_n3A_236, %select_n3A_252 : vector<16xi1>, vector<16xi32>
    %select_n3A_254 = arith.select %lt3A_243, %parallel_loop3A_212#2, %select_n3A_241 : vector<16xi1>, vector<16xf32>
    %select_n3A_255 = arith.select %lt3A_243, %and3A_205, %select_n3A_242 : vector<16xi1>, vector<16xi32>
    %lt3A_256 = arith.cmpf olt, %parallel_loop3A_212#3, %select_n3A_254 : vector<16xf32>
    %lt3A_257 = arith.cmpf olt, %parallel_loop3A_212#3, %select_n3A_247 : vector<16xf32>
    %lt3A_258 = arith.cmpf olt, %parallel_loop3A_212#3, %select_n3A_251 : vector<16xf32>
    %select_n3A_259 = arith.select %lt3A_257, %parallel_loop3A_212#3, %select_n3A_247 : vector<16xi1>, vector<16xf32>
    %select_n3A_260 = arith.select %lt3A_256, %select_n3A_254, %select_n3A_259 : vector<16xi1>, vector<16xf32>
    %select_n3A_261 = arith.select %lt3A_257, %and3A_208, %select_n3A_249 : vector<16xi1>, vector<16xi32>
    %select_n3A_262 = arith.select %lt3A_256, %select_n3A_255, %select_n3A_261 : vector<16xi1>, vector<16xi32>
    %select_n3A_263 = arith.select %lt3A_258, %parallel_loop3A_212#3, %select_n3A_251 : vector<16xi1>, vector<16xf32>
    %select_n3A_264 = arith.select %lt3A_257, %select_n3A_247, %select_n3A_263 : vector<16xi1>, vector<16xf32>
    %select_n3A_265 = arith.select %lt3A_258, %and3A_208, %select_n3A_253 : vector<16xi1>, vector<16xi32>
    %select_n3A_266 = arith.select %lt3A_257, %select_n3A_249, %select_n3A_265 : vector<16xi1>, vector<16xi32>
    %select_n3A_267 = arith.select %lt3A_256, %parallel_loop3A_212#3, %select_n3A_254 : vector<16xi1>, vector<16xf32>
    %select_n3A_268 = arith.select %lt3A_256, %and3A_208, %select_n3A_255 : vector<16xi1>, vector<16xi32>
    %mul3A_269 = arith.constant 128 : i32
    %mul3A_270 = arith.muli %add3A, %mul3A_269 : i32
    %add3A_271 = vector.broadcast %mul3A_270 : i32 to vector<16xi32>
    %add3A_272 = arith.addi %select_n3A_268, %add3A_271 : vector<16xi32>
    %swap3A_273 = arith.constant 32 : index
    %swap3A_274 = tpu.vector_load %arg9[%swap3A_273] {strides = array<i32>} : memref<128xi32, #tpu.memory_space<vmem>>, vector<16xi32>,
    tpu.vector_store %arg9[%swap3A_273], %add3A_272 {strides = array<i32>} : memref<128xi32, #tpu.memory_space<vmem>>, vector<16xi32>,
    %add3A_275 = vector.broadcast %mul3A_270 : i32 to vector<16xi32>
    %add3A_276 = arith.addi %select_n3A_262, %add3A_275 : vector<16xi32>
    %swap3A_277 = arith.constant 32 : index
    %swap3A_278 = tpu.vector_load %arg10[%swap3A_277] {strides = array<i32>} : memref<128xi32, #tpu.memory_space<vmem>>, vector<16xi32>,
    tpu.vector_store %arg10[%swap3A_277], %add3A_276 {strides = array<i32>} : memref<128xi32, #tpu.memory_space<vmem>>, vector<16xi32>,
    %add3A_279 = vector.broadcast %mul3A_270 : i32 to vector<16xi32>
    %add3A_280 = arith.addi %select_n3A_266, %add3A_279 : vector<16xi32>
    %swap3A_281 = arith.constant 32 : index
    %swap3A_282 = tpu.vector_load %arg11[%swap3A_281] {strides = array<i32>} : memref<128xi32, #tpu.memory_space<vmem>>, vector<16xi32>,
    tpu.vector_store %arg11[%swap3A_281], %add3A_280 {strides = array<i32>} : memref<128xi32, #tpu.memory_space<vmem>>, vector<16xi32>,
    %parallel_loop3A_283 = arith.constant 0 : i32
    %parallel_loop3A_284 = arith.constant 128 : i32
    %parallel_loop3A_285 = arith.constant 1 : i32
    %parallel_loop3A_286:4 = scf.for %parallel_loop3A_756 = %parallel_loop3A_283 to %parallel_loop3A_284 step %parallel_loop3A_285 iter_args(%parallel_loop3A_757 = %broadcast_in_dim3A_8, %parallel_loop3A_758 = %broadcast_in_dim3A_8, %parallel_loop3A_759 = %broadcast_in_dim3A_8, %parallel_loop3A_760 = %broadcast_in_dim3A_8) -> (vector<16xi32>, vector<16xi32>, vector<16xi32>, vector<16xi32>)  : i32 {
      %parallel_loop3A_761 = arith.index_cast %parallel_loop3A_756 : i32 to index
      %parallel_loop3A_762 = arith.constant 48 : index
      %parallel_loop3A_763 = tpu.vector_load %arg6[%parallel_loop3A_761, %parallel_loop3A_762] {strides = array<i32>} : memref<128x128xi32, #tpu.memory_space<vmem>>, vector<16xi32>,
      %parallel_loop3A_764 = arith.cmpi slt, %parallel_loop3A_763, %parallel_loop3A_757 : vector<16xi32>
      %parallel_loop3A_765 = arith.cmpi slt, %parallel_loop3A_763, %parallel_loop3A_758 : vector<16xi32>
      %parallel_loop3A_766 = arith.cmpi slt, %parallel_loop3A_763, %parallel_loop3A_759 : vector<16xi32>
      %parallel_loop3A_767 = arith.cmpi slt, %parallel_loop3A_763, %parallel_loop3A_760 : vector<16xi32>
      %parallel_loop3A_768 = arith.select %parallel_loop3A_765, %parallel_loop3A_763, %parallel_loop3A_758 : vector<16xi1>, vector<16xi32>
      %parallel_loop3A_769 = arith.select %parallel_loop3A_764, %parallel_loop3A_757, %parallel_loop3A_768 : vector<16xi1>, vector<16xi32>
      %parallel_loop3A_770 = arith.select %parallel_loop3A_766, %parallel_loop3A_763, %parallel_loop3A_759 : vector<16xi1>, vector<16xi32>
      %parallel_loop3A_771 = arith.select %parallel_loop3A_765, %parallel_loop3A_758, %parallel_loop3A_770 : vector<16xi1>, vector<16xi32>
      %parallel_loop3A_772 = arith.select %parallel_loop3A_767, %parallel_loop3A_763, %parallel_loop3A_760 : vector<16xi1>, vector<16xi32>
      %parallel_loop3A_773 = arith.select %parallel_loop3A_766, %parallel_loop3A_759, %parallel_loop3A_772 : vector<16xi1>, vector<16xi32>
      %parallel_loop3A_774 = arith.select %parallel_loop3A_764, %parallel_loop3A_763, %parallel_loop3A_757 : vector<16xi1>, vector<16xi32>
      scf.yield %parallel_loop3A_774, %parallel_loop3A_769, %parallel_loop3A_771, %parallel_loop3A_773 : vector<16xi32>, vector<16xi32>, vector<16xi32>, vector<16xi32>
    } {sc.loop_unroll_factor = 8 : i64, sc.parallel_access}
    %and3A_287 = arith.constant 127 : i32
    %and3A_288 = vector.broadcast %and3A_287 : i32 to vector<16xi32>
    %and3A_289 = arith.andi %parallel_loop3A_286#0, %and3A_288 : vector<16xi32>
    %and3A_290 = arith.constant 127 : i32
    %and3A_291 = vector.broadcast %and3A_290 : i32 to vector<16xi32>
    %and3A_292 = arith.andi %parallel_loop3A_286#1, %and3A_291 : vector<16xi32>
    %and3A_293 = arith.constant 127 : i32
    %and3A_294 = vector.broadcast %and3A_293 : i32 to vector<16xi32>
    %and3A_295 = arith.andi %parallel_loop3A_286#2, %and3A_294 : vector<16xi32>
    %and3A_296 = arith.constant 127 : i32
    %and3A_297 = vector.broadcast %and3A_296 : i32 to vector<16xi32>
    %and3A_298 = arith.andi %parallel_loop3A_286#3, %and3A_297 : vector<16xi32>
    %parallel_loop3A_299 = arith.constant 0 : i32
    %parallel_loop3A_300 = arith.constant 64 : i32
    %parallel_loop3A_301 = arith.constant 1 : i32
    %parallel_loop3A_302:4 = scf.for %parallel_loop3A_756 = %parallel_loop3A_299 to %parallel_loop3A_300 step %parallel_loop3A_301 iter_args(%parallel_loop3A_757 = %broadcast_in_dim3A_10, %parallel_loop3A_758 = %broadcast_in_dim3A_10, %parallel_loop3A_759 = %broadcast_in_dim3A_10, %parallel_loop3A_760 = %broadcast_in_dim3A_10) -> (vector<16xf32>, vector<16xf32>, vector<16xf32>, vector<16xf32>)  : i32 {
      %parallel_loop3A_761 = arith.constant 0 : i32
      %parallel_loop3A_762 = vector.broadcast %parallel_loop3A_761 : i32 to vector<16xi32>
      %parallel_loop3A_763 = vector.broadcast %parallel_loop3A_756 : i32 to vector<16xi32>
      %parallel_loop3A_764 = arith.addi %parallel_loop3A_762, %parallel_loop3A_763 : vector<16xi32>
      %parallel_loop3A_765 = arith.index_cast %parallel_loop3A_756 : i32 to index
      %parallel_loop3A_766 = arith.constant 48 : index
      %parallel_loop3A_767 = tpu.vector_load %arg7[%parallel_loop3A_765, %parallel_loop3A_766] {strides = array<i32>} : memref<64x128xf32, #tpu.memory_space<vmem>>, vector<16xf32>,
      %parallel_loop3A_768 = tpu.vector_load_idx %arg7[%parallel_loop3A_764, %and3A_289] : memref<64x128xf32, #tpu.memory_space<vmem>>[vector<16xi32>, vector<16xi32>], vector<16xf32>,
      %parallel_loop3A_769 = arith.subf %parallel_loop3A_767, %parallel_loop3A_768 : vector<16xf32>
      %parallel_loop3A_770 = tpu.vector_load_idx %arg7[%parallel_loop3A_764, %and3A_292] : memref<64x128xf32, #tpu.memory_space<vmem>>[vector<16xi32>, vector<16xi32>], vector<16xf32>,
      %parallel_loop3A_771 = arith.subf %parallel_loop3A_767, %parallel_loop3A_770 : vector<16xf32>
      %parallel_loop3A_772 = tpu.vector_load_idx %arg7[%parallel_loop3A_764, %and3A_295] : memref<64x128xf32, #tpu.memory_space<vmem>>[vector<16xi32>, vector<16xi32>], vector<16xf32>,
      %parallel_loop3A_773 = arith.subf %parallel_loop3A_767, %parallel_loop3A_772 : vector<16xf32>
      %parallel_loop3A_774 = tpu.vector_load_idx %arg7[%parallel_loop3A_764, %and3A_298] : memref<64x128xf32, #tpu.memory_space<vmem>>[vector<16xi32>, vector<16xi32>], vector<16xf32>,
      %parallel_loop3A_775 = arith.subf %parallel_loop3A_767, %parallel_loop3A_774 : vector<16xf32>
      %parallel_loop3A_776 = arith.mulf %parallel_loop3A_769, %parallel_loop3A_769 : vector<16xf32>
      %parallel_loop3A_777 = arith.addf %parallel_loop3A_757, %parallel_loop3A_776 : vector<16xf32>
      %parallel_loop3A_778 = arith.mulf %parallel_loop3A_771, %parallel_loop3A_771 : vector<16xf32>
      %parallel_loop3A_779 = arith.addf %parallel_loop3A_758, %parallel_loop3A_778 : vector<16xf32>
      %parallel_loop3A_780 = arith.mulf %parallel_loop3A_773, %parallel_loop3A_773 : vector<16xf32>
      %parallel_loop3A_781 = arith.addf %parallel_loop3A_759, %parallel_loop3A_780 : vector<16xf32>
      %parallel_loop3A_782 = arith.mulf %parallel_loop3A_775, %parallel_loop3A_775 : vector<16xf32>
      %parallel_loop3A_783 = arith.addf %parallel_loop3A_760, %parallel_loop3A_782 : vector<16xf32>
      scf.yield %parallel_loop3A_777, %parallel_loop3A_779, %parallel_loop3A_781, %parallel_loop3A_783 : vector<16xf32>, vector<16xf32>, vector<16xf32>, vector<16xf32>
    } {sc.loop_unroll_factor = 4 : i64, sc.parallel_access}
    %broadcast_in_dim3A_303 = arith.constant 3.000000e+38 : f32
    %broadcast_in_dim3A_304 = vector.broadcast %broadcast_in_dim3A_303 : f32 to vector<16xf32>
    %broadcast_in_dim3A_305 = arith.constant 0 : i32
    %broadcast_in_dim3A_306 = vector.broadcast %broadcast_in_dim3A_305 : i32 to vector<16xi32>
    %lt3A_307 = arith.cmpf olt, %parallel_loop3A_302#0, %broadcast_in_dim3A_304 : vector<16xf32>
    %lt3A_308 = arith.cmpf olt, %parallel_loop3A_302#0, %broadcast_in_dim3A_304 : vector<16xf32>
    %lt3A_309 = arith.cmpf olt, %parallel_loop3A_302#0, %broadcast_in_dim3A_304 : vector<16xf32>
    %select_n3A_310 = arith.select %lt3A_308, %parallel_loop3A_302#0, %broadcast_in_dim3A_304 : vector<16xi1>, vector<16xf32>
    %select_n3A_311 = arith.select %lt3A_307, %broadcast_in_dim3A_304, %select_n3A_310 : vector<16xi1>, vector<16xf32>
    %select_n3A_312 = arith.select %lt3A_308, %and3A_289, %broadcast_in_dim3A_306 : vector<16xi1>, vector<16xi32>
    %select_n3A_313 = arith.select %lt3A_307, %broadcast_in_dim3A_306, %select_n3A_312 : vector<16xi1>, vector<16xi32>
    %select_n3A_314 = arith.select %lt3A_309, %parallel_loop3A_302#0, %broadcast_in_dim3A_304 : vector<16xi1>, vector<16xf32>
    %select_n3A_315 = arith.select %lt3A_308, %broadcast_in_dim3A_304, %select_n3A_314 : vector<16xi1>, vector<16xf32>
    %select_n3A_316 = arith.select %lt3A_309, %and3A_289, %broadcast_in_dim3A_306 : vector<16xi1>, vector<16xi32>
    %select_n3A_317 = arith.select %lt3A_308, %broadcast_in_dim3A_306, %select_n3A_316 : vector<16xi1>, vector<16xi32>
    %select_n3A_318 = arith.select %lt3A_307, %parallel_loop3A_302#0, %broadcast_in_dim3A_304 : vector<16xi1>, vector<16xf32>
    %select_n3A_319 = arith.select %lt3A_307, %and3A_289, %broadcast_in_dim3A_306 : vector<16xi1>, vector<16xi32>
    %lt3A_320 = arith.cmpf olt, %parallel_loop3A_302#1, %select_n3A_318 : vector<16xf32>
    %lt3A_321 = arith.cmpf olt, %parallel_loop3A_302#1, %select_n3A_311 : vector<16xf32>
    %lt3A_322 = arith.cmpf olt, %parallel_loop3A_302#1, %select_n3A_315 : vector<16xf32>
    %select_n3A_323 = arith.select %lt3A_321, %parallel_loop3A_302#1, %select_n3A_311 : vector<16xi1>, vector<16xf32>
    %select_n3A_324 = arith.select %lt3A_320, %select_n3A_318, %select_n3A_323 : vector<16xi1>, vector<16xf32>
    %select_n3A_325 = arith.select %lt3A_321, %and3A_292, %select_n3A_313 : vector<16xi1>, vector<16xi32>
    %select_n3A_326 = arith.select %lt3A_320, %select_n3A_319, %select_n3A_325 : vector<16xi1>, vector<16xi32>
    %select_n3A_327 = arith.select %lt3A_322, %parallel_loop3A_302#1, %select_n3A_315 : vector<16xi1>, vector<16xf32>
    %select_n3A_328 = arith.select %lt3A_321, %select_n3A_311, %select_n3A_327 : vector<16xi1>, vector<16xf32>
    %select_n3A_329 = arith.select %lt3A_322, %and3A_292, %select_n3A_317 : vector<16xi1>, vector<16xi32>
    %select_n3A_330 = arith.select %lt3A_321, %select_n3A_313, %select_n3A_329 : vector<16xi1>, vector<16xi32>
    %select_n3A_331 = arith.select %lt3A_320, %parallel_loop3A_302#1, %select_n3A_318 : vector<16xi1>, vector<16xf32>
    %select_n3A_332 = arith.select %lt3A_320, %and3A_292, %select_n3A_319 : vector<16xi1>, vector<16xi32>
    %lt3A_333 = arith.cmpf olt, %parallel_loop3A_302#2, %select_n3A_331 : vector<16xf32>
    %lt3A_334 = arith.cmpf olt, %parallel_loop3A_302#2, %select_n3A_324 : vector<16xf32>
    %lt3A_335 = arith.cmpf olt, %parallel_loop3A_302#2, %select_n3A_328 : vector<16xf32>
    %select_n3A_336 = arith.select %lt3A_334, %parallel_loop3A_302#2, %select_n3A_324 : vector<16xi1>, vector<16xf32>
    %select_n3A_337 = arith.select %lt3A_333, %select_n3A_331, %select_n3A_336 : vector<16xi1>, vector<16xf32>
    %select_n3A_338 = arith.select %lt3A_334, %and3A_295, %select_n3A_326 : vector<16xi1>, vector<16xi32>
    %select_n3A_339 = arith.select %lt3A_333, %select_n3A_332, %select_n3A_338 : vector<16xi1>, vector<16xi32>
    %select_n3A_340 = arith.select %lt3A_335, %parallel_loop3A_302#2, %select_n3A_328 : vector<16xi1>, vector<16xf32>
    %select_n3A_341 = arith.select %lt3A_334, %select_n3A_324, %select_n3A_340 : vector<16xi1>, vector<16xf32>
    %select_n3A_342 = arith.select %lt3A_335, %and3A_295, %select_n3A_330 : vector<16xi1>, vector<16xi32>
    %select_n3A_343 = arith.select %lt3A_334, %select_n3A_326, %select_n3A_342 : vector<16xi1>, vector<16xi32>
    %select_n3A_344 = arith.select %lt3A_333, %parallel_loop3A_302#2, %select_n3A_331 : vector<16xi1>, vector<16xf32>
    %select_n3A_345 = arith.select %lt3A_333, %and3A_295, %select_n3A_332 : vector<16xi1>, vector<16xi32>
    %lt3A_346 = arith.cmpf olt, %parallel_loop3A_302#3, %select_n3A_344 : vector<16xf32>
    %lt3A_347 = arith.cmpf olt, %parallel_loop3A_302#3, %select_n3A_337 : vector<16xf32>
    %lt3A_348 = arith.cmpf olt, %parallel_loop3A_302#3, %select_n3A_341 : vector<16xf32>
    %select_n3A_349 = arith.select %lt3A_347, %parallel_loop3A_302#3, %select_n3A_337 : vector<16xi1>, vector<16xf32>
    %select_n3A_350 = arith.select %lt3A_346, %select_n3A_344, %select_n3A_349 : vector<16xi1>, vector<16xf32>
    %select_n3A_351 = arith.select %lt3A_347, %and3A_298, %select_n3A_339 : vector<16xi1>, vector<16xi32>
    %select_n3A_352 = arith.select %lt3A_346, %select_n3A_345, %select_n3A_351 : vector<16xi1>, vector<16xi32>
    %select_n3A_353 = arith.select %lt3A_348, %parallel_loop3A_302#3, %select_n3A_341 : vector<16xi1>, vector<16xf32>
    %select_n3A_354 = arith.select %lt3A_347, %select_n3A_337, %select_n3A_353 : vector<16xi1>, vector<16xf32>
    %select_n3A_355 = arith.select %lt3A_348, %and3A_298, %select_n3A_343 : vector<16xi1>, vector<16xi32>
    %select_n3A_356 = arith.select %lt3A_347, %select_n3A_339, %select_n3A_355 : vector<16xi1>, vector<16xi32>
    %select_n3A_357 = arith.select %lt3A_346, %parallel_loop3A_302#3, %select_n3A_344 : vector<16xi1>, vector<16xf32>
    %select_n3A_358 = arith.select %lt3A_346, %and3A_298, %select_n3A_345 : vector<16xi1>, vector<16xi32>
    %mul3A_359 = arith.constant 128 : i32
    %mul3A_360 = arith.muli %add3A, %mul3A_359 : i32
    %add3A_361 = vector.broadcast %mul3A_360 : i32 to vector<16xi32>
    %add3A_362 = arith.addi %select_n3A_358, %add3A_361 : vector<16xi32>
    %swap3A_363 = arith.constant 48 : index
    %swap3A_364 = tpu.vector_load %arg9[%swap3A_363] {strides = array<i32>} : memref<128xi32, #tpu.memory_space<vmem>>, vector<16xi32>,
    tpu.vector_store %arg9[%swap3A_363], %add3A_362 {strides = array<i32>} : memref<128xi32, #tpu.memory_space<vmem>>, vector<16xi32>,
    %add3A_365 = vector.broadcast %mul3A_360 : i32 to vector<16xi32>
    %add3A_366 = arith.addi %select_n3A_352, %add3A_365 : vector<16xi32>
    %swap3A_367 = arith.constant 48 : index
    %swap3A_368 = tpu.vector_load %arg10[%swap3A_367] {strides = array<i32>} : memref<128xi32, #tpu.memory_space<vmem>>, vector<16xi32>,
    tpu.vector_store %arg10[%swap3A_367], %add3A_366 {strides = array<i32>} : memref<128xi32, #tpu.memory_space<vmem>>, vector<16xi32>,
    %add3A_369 = vector.broadcast %mul3A_360 : i32 to vector<16xi32>
    %add3A_370 = arith.addi %select_n3A_356, %add3A_369 : vector<16xi32>
    %swap3A_371 = arith.constant 48 : index
    %swap3A_372 = tpu.vector_load %arg11[%swap3A_371] {strides = array<i32>} : memref<128xi32, #tpu.memory_space<vmem>>, vector<16xi32>,
    tpu.vector_store %arg11[%swap3A_371], %add3A_370 {strides = array<i32>} : memref<128xi32, #tpu.memory_space<vmem>>, vector<16xi32>,
    %parallel_loop3A_373 = arith.constant 0 : i32
    %parallel_loop3A_374 = arith.constant 128 : i32
    %parallel_loop3A_375 = arith.constant 1 : i32
    %parallel_loop3A_376:4 = scf.for %parallel_loop3A_756 = %parallel_loop3A_373 to %parallel_loop3A_374 step %parallel_loop3A_375 iter_args(%parallel_loop3A_757 = %broadcast_in_dim3A_8, %parallel_loop3A_758 = %broadcast_in_dim3A_8, %parallel_loop3A_759 = %broadcast_in_dim3A_8, %parallel_loop3A_760 = %broadcast_in_dim3A_8) -> (vector<16xi32>, vector<16xi32>, vector<16xi32>, vector<16xi32>)  : i32 {
      %parallel_loop3A_761 = arith.index_cast %parallel_loop3A_756 : i32 to index
      %parallel_loop3A_762 = arith.constant 64 : index
      %parallel_loop3A_763 = tpu.vector_load %arg6[%parallel_loop3A_761, %parallel_loop3A_762] {strides = array<i32>} : memref<128x128xi32, #tpu.memory_space<vmem>>, vector<16xi32>,
      %parallel_loop3A_764 = arith.cmpi slt, %parallel_loop3A_763, %parallel_loop3A_757 : vector<16xi32>
      %parallel_loop3A_765 = arith.cmpi slt, %parallel_loop3A_763, %parallel_loop3A_758 : vector<16xi32>
      %parallel_loop3A_766 = arith.cmpi slt, %parallel_loop3A_763, %parallel_loop3A_759 : vector<16xi32>
      %parallel_loop3A_767 = arith.cmpi slt, %parallel_loop3A_763, %parallel_loop3A_760 : vector<16xi32>
      %parallel_loop3A_768 = arith.select %parallel_loop3A_765, %parallel_loop3A_763, %parallel_loop3A_758 : vector<16xi1>, vector<16xi32>
      %parallel_loop3A_769 = arith.select %parallel_loop3A_764, %parallel_loop3A_757, %parallel_loop3A_768 : vector<16xi1>, vector<16xi32>
      %parallel_loop3A_770 = arith.select %parallel_loop3A_766, %parallel_loop3A_763, %parallel_loop3A_759 : vector<16xi1>, vector<16xi32>
      %parallel_loop3A_771 = arith.select %parallel_loop3A_765, %parallel_loop3A_758, %parallel_loop3A_770 : vector<16xi1>, vector<16xi32>
      %parallel_loop3A_772 = arith.select %parallel_loop3A_767, %parallel_loop3A_763, %parallel_loop3A_760 : vector<16xi1>, vector<16xi32>
      %parallel_loop3A_773 = arith.select %parallel_loop3A_766, %parallel_loop3A_759, %parallel_loop3A_772 : vector<16xi1>, vector<16xi32>
      %parallel_loop3A_774 = arith.select %parallel_loop3A_764, %parallel_loop3A_763, %parallel_loop3A_757 : vector<16xi1>, vector<16xi32>
      scf.yield %parallel_loop3A_774, %parallel_loop3A_769, %parallel_loop3A_771, %parallel_loop3A_773 : vector<16xi32>, vector<16xi32>, vector<16xi32>, vector<16xi32>
    } {sc.loop_unroll_factor = 8 : i64, sc.parallel_access}
    %and3A_377 = arith.constant 127 : i32
    %and3A_378 = vector.broadcast %and3A_377 : i32 to vector<16xi32>
    %and3A_379 = arith.andi %parallel_loop3A_376#0, %and3A_378 : vector<16xi32>
    %and3A_380 = arith.constant 127 : i32
    %and3A_381 = vector.broadcast %and3A_380 : i32 to vector<16xi32>
    %and3A_382 = arith.andi %parallel_loop3A_376#1, %and3A_381 : vector<16xi32>
    %and3A_383 = arith.constant 127 : i32
    %and3A_384 = vector.broadcast %and3A_383 : i32 to vector<16xi32>
    %and3A_385 = arith.andi %parallel_loop3A_376#2, %and3A_384 : vector<16xi32>
    %and3A_386 = arith.constant 127 : i32
    %and3A_387 = vector.broadcast %and3A_386 : i32 to vector<16xi32>
    %and3A_388 = arith.andi %parallel_loop3A_376#3, %and3A_387 : vector<16xi32>
    %parallel_loop3A_389 = arith.constant 0 : i32
    %parallel_loop3A_390 = arith.constant 64 : i32
    %parallel_loop3A_391 = arith.constant 1 : i32
    %parallel_loop3A_392:4 = scf.for %parallel_loop3A_756 = %parallel_loop3A_389 to %parallel_loop3A_390 step %parallel_loop3A_391 iter_args(%parallel_loop3A_757 = %broadcast_in_dim3A_10, %parallel_loop3A_758 = %broadcast_in_dim3A_10, %parallel_loop3A_759 = %broadcast_in_dim3A_10, %parallel_loop3A_760 = %broadcast_in_dim3A_10) -> (vector<16xf32>, vector<16xf32>, vector<16xf32>, vector<16xf32>)  : i32 {
      %parallel_loop3A_761 = arith.constant 0 : i32
      %parallel_loop3A_762 = vector.broadcast %parallel_loop3A_761 : i32 to vector<16xi32>
      %parallel_loop3A_763 = vector.broadcast %parallel_loop3A_756 : i32 to vector<16xi32>
      %parallel_loop3A_764 = arith.addi %parallel_loop3A_762, %parallel_loop3A_763 : vector<16xi32>
      %parallel_loop3A_765 = arith.index_cast %parallel_loop3A_756 : i32 to index
      %parallel_loop3A_766 = arith.constant 64 : index
      %parallel_loop3A_767 = tpu.vector_load %arg7[%parallel_loop3A_765, %parallel_loop3A_766] {strides = array<i32>} : memref<64x128xf32, #tpu.memory_space<vmem>>, vector<16xf32>,
      %parallel_loop3A_768 = tpu.vector_load_idx %arg7[%parallel_loop3A_764, %and3A_379] : memref<64x128xf32, #tpu.memory_space<vmem>>[vector<16xi32>, vector<16xi32>], vector<16xf32>,
      %parallel_loop3A_769 = arith.subf %parallel_loop3A_767, %parallel_loop3A_768 : vector<16xf32>
      %parallel_loop3A_770 = tpu.vector_load_idx %arg7[%parallel_loop3A_764, %and3A_382] : memref<64x128xf32, #tpu.memory_space<vmem>>[vector<16xi32>, vector<16xi32>], vector<16xf32>,
      %parallel_loop3A_771 = arith.subf %parallel_loop3A_767, %parallel_loop3A_770 : vector<16xf32>
      %parallel_loop3A_772 = tpu.vector_load_idx %arg7[%parallel_loop3A_764, %and3A_385] : memref<64x128xf32, #tpu.memory_space<vmem>>[vector<16xi32>, vector<16xi32>], vector<16xf32>,
      %parallel_loop3A_773 = arith.subf %parallel_loop3A_767, %parallel_loop3A_772 : vector<16xf32>
      %parallel_loop3A_774 = tpu.vector_load_idx %arg7[%parallel_loop3A_764, %and3A_388] : memref<64x128xf32, #tpu.memory_space<vmem>>[vector<16xi32>, vector<16xi32>], vector<16xf32>,
      %parallel_loop3A_775 = arith.subf %parallel_loop3A_767, %parallel_loop3A_774 : vector<16xf32>
      %parallel_loop3A_776 = arith.mulf %parallel_loop3A_769, %parallel_loop3A_769 : vector<16xf32>
      %parallel_loop3A_777 = arith.addf %parallel_loop3A_757, %parallel_loop3A_776 : vector<16xf32>
      %parallel_loop3A_778 = arith.mulf %parallel_loop3A_771, %parallel_loop3A_771 : vector<16xf32>
      %parallel_loop3A_779 = arith.addf %parallel_loop3A_758, %parallel_loop3A_778 : vector<16xf32>
      %parallel_loop3A_780 = arith.mulf %parallel_loop3A_773, %parallel_loop3A_773 : vector<16xf32>
      %parallel_loop3A_781 = arith.addf %parallel_loop3A_759, %parallel_loop3A_780 : vector<16xf32>
      %parallel_loop3A_782 = arith.mulf %parallel_loop3A_775, %parallel_loop3A_775 : vector<16xf32>
      %parallel_loop3A_783 = arith.addf %parallel_loop3A_760, %parallel_loop3A_782 : vector<16xf32>
      scf.yield %parallel_loop3A_777, %parallel_loop3A_779, %parallel_loop3A_781, %parallel_loop3A_783 : vector<16xf32>, vector<16xf32>, vector<16xf32>, vector<16xf32>
    } {sc.loop_unroll_factor = 4 : i64, sc.parallel_access}
    %broadcast_in_dim3A_393 = arith.constant 3.000000e+38 : f32
    %broadcast_in_dim3A_394 = vector.broadcast %broadcast_in_dim3A_393 : f32 to vector<16xf32>
    %broadcast_in_dim3A_395 = arith.constant 0 : i32
    %broadcast_in_dim3A_396 = vector.broadcast %broadcast_in_dim3A_395 : i32 to vector<16xi32>
    %lt3A_397 = arith.cmpf olt, %parallel_loop3A_392#0, %broadcast_in_dim3A_394 : vector<16xf32>
    %lt3A_398 = arith.cmpf olt, %parallel_loop3A_392#0, %broadcast_in_dim3A_394 : vector<16xf32>
    %lt3A_399 = arith.cmpf olt, %parallel_loop3A_392#0, %broadcast_in_dim3A_394 : vector<16xf32>
    %select_n3A_400 = arith.select %lt3A_398, %parallel_loop3A_392#0, %broadcast_in_dim3A_394 : vector<16xi1>, vector<16xf32>
    %select_n3A_401 = arith.select %lt3A_397, %broadcast_in_dim3A_394, %select_n3A_400 : vector<16xi1>, vector<16xf32>
    %select_n3A_402 = arith.select %lt3A_398, %and3A_379, %broadcast_in_dim3A_396 : vector<16xi1>, vector<16xi32>
    %select_n3A_403 = arith.select %lt3A_397, %broadcast_in_dim3A_396, %select_n3A_402 : vector<16xi1>, vector<16xi32>
    %select_n3A_404 = arith.select %lt3A_399, %parallel_loop3A_392#0, %broadcast_in_dim3A_394 : vector<16xi1>, vector<16xf32>
    %select_n3A_405 = arith.select %lt3A_398, %broadcast_in_dim3A_394, %select_n3A_404 : vector<16xi1>, vector<16xf32>
    %select_n3A_406 = arith.select %lt3A_399, %and3A_379, %broadcast_in_dim3A_396 : vector<16xi1>, vector<16xi32>
    %select_n3A_407 = arith.select %lt3A_398, %broadcast_in_dim3A_396, %select_n3A_406 : vector<16xi1>, vector<16xi32>
    %select_n3A_408 = arith.select %lt3A_397, %parallel_loop3A_392#0, %broadcast_in_dim3A_394 : vector<16xi1>, vector<16xf32>
    %select_n3A_409 = arith.select %lt3A_397, %and3A_379, %broadcast_in_dim3A_396 : vector<16xi1>, vector<16xi32>
    %lt3A_410 = arith.cmpf olt, %parallel_loop3A_392#1, %select_n3A_408 : vector<16xf32>
    %lt3A_411 = arith.cmpf olt, %parallel_loop3A_392#1, %select_n3A_401 : vector<16xf32>
    %lt3A_412 = arith.cmpf olt, %parallel_loop3A_392#1, %select_n3A_405 : vector<16xf32>
    %select_n3A_413 = arith.select %lt3A_411, %parallel_loop3A_392#1, %select_n3A_401 : vector<16xi1>, vector<16xf32>
    %select_n3A_414 = arith.select %lt3A_410, %select_n3A_408, %select_n3A_413 : vector<16xi1>, vector<16xf32>
    %select_n3A_415 = arith.select %lt3A_411, %and3A_382, %select_n3A_403 : vector<16xi1>, vector<16xi32>
    %select_n3A_416 = arith.select %lt3A_410, %select_n3A_409, %select_n3A_415 : vector<16xi1>, vector<16xi32>
    %select_n3A_417 = arith.select %lt3A_412, %parallel_loop3A_392#1, %select_n3A_405 : vector<16xi1>, vector<16xf32>
    %select_n3A_418 = arith.select %lt3A_411, %select_n3A_401, %select_n3A_417 : vector<16xi1>, vector<16xf32>
    %select_n3A_419 = arith.select %lt3A_412, %and3A_382, %select_n3A_407 : vector<16xi1>, vector<16xi32>
    %select_n3A_420 = arith.select %lt3A_411, %select_n3A_403, %select_n3A_419 : vector<16xi1>, vector<16xi32>
    %select_n3A_421 = arith.select %lt3A_410, %parallel_loop3A_392#1, %select_n3A_408 : vector<16xi1>, vector<16xf32>
    %select_n3A_422 = arith.select %lt3A_410, %and3A_382, %select_n3A_409 : vector<16xi1>, vector<16xi32>
    %lt3A_423 = arith.cmpf olt, %parallel_loop3A_392#2, %select_n3A_421 : vector<16xf32>
    %lt3A_424 = arith.cmpf olt, %parallel_loop3A_392#2, %select_n3A_414 : vector<16xf32>
    %lt3A_425 = arith.cmpf olt, %parallel_loop3A_392#2, %select_n3A_418 : vector<16xf32>
    %select_n3A_426 = arith.select %lt3A_424, %parallel_loop3A_392#2, %select_n3A_414 : vector<16xi1>, vector<16xf32>
    %select_n3A_427 = arith.select %lt3A_423, %select_n3A_421, %select_n3A_426 : vector<16xi1>, vector<16xf32>
    %select_n3A_428 = arith.select %lt3A_424, %and3A_385, %select_n3A_416 : vector<16xi1>, vector<16xi32>
    %select_n3A_429 = arith.select %lt3A_423, %select_n3A_422, %select_n3A_428 : vector<16xi1>, vector<16xi32>
    %select_n3A_430 = arith.select %lt3A_425, %parallel_loop3A_392#2, %select_n3A_418 : vector<16xi1>, vector<16xf32>
    %select_n3A_431 = arith.select %lt3A_424, %select_n3A_414, %select_n3A_430 : vector<16xi1>, vector<16xf32>
    %select_n3A_432 = arith.select %lt3A_425, %and3A_385, %select_n3A_420 : vector<16xi1>, vector<16xi32>
    %select_n3A_433 = arith.select %lt3A_424, %select_n3A_416, %select_n3A_432 : vector<16xi1>, vector<16xi32>
    %select_n3A_434 = arith.select %lt3A_423, %parallel_loop3A_392#2, %select_n3A_421 : vector<16xi1>, vector<16xf32>
    %select_n3A_435 = arith.select %lt3A_423, %and3A_385, %select_n3A_422 : vector<16xi1>, vector<16xi32>
    %lt3A_436 = arith.cmpf olt, %parallel_loop3A_392#3, %select_n3A_434 : vector<16xf32>
    %lt3A_437 = arith.cmpf olt, %parallel_loop3A_392#3, %select_n3A_427 : vector<16xf32>
    %lt3A_438 = arith.cmpf olt, %parallel_loop3A_392#3, %select_n3A_431 : vector<16xf32>
    %select_n3A_439 = arith.select %lt3A_437, %parallel_loop3A_392#3, %select_n3A_427 : vector<16xi1>, vector<16xf32>
    %select_n3A_440 = arith.select %lt3A_436, %select_n3A_434, %select_n3A_439 : vector<16xi1>, vector<16xf32>
    %select_n3A_441 = arith.select %lt3A_437, %and3A_388, %select_n3A_429 : vector<16xi1>, vector<16xi32>
    %select_n3A_442 = arith.select %lt3A_436, %select_n3A_435, %select_n3A_441 : vector<16xi1>, vector<16xi32>
    %select_n3A_443 = arith.select %lt3A_438, %parallel_loop3A_392#3, %select_n3A_431 : vector<16xi1>, vector<16xf32>
    %select_n3A_444 = arith.select %lt3A_437, %select_n3A_427, %select_n3A_443 : vector<16xi1>, vector<16xf32>
    %select_n3A_445 = arith.select %lt3A_438, %and3A_388, %select_n3A_433 : vector<16xi1>, vector<16xi32>
    %select_n3A_446 = arith.select %lt3A_437, %select_n3A_429, %select_n3A_445 : vector<16xi1>, vector<16xi32>
    %select_n3A_447 = arith.select %lt3A_436, %parallel_loop3A_392#3, %select_n3A_434 : vector<16xi1>, vector<16xf32>
    %select_n3A_448 = arith.select %lt3A_436, %and3A_388, %select_n3A_435 : vector<16xi1>, vector<16xi32>
    %mul3A_449 = arith.constant 128 : i32
    %mul3A_450 = arith.muli %add3A, %mul3A_449 : i32
    %add3A_451 = vector.broadcast %mul3A_450 : i32 to vector<16xi32>
    %add3A_452 = arith.addi %select_n3A_448, %add3A_451 : vector<16xi32>
    %swap3A_453 = arith.constant 64 : index
    %swap3A_454 = tpu.vector_load %arg9[%swap3A_453] {strides = array<i32>} : memref<128xi32, #tpu.memory_space<vmem>>, vector<16xi32>,
    tpu.vector_store %arg9[%swap3A_453], %add3A_452 {strides = array<i32>} : memref<128xi32, #tpu.memory_space<vmem>>, vector<16xi32>,
    %add3A_455 = vector.broadcast %mul3A_450 : i32 to vector<16xi32>
    %add3A_456 = arith.addi %select_n3A_442, %add3A_455 : vector<16xi32>
    %swap3A_457 = arith.constant 64 : index
    %swap3A_458 = tpu.vector_load %arg10[%swap3A_457] {strides = array<i32>} : memref<128xi32, #tpu.memory_space<vmem>>, vector<16xi32>,
    tpu.vector_store %arg10[%swap3A_457], %add3A_456 {strides = array<i32>} : memref<128xi32, #tpu.memory_space<vmem>>, vector<16xi32>,
    %add3A_459 = vector.broadcast %mul3A_450 : i32 to vector<16xi32>
    %add3A_460 = arith.addi %select_n3A_446, %add3A_459 : vector<16xi32>
    %swap3A_461 = arith.constant 64 : index
    %swap3A_462 = tpu.vector_load %arg11[%swap3A_461] {strides = array<i32>} : memref<128xi32, #tpu.memory_space<vmem>>, vector<16xi32>,
    tpu.vector_store %arg11[%swap3A_461], %add3A_460 {strides = array<i32>} : memref<128xi32, #tpu.memory_space<vmem>>, vector<16xi32>,
    %parallel_loop3A_463 = arith.constant 0 : i32
    %parallel_loop3A_464 = arith.constant 128 : i32
    %parallel_loop3A_465 = arith.constant 1 : i32
    %parallel_loop3A_466:4 = scf.for %parallel_loop3A_756 = %parallel_loop3A_463 to %parallel_loop3A_464 step %parallel_loop3A_465 iter_args(%parallel_loop3A_757 = %broadcast_in_dim3A_8, %parallel_loop3A_758 = %broadcast_in_dim3A_8, %parallel_loop3A_759 = %broadcast_in_dim3A_8, %parallel_loop3A_760 = %broadcast_in_dim3A_8) -> (vector<16xi32>, vector<16xi32>, vector<16xi32>, vector<16xi32>)  : i32 {
      %parallel_loop3A_761 = arith.index_cast %parallel_loop3A_756 : i32 to index
      %parallel_loop3A_762 = arith.constant 80 : index
      %parallel_loop3A_763 = tpu.vector_load %arg6[%parallel_loop3A_761, %parallel_loop3A_762] {strides = array<i32>} : memref<128x128xi32, #tpu.memory_space<vmem>>, vector<16xi32>,
      %parallel_loop3A_764 = arith.cmpi slt, %parallel_loop3A_763, %parallel_loop3A_757 : vector<16xi32>
      %parallel_loop3A_765 = arith.cmpi slt, %parallel_loop3A_763, %parallel_loop3A_758 : vector<16xi32>
      %parallel_loop3A_766 = arith.cmpi slt, %parallel_loop3A_763, %parallel_loop3A_759 : vector<16xi32>
      %parallel_loop3A_767 = arith.cmpi slt, %parallel_loop3A_763, %parallel_loop3A_760 : vector<16xi32>
      %parallel_loop3A_768 = arith.select %parallel_loop3A_765, %parallel_loop3A_763, %parallel_loop3A_758 : vector<16xi1>, vector<16xi32>
      %parallel_loop3A_769 = arith.select %parallel_loop3A_764, %parallel_loop3A_757, %parallel_loop3A_768 : vector<16xi1>, vector<16xi32>
      %parallel_loop3A_770 = arith.select %parallel_loop3A_766, %parallel_loop3A_763, %parallel_loop3A_759 : vector<16xi1>, vector<16xi32>
      %parallel_loop3A_771 = arith.select %parallel_loop3A_765, %parallel_loop3A_758, %parallel_loop3A_770 : vector<16xi1>, vector<16xi32>
      %parallel_loop3A_772 = arith.select %parallel_loop3A_767, %parallel_loop3A_763, %parallel_loop3A_760 : vector<16xi1>, vector<16xi32>
      %parallel_loop3A_773 = arith.select %parallel_loop3A_766, %parallel_loop3A_759, %parallel_loop3A_772 : vector<16xi1>, vector<16xi32>
      %parallel_loop3A_774 = arith.select %parallel_loop3A_764, %parallel_loop3A_763, %parallel_loop3A_757 : vector<16xi1>, vector<16xi32>
      scf.yield %parallel_loop3A_774, %parallel_loop3A_769, %parallel_loop3A_771, %parallel_loop3A_773 : vector<16xi32>, vector<16xi32>, vector<16xi32>, vector<16xi32>
    } {sc.loop_unroll_factor = 8 : i64, sc.parallel_access}
    %and3A_467 = arith.constant 127 : i32
    %and3A_468 = vector.broadcast %and3A_467 : i32 to vector<16xi32>
    %and3A_469 = arith.andi %parallel_loop3A_466#0, %and3A_468 : vector<16xi32>
    %and3A_470 = arith.constant 127 : i32
    %and3A_471 = vector.broadcast %and3A_470 : i32 to vector<16xi32>
    %and3A_472 = arith.andi %parallel_loop3A_466#1, %and3A_471 : vector<16xi32>
    %and3A_473 = arith.constant 127 : i32
    %and3A_474 = vector.broadcast %and3A_473 : i32 to vector<16xi32>
    %and3A_475 = arith.andi %parallel_loop3A_466#2, %and3A_474 : vector<16xi32>
    %and3A_476 = arith.constant 127 : i32
    %and3A_477 = vector.broadcast %and3A_476 : i32 to vector<16xi32>
    %and3A_478 = arith.andi %parallel_loop3A_466#3, %and3A_477 : vector<16xi32>
    %parallel_loop3A_479 = arith.constant 0 : i32
    %parallel_loop3A_480 = arith.constant 64 : i32
    %parallel_loop3A_481 = arith.constant 1 : i32
    %parallel_loop3A_482:4 = scf.for %parallel_loop3A_756 = %parallel_loop3A_479 to %parallel_loop3A_480 step %parallel_loop3A_481 iter_args(%parallel_loop3A_757 = %broadcast_in_dim3A_10, %parallel_loop3A_758 = %broadcast_in_dim3A_10, %parallel_loop3A_759 = %broadcast_in_dim3A_10, %parallel_loop3A_760 = %broadcast_in_dim3A_10) -> (vector<16xf32>, vector<16xf32>, vector<16xf32>, vector<16xf32>)  : i32 {
      %parallel_loop3A_761 = arith.constant 0 : i32
      %parallel_loop3A_762 = vector.broadcast %parallel_loop3A_761 : i32 to vector<16xi32>
      %parallel_loop3A_763 = vector.broadcast %parallel_loop3A_756 : i32 to vector<16xi32>
      %parallel_loop3A_764 = arith.addi %parallel_loop3A_762, %parallel_loop3A_763 : vector<16xi32>
      %parallel_loop3A_765 = arith.index_cast %parallel_loop3A_756 : i32 to index
      %parallel_loop3A_766 = arith.constant 80 : index
      %parallel_loop3A_767 = tpu.vector_load %arg7[%parallel_loop3A_765, %parallel_loop3A_766] {strides = array<i32>} : memref<64x128xf32, #tpu.memory_space<vmem>>, vector<16xf32>,
      %parallel_loop3A_768 = tpu.vector_load_idx %arg7[%parallel_loop3A_764, %and3A_469] : memref<64x128xf32, #tpu.memory_space<vmem>>[vector<16xi32>, vector<16xi32>], vector<16xf32>,
      %parallel_loop3A_769 = arith.subf %parallel_loop3A_767, %parallel_loop3A_768 : vector<16xf32>
      %parallel_loop3A_770 = tpu.vector_load_idx %arg7[%parallel_loop3A_764, %and3A_472] : memref<64x128xf32, #tpu.memory_space<vmem>>[vector<16xi32>, vector<16xi32>], vector<16xf32>,
      %parallel_loop3A_771 = arith.subf %parallel_loop3A_767, %parallel_loop3A_770 : vector<16xf32>
      %parallel_loop3A_772 = tpu.vector_load_idx %arg7[%parallel_loop3A_764, %and3A_475] : memref<64x128xf32, #tpu.memory_space<vmem>>[vector<16xi32>, vector<16xi32>], vector<16xf32>,
      %parallel_loop3A_773 = arith.subf %parallel_loop3A_767, %parallel_loop3A_772 : vector<16xf32>
      %parallel_loop3A_774 = tpu.vector_load_idx %arg7[%parallel_loop3A_764, %and3A_478] : memref<64x128xf32, #tpu.memory_space<vmem>>[vector<16xi32>, vector<16xi32>], vector<16xf32>,
      %parallel_loop3A_775 = arith.subf %parallel_loop3A_767, %parallel_loop3A_774 : vector<16xf32>
      %parallel_loop3A_776 = arith.mulf %parallel_loop3A_769, %parallel_loop3A_769 : vector<16xf32>
      %parallel_loop3A_777 = arith.addf %parallel_loop3A_757, %parallel_loop3A_776 : vector<16xf32>
      %parallel_loop3A_778 = arith.mulf %parallel_loop3A_771, %parallel_loop3A_771 : vector<16xf32>
      %parallel_loop3A_779 = arith.addf %parallel_loop3A_758, %parallel_loop3A_778 : vector<16xf32>
      %parallel_loop3A_780 = arith.mulf %parallel_loop3A_773, %parallel_loop3A_773 : vector<16xf32>
      %parallel_loop3A_781 = arith.addf %parallel_loop3A_759, %parallel_loop3A_780 : vector<16xf32>
      %parallel_loop3A_782 = arith.mulf %parallel_loop3A_775, %parallel_loop3A_775 : vector<16xf32>
      %parallel_loop3A_783 = arith.addf %parallel_loop3A_760, %parallel_loop3A_782 : vector<16xf32>
      scf.yield %parallel_loop3A_777, %parallel_loop3A_779, %parallel_loop3A_781, %parallel_loop3A_783 : vector<16xf32>, vector<16xf32>, vector<16xf32>, vector<16xf32>
    } {sc.loop_unroll_factor = 4 : i64, sc.parallel_access}
    %broadcast_in_dim3A_483 = arith.constant 3.000000e+38 : f32
    %broadcast_in_dim3A_484 = vector.broadcast %broadcast_in_dim3A_483 : f32 to vector<16xf32>
    %broadcast_in_dim3A_485 = arith.constant 0 : i32
    %broadcast_in_dim3A_486 = vector.broadcast %broadcast_in_dim3A_485 : i32 to vector<16xi32>
    %lt3A_487 = arith.cmpf olt, %parallel_loop3A_482#0, %broadcast_in_dim3A_484 : vector<16xf32>
    %lt3A_488 = arith.cmpf olt, %parallel_loop3A_482#0, %broadcast_in_dim3A_484 : vector<16xf32>
    %lt3A_489 = arith.cmpf olt, %parallel_loop3A_482#0, %broadcast_in_dim3A_484 : vector<16xf32>
    %select_n3A_490 = arith.select %lt3A_488, %parallel_loop3A_482#0, %broadcast_in_dim3A_484 : vector<16xi1>, vector<16xf32>
    %select_n3A_491 = arith.select %lt3A_487, %broadcast_in_dim3A_484, %select_n3A_490 : vector<16xi1>, vector<16xf32>
    %select_n3A_492 = arith.select %lt3A_488, %and3A_469, %broadcast_in_dim3A_486 : vector<16xi1>, vector<16xi32>
    %select_n3A_493 = arith.select %lt3A_487, %broadcast_in_dim3A_486, %select_n3A_492 : vector<16xi1>, vector<16xi32>
    %select_n3A_494 = arith.select %lt3A_489, %parallel_loop3A_482#0, %broadcast_in_dim3A_484 : vector<16xi1>, vector<16xf32>
    %select_n3A_495 = arith.select %lt3A_488, %broadcast_in_dim3A_484, %select_n3A_494 : vector<16xi1>, vector<16xf32>
    %select_n3A_496 = arith.select %lt3A_489, %and3A_469, %broadcast_in_dim3A_486 : vector<16xi1>, vector<16xi32>
    %select_n3A_497 = arith.select %lt3A_488, %broadcast_in_dim3A_486, %select_n3A_496 : vector<16xi1>, vector<16xi32>
    %select_n3A_498 = arith.select %lt3A_487, %parallel_loop3A_482#0, %broadcast_in_dim3A_484 : vector<16xi1>, vector<16xf32>
    %select_n3A_499 = arith.select %lt3A_487, %and3A_469, %broadcast_in_dim3A_486 : vector<16xi1>, vector<16xi32>
    %lt3A_500 = arith.cmpf olt, %parallel_loop3A_482#1, %select_n3A_498 : vector<16xf32>
    %lt3A_501 = arith.cmpf olt, %parallel_loop3A_482#1, %select_n3A_491 : vector<16xf32>
    %lt3A_502 = arith.cmpf olt, %parallel_loop3A_482#1, %select_n3A_495 : vector<16xf32>
    %select_n3A_503 = arith.select %lt3A_501, %parallel_loop3A_482#1, %select_n3A_491 : vector<16xi1>, vector<16xf32>
    %select_n3A_504 = arith.select %lt3A_500, %select_n3A_498, %select_n3A_503 : vector<16xi1>, vector<16xf32>
    %select_n3A_505 = arith.select %lt3A_501, %and3A_472, %select_n3A_493 : vector<16xi1>, vector<16xi32>
    %select_n3A_506 = arith.select %lt3A_500, %select_n3A_499, %select_n3A_505 : vector<16xi1>, vector<16xi32>
    %select_n3A_507 = arith.select %lt3A_502, %parallel_loop3A_482#1, %select_n3A_495 : vector<16xi1>, vector<16xf32>
    %select_n3A_508 = arith.select %lt3A_501, %select_n3A_491, %select_n3A_507 : vector<16xi1>, vector<16xf32>
    %select_n3A_509 = arith.select %lt3A_502, %and3A_472, %select_n3A_497 : vector<16xi1>, vector<16xi32>
    %select_n3A_510 = arith.select %lt3A_501, %select_n3A_493, %select_n3A_509 : vector<16xi1>, vector<16xi32>
    %select_n3A_511 = arith.select %lt3A_500, %parallel_loop3A_482#1, %select_n3A_498 : vector<16xi1>, vector<16xf32>
    %select_n3A_512 = arith.select %lt3A_500, %and3A_472, %select_n3A_499 : vector<16xi1>, vector<16xi32>
    %lt3A_513 = arith.cmpf olt, %parallel_loop3A_482#2, %select_n3A_511 : vector<16xf32>
    %lt3A_514 = arith.cmpf olt, %parallel_loop3A_482#2, %select_n3A_504 : vector<16xf32>
    %lt3A_515 = arith.cmpf olt, %parallel_loop3A_482#2, %select_n3A_508 : vector<16xf32>
    %select_n3A_516 = arith.select %lt3A_514, %parallel_loop3A_482#2, %select_n3A_504 : vector<16xi1>, vector<16xf32>
    %select_n3A_517 = arith.select %lt3A_513, %select_n3A_511, %select_n3A_516 : vector<16xi1>, vector<16xf32>
    %select_n3A_518 = arith.select %lt3A_514, %and3A_475, %select_n3A_506 : vector<16xi1>, vector<16xi32>
    %select_n3A_519 = arith.select %lt3A_513, %select_n3A_512, %select_n3A_518 : vector<16xi1>, vector<16xi32>
    %select_n3A_520 = arith.select %lt3A_515, %parallel_loop3A_482#2, %select_n3A_508 : vector<16xi1>, vector<16xf32>
    %select_n3A_521 = arith.select %lt3A_514, %select_n3A_504, %select_n3A_520 : vector<16xi1>, vector<16xf32>
    %select_n3A_522 = arith.select %lt3A_515, %and3A_475, %select_n3A_510 : vector<16xi1>, vector<16xi32>
    %select_n3A_523 = arith.select %lt3A_514, %select_n3A_506, %select_n3A_522 : vector<16xi1>, vector<16xi32>
    %select_n3A_524 = arith.select %lt3A_513, %parallel_loop3A_482#2, %select_n3A_511 : vector<16xi1>, vector<16xf32>
    %select_n3A_525 = arith.select %lt3A_513, %and3A_475, %select_n3A_512 : vector<16xi1>, vector<16xi32>
    %lt3A_526 = arith.cmpf olt, %parallel_loop3A_482#3, %select_n3A_524 : vector<16xf32>
    %lt3A_527 = arith.cmpf olt, %parallel_loop3A_482#3, %select_n3A_517 : vector<16xf32>
    %lt3A_528 = arith.cmpf olt, %parallel_loop3A_482#3, %select_n3A_521 : vector<16xf32>
    %select_n3A_529 = arith.select %lt3A_527, %parallel_loop3A_482#3, %select_n3A_517 : vector<16xi1>, vector<16xf32>
    %select_n3A_530 = arith.select %lt3A_526, %select_n3A_524, %select_n3A_529 : vector<16xi1>, vector<16xf32>
    %select_n3A_531 = arith.select %lt3A_527, %and3A_478, %select_n3A_519 : vector<16xi1>, vector<16xi32>
    %select_n3A_532 = arith.select %lt3A_526, %select_n3A_525, %select_n3A_531 : vector<16xi1>, vector<16xi32>
    %select_n3A_533 = arith.select %lt3A_528, %parallel_loop3A_482#3, %select_n3A_521 : vector<16xi1>, vector<16xf32>
    %select_n3A_534 = arith.select %lt3A_527, %select_n3A_517, %select_n3A_533 : vector<16xi1>, vector<16xf32>
    %select_n3A_535 = arith.select %lt3A_528, %and3A_478, %select_n3A_523 : vector<16xi1>, vector<16xi32>
    %select_n3A_536 = arith.select %lt3A_527, %select_n3A_519, %select_n3A_535 : vector<16xi1>, vector<16xi32>
    %select_n3A_537 = arith.select %lt3A_526, %parallel_loop3A_482#3, %select_n3A_524 : vector<16xi1>, vector<16xf32>
    %select_n3A_538 = arith.select %lt3A_526, %and3A_478, %select_n3A_525 : vector<16xi1>, vector<16xi32>
    %mul3A_539 = arith.constant 128 : i32
    %mul3A_540 = arith.muli %add3A, %mul3A_539 : i32
    %add3A_541 = vector.broadcast %mul3A_540 : i32 to vector<16xi32>
    %add3A_542 = arith.addi %select_n3A_538, %add3A_541 : vector<16xi32>
    %swap3A_543 = arith.constant 80 : index
    %swap3A_544 = tpu.vector_load %arg9[%swap3A_543] {strides = array<i32>} : memref<128xi32, #tpu.memory_space<vmem>>, vector<16xi32>,
    tpu.vector_store %arg9[%swap3A_543], %add3A_542 {strides = array<i32>} : memref<128xi32, #tpu.memory_space<vmem>>, vector<16xi32>,
    %add3A_545 = vector.broadcast %mul3A_540 : i32 to vector<16xi32>
    %add3A_546 = arith.addi %select_n3A_532, %add3A_545 : vector<16xi32>
    %swap3A_547 = arith.constant 80 : index
    %swap3A_548 = tpu.vector_load %arg10[%swap3A_547] {strides = array<i32>} : memref<128xi32, #tpu.memory_space<vmem>>, vector<16xi32>,
    tpu.vector_store %arg10[%swap3A_547], %add3A_546 {strides = array<i32>} : memref<128xi32, #tpu.memory_space<vmem>>, vector<16xi32>,
    %add3A_549 = vector.broadcast %mul3A_540 : i32 to vector<16xi32>
    %add3A_550 = arith.addi %select_n3A_536, %add3A_549 : vector<16xi32>
    %swap3A_551 = arith.constant 80 : index
    %swap3A_552 = tpu.vector_load %arg11[%swap3A_551] {strides = array<i32>} : memref<128xi32, #tpu.memory_space<vmem>>, vector<16xi32>,
    tpu.vector_store %arg11[%swap3A_551], %add3A_550 {strides = array<i32>} : memref<128xi32, #tpu.memory_space<vmem>>, vector<16xi32>,
    %parallel_loop3A_553 = arith.constant 0 : i32
    %parallel_loop3A_554 = arith.constant 128 : i32
    %parallel_loop3A_555 = arith.constant 1 : i32
    %parallel_loop3A_556:4 = scf.for %parallel_loop3A_756 = %parallel_loop3A_553 to %parallel_loop3A_554 step %parallel_loop3A_555 iter_args(%parallel_loop3A_757 = %broadcast_in_dim3A_8, %parallel_loop3A_758 = %broadcast_in_dim3A_8, %parallel_loop3A_759 = %broadcast_in_dim3A_8, %parallel_loop3A_760 = %broadcast_in_dim3A_8) -> (vector<16xi32>, vector<16xi32>, vector<16xi32>, vector<16xi32>)  : i32 {
      %parallel_loop3A_761 = arith.index_cast %parallel_loop3A_756 : i32 to index
      %parallel_loop3A_762 = arith.constant 96 : index
      %parallel_loop3A_763 = tpu.vector_load %arg6[%parallel_loop3A_761, %parallel_loop3A_762] {strides = array<i32>} : memref<128x128xi32, #tpu.memory_space<vmem>>, vector<16xi32>,
      %parallel_loop3A_764 = arith.cmpi slt, %parallel_loop3A_763, %parallel_loop3A_757 : vector<16xi32>
      %parallel_loop3A_765 = arith.cmpi slt, %parallel_loop3A_763, %parallel_loop3A_758 : vector<16xi32>
      %parallel_loop3A_766 = arith.cmpi slt, %parallel_loop3A_763, %parallel_loop3A_759 : vector<16xi32>
      %parallel_loop3A_767 = arith.cmpi slt, %parallel_loop3A_763, %parallel_loop3A_760 : vector<16xi32>
      %parallel_loop3A_768 = arith.select %parallel_loop3A_765, %parallel_loop3A_763, %parallel_loop3A_758 : vector<16xi1>, vector<16xi32>
      %parallel_loop3A_769 = arith.select %parallel_loop3A_764, %parallel_loop3A_757, %parallel_loop3A_768 : vector<16xi1>, vector<16xi32>
      %parallel_loop3A_770 = arith.select %parallel_loop3A_766, %parallel_loop3A_763, %parallel_loop3A_759 : vector<16xi1>, vector<16xi32>
      %parallel_loop3A_771 = arith.select %parallel_loop3A_765, %parallel_loop3A_758, %parallel_loop3A_770 : vector<16xi1>, vector<16xi32>
      %parallel_loop3A_772 = arith.select %parallel_loop3A_767, %parallel_loop3A_763, %parallel_loop3A_760 : vector<16xi1>, vector<16xi32>
      %parallel_loop3A_773 = arith.select %parallel_loop3A_766, %parallel_loop3A_759, %parallel_loop3A_772 : vector<16xi1>, vector<16xi32>
      %parallel_loop3A_774 = arith.select %parallel_loop3A_764, %parallel_loop3A_763, %parallel_loop3A_757 : vector<16xi1>, vector<16xi32>
      scf.yield %parallel_loop3A_774, %parallel_loop3A_769, %parallel_loop3A_771, %parallel_loop3A_773 : vector<16xi32>, vector<16xi32>, vector<16xi32>, vector<16xi32>
    } {sc.loop_unroll_factor = 8 : i64, sc.parallel_access}
    %and3A_557 = arith.constant 127 : i32
    %and3A_558 = vector.broadcast %and3A_557 : i32 to vector<16xi32>
    %and3A_559 = arith.andi %parallel_loop3A_556#0, %and3A_558 : vector<16xi32>
    %and3A_560 = arith.constant 127 : i32
    %and3A_561 = vector.broadcast %and3A_560 : i32 to vector<16xi32>
    %and3A_562 = arith.andi %parallel_loop3A_556#1, %and3A_561 : vector<16xi32>
    %and3A_563 = arith.constant 127 : i32
    %and3A_564 = vector.broadcast %and3A_563 : i32 to vector<16xi32>
    %and3A_565 = arith.andi %parallel_loop3A_556#2, %and3A_564 : vector<16xi32>
    %and3A_566 = arith.constant 127 : i32
    %and3A_567 = vector.broadcast %and3A_566 : i32 to vector<16xi32>
    %and3A_568 = arith.andi %parallel_loop3A_556#3, %and3A_567 : vector<16xi32>
    %parallel_loop3A_569 = arith.constant 0 : i32
    %parallel_loop3A_570 = arith.constant 64 : i32
    %parallel_loop3A_571 = arith.constant 1 : i32
    %parallel_loop3A_572:4 = scf.for %parallel_loop3A_756 = %parallel_loop3A_569 to %parallel_loop3A_570 step %parallel_loop3A_571 iter_args(%parallel_loop3A_757 = %broadcast_in_dim3A_10, %parallel_loop3A_758 = %broadcast_in_dim3A_10, %parallel_loop3A_759 = %broadcast_in_dim3A_10, %parallel_loop3A_760 = %broadcast_in_dim3A_10) -> (vector<16xf32>, vector<16xf32>, vector<16xf32>, vector<16xf32>)  : i32 {
      %parallel_loop3A_761 = arith.constant 0 : i32
      %parallel_loop3A_762 = vector.broadcast %parallel_loop3A_761 : i32 to vector<16xi32>
      %parallel_loop3A_763 = vector.broadcast %parallel_loop3A_756 : i32 to vector<16xi32>
      %parallel_loop3A_764 = arith.addi %parallel_loop3A_762, %parallel_loop3A_763 : vector<16xi32>
      %parallel_loop3A_765 = arith.index_cast %parallel_loop3A_756 : i32 to index
      %parallel_loop3A_766 = arith.constant 96 : index
      %parallel_loop3A_767 = tpu.vector_load %arg7[%parallel_loop3A_765, %parallel_loop3A_766] {strides = array<i32>} : memref<64x128xf32, #tpu.memory_space<vmem>>, vector<16xf32>,
      %parallel_loop3A_768 = tpu.vector_load_idx %arg7[%parallel_loop3A_764, %and3A_559] : memref<64x128xf32, #tpu.memory_space<vmem>>[vector<16xi32>, vector<16xi32>], vector<16xf32>,
      %parallel_loop3A_769 = arith.subf %parallel_loop3A_767, %parallel_loop3A_768 : vector<16xf32>
      %parallel_loop3A_770 = tpu.vector_load_idx %arg7[%parallel_loop3A_764, %and3A_562] : memref<64x128xf32, #tpu.memory_space<vmem>>[vector<16xi32>, vector<16xi32>], vector<16xf32>,
      %parallel_loop3A_771 = arith.subf %parallel_loop3A_767, %parallel_loop3A_770 : vector<16xf32>
      %parallel_loop3A_772 = tpu.vector_load_idx %arg7[%parallel_loop3A_764, %and3A_565] : memref<64x128xf32, #tpu.memory_space<vmem>>[vector<16xi32>, vector<16xi32>], vector<16xf32>,
      %parallel_loop3A_773 = arith.subf %parallel_loop3A_767, %parallel_loop3A_772 : vector<16xf32>
      %parallel_loop3A_774 = tpu.vector_load_idx %arg7[%parallel_loop3A_764, %and3A_568] : memref<64x128xf32, #tpu.memory_space<vmem>>[vector<16xi32>, vector<16xi32>], vector<16xf32>,
      %parallel_loop3A_775 = arith.subf %parallel_loop3A_767, %parallel_loop3A_774 : vector<16xf32>
      %parallel_loop3A_776 = arith.mulf %parallel_loop3A_769, %parallel_loop3A_769 : vector<16xf32>
      %parallel_loop3A_777 = arith.addf %parallel_loop3A_757, %parallel_loop3A_776 : vector<16xf32>
      %parallel_loop3A_778 = arith.mulf %parallel_loop3A_771, %parallel_loop3A_771 : vector<16xf32>
      %parallel_loop3A_779 = arith.addf %parallel_loop3A_758, %parallel_loop3A_778 : vector<16xf32>
      %parallel_loop3A_780 = arith.mulf %parallel_loop3A_773, %parallel_loop3A_773 : vector<16xf32>
      %parallel_loop3A_781 = arith.addf %parallel_loop3A_759, %parallel_loop3A_780 : vector<16xf32>
      %parallel_loop3A_782 = arith.mulf %parallel_loop3A_775, %parallel_loop3A_775 : vector<16xf32>
      %parallel_loop3A_783 = arith.addf %parallel_loop3A_760, %parallel_loop3A_782 : vector<16xf32>
      scf.yield %parallel_loop3A_777, %parallel_loop3A_779, %parallel_loop3A_781, %parallel_loop3A_783 : vector<16xf32>, vector<16xf32>, vector<16xf32>, vector<16xf32>
    } {sc.loop_unroll_factor = 4 : i64, sc.parallel_access}
    %broadcast_in_dim3A_573 = arith.constant 3.000000e+38 : f32
    %broadcast_in_dim3A_574 = vector.broadcast %broadcast_in_dim3A_573 : f32 to vector<16xf32>
    %broadcast_in_dim3A_575 = arith.constant 0 : i32
    %broadcast_in_dim3A_576 = vector.broadcast %broadcast_in_dim3A_575 : i32 to vector<16xi32>
    %lt3A_577 = arith.cmpf olt, %parallel_loop3A_572#0, %broadcast_in_dim3A_574 : vector<16xf32>
    %lt3A_578 = arith.cmpf olt, %parallel_loop3A_572#0, %broadcast_in_dim3A_574 : vector<16xf32>
    %lt3A_579 = arith.cmpf olt, %parallel_loop3A_572#0, %broadcast_in_dim3A_574 : vector<16xf32>
    %select_n3A_580 = arith.select %lt3A_578, %parallel_loop3A_572#0, %broadcast_in_dim3A_574 : vector<16xi1>, vector<16xf32>
    %select_n3A_581 = arith.select %lt3A_577, %broadcast_in_dim3A_574, %select_n3A_580 : vector<16xi1>, vector<16xf32>
    %select_n3A_582 = arith.select %lt3A_578, %and3A_559, %broadcast_in_dim3A_576 : vector<16xi1>, vector<16xi32>
    %select_n3A_583 = arith.select %lt3A_577, %broadcast_in_dim3A_576, %select_n3A_582 : vector<16xi1>, vector<16xi32>
    %select_n3A_584 = arith.select %lt3A_579, %parallel_loop3A_572#0, %broadcast_in_dim3A_574 : vector<16xi1>, vector<16xf32>
    %select_n3A_585 = arith.select %lt3A_578, %broadcast_in_dim3A_574, %select_n3A_584 : vector<16xi1>, vector<16xf32>
    %select_n3A_586 = arith.select %lt3A_579, %and3A_559, %broadcast_in_dim3A_576 : vector<16xi1>, vector<16xi32>
    %select_n3A_587 = arith.select %lt3A_578, %broadcast_in_dim3A_576, %select_n3A_586 : vector<16xi1>, vector<16xi32>
    %select_n3A_588 = arith.select %lt3A_577, %parallel_loop3A_572#0, %broadcast_in_dim3A_574 : vector<16xi1>, vector<16xf32>
    %select_n3A_589 = arith.select %lt3A_577, %and3A_559, %broadcast_in_dim3A_576 : vector<16xi1>, vector<16xi32>
    %lt3A_590 = arith.cmpf olt, %parallel_loop3A_572#1, %select_n3A_588 : vector<16xf32>
    %lt3A_591 = arith.cmpf olt, %parallel_loop3A_572#1, %select_n3A_581 : vector<16xf32>
    %lt3A_592 = arith.cmpf olt, %parallel_loop3A_572#1, %select_n3A_585 : vector<16xf32>
    %select_n3A_593 = arith.select %lt3A_591, %parallel_loop3A_572#1, %select_n3A_581 : vector<16xi1>, vector<16xf32>
    %select_n3A_594 = arith.select %lt3A_590, %select_n3A_588, %select_n3A_593 : vector<16xi1>, vector<16xf32>
    %select_n3A_595 = arith.select %lt3A_591, %and3A_562, %select_n3A_583 : vector<16xi1>, vector<16xi32>
    %select_n3A_596 = arith.select %lt3A_590, %select_n3A_589, %select_n3A_595 : vector<16xi1>, vector<16xi32>
    %select_n3A_597 = arith.select %lt3A_592, %parallel_loop3A_572#1, %select_n3A_585 : vector<16xi1>, vector<16xf32>
    %select_n3A_598 = arith.select %lt3A_591, %select_n3A_581, %select_n3A_597 : vector<16xi1>, vector<16xf32>
    %select_n3A_599 = arith.select %lt3A_592, %and3A_562, %select_n3A_587 : vector<16xi1>, vector<16xi32>
    %select_n3A_600 = arith.select %lt3A_591, %select_n3A_583, %select_n3A_599 : vector<16xi1>, vector<16xi32>
    %select_n3A_601 = arith.select %lt3A_590, %parallel_loop3A_572#1, %select_n3A_588 : vector<16xi1>, vector<16xf32>
    %select_n3A_602 = arith.select %lt3A_590, %and3A_562, %select_n3A_589 : vector<16xi1>, vector<16xi32>
    %lt3A_603 = arith.cmpf olt, %parallel_loop3A_572#2, %select_n3A_601 : vector<16xf32>
    %lt3A_604 = arith.cmpf olt, %parallel_loop3A_572#2, %select_n3A_594 : vector<16xf32>
    %lt3A_605 = arith.cmpf olt, %parallel_loop3A_572#2, %select_n3A_598 : vector<16xf32>
    %select_n3A_606 = arith.select %lt3A_604, %parallel_loop3A_572#2, %select_n3A_594 : vector<16xi1>, vector<16xf32>
    %select_n3A_607 = arith.select %lt3A_603, %select_n3A_601, %select_n3A_606 : vector<16xi1>, vector<16xf32>
    %select_n3A_608 = arith.select %lt3A_604, %and3A_565, %select_n3A_596 : vector<16xi1>, vector<16xi32>
    %select_n3A_609 = arith.select %lt3A_603, %select_n3A_602, %select_n3A_608 : vector<16xi1>, vector<16xi32>
    %select_n3A_610 = arith.select %lt3A_605, %parallel_loop3A_572#2, %select_n3A_598 : vector<16xi1>, vector<16xf32>
    %select_n3A_611 = arith.select %lt3A_604, %select_n3A_594, %select_n3A_610 : vector<16xi1>, vector<16xf32>
    %select_n3A_612 = arith.select %lt3A_605, %and3A_565, %select_n3A_600 : vector<16xi1>, vector<16xi32>
    %select_n3A_613 = arith.select %lt3A_604, %select_n3A_596, %select_n3A_612 : vector<16xi1>, vector<16xi32>
    %select_n3A_614 = arith.select %lt3A_603, %parallel_loop3A_572#2, %select_n3A_601 : vector<16xi1>, vector<16xf32>
    %select_n3A_615 = arith.select %lt3A_603, %and3A_565, %select_n3A_602 : vector<16xi1>, vector<16xi32>
    %lt3A_616 = arith.cmpf olt, %parallel_loop3A_572#3, %select_n3A_614 : vector<16xf32>
    %lt3A_617 = arith.cmpf olt, %parallel_loop3A_572#3, %select_n3A_607 : vector<16xf32>
    %lt3A_618 = arith.cmpf olt, %parallel_loop3A_572#3, %select_n3A_611 : vector<16xf32>
    %select_n3A_619 = arith.select %lt3A_617, %parallel_loop3A_572#3, %select_n3A_607 : vector<16xi1>, vector<16xf32>
    %select_n3A_620 = arith.select %lt3A_616, %select_n3A_614, %select_n3A_619 : vector<16xi1>, vector<16xf32>
    %select_n3A_621 = arith.select %lt3A_617, %and3A_568, %select_n3A_609 : vector<16xi1>, vector<16xi32>
    %select_n3A_622 = arith.select %lt3A_616, %select_n3A_615, %select_n3A_621 : vector<16xi1>, vector<16xi32>
    %select_n3A_623 = arith.select %lt3A_618, %parallel_loop3A_572#3, %select_n3A_611 : vector<16xi1>, vector<16xf32>
    %select_n3A_624 = arith.select %lt3A_617, %select_n3A_607, %select_n3A_623 : vector<16xi1>, vector<16xf32>
    %select_n3A_625 = arith.select %lt3A_618, %and3A_568, %select_n3A_613 : vector<16xi1>, vector<16xi32>
    %select_n3A_626 = arith.select %lt3A_617, %select_n3A_609, %select_n3A_625 : vector<16xi1>, vector<16xi32>
    %select_n3A_627 = arith.select %lt3A_616, %parallel_loop3A_572#3, %select_n3A_614 : vector<16xi1>, vector<16xf32>
    %select_n3A_628 = arith.select %lt3A_616, %and3A_568, %select_n3A_615 : vector<16xi1>, vector<16xi32>
    %mul3A_629 = arith.constant 128 : i32
    %mul3A_630 = arith.muli %add3A, %mul3A_629 : i32
    %add3A_631 = vector.broadcast %mul3A_630 : i32 to vector<16xi32>
    %add3A_632 = arith.addi %select_n3A_628, %add3A_631 : vector<16xi32>
    %swap3A_633 = arith.constant 96 : index
    %swap3A_634 = tpu.vector_load %arg9[%swap3A_633] {strides = array<i32>} : memref<128xi32, #tpu.memory_space<vmem>>, vector<16xi32>,
    tpu.vector_store %arg9[%swap3A_633], %add3A_632 {strides = array<i32>} : memref<128xi32, #tpu.memory_space<vmem>>, vector<16xi32>,
    %add3A_635 = vector.broadcast %mul3A_630 : i32 to vector<16xi32>
    %add3A_636 = arith.addi %select_n3A_622, %add3A_635 : vector<16xi32>
    %swap3A_637 = arith.constant 96 : index
    %swap3A_638 = tpu.vector_load %arg10[%swap3A_637] {strides = array<i32>} : memref<128xi32, #tpu.memory_space<vmem>>, vector<16xi32>,
    tpu.vector_store %arg10[%swap3A_637], %add3A_636 {strides = array<i32>} : memref<128xi32, #tpu.memory_space<vmem>>, vector<16xi32>,
    %add3A_639 = vector.broadcast %mul3A_630 : i32 to vector<16xi32>
    %add3A_640 = arith.addi %select_n3A_626, %add3A_639 : vector<16xi32>
    %swap3A_641 = arith.constant 96 : index
    %swap3A_642 = tpu.vector_load %arg11[%swap3A_641] {strides = array<i32>} : memref<128xi32, #tpu.memory_space<vmem>>, vector<16xi32>,
    tpu.vector_store %arg11[%swap3A_641], %add3A_640 {strides = array<i32>} : memref<128xi32, #tpu.memory_space<vmem>>, vector<16xi32>,
    %parallel_loop3A_643 = arith.constant 0 : i32
    %parallel_loop3A_644 = arith.constant 128 : i32
    %parallel_loop3A_645 = arith.constant 1 : i32
    %parallel_loop3A_646:4 = scf.for %parallel_loop3A_756 = %parallel_loop3A_643 to %parallel_loop3A_644 step %parallel_loop3A_645 iter_args(%parallel_loop3A_757 = %broadcast_in_dim3A_8, %parallel_loop3A_758 = %broadcast_in_dim3A_8, %parallel_loop3A_759 = %broadcast_in_dim3A_8, %parallel_loop3A_760 = %broadcast_in_dim3A_8) -> (vector<16xi32>, vector<16xi32>, vector<16xi32>, vector<16xi32>)  : i32 {
      %parallel_loop3A_761 = arith.index_cast %parallel_loop3A_756 : i32 to index
      %parallel_loop3A_762 = arith.constant 112 : index
      %parallel_loop3A_763 = tpu.vector_load %arg6[%parallel_loop3A_761, %parallel_loop3A_762] {strides = array<i32>} : memref<128x128xi32, #tpu.memory_space<vmem>>, vector<16xi32>,
      %parallel_loop3A_764 = arith.cmpi slt, %parallel_loop3A_763, %parallel_loop3A_757 : vector<16xi32>
      %parallel_loop3A_765 = arith.cmpi slt, %parallel_loop3A_763, %parallel_loop3A_758 : vector<16xi32>
      %parallel_loop3A_766 = arith.cmpi slt, %parallel_loop3A_763, %parallel_loop3A_759 : vector<16xi32>
      %parallel_loop3A_767 = arith.cmpi slt, %parallel_loop3A_763, %parallel_loop3A_760 : vector<16xi32>
      %parallel_loop3A_768 = arith.select %parallel_loop3A_765, %parallel_loop3A_763, %parallel_loop3A_758 : vector<16xi1>, vector<16xi32>
      %parallel_loop3A_769 = arith.select %parallel_loop3A_764, %parallel_loop3A_757, %parallel_loop3A_768 : vector<16xi1>, vector<16xi32>
      %parallel_loop3A_770 = arith.select %parallel_loop3A_766, %parallel_loop3A_763, %parallel_loop3A_759 : vector<16xi1>, vector<16xi32>
      %parallel_loop3A_771 = arith.select %parallel_loop3A_765, %parallel_loop3A_758, %parallel_loop3A_770 : vector<16xi1>, vector<16xi32>
      %parallel_loop3A_772 = arith.select %parallel_loop3A_767, %parallel_loop3A_763, %parallel_loop3A_760 : vector<16xi1>, vector<16xi32>
      %parallel_loop3A_773 = arith.select %parallel_loop3A_766, %parallel_loop3A_759, %parallel_loop3A_772 : vector<16xi1>, vector<16xi32>
      %parallel_loop3A_774 = arith.select %parallel_loop3A_764, %parallel_loop3A_763, %parallel_loop3A_757 : vector<16xi1>, vector<16xi32>
      scf.yield %parallel_loop3A_774, %parallel_loop3A_769, %parallel_loop3A_771, %parallel_loop3A_773 : vector<16xi32>, vector<16xi32>, vector<16xi32>, vector<16xi32>
    } {sc.loop_unroll_factor = 8 : i64, sc.parallel_access}
    %and3A_647 = arith.constant 127 : i32
    %and3A_648 = vector.broadcast %and3A_647 : i32 to vector<16xi32>
    %and3A_649 = arith.andi %parallel_loop3A_646#0, %and3A_648 : vector<16xi32>
    %and3A_650 = arith.constant 127 : i32
    %and3A_651 = vector.broadcast %and3A_650 : i32 to vector<16xi32>
    %and3A_652 = arith.andi %parallel_loop3A_646#1, %and3A_651 : vector<16xi32>
    %and3A_653 = arith.constant 127 : i32
    %and3A_654 = vector.broadcast %and3A_653 : i32 to vector<16xi32>
    %and3A_655 = arith.andi %parallel_loop3A_646#2, %and3A_654 : vector<16xi32>
    %and3A_656 = arith.constant 127 : i32
    %and3A_657 = vector.broadcast %and3A_656 : i32 to vector<16xi32>
    %and3A_658 = arith.andi %parallel_loop3A_646#3, %and3A_657 : vector<16xi32>
    %parallel_loop3A_659 = arith.constant 0 : i32
    %parallel_loop3A_660 = arith.constant 64 : i32
    %parallel_loop3A_661 = arith.constant 1 : i32
    %parallel_loop3A_662:4 = scf.for %parallel_loop3A_756 = %parallel_loop3A_659 to %parallel_loop3A_660 step %parallel_loop3A_661 iter_args(%parallel_loop3A_757 = %broadcast_in_dim3A_10, %parallel_loop3A_758 = %broadcast_in_dim3A_10, %parallel_loop3A_759 = %broadcast_in_dim3A_10, %parallel_loop3A_760 = %broadcast_in_dim3A_10) -> (vector<16xf32>, vector<16xf32>, vector<16xf32>, vector<16xf32>)  : i32 {
      %parallel_loop3A_761 = arith.constant 0 : i32
      %parallel_loop3A_762 = vector.broadcast %parallel_loop3A_761 : i32 to vector<16xi32>
      %parallel_loop3A_763 = vector.broadcast %parallel_loop3A_756 : i32 to vector<16xi32>
      %parallel_loop3A_764 = arith.addi %parallel_loop3A_762, %parallel_loop3A_763 : vector<16xi32>
      %parallel_loop3A_765 = arith.index_cast %parallel_loop3A_756 : i32 to index
      %parallel_loop3A_766 = arith.constant 112 : index
      %parallel_loop3A_767 = tpu.vector_load %arg7[%parallel_loop3A_765, %parallel_loop3A_766] {strides = array<i32>} : memref<64x128xf32, #tpu.memory_space<vmem>>, vector<16xf32>,
      %parallel_loop3A_768 = tpu.vector_load_idx %arg7[%parallel_loop3A_764, %and3A_649] : memref<64x128xf32, #tpu.memory_space<vmem>>[vector<16xi32>, vector<16xi32>], vector<16xf32>,
      %parallel_loop3A_769 = arith.subf %parallel_loop3A_767, %parallel_loop3A_768 : vector<16xf32>
      %parallel_loop3A_770 = tpu.vector_load_idx %arg7[%parallel_loop3A_764, %and3A_652] : memref<64x128xf32, #tpu.memory_space<vmem>>[vector<16xi32>, vector<16xi32>], vector<16xf32>,
      %parallel_loop3A_771 = arith.subf %parallel_loop3A_767, %parallel_loop3A_770 : vector<16xf32>
      %parallel_loop3A_772 = tpu.vector_load_idx %arg7[%parallel_loop3A_764, %and3A_655] : memref<64x128xf32, #tpu.memory_space<vmem>>[vector<16xi32>, vector<16xi32>], vector<16xf32>,
      %parallel_loop3A_773 = arith.subf %parallel_loop3A_767, %parallel_loop3A_772 : vector<16xf32>
      %parallel_loop3A_774 = tpu.vector_load_idx %arg7[%parallel_loop3A_764, %and3A_658] : memref<64x128xf32, #tpu.memory_space<vmem>>[vector<16xi32>, vector<16xi32>], vector<16xf32>,
      %parallel_loop3A_775 = arith.subf %parallel_loop3A_767, %parallel_loop3A_774 : vector<16xf32>
      %parallel_loop3A_776 = arith.mulf %parallel_loop3A_769, %parallel_loop3A_769 : vector<16xf32>
      %parallel_loop3A_777 = arith.addf %parallel_loop3A_757, %parallel_loop3A_776 : vector<16xf32>
      %parallel_loop3A_778 = arith.mulf %parallel_loop3A_771, %parallel_loop3A_771 : vector<16xf32>
      %parallel_loop3A_779 = arith.addf %parallel_loop3A_758, %parallel_loop3A_778 : vector<16xf32>
      %parallel_loop3A_780 = arith.mulf %parallel_loop3A_773, %parallel_loop3A_773 : vector<16xf32>
      %parallel_loop3A_781 = arith.addf %parallel_loop3A_759, %parallel_loop3A_780 : vector<16xf32>
      %parallel_loop3A_782 = arith.mulf %parallel_loop3A_775, %parallel_loop3A_775 : vector<16xf32>
      %parallel_loop3A_783 = arith.addf %parallel_loop3A_760, %parallel_loop3A_782 : vector<16xf32>
      scf.yield %parallel_loop3A_777, %parallel_loop3A_779, %parallel_loop3A_781, %parallel_loop3A_783 : vector<16xf32>, vector<16xf32>, vector<16xf32>, vector<16xf32>
    } {sc.loop_unroll_factor = 4 : i64, sc.parallel_access}
    %broadcast_in_dim3A_663 = arith.constant 3.000000e+38 : f32
    %broadcast_in_dim3A_664 = vector.broadcast %broadcast_in_dim3A_663 : f32 to vector<16xf32>
    %broadcast_in_dim3A_665 = arith.constant 0 : i32
    %broadcast_in_dim3A_666 = vector.broadcast %broadcast_in_dim3A_665 : i32 to vector<16xi32>
    %lt3A_667 = arith.cmpf olt, %parallel_loop3A_662#0, %broadcast_in_dim3A_664 : vector<16xf32>
    %lt3A_668 = arith.cmpf olt, %parallel_loop3A_662#0, %broadcast_in_dim3A_664 : vector<16xf32>
    %lt3A_669 = arith.cmpf olt, %parallel_loop3A_662#0, %broadcast_in_dim3A_664 : vector<16xf32>
    %select_n3A_670 = arith.select %lt3A_668, %parallel_loop3A_662#0, %broadcast_in_dim3A_664 : vector<16xi1>, vector<16xf32>
    %select_n3A_671 = arith.select %lt3A_667, %broadcast_in_dim3A_664, %select_n3A_670 : vector<16xi1>, vector<16xf32>
    %select_n3A_672 = arith.select %lt3A_668, %and3A_649, %broadcast_in_dim3A_666 : vector<16xi1>, vector<16xi32>
    %select_n3A_673 = arith.select %lt3A_667, %broadcast_in_dim3A_666, %select_n3A_672 : vector<16xi1>, vector<16xi32>
    %select_n3A_674 = arith.select %lt3A_669, %parallel_loop3A_662#0, %broadcast_in_dim3A_664 : vector<16xi1>, vector<16xf32>
    %select_n3A_675 = arith.select %lt3A_668, %broadcast_in_dim3A_664, %select_n3A_674 : vector<16xi1>, vector<16xf32>
    %select_n3A_676 = arith.select %lt3A_669, %and3A_649, %broadcast_in_dim3A_666 : vector<16xi1>, vector<16xi32>
    %select_n3A_677 = arith.select %lt3A_668, %broadcast_in_dim3A_666, %select_n3A_676 : vector<16xi1>, vector<16xi32>
    %select_n3A_678 = arith.select %lt3A_667, %parallel_loop3A_662#0, %broadcast_in_dim3A_664 : vector<16xi1>, vector<16xf32>
    %select_n3A_679 = arith.select %lt3A_667, %and3A_649, %broadcast_in_dim3A_666 : vector<16xi1>, vector<16xi32>
    %lt3A_680 = arith.cmpf olt, %parallel_loop3A_662#1, %select_n3A_678 : vector<16xf32>
    %lt3A_681 = arith.cmpf olt, %parallel_loop3A_662#1, %select_n3A_671 : vector<16xf32>
    %lt3A_682 = arith.cmpf olt, %parallel_loop3A_662#1, %select_n3A_675 : vector<16xf32>
    %select_n3A_683 = arith.select %lt3A_681, %parallel_loop3A_662#1, %select_n3A_671 : vector<16xi1>, vector<16xf32>
    %select_n3A_684 = arith.select %lt3A_680, %select_n3A_678, %select_n3A_683 : vector<16xi1>, vector<16xf32>
    %select_n3A_685 = arith.select %lt3A_681, %and3A_652, %select_n3A_673 : vector<16xi1>, vector<16xi32>
    %select_n3A_686 = arith.select %lt3A_680, %select_n3A_679, %select_n3A_685 : vector<16xi1>, vector<16xi32>
    %select_n3A_687 = arith.select %lt3A_682, %parallel_loop3A_662#1, %select_n3A_675 : vector<16xi1>, vector<16xf32>
    %select_n3A_688 = arith.select %lt3A_681, %select_n3A_671, %select_n3A_687 : vector<16xi1>, vector<16xf32>
    %select_n3A_689 = arith.select %lt3A_682, %and3A_652, %select_n3A_677 : vector<16xi1>, vector<16xi32>
    %select_n3A_690 = arith.select %lt3A_681, %select_n3A_673, %select_n3A_689 : vector<16xi1>, vector<16xi32>
    %select_n3A_691 = arith.select %lt3A_680, %parallel_loop3A_662#1, %select_n3A_678 : vector<16xi1>, vector<16xf32>
    %select_n3A_692 = arith.select %lt3A_680, %and3A_652, %select_n3A_679 : vector<16xi1>, vector<16xi32>
    %lt3A_693 = arith.cmpf olt, %parallel_loop3A_662#2, %select_n3A_691 : vector<16xf32>
    %lt3A_694 = arith.cmpf olt, %parallel_loop3A_662#2, %select_n3A_684 : vector<16xf32>
    %lt3A_695 = arith.cmpf olt, %parallel_loop3A_662#2, %select_n3A_688 : vector<16xf32>
    %select_n3A_696 = arith.select %lt3A_694, %parallel_loop3A_662#2, %select_n3A_684 : vector<16xi1>, vector<16xf32>
    %select_n3A_697 = arith.select %lt3A_693, %select_n3A_691, %select_n3A_696 : vector<16xi1>, vector<16xf32>
    %select_n3A_698 = arith.select %lt3A_694, %and3A_655, %select_n3A_686 : vector<16xi1>, vector<16xi32>
    %select_n3A_699 = arith.select %lt3A_693, %select_n3A_692, %select_n3A_698 : vector<16xi1>, vector<16xi32>
    %select_n3A_700 = arith.select %lt3A_695, %parallel_loop3A_662#2, %select_n3A_688 : vector<16xi1>, vector<16xf32>
    %select_n3A_701 = arith.select %lt3A_694, %select_n3A_684, %select_n3A_700 : vector<16xi1>, vector<16xf32>
    %select_n3A_702 = arith.select %lt3A_695, %and3A_655, %select_n3A_690 : vector<16xi1>, vector<16xi32>
    %select_n3A_703 = arith.select %lt3A_694, %select_n3A_686, %select_n3A_702 : vector<16xi1>, vector<16xi32>
    %select_n3A_704 = arith.select %lt3A_693, %parallel_loop3A_662#2, %select_n3A_691 : vector<16xi1>, vector<16xf32>
    %select_n3A_705 = arith.select %lt3A_693, %and3A_655, %select_n3A_692 : vector<16xi1>, vector<16xi32>
    %lt3A_706 = arith.cmpf olt, %parallel_loop3A_662#3, %select_n3A_704 : vector<16xf32>
    %lt3A_707 = arith.cmpf olt, %parallel_loop3A_662#3, %select_n3A_697 : vector<16xf32>
    %lt3A_708 = arith.cmpf olt, %parallel_loop3A_662#3, %select_n3A_701 : vector<16xf32>
    %select_n3A_709 = arith.select %lt3A_707, %parallel_loop3A_662#3, %select_n3A_697 : vector<16xi1>, vector<16xf32>
    %select_n3A_710 = arith.select %lt3A_706, %select_n3A_704, %select_n3A_709 : vector<16xi1>, vector<16xf32>
    %select_n3A_711 = arith.select %lt3A_707, %and3A_658, %select_n3A_699 : vector<16xi1>, vector<16xi32>
    %select_n3A_712 = arith.select %lt3A_706, %select_n3A_705, %select_n3A_711 : vector<16xi1>, vector<16xi32>
    %select_n3A_713 = arith.select %lt3A_708, %parallel_loop3A_662#3, %select_n3A_701 : vector<16xi1>, vector<16xf32>
    %select_n3A_714 = arith.select %lt3A_707, %select_n3A_697, %select_n3A_713 : vector<16xi1>, vector<16xf32>
    %select_n3A_715 = arith.select %lt3A_708, %and3A_658, %select_n3A_703 : vector<16xi1>, vector<16xi32>
    %select_n3A_716 = arith.select %lt3A_707, %select_n3A_699, %select_n3A_715 : vector<16xi1>, vector<16xi32>
    %select_n3A_717 = arith.select %lt3A_706, %parallel_loop3A_662#3, %select_n3A_704 : vector<16xi1>, vector<16xf32>
    %select_n3A_718 = arith.select %lt3A_706, %and3A_658, %select_n3A_705 : vector<16xi1>, vector<16xi32>
    %mul3A_719 = arith.constant 128 : i32
    %mul3A_720 = arith.muli %add3A, %mul3A_719 : i32
    %add3A_721 = vector.broadcast %mul3A_720 : i32 to vector<16xi32>
    %add3A_722 = arith.addi %select_n3A_718, %add3A_721 : vector<16xi32>
    %swap3A_723 = arith.constant 112 : index
    %swap3A_724 = tpu.vector_load %arg9[%swap3A_723] {strides = array<i32>} : memref<128xi32, #tpu.memory_space<vmem>>, vector<16xi32>,
    tpu.vector_store %arg9[%swap3A_723], %add3A_722 {strides = array<i32>} : memref<128xi32, #tpu.memory_space<vmem>>, vector<16xi32>,
    %add3A_725 = vector.broadcast %mul3A_720 : i32 to vector<16xi32>
    %add3A_726 = arith.addi %select_n3A_712, %add3A_725 : vector<16xi32>
    %swap3A_727 = arith.constant 112 : index
    %swap3A_728 = tpu.vector_load %arg10[%swap3A_727] {strides = array<i32>} : memref<128xi32, #tpu.memory_space<vmem>>, vector<16xi32>,
    tpu.vector_store %arg10[%swap3A_727], %add3A_726 {strides = array<i32>} : memref<128xi32, #tpu.memory_space<vmem>>, vector<16xi32>,
    %add3A_729 = vector.broadcast %mul3A_720 : i32 to vector<16xi32>
    %add3A_730 = arith.addi %select_n3A_716, %add3A_729 : vector<16xi32>
    %swap3A_731 = arith.constant 112 : index
    %swap3A_732 = tpu.vector_load %arg11[%swap3A_731] {strides = array<i32>} : memref<128xi32, #tpu.memory_space<vmem>>, vector<16xi32>,
    tpu.vector_store %arg11[%swap3A_731], %add3A_730 {strides = array<i32>} : memref<128xi32, #tpu.memory_space<vmem>>, vector<16xi32>,
    %dma_start3A_733 = arith.constant 0 : i32
    %dma_start3A_734 = arith.constant 0 : i32
    %dma_start3A_735 = tpu.memref_slice %arg4[%dma_start3A_733, %dma_start3A_734] : memref<4096x128xf32, #tpu.memory_space<hbm>> -> memref<4096x128xf32, #tpu.memory_space<hbm>>
    tpu.enqueue_indirect_dma source(%dma_start3A_735 : memref<4096x128xf32, #tpu.memory_space<hbm>>) target(%arg12 : memref<128x128xf32, #tpu.memory_space<vmem>>) offsets(%arg9 : memref<128xi32, #tpu.memory_space<vmem>>) semaphore(%arg16 : memref<!tpu.dma_semaphore, #tpu.memory_space<semaphore_mem>>)
    %dma_start3A_736 = arith.constant 0 : i32
    %dma_start3A_737 = arith.constant 0 : i32
    %dma_start3A_738 = tpu.memref_slice %arg4[%dma_start3A_736, %dma_start3A_737] : memref<4096x128xf32, #tpu.memory_space<hbm>> -> memref<4096x128xf32, #tpu.memory_space<hbm>>
    tpu.enqueue_indirect_dma source(%dma_start3A_738 : memref<4096x128xf32, #tpu.memory_space<hbm>>) target(%arg13 : memref<128x128xf32, #tpu.memory_space<vmem>>) offsets(%arg10 : memref<128xi32, #tpu.memory_space<vmem>>) semaphore(%arg17 : memref<!tpu.dma_semaphore, #tpu.memory_space<semaphore_mem>>)
    %dma_start3A_739 = arith.constant 0 : i32
    %dma_start3A_740 = arith.constant 0 : i32
    %dma_start3A_741 = tpu.memref_slice %arg4[%dma_start3A_739, %dma_start3A_740] : memref<4096x128xf32, #tpu.memory_space<hbm>> -> memref<4096x128xf32, #tpu.memory_space<hbm>>
    tpu.enqueue_indirect_dma source(%dma_start3A_741 : memref<4096x128xf32, #tpu.memory_space<hbm>>) target(%arg14 : memref<128x128xf32, #tpu.memory_space<vmem>>) offsets(%arg11 : memref<128xi32, #tpu.memory_space<vmem>>) semaphore(%arg18 : memref<!tpu.dma_semaphore, #tpu.memory_space<semaphore_mem>>)
    %dma_wait3A_742 = arith.constant 0 : i32
    %dma_wait3A_743 = arith.constant 0 : i32
    %dma_wait3A_744 = tpu.memref_slice %arg4[%dma_wait3A_742, %dma_wait3A_743] : memref<4096x128xf32, #tpu.memory_space<hbm>> -> memref<4096x128xf32, #tpu.memory_space<hbm>>
    tpu.wait_indirect_dma semaphore(%arg16 : memref<!tpu.dma_semaphore, #tpu.memory_space<semaphore_mem>>) src(%dma_wait3A_744 : memref<4096x128xf32, #tpu.memory_space<hbm>>) dst(%arg12 : memref<128x128xf32, #tpu.memory_space<vmem>>)
    %dma_wait3A_745 = arith.constant 0 : i32
    %dma_wait3A_746 = arith.constant 0 : i32
    %dma_wait3A_747 = tpu.memref_slice %arg4[%dma_wait3A_745, %dma_wait3A_746] : memref<4096x128xf32, #tpu.memory_space<hbm>> -> memref<4096x128xf32, #tpu.memory_space<hbm>>
    tpu.wait_indirect_dma semaphore(%arg17 : memref<!tpu.dma_semaphore, #tpu.memory_space<semaphore_mem>>) src(%dma_wait3A_747 : memref<4096x128xf32, #tpu.memory_space<hbm>>) dst(%arg13 : memref<128x128xf32, #tpu.memory_space<vmem>>)
    %dma_wait3A_748 = arith.constant 0 : i32
    %dma_wait3A_749 = arith.constant 0 : i32
    %dma_wait3A_750 = tpu.memref_slice %arg4[%dma_wait3A_748, %dma_wait3A_749] : memref<4096x128xf32, #tpu.memory_space<hbm>> -> memref<4096x128xf32, #tpu.memory_space<hbm>>
    tpu.wait_indirect_dma semaphore(%arg18 : memref<!tpu.dma_semaphore, #tpu.memory_space<semaphore_mem>>) src(%dma_wait3A_750 : memref<4096x128xf32, #tpu.memory_space<hbm>>) dst(%arg14 : memref<128x128xf32, #tpu.memory_space<vmem>>)
    %parallel_loop3A_751 = arith.constant 0 : i32
    %parallel_loop3A_752 = arith.constant 512 : i32
    %parallel_loop3A_753 = arith.constant 1 : i32
    scf.for %parallel_loop3A_756 = %parallel_loop3A_751 to %parallel_loop3A_752 step %parallel_loop3A_753  : i32 {
      %parallel_loop3A_757 = arith.constant 4 : i32
      %parallel_loop3A_758 = arith.divsi %parallel_loop3A_756, %parallel_loop3A_757 : i32
      %parallel_loop3A_759 = arith.constant 0 : i32
      %parallel_loop3A_760 = arith.cmpi sgt, %parallel_loop3A_756, %parallel_loop3A_759 : i32
      %parallel_loop3A_761 = arith.extui %parallel_loop3A_760 : i1 to i32
      %parallel_loop3A_762 = arith.constant 0 : i32
      %parallel_loop3A_763 = arith.cmpi slt, %parallel_loop3A_756, %parallel_loop3A_762 : i32
      %parallel_loop3A_764 = arith.extui %parallel_loop3A_763 : i1 to i32
      %parallel_loop3A_765 = arith.subi %parallel_loop3A_761, %parallel_loop3A_764 : i32
      %parallel_loop3A_766 = arith.constant 0 : i32
      %parallel_loop3A_767 = arith.cmpi sgt, %parallel_loop3A_757, %parallel_loop3A_766 : i32
      %parallel_loop3A_768 = arith.extui %parallel_loop3A_767 : i1 to i32
      %parallel_loop3A_769 = arith.constant 0 : i32
      %parallel_loop3A_770 = arith.cmpi slt, %parallel_loop3A_757, %parallel_loop3A_769 : i32
      %parallel_loop3A_771 = arith.extui %parallel_loop3A_770 : i1 to i32
      %parallel_loop3A_772 = arith.subi %parallel_loop3A_768, %parallel_loop3A_771 : i32
      %parallel_loop3A_773 = arith.cmpi ne, %parallel_loop3A_765, %parallel_loop3A_772 : i32
      %parallel_loop3A_774 = arith.remsi %parallel_loop3A_756, %parallel_loop3A_757 : i32
      %parallel_loop3A_775 = arith.constant 0 : i32
      %parallel_loop3A_776 = arith.cmpi ne, %parallel_loop3A_774, %parallel_loop3A_775 : i32
      %parallel_loop3A_777 = arith.andi %parallel_loop3A_773, %parallel_loop3A_776 : i1
      %parallel_loop3A_778 = arith.constant 1 : i32
      %parallel_loop3A_779 = arith.subi %parallel_loop3A_758, %parallel_loop3A_778 : i32
      %parallel_loop3A_780 = arith.select %parallel_loop3A_777, %parallel_loop3A_779, %parallel_loop3A_758 : i32
      %parallel_loop3A_781 = arith.constant 4 : i32
      %parallel_loop3A_782 = arith.constant 0 : i32
      %parallel_loop3A_783 = arith.cmpi eq, %parallel_loop3A_781, %parallel_loop3A_782 : i32
      %parallel_loop3A_784 = arith.constant 1 : i32
      %parallel_loop3A_785 = arith.select %parallel_loop3A_783, %parallel_loop3A_784, %parallel_loop3A_781 : i32
      %parallel_loop3A_786 = arith.remsi %parallel_loop3A_756, %parallel_loop3A_785 : i32
      %parallel_loop3A_787 = arith.constant 0 : i32
      %parallel_loop3A_788 = arith.cmpi ne, %parallel_loop3A_786, %parallel_loop3A_787 : i32
      %parallel_loop3A_789 = arith.constant 0 : i32
      %parallel_loop3A_790 = arith.cmpi slt, %parallel_loop3A_786, %parallel_loop3A_789 : i32
      %parallel_loop3A_791 = arith.constant 0 : i32
      %parallel_loop3A_792 = arith.cmpi slt, %parallel_loop3A_785, %parallel_loop3A_791 : i32
      %parallel_loop3A_793 = arith.xori %parallel_loop3A_790, %parallel_loop3A_792 : i1
      %parallel_loop3A_794 = arith.andi %parallel_loop3A_793, %parallel_loop3A_788 : i1
      %parallel_loop3A_795 = arith.addi %parallel_loop3A_786, %parallel_loop3A_785 : i32
      %parallel_loop3A_796 = arith.select %parallel_loop3A_794, %parallel_loop3A_795, %parallel_loop3A_786 : i32
      %parallel_loop3A_797 = arith.constant 16 : i32
      %parallel_loop3A_798 = arith.muli %parallel_loop3A_796, %parallel_loop3A_797 : i32
      %parallel_loop3A_799 = arith.index_cast %parallel_loop3A_780 : i32 to index
      %parallel_loop3A_800 = arith.index_cast %parallel_loop3A_798 : i32 to index
      %parallel_loop3A_801 = tpu.vector_load %arg12[%parallel_loop3A_799, %parallel_loop3A_800] {strides = array<i32>} : memref<128x128xf32, #tpu.memory_space<vmem>>, vector<16xf32>,
      %parallel_loop3A_802 = arith.index_cast %parallel_loop3A_780 : i32 to index
      %parallel_loop3A_803 = arith.index_cast %parallel_loop3A_798 : i32 to index
      %parallel_loop3A_804 = tpu.vector_load %arg13[%parallel_loop3A_802, %parallel_loop3A_803] {strides = array<i32>} : memref<128x128xf32, #tpu.memory_space<vmem>>, vector<16xf32>,
      %parallel_loop3A_805 = arith.addf %parallel_loop3A_801, %parallel_loop3A_804 : vector<16xf32>
      %parallel_loop3A_806 = arith.index_cast %parallel_loop3A_780 : i32 to index
      %parallel_loop3A_807 = arith.index_cast %parallel_loop3A_798 : i32 to index
      %parallel_loop3A_808 = tpu.vector_load %arg14[%parallel_loop3A_806, %parallel_loop3A_807] {strides = array<i32>} : memref<128x128xf32, #tpu.memory_space<vmem>>, vector<16xf32>,
      %parallel_loop3A_809 = arith.addf %parallel_loop3A_805, %parallel_loop3A_808 : vector<16xf32>
      %parallel_loop3A_810 = arith.constant 0.333333343 : f32
      %parallel_loop3A_811 = vector.broadcast %parallel_loop3A_810 : f32 to vector<16xf32>
      %parallel_loop3A_812 = arith.mulf %parallel_loop3A_809, %parallel_loop3A_811 : vector<16xf32>
      %parallel_loop3A_813 = arith.index_cast %parallel_loop3A_780 : i32 to index
      %parallel_loop3A_814 = arith.index_cast %parallel_loop3A_798 : i32 to index
      %parallel_loop3A_815 = tpu.vector_load %arg8[%parallel_loop3A_813, %parallel_loop3A_814] {strides = array<i32>} : memref<128x64xf32, #tpu.memory_space<vmem>>, vector<16xf32>,
      tpu.vector_store %arg8[%parallel_loop3A_813, %parallel_loop3A_814], %parallel_loop3A_812 {strides = array<i32>} : memref<128x64xf32, #tpu.memory_space<vmem>>, vector<16xf32>,
    } {sc.loop_unroll_factor = 8 : i64, sc.parallel_access}
    %mul3A_754 = arith.constant 128 : i32
    %mul3A_755 = arith.muli %add3A, %mul3A_754 : i32
    "tpu.region"() ({
      %run_scoped3A = tpu.sem_alloc : memref<!tpu.dma_semaphore, #tpu.memory_space<semaphore_mem>>
      %dma_start3A_756 = arith.constant 0 : i32
      %dma_start3A_757 = tpu.memref_slice %arg5[%mul3A_755, %dma_start3A_756] : memref<4096x64xf32, #tpu.memory_space<hbm>> -> memref<128x64xf32, #tpu.memory_space<hbm>>
      %dma_start3A_758 = arith.constant 0 : i32
      %dma_start3A_759 = tpu.memref_slice %arg5[%mul3A_755, %dma_start3A_758] : memref<4096x64xf32, #tpu.memory_space<hbm>> -> memref<128x64xf32, #tpu.memory_space<hbm>>
      tpu.enqueue_dma source(%arg8 : memref<128x64xf32, #tpu.memory_space<vmem>>) target(%dma_start3A_759 : memref<128x64xf32, #tpu.memory_space<hbm>>) target_semaphore(%run_scoped3A : memref<!tpu.dma_semaphore, #tpu.memory_space<semaphore_mem>>)
      %dma_wait3A_760 = arith.constant 0 : i32
      %dma_wait3A_761 = tpu.memref_slice %arg5[%mul3A_755, %dma_wait3A_760] : memref<4096x64xf32, #tpu.memory_space<hbm>> -> memref<128x64xf32, #tpu.memory_space<hbm>>
      %dma_wait3A_762 = arith.constant 0 : i32
      %dma_wait3A_763 = tpu.memref_slice %arg5[%mul3A_755, %dma_wait3A_762] : memref<4096x64xf32, #tpu.memory_space<hbm>> -> memref<128x64xf32, #tpu.memory_space<hbm>>
      tpu.wait_dma2 semaphore(%run_scoped3A : memref<!tpu.dma_semaphore, #tpu.memory_space<semaphore_mem>>) src(%arg8 : memref<128x64xf32, #tpu.memory_space<vmem>>) dst(%dma_wait3A_763 : memref<128x64xf32, #tpu.memory_space<hbm>>)
      tpu.yield
    }) : () -> ()
    return
  }
}

module attributes {stable_mosaic.version = 14 : i64} {
  func.func @_stage_a_body(%arg0: memref<32x128x4xf32, #tpu.memory_space<vmem>>, %arg1: memref<64x4xf32, #tpu.memory_space<vmem>>, %arg2: memref<1x64xf32, #tpu.memory_space<vmem>>, %arg3: memref<64x64xf32, #tpu.memory_space<vmem>>, %arg4: memref<1x64xf32, #tpu.memory_space<vmem>>, %arg5: memref<64x64xf32, #tpu.memory_space<vmem>>, %arg6: memref<1x64xf32, #tpu.memory_space<vmem>>, %arg7: memref<4096x64xf32, #tpu.memory_space<vmem>>, %arg8: memref<4096x128xf32, #tpu.memory_space<vmem>>, %arg9: memref<32x64x128xf32, #tpu.memory_space<vmem>>, %arg10: memref<32x128x128xi32, #tpu.memory_space<vmem>>) attributes {dimension_semantics = [], scalar_prefetch = 0 : i64, scratch_operands = 0 : i64, tpu.core_type = #tpu.core_type<tc>} {
    %get3A = arith.constant 0 : index
    %get3A_0 = arith.constant 0 : index
    %get3A_1 = arith.constant 0 : index
    %get3A_2 = vector.load %arg0[%get3A, %get3A_0, %get3A_1] : memref<32x128x4xf32, #tpu.memory_space<vmem>>, vector<32x128x4xf32>
    %reshape3A = vector.shape_cast %get3A_2 : vector<32x128x4xf32> to vector<4096x4xf32>
    %get3A_3 = arith.constant 0 : index
    %get3A_4 = arith.constant 0 : index
    %get3A_5 = vector.load %arg1[%get3A_3, %get3A_4] : memref<64x4xf32, #tpu.memory_space<vmem>>, vector<64x4xf32>
    %convert_element_type3A = arith.truncf %reshape3A : vector<4096x4xf32> to vector<4096x4xbf16>
    %convert_element_type3A_6 = arith.truncf %get3A_5 : vector<64x4xf32> to vector<64x4xbf16>
    %dot_general3A = arith.constant dense<0.000000e+00> : vector<4096x64xf32>
    %dot_general3A_7 = tpu.matmul %convert_element_type3A, %convert_element_type3A_6, %dot_general3A {dimension_numbers = #tpu.dot_dimension_numbers<[1], [1], [0], [0], [0, 0, 1, 0], [], []>, transpose_lhs_hint = false} : vector<4096x4xbf16>, vector<64x4xbf16>, vector<4096x64xf32> -> vector<4096x64xf32>
    %get3A_8 = arith.constant 0 : index
    %get3A_9 = arith.constant 0 : index
    %get3A_10 = vector.load %arg2[%get3A_8, %get3A_9] : memref<1x64xf32, #tpu.memory_space<vmem>>, vector<1x64xf32>
    %add3A = vector.broadcast %get3A_10 : vector<1x64xf32> to vector<4096x64xf32>
    %add3A_11 = arith.addf %dot_general3A_7, %add3A : vector<4096x64xf32>
    %max3A = arith.constant 0.000000e+00 : f32
    %max3A_12 = vector.broadcast %max3A : f32 to vector<4096x64xf32>
    %max3A_13 = arith.maximumf %add3A_11, %max3A_12 : vector<4096x64xf32>
    %get3A_14 = arith.constant 0 : index
    %get3A_15 = arith.constant 0 : index
    %get3A_16 = vector.load %arg3[%get3A_14, %get3A_15] : memref<64x64xf32, #tpu.memory_space<vmem>>, vector<64x64xf32>
    %convert_element_type3A_17 = arith.truncf %max3A_13 : vector<4096x64xf32> to vector<4096x64xbf16>
    %convert_element_type3A_18 = arith.truncf %get3A_16 : vector<64x64xf32> to vector<64x64xbf16>
    %dot_general3A_19 = arith.constant dense<0.000000e+00> : vector<4096x64xf32>
    %dot_general3A_20 = tpu.matmul %convert_element_type3A_17, %convert_element_type3A_18, %dot_general3A_19 {dimension_numbers = #tpu.dot_dimension_numbers<[1], [1], [0], [0], [0, 0, 1, 0], [], []>, transpose_lhs_hint = false} : vector<4096x64xbf16>, vector<64x64xbf16>, vector<4096x64xf32> -> vector<4096x64xf32>
    %get3A_21 = arith.constant 0 : index
    %get3A_22 = arith.constant 0 : index
    %get3A_23 = vector.load %arg4[%get3A_21, %get3A_22] : memref<1x64xf32, #tpu.memory_space<vmem>>, vector<1x64xf32>
    %add3A_24 = vector.broadcast %get3A_23 : vector<1x64xf32> to vector<4096x64xf32>
    %add3A_25 = arith.addf %dot_general3A_20, %add3A_24 : vector<4096x64xf32>
    %max3A_26 = arith.constant 0.000000e+00 : f32
    %max3A_27 = vector.broadcast %max3A_26 : f32 to vector<4096x64xf32>
    %max3A_28 = arith.maximumf %add3A_25, %max3A_27 : vector<4096x64xf32>
    %get3A_29 = arith.constant 0 : index
    %get3A_30 = arith.constant 0 : index
    %get3A_31 = vector.load %arg5[%get3A_29, %get3A_30] : memref<64x64xf32, #tpu.memory_space<vmem>>, vector<64x64xf32>
    %convert_element_type3A_32 = arith.truncf %max3A_28 : vector<4096x64xf32> to vector<4096x64xbf16>
    %convert_element_type3A_33 = arith.truncf %get3A_31 : vector<64x64xf32> to vector<64x64xbf16>
    %dot_general3A_34 = arith.constant dense<0.000000e+00> : vector<4096x64xf32>
    %dot_general3A_35 = tpu.matmul %convert_element_type3A_32, %convert_element_type3A_33, %dot_general3A_34 {dimension_numbers = #tpu.dot_dimension_numbers<[1], [1], [0], [0], [0, 0, 1, 0], [], []>, transpose_lhs_hint = false} : vector<4096x64xbf16>, vector<64x64xbf16>, vector<4096x64xf32> -> vector<4096x64xf32>
    %get3A_36 = arith.constant 0 : index
    %get3A_37 = arith.constant 0 : index
    %get3A_38 = vector.load %arg6[%get3A_36, %get3A_37] : memref<1x64xf32, #tpu.memory_space<vmem>>, vector<1x64xf32>
    %add3A_39 = vector.broadcast %get3A_38 : vector<1x64xf32> to vector<4096x64xf32>
    %add3A_40 = arith.addf %dot_general3A_35, %add3A_39 : vector<4096x64xf32>
    %max3A_41 = arith.constant 0.000000e+00 : f32
    %max3A_42 = vector.broadcast %max3A_41 : f32 to vector<4096x64xf32>
    %max3A_43 = arith.maximumf %add3A_40, %max3A_42 : vector<4096x64xf32>
    %swap3A = arith.constant 0 : index
    %swap3A_44 = arith.constant 0 : index
    %swap3A_45 = vector.load %arg7[%swap3A, %swap3A_44] : memref<4096x64xf32, #tpu.memory_space<vmem>>, vector<4096x64xf32>
    tpu.vector_store %arg7[%swap3A, %swap3A_44], %max3A_28 {strides = array<i32>} : memref<4096x64xf32, #tpu.memory_space<vmem>>, vector<4096x64xf32>,
    %concatenate3A = tpu.concatenate %max3A_43, %max3A_43 in 1 : vector<4096x64xf32>, vector<4096x64xf32> -> vector<4096x128xf32>
    %swap3A_46 = arith.constant 0 : index
    %swap3A_47 = arith.constant 0 : index
    %swap3A_48 = vector.load %arg8[%swap3A_46, %swap3A_47] : memref<4096x128xf32, #tpu.memory_space<vmem>>, vector<4096x128xf32>
    tpu.vector_store %arg8[%swap3A_46, %swap3A_47], %concatenate3A {strides = array<i32>} : memref<4096x128xf32, #tpu.memory_space<vmem>>, vector<4096x128xf32>,
    %iota3A = tpu.iota {dimensions = array<i32: 0>} : vector<128x128xi32>
    %iota3A_49 = tpu.iota {dimensions = array<i32: 1>} : vector<128x128xi32>
    %eq3A = arith.cmpi eq, %iota3A, %iota3A_49 : vector<128x128xi32>
    %broadcast_in_dim3A = arith.constant 1.000000e+00 : f32
    %broadcast_in_dim3A_50 = vector.broadcast %broadcast_in_dim3A : f32 to vector<1x64xf32>
    %slice3A = vector.extract_strided_slice %max3A_28 {offsets = [0, 0], sizes = [128, 64], strides = [1, 1]} : vector<4096x64xf32> to vector<128x64xf32>
    %transpose3A = tpu.transpose %slice3A, [1, 0] : vector<128x64xf32> -> vector<64x128xf32>
    %swap3A_51 = arith.constant 0 : index
    %swap3A_52 = arith.constant 0 : index
    %swap3A_53 = arith.constant 0 : index
    %swap3A_54 = vector.load %arg9[%swap3A_51, %swap3A_52, %swap3A_53] : memref<32x64x128xf32, #tpu.memory_space<vmem>>, vector<1x64x128xf32>
    %swap3A_55 = vector.shape_cast %swap3A_54 : vector<1x64x128xf32> to vector<64x128xf32>
    %swap3A_56 = vector.shape_cast %transpose3A : vector<64x128xf32> to vector<1x64x128xf32>
    tpu.vector_store %arg9[%swap3A_51, %swap3A_52, %swap3A_53], %swap3A_56 {strides = array<i32>} : memref<32x64x128xf32, #tpu.memory_space<vmem>>, vector<1x64x128xf32>,
    %mul3A = arith.mulf %slice3A, %slice3A : vector<128x64xf32>
    %reduce_sum3A = arith.constant dense<0.000000e+00> : vector<128xf32>
    %reduce_sum3A_57 = vector.multi_reduction <add>, %mul3A, %reduce_sum3A [1] : vector<128x64xf32> to vector<128xf32>
    %broadcast_in_dim3A_58 = vector.shape_cast %reduce_sum3A_57 : vector<128xf32> to vector<128x1xf32>
    %dot_general3A_59 = arith.constant dense<0.000000e+00> : vector<1x128xf32>
    %dot_general3A_60 = tpu.matmul %broadcast_in_dim3A_50, %mul3A, %dot_general3A_59 {dimension_numbers = #tpu.dot_dimension_numbers<[1], [1], [0], [0], [0, 0, 1, 0], [], []>, precision = #tpu.contract_precision<fp32>, transpose_lhs_hint = false} : vector<1x64xf32>, vector<128x64xf32>, vector<1x128xf32> -> vector<1x128xf32>
    %dot_general3A_61 = arith.constant dense<0.000000e+00> : vector<128x128xf32>
    %dot_general3A_62 = tpu.matmul %slice3A, %slice3A, %dot_general3A_61 {dimension_numbers = #tpu.dot_dimension_numbers<[1], [1], [0], [0], [0, 0, 1, 0], [], []>, precision = #tpu.contract_precision<fp32>, transpose_lhs_hint = false} : vector<128x64xf32>, vector<128x64xf32>, vector<128x128xf32> -> vector<128x128xf32>
    %add3A_63 = vector.broadcast %broadcast_in_dim3A_58 : vector<128x1xf32> to vector<128x128xf32>
    %add3A_64 = vector.broadcast %dot_general3A_60 : vector<1x128xf32> to vector<128x128xf32>
    %add3A_65 = arith.addf %add3A_63, %add3A_64 : vector<128x128xf32>
    %mul3A_66 = arith.constant 2.000000e+00 : f32
    %mul3A_67 = vector.broadcast %mul3A_66 : f32 to vector<128x128xf32>
    %mul3A_68 = arith.mulf %mul3A_67, %dot_general3A_62 : vector<128x128xf32>
    %sub3A = arith.subf %add3A_65, %mul3A_68 : vector<128x128xf32>
    %max3A_69 = arith.constant 0.000000e+00 : f32
    %max3A_70 = vector.broadcast %max3A_69 : f32 to vector<128x128xf32>
    %max3A_71 = arith.maximumf %sub3A, %max3A_70 : vector<128x128xf32>
    %jit3A = arith.constant 3.000000e+38 : f32
    %broadcast_in_dim3A_72 = vector.broadcast %jit3A : f32 to vector<128x128xf32>
    %select_n3A = arith.select %eq3A, %broadcast_in_dim3A_72, %max3A_71 : vector<128x128xi1>, vector<128x128xf32>
    %bitcast_convert_type3A = tpu.bitcast %select_n3A : vector<128x128xf32> -> vector<128x128xi32>
    %not3A = arith.constant 127 : i32
    %not3A_73 = arith.constant -1 : i32
    %not3A_74 = arith.xori %not3A, %not3A_73 : i32
    %and3A = vector.broadcast %not3A_74 : i32 to vector<128x128xi32>
    %and3A_75 = arith.andi %bitcast_convert_type3A, %and3A : vector<128x128xi32>
    %or3A = arith.ori %and3A_75, %iota3A : vector<128x128xi32>
    %swap3A_76 = arith.constant 0 : index
    %swap3A_77 = arith.constant 0 : index
    %swap3A_78 = arith.constant 0 : index
    %swap3A_79 = vector.load %arg10[%swap3A_76, %swap3A_77, %swap3A_78] : memref<32x128x128xi32, #tpu.memory_space<vmem>>, vector<1x128x128xi32>
    %swap3A_80 = vector.shape_cast %swap3A_79 : vector<1x128x128xi32> to vector<128x128xi32>
    %swap3A_81 = vector.shape_cast %or3A : vector<128x128xi32> to vector<1x128x128xi32>
    tpu.vector_store %arg10[%swap3A_76, %swap3A_77, %swap3A_78], %swap3A_81 {strides = array<i32>} : memref<32x128x128xi32, #tpu.memory_space<vmem>>, vector<1x128x128xi32>,
    %slice3A_82 = vector.extract_strided_slice %max3A_28 {offsets = [128, 0], sizes = [128, 64], strides = [1, 1]} : vector<4096x64xf32> to vector<128x64xf32>
    %transpose3A_83 = tpu.transpose %slice3A_82, [1, 0] : vector<128x64xf32> -> vector<64x128xf32>
    %swap3A_84 = arith.constant 1 : index
    %swap3A_85 = arith.constant 0 : index
    %swap3A_86 = arith.constant 0 : index
    %swap3A_87 = vector.load %arg9[%swap3A_84, %swap3A_85, %swap3A_86] : memref<32x64x128xf32, #tpu.memory_space<vmem>>, vector<1x64x128xf32>
    %swap3A_88 = vector.shape_cast %swap3A_87 : vector<1x64x128xf32> to vector<64x128xf32>
    %swap3A_89 = vector.shape_cast %transpose3A_83 : vector<64x128xf32> to vector<1x64x128xf32>
    tpu.vector_store %arg9[%swap3A_84, %swap3A_85, %swap3A_86], %swap3A_89 {strides = array<i32>} : memref<32x64x128xf32, #tpu.memory_space<vmem>>, vector<1x64x128xf32>,
    %mul3A_90 = arith.mulf %slice3A_82, %slice3A_82 : vector<128x64xf32>
    %reduce_sum3A_91 = arith.constant dense<0.000000e+00> : vector<128xf32>
    %reduce_sum3A_92 = vector.multi_reduction <add>, %mul3A_90, %reduce_sum3A_91 [1] : vector<128x64xf32> to vector<128xf32>
    %broadcast_in_dim3A_93 = vector.shape_cast %reduce_sum3A_92 : vector<128xf32> to vector<128x1xf32>
    %dot_general3A_94 = arith.constant dense<0.000000e+00> : vector<1x128xf32>
    %dot_general3A_95 = tpu.matmul %broadcast_in_dim3A_50, %mul3A_90, %dot_general3A_94 {dimension_numbers = #tpu.dot_dimension_numbers<[1], [1], [0], [0], [0, 0, 1, 0], [], []>, precision = #tpu.contract_precision<fp32>, transpose_lhs_hint = false} : vector<1x64xf32>, vector<128x64xf32>, vector<1x128xf32> -> vector<1x128xf32>
    %dot_general3A_96 = arith.constant dense<0.000000e+00> : vector<128x128xf32>
    %dot_general3A_97 = tpu.matmul %slice3A_82, %slice3A_82, %dot_general3A_96 {dimension_numbers = #tpu.dot_dimension_numbers<[1], [1], [0], [0], [0, 0, 1, 0], [], []>, precision = #tpu.contract_precision<fp32>, transpose_lhs_hint = false} : vector<128x64xf32>, vector<128x64xf32>, vector<128x128xf32> -> vector<128x128xf32>
    %add3A_98 = vector.broadcast %broadcast_in_dim3A_93 : vector<128x1xf32> to vector<128x128xf32>
    %add3A_99 = vector.broadcast %dot_general3A_95 : vector<1x128xf32> to vector<128x128xf32>
    %add3A_100 = arith.addf %add3A_98, %add3A_99 : vector<128x128xf32>
    %mul3A_101 = arith.constant 2.000000e+00 : f32
    %mul3A_102 = vector.broadcast %mul3A_101 : f32 to vector<128x128xf32>
    %mul3A_103 = arith.mulf %mul3A_102, %dot_general3A_97 : vector<128x128xf32>
    %sub3A_104 = arith.subf %add3A_100, %mul3A_103 : vector<128x128xf32>
    %max3A_105 = arith.constant 0.000000e+00 : f32
    %max3A_106 = vector.broadcast %max3A_105 : f32 to vector<128x128xf32>
    %max3A_107 = arith.maximumf %sub3A_104, %max3A_106 : vector<128x128xf32>
    %jit3A_108 = arith.constant 3.000000e+38 : f32
    %broadcast_in_dim3A_109 = vector.broadcast %jit3A_108 : f32 to vector<128x128xf32>
    %select_n3A_110 = arith.select %eq3A, %broadcast_in_dim3A_109, %max3A_107 : vector<128x128xi1>, vector<128x128xf32>
    %bitcast_convert_type3A_111 = tpu.bitcast %select_n3A_110 : vector<128x128xf32> -> vector<128x128xi32>
    %not3A_112 = arith.constant 127 : i32
    %not3A_113 = arith.constant -1 : i32
    %not3A_114 = arith.xori %not3A_112, %not3A_113 : i32
    %and3A_115 = vector.broadcast %not3A_114 : i32 to vector<128x128xi32>
    %and3A_116 = arith.andi %bitcast_convert_type3A_111, %and3A_115 : vector<128x128xi32>
    %or3A_117 = arith.ori %and3A_116, %iota3A : vector<128x128xi32>
    %swap3A_118 = arith.constant 1 : index
    %swap3A_119 = arith.constant 0 : index
    %swap3A_120 = arith.constant 0 : index
    %swap3A_121 = vector.load %arg10[%swap3A_118, %swap3A_119, %swap3A_120] : memref<32x128x128xi32, #tpu.memory_space<vmem>>, vector<1x128x128xi32>
    %swap3A_122 = vector.shape_cast %swap3A_121 : vector<1x128x128xi32> to vector<128x128xi32>
    %swap3A_123 = vector.shape_cast %or3A_117 : vector<128x128xi32> to vector<1x128x128xi32>
    tpu.vector_store %arg10[%swap3A_118, %swap3A_119, %swap3A_120], %swap3A_123 {strides = array<i32>} : memref<32x128x128xi32, #tpu.memory_space<vmem>>, vector<1x128x128xi32>,
    %slice3A_124 = vector.extract_strided_slice %max3A_28 {offsets = [256, 0], sizes = [128, 64], strides = [1, 1]} : vector<4096x64xf32> to vector<128x64xf32>
    %transpose3A_125 = tpu.transpose %slice3A_124, [1, 0] : vector<128x64xf32> -> vector<64x128xf32>
    %swap3A_126 = arith.constant 2 : index
    %swap3A_127 = arith.constant 0 : index
    %swap3A_128 = arith.constant 0 : index
    %swap3A_129 = vector.load %arg9[%swap3A_126, %swap3A_127, %swap3A_128] : memref<32x64x128xf32, #tpu.memory_space<vmem>>, vector<1x64x128xf32>
    %swap3A_130 = vector.shape_cast %swap3A_129 : vector<1x64x128xf32> to vector<64x128xf32>
    %swap3A_131 = vector.shape_cast %transpose3A_125 : vector<64x128xf32> to vector<1x64x128xf32>
    tpu.vector_store %arg9[%swap3A_126, %swap3A_127, %swap3A_128], %swap3A_131 {strides = array<i32>} : memref<32x64x128xf32, #tpu.memory_space<vmem>>, vector<1x64x128xf32>,
    %mul3A_132 = arith.mulf %slice3A_124, %slice3A_124 : vector<128x64xf32>
    %reduce_sum3A_133 = arith.constant dense<0.000000e+00> : vector<128xf32>
    %reduce_sum3A_134 = vector.multi_reduction <add>, %mul3A_132, %reduce_sum3A_133 [1] : vector<128x64xf32> to vector<128xf32>
    %broadcast_in_dim3A_135 = vector.shape_cast %reduce_sum3A_134 : vector<128xf32> to vector<128x1xf32>
    %dot_general3A_136 = arith.constant dense<0.000000e+00> : vector<1x128xf32>
    %dot_general3A_137 = tpu.matmul %broadcast_in_dim3A_50, %mul3A_132, %dot_general3A_136 {dimension_numbers = #tpu.dot_dimension_numbers<[1], [1], [0], [0], [0, 0, 1, 0], [], []>, precision = #tpu.contract_precision<fp32>, transpose_lhs_hint = false} : vector<1x64xf32>, vector<128x64xf32>, vector<1x128xf32> -> vector<1x128xf32>
    %dot_general3A_138 = arith.constant dense<0.000000e+00> : vector<128x128xf32>
    %dot_general3A_139 = tpu.matmul %slice3A_124, %slice3A_124, %dot_general3A_138 {dimension_numbers = #tpu.dot_dimension_numbers<[1], [1], [0], [0], [0, 0, 1, 0], [], []>, precision = #tpu.contract_precision<fp32>, transpose_lhs_hint = false} : vector<128x64xf32>, vector<128x64xf32>, vector<128x128xf32> -> vector<128x128xf32>
    %add3A_140 = vector.broadcast %broadcast_in_dim3A_135 : vector<128x1xf32> to vector<128x128xf32>
    %add3A_141 = vector.broadcast %dot_general3A_137 : vector<1x128xf32> to vector<128x128xf32>
    %add3A_142 = arith.addf %add3A_140, %add3A_141 : vector<128x128xf32>
    %mul3A_143 = arith.constant 2.000000e+00 : f32
    %mul3A_144 = vector.broadcast %mul3A_143 : f32 to vector<128x128xf32>
    %mul3A_145 = arith.mulf %mul3A_144, %dot_general3A_139 : vector<128x128xf32>
    %sub3A_146 = arith.subf %add3A_142, %mul3A_145 : vector<128x128xf32>
    %max3A_147 = arith.constant 0.000000e+00 : f32
    %max3A_148 = vector.broadcast %max3A_147 : f32 to vector<128x128xf32>
    %max3A_149 = arith.maximumf %sub3A_146, %max3A_148 : vector<128x128xf32>
    %jit3A_150 = arith.constant 3.000000e+38 : f32
    %broadcast_in_dim3A_151 = vector.broadcast %jit3A_150 : f32 to vector<128x128xf32>
    %select_n3A_152 = arith.select %eq3A, %broadcast_in_dim3A_151, %max3A_149 : vector<128x128xi1>, vector<128x128xf32>
    %bitcast_convert_type3A_153 = tpu.bitcast %select_n3A_152 : vector<128x128xf32> -> vector<128x128xi32>
    %not3A_154 = arith.constant 127 : i32
    %not3A_155 = arith.constant -1 : i32
    %not3A_156 = arith.xori %not3A_154, %not3A_155 : i32
    %and3A_157 = vector.broadcast %not3A_156 : i32 to vector<128x128xi32>
    %and3A_158 = arith.andi %bitcast_convert_type3A_153, %and3A_157 : vector<128x128xi32>
    %or3A_159 = arith.ori %and3A_158, %iota3A : vector<128x128xi32>
    %swap3A_160 = arith.constant 2 : index
    %swap3A_161 = arith.constant 0 : index
    %swap3A_162 = arith.constant 0 : index
    %swap3A_163 = vector.load %arg10[%swap3A_160, %swap3A_161, %swap3A_162] : memref<32x128x128xi32, #tpu.memory_space<vmem>>, vector<1x128x128xi32>
    %swap3A_164 = vector.shape_cast %swap3A_163 : vector<1x128x128xi32> to vector<128x128xi32>
    %swap3A_165 = vector.shape_cast %or3A_159 : vector<128x128xi32> to vector<1x128x128xi32>
    tpu.vector_store %arg10[%swap3A_160, %swap3A_161, %swap3A_162], %swap3A_165 {strides = array<i32>} : memref<32x128x128xi32, #tpu.memory_space<vmem>>, vector<1x128x128xi32>,
    %slice3A_166 = vector.extract_strided_slice %max3A_28 {offsets = [384, 0], sizes = [128, 64], strides = [1, 1]} : vector<4096x64xf32> to vector<128x64xf32>
    %transpose3A_167 = tpu.transpose %slice3A_166, [1, 0] : vector<128x64xf32> -> vector<64x128xf32>
    %swap3A_168 = arith.constant 3 : index
    %swap3A_169 = arith.constant 0 : index
    %swap3A_170 = arith.constant 0 : index
    %swap3A_171 = vector.load %arg9[%swap3A_168, %swap3A_169, %swap3A_170] : memref<32x64x128xf32, #tpu.memory_space<vmem>>, vector<1x64x128xf32>
    %swap3A_172 = vector.shape_cast %swap3A_171 : vector<1x64x128xf32> to vector<64x128xf32>
    %swap3A_173 = vector.shape_cast %transpose3A_167 : vector<64x128xf32> to vector<1x64x128xf32>
    tpu.vector_store %arg9[%swap3A_168, %swap3A_169, %swap3A_170], %swap3A_173 {strides = array<i32>} : memref<32x64x128xf32, #tpu.memory_space<vmem>>, vector<1x64x128xf32>,
    %mul3A_174 = arith.mulf %slice3A_166, %slice3A_166 : vector<128x64xf32>
    %reduce_sum3A_175 = arith.constant dense<0.000000e+00> : vector<128xf32>
    %reduce_sum3A_176 = vector.multi_reduction <add>, %mul3A_174, %reduce_sum3A_175 [1] : vector<128x64xf32> to vector<128xf32>
    %broadcast_in_dim3A_177 = vector.shape_cast %reduce_sum3A_176 : vector<128xf32> to vector<128x1xf32>
    %dot_general3A_178 = arith.constant dense<0.000000e+00> : vector<1x128xf32>
    %dot_general3A_179 = tpu.matmul %broadcast_in_dim3A_50, %mul3A_174, %dot_general3A_178 {dimension_numbers = #tpu.dot_dimension_numbers<[1], [1], [0], [0], [0, 0, 1, 0], [], []>, precision = #tpu.contract_precision<fp32>, transpose_lhs_hint = false} : vector<1x64xf32>, vector<128x64xf32>, vector<1x128xf32> -> vector<1x128xf32>
    %dot_general3A_180 = arith.constant dense<0.000000e+00> : vector<128x128xf32>
    %dot_general3A_181 = tpu.matmul %slice3A_166, %slice3A_166, %dot_general3A_180 {dimension_numbers = #tpu.dot_dimension_numbers<[1], [1], [0], [0], [0, 0, 1, 0], [], []>, precision = #tpu.contract_precision<fp32>, transpose_lhs_hint = false} : vector<128x64xf32>, vector<128x64xf32>, vector<128x128xf32> -> vector<128x128xf32>
    %add3A_182 = vector.broadcast %broadcast_in_dim3A_177 : vector<128x1xf32> to vector<128x128xf32>
    %add3A_183 = vector.broadcast %dot_general3A_179 : vector<1x128xf32> to vector<128x128xf32>
    %add3A_184 = arith.addf %add3A_182, %add3A_183 : vector<128x128xf32>
    %mul3A_185 = arith.constant 2.000000e+00 : f32
    %mul3A_186 = vector.broadcast %mul3A_185 : f32 to vector<128x128xf32>
    %mul3A_187 = arith.mulf %mul3A_186, %dot_general3A_181 : vector<128x128xf32>
    %sub3A_188 = arith.subf %add3A_184, %mul3A_187 : vector<128x128xf32>
    %max3A_189 = arith.constant 0.000000e+00 : f32
    %max3A_190 = vector.broadcast %max3A_189 : f32 to vector<128x128xf32>
    %max3A_191 = arith.maximumf %sub3A_188, %max3A_190 : vector<128x128xf32>
    %jit3A_192 = arith.constant 3.000000e+38 : f32
    %broadcast_in_dim3A_193 = vector.broadcast %jit3A_192 : f32 to vector<128x128xf32>
    %select_n3A_194 = arith.select %eq3A, %broadcast_in_dim3A_193, %max3A_191 : vector<128x128xi1>, vector<128x128xf32>
    %bitcast_convert_type3A_195 = tpu.bitcast %select_n3A_194 : vector<128x128xf32> -> vector<128x128xi32>
    %not3A_196 = arith.constant 127 : i32
    %not3A_197 = arith.constant -1 : i32
    %not3A_198 = arith.xori %not3A_196, %not3A_197 : i32
    %and3A_199 = vector.broadcast %not3A_198 : i32 to vector<128x128xi32>
    %and3A_200 = arith.andi %bitcast_convert_type3A_195, %and3A_199 : vector<128x128xi32>
    %or3A_201 = arith.ori %and3A_200, %iota3A : vector<128x128xi32>
    %swap3A_202 = arith.constant 3 : index
    %swap3A_203 = arith.constant 0 : index
    %swap3A_204 = arith.constant 0 : index
    %swap3A_205 = vector.load %arg10[%swap3A_202, %swap3A_203, %swap3A_204] : memref<32x128x128xi32, #tpu.memory_space<vmem>>, vector<1x128x128xi32>
    %swap3A_206 = vector.shape_cast %swap3A_205 : vector<1x128x128xi32> to vector<128x128xi32>
    %swap3A_207 = vector.shape_cast %or3A_201 : vector<128x128xi32> to vector<1x128x128xi32>
    tpu.vector_store %arg10[%swap3A_202, %swap3A_203, %swap3A_204], %swap3A_207 {strides = array<i32>} : memref<32x128x128xi32, #tpu.memory_space<vmem>>, vector<1x128x128xi32>,
    %slice3A_208 = vector.extract_strided_slice %max3A_28 {offsets = [512, 0], sizes = [128, 64], strides = [1, 1]} : vector<4096x64xf32> to vector<128x64xf32>
    %transpose3A_209 = tpu.transpose %slice3A_208, [1, 0] : vector<128x64xf32> -> vector<64x128xf32>
    %swap3A_210 = arith.constant 4 : index
    %swap3A_211 = arith.constant 0 : index
    %swap3A_212 = arith.constant 0 : index
    %swap3A_213 = vector.load %arg9[%swap3A_210, %swap3A_211, %swap3A_212] : memref<32x64x128xf32, #tpu.memory_space<vmem>>, vector<1x64x128xf32>
    %swap3A_214 = vector.shape_cast %swap3A_213 : vector<1x64x128xf32> to vector<64x128xf32>
    %swap3A_215 = vector.shape_cast %transpose3A_209 : vector<64x128xf32> to vector<1x64x128xf32>
    tpu.vector_store %arg9[%swap3A_210, %swap3A_211, %swap3A_212], %swap3A_215 {strides = array<i32>} : memref<32x64x128xf32, #tpu.memory_space<vmem>>, vector<1x64x128xf32>,
    %mul3A_216 = arith.mulf %slice3A_208, %slice3A_208 : vector<128x64xf32>
    %reduce_sum3A_217 = arith.constant dense<0.000000e+00> : vector<128xf32>
    %reduce_sum3A_218 = vector.multi_reduction <add>, %mul3A_216, %reduce_sum3A_217 [1] : vector<128x64xf32> to vector<128xf32>
    %broadcast_in_dim3A_219 = vector.shape_cast %reduce_sum3A_218 : vector<128xf32> to vector<128x1xf32>
    %dot_general3A_220 = arith.constant dense<0.000000e+00> : vector<1x128xf32>
    %dot_general3A_221 = tpu.matmul %broadcast_in_dim3A_50, %mul3A_216, %dot_general3A_220 {dimension_numbers = #tpu.dot_dimension_numbers<[1], [1], [0], [0], [0, 0, 1, 0], [], []>, precision = #tpu.contract_precision<fp32>, transpose_lhs_hint = false} : vector<1x64xf32>, vector<128x64xf32>, vector<1x128xf32> -> vector<1x128xf32>
    %dot_general3A_222 = arith.constant dense<0.000000e+00> : vector<128x128xf32>
    %dot_general3A_223 = tpu.matmul %slice3A_208, %slice3A_208, %dot_general3A_222 {dimension_numbers = #tpu.dot_dimension_numbers<[1], [1], [0], [0], [0, 0, 1, 0], [], []>, precision = #tpu.contract_precision<fp32>, transpose_lhs_hint = false} : vector<128x64xf32>, vector<128x64xf32>, vector<128x128xf32> -> vector<128x128xf32>
    %add3A_224 = vector.broadcast %broadcast_in_dim3A_219 : vector<128x1xf32> to vector<128x128xf32>
    %add3A_225 = vector.broadcast %dot_general3A_221 : vector<1x128xf32> to vector<128x128xf32>
    %add3A_226 = arith.addf %add3A_224, %add3A_225 : vector<128x128xf32>
    %mul3A_227 = arith.constant 2.000000e+00 : f32
    %mul3A_228 = vector.broadcast %mul3A_227 : f32 to vector<128x128xf32>
    %mul3A_229 = arith.mulf %mul3A_228, %dot_general3A_223 : vector<128x128xf32>
    %sub3A_230 = arith.subf %add3A_226, %mul3A_229 : vector<128x128xf32>
    %max3A_231 = arith.constant 0.000000e+00 : f32
    %max3A_232 = vector.broadcast %max3A_231 : f32 to vector<128x128xf32>
    %max3A_233 = arith.maximumf %sub3A_230, %max3A_232 : vector<128x128xf32>
    %jit3A_234 = arith.constant 3.000000e+38 : f32
    %broadcast_in_dim3A_235 = vector.broadcast %jit3A_234 : f32 to vector<128x128xf32>
    %select_n3A_236 = arith.select %eq3A, %broadcast_in_dim3A_235, %max3A_233 : vector<128x128xi1>, vector<128x128xf32>
    %bitcast_convert_type3A_237 = tpu.bitcast %select_n3A_236 : vector<128x128xf32> -> vector<128x128xi32>
    %not3A_238 = arith.constant 127 : i32
    %not3A_239 = arith.constant -1 : i32
    %not3A_240 = arith.xori %not3A_238, %not3A_239 : i32
    %and3A_241 = vector.broadcast %not3A_240 : i32 to vector<128x128xi32>
    %and3A_242 = arith.andi %bitcast_convert_type3A_237, %and3A_241 : vector<128x128xi32>
    %or3A_243 = arith.ori %and3A_242, %iota3A : vector<128x128xi32>
    %swap3A_244 = arith.constant 4 : index
    %swap3A_245 = arith.constant 0 : index
    %swap3A_246 = arith.constant 0 : index
    %swap3A_247 = vector.load %arg10[%swap3A_244, %swap3A_245, %swap3A_246] : memref<32x128x128xi32, #tpu.memory_space<vmem>>, vector<1x128x128xi32>
    %swap3A_248 = vector.shape_cast %swap3A_247 : vector<1x128x128xi32> to vector<128x128xi32>
    %swap3A_249 = vector.shape_cast %or3A_243 : vector<128x128xi32> to vector<1x128x128xi32>
    tpu.vector_store %arg10[%swap3A_244, %swap3A_245, %swap3A_246], %swap3A_249 {strides = array<i32>} : memref<32x128x128xi32, #tpu.memory_space<vmem>>, vector<1x128x128xi32>,
    %slice3A_250 = vector.extract_strided_slice %max3A_28 {offsets = [640, 0], sizes = [128, 64], strides = [1, 1]} : vector<4096x64xf32> to vector<128x64xf32>
    %transpose3A_251 = tpu.transpose %slice3A_250, [1, 0] : vector<128x64xf32> -> vector<64x128xf32>
    %swap3A_252 = arith.constant 5 : index
    %swap3A_253 = arith.constant 0 : index
    %swap3A_254 = arith.constant 0 : index
    %swap3A_255 = vector.load %arg9[%swap3A_252, %swap3A_253, %swap3A_254] : memref<32x64x128xf32, #tpu.memory_space<vmem>>, vector<1x64x128xf32>
    %swap3A_256 = vector.shape_cast %swap3A_255 : vector<1x64x128xf32> to vector<64x128xf32>
    %swap3A_257 = vector.shape_cast %transpose3A_251 : vector<64x128xf32> to vector<1x64x128xf32>
    tpu.vector_store %arg9[%swap3A_252, %swap3A_253, %swap3A_254], %swap3A_257 {strides = array<i32>} : memref<32x64x128xf32, #tpu.memory_space<vmem>>, vector<1x64x128xf32>,
    %mul3A_258 = arith.mulf %slice3A_250, %slice3A_250 : vector<128x64xf32>
    %reduce_sum3A_259 = arith.constant dense<0.000000e+00> : vector<128xf32>
    %reduce_sum3A_260 = vector.multi_reduction <add>, %mul3A_258, %reduce_sum3A_259 [1] : vector<128x64xf32> to vector<128xf32>
    %broadcast_in_dim3A_261 = vector.shape_cast %reduce_sum3A_260 : vector<128xf32> to vector<128x1xf32>
    %dot_general3A_262 = arith.constant dense<0.000000e+00> : vector<1x128xf32>
    %dot_general3A_263 = tpu.matmul %broadcast_in_dim3A_50, %mul3A_258, %dot_general3A_262 {dimension_numbers = #tpu.dot_dimension_numbers<[1], [1], [0], [0], [0, 0, 1, 0], [], []>, precision = #tpu.contract_precision<fp32>, transpose_lhs_hint = false} : vector<1x64xf32>, vector<128x64xf32>, vector<1x128xf32> -> vector<1x128xf32>
    %dot_general3A_264 = arith.constant dense<0.000000e+00> : vector<128x128xf32>
    %dot_general3A_265 = tpu.matmul %slice3A_250, %slice3A_250, %dot_general3A_264 {dimension_numbers = #tpu.dot_dimension_numbers<[1], [1], [0], [0], [0, 0, 1, 0], [], []>, precision = #tpu.contract_precision<fp32>, transpose_lhs_hint = false} : vector<128x64xf32>, vector<128x64xf32>, vector<128x128xf32> -> vector<128x128xf32>
    %add3A_266 = vector.broadcast %broadcast_in_dim3A_261 : vector<128x1xf32> to vector<128x128xf32>
    %add3A_267 = vector.broadcast %dot_general3A_263 : vector<1x128xf32> to vector<128x128xf32>
    %add3A_268 = arith.addf %add3A_266, %add3A_267 : vector<128x128xf32>
    %mul3A_269 = arith.constant 2.000000e+00 : f32
    %mul3A_270 = vector.broadcast %mul3A_269 : f32 to vector<128x128xf32>
    %mul3A_271 = arith.mulf %mul3A_270, %dot_general3A_265 : vector<128x128xf32>
    %sub3A_272 = arith.subf %add3A_268, %mul3A_271 : vector<128x128xf32>
    %max3A_273 = arith.constant 0.000000e+00 : f32
    %max3A_274 = vector.broadcast %max3A_273 : f32 to vector<128x128xf32>
    %max3A_275 = arith.maximumf %sub3A_272, %max3A_274 : vector<128x128xf32>
    %jit3A_276 = arith.constant 3.000000e+38 : f32
    %broadcast_in_dim3A_277 = vector.broadcast %jit3A_276 : f32 to vector<128x128xf32>
    %select_n3A_278 = arith.select %eq3A, %broadcast_in_dim3A_277, %max3A_275 : vector<128x128xi1>, vector<128x128xf32>
    %bitcast_convert_type3A_279 = tpu.bitcast %select_n3A_278 : vector<128x128xf32> -> vector<128x128xi32>
    %not3A_280 = arith.constant 127 : i32
    %not3A_281 = arith.constant -1 : i32
    %not3A_282 = arith.xori %not3A_280, %not3A_281 : i32
    %and3A_283 = vector.broadcast %not3A_282 : i32 to vector<128x128xi32>
    %and3A_284 = arith.andi %bitcast_convert_type3A_279, %and3A_283 : vector<128x128xi32>
    %or3A_285 = arith.ori %and3A_284, %iota3A : vector<128x128xi32>
    %swap3A_286 = arith.constant 5 : index
    %swap3A_287 = arith.constant 0 : index
    %swap3A_288 = arith.constant 0 : index
    %swap3A_289 = vector.load %arg10[%swap3A_286, %swap3A_287, %swap3A_288] : memref<32x128x128xi32, #tpu.memory_space<vmem>>, vector<1x128x128xi32>
    %swap3A_290 = vector.shape_cast %swap3A_289 : vector<1x128x128xi32> to vector<128x128xi32>
    %swap3A_291 = vector.shape_cast %or3A_285 : vector<128x128xi32> to vector<1x128x128xi32>
    tpu.vector_store %arg10[%swap3A_286, %swap3A_287, %swap3A_288], %swap3A_291 {strides = array<i32>} : memref<32x128x128xi32, #tpu.memory_space<vmem>>, vector<1x128x128xi32>,
    %slice3A_292 = vector.extract_strided_slice %max3A_28 {offsets = [768, 0], sizes = [128, 64], strides = [1, 1]} : vector<4096x64xf32> to vector<128x64xf32>
    %transpose3A_293 = tpu.transpose %slice3A_292, [1, 0] : vector<128x64xf32> -> vector<64x128xf32>
    %swap3A_294 = arith.constant 6 : index
    %swap3A_295 = arith.constant 0 : index
    %swap3A_296 = arith.constant 0 : index
    %swap3A_297 = vector.load %arg9[%swap3A_294, %swap3A_295, %swap3A_296] : memref<32x64x128xf32, #tpu.memory_space<vmem>>, vector<1x64x128xf32>
    %swap3A_298 = vector.shape_cast %swap3A_297 : vector<1x64x128xf32> to vector<64x128xf32>
    %swap3A_299 = vector.shape_cast %transpose3A_293 : vector<64x128xf32> to vector<1x64x128xf32>
    tpu.vector_store %arg9[%swap3A_294, %swap3A_295, %swap3A_296], %swap3A_299 {strides = array<i32>} : memref<32x64x128xf32, #tpu.memory_space<vmem>>, vector<1x64x128xf32>,
    %mul3A_300 = arith.mulf %slice3A_292, %slice3A_292 : vector<128x64xf32>
    %reduce_sum3A_301 = arith.constant dense<0.000000e+00> : vector<128xf32>
    %reduce_sum3A_302 = vector.multi_reduction <add>, %mul3A_300, %reduce_sum3A_301 [1] : vector<128x64xf32> to vector<128xf32>
    %broadcast_in_dim3A_303 = vector.shape_cast %reduce_sum3A_302 : vector<128xf32> to vector<128x1xf32>
    %dot_general3A_304 = arith.constant dense<0.000000e+00> : vector<1x128xf32>
    %dot_general3A_305 = tpu.matmul %broadcast_in_dim3A_50, %mul3A_300, %dot_general3A_304 {dimension_numbers = #tpu.dot_dimension_numbers<[1], [1], [0], [0], [0, 0, 1, 0], [], []>, precision = #tpu.contract_precision<fp32>, transpose_lhs_hint = false} : vector<1x64xf32>, vector<128x64xf32>, vector<1x128xf32> -> vector<1x128xf32>
    %dot_general3A_306 = arith.constant dense<0.000000e+00> : vector<128x128xf32>
    %dot_general3A_307 = tpu.matmul %slice3A_292, %slice3A_292, %dot_general3A_306 {dimension_numbers = #tpu.dot_dimension_numbers<[1], [1], [0], [0], [0, 0, 1, 0], [], []>, precision = #tpu.contract_precision<fp32>, transpose_lhs_hint = false} : vector<128x64xf32>, vector<128x64xf32>, vector<128x128xf32> -> vector<128x128xf32>
    %add3A_308 = vector.broadcast %broadcast_in_dim3A_303 : vector<128x1xf32> to vector<128x128xf32>
    %add3A_309 = vector.broadcast %dot_general3A_305 : vector<1x128xf32> to vector<128x128xf32>
    %add3A_310 = arith.addf %add3A_308, %add3A_309 : vector<128x128xf32>
    %mul3A_311 = arith.constant 2.000000e+00 : f32
    %mul3A_312 = vector.broadcast %mul3A_311 : f32 to vector<128x128xf32>
    %mul3A_313 = arith.mulf %mul3A_312, %dot_general3A_307 : vector<128x128xf32>
    %sub3A_314 = arith.subf %add3A_310, %mul3A_313 : vector<128x128xf32>
    %max3A_315 = arith.constant 0.000000e+00 : f32
    %max3A_316 = vector.broadcast %max3A_315 : f32 to vector<128x128xf32>
    %max3A_317 = arith.maximumf %sub3A_314, %max3A_316 : vector<128x128xf32>
    %jit3A_318 = arith.constant 3.000000e+38 : f32
    %broadcast_in_dim3A_319 = vector.broadcast %jit3A_318 : f32 to vector<128x128xf32>
    %select_n3A_320 = arith.select %eq3A, %broadcast_in_dim3A_319, %max3A_317 : vector<128x128xi1>, vector<128x128xf32>
    %bitcast_convert_type3A_321 = tpu.bitcast %select_n3A_320 : vector<128x128xf32> -> vector<128x128xi32>
    %not3A_322 = arith.constant 127 : i32
    %not3A_323 = arith.constant -1 : i32
    %not3A_324 = arith.xori %not3A_322, %not3A_323 : i32
    %and3A_325 = vector.broadcast %not3A_324 : i32 to vector<128x128xi32>
    %and3A_326 = arith.andi %bitcast_convert_type3A_321, %and3A_325 : vector<128x128xi32>
    %or3A_327 = arith.ori %and3A_326, %iota3A : vector<128x128xi32>
    %swap3A_328 = arith.constant 6 : index
    %swap3A_329 = arith.constant 0 : index
    %swap3A_330 = arith.constant 0 : index
    %swap3A_331 = vector.load %arg10[%swap3A_328, %swap3A_329, %swap3A_330] : memref<32x128x128xi32, #tpu.memory_space<vmem>>, vector<1x128x128xi32>
    %swap3A_332 = vector.shape_cast %swap3A_331 : vector<1x128x128xi32> to vector<128x128xi32>
    %swap3A_333 = vector.shape_cast %or3A_327 : vector<128x128xi32> to vector<1x128x128xi32>
    tpu.vector_store %arg10[%swap3A_328, %swap3A_329, %swap3A_330], %swap3A_333 {strides = array<i32>} : memref<32x128x128xi32, #tpu.memory_space<vmem>>, vector<1x128x128xi32>,
    %slice3A_334 = vector.extract_strided_slice %max3A_28 {offsets = [896, 0], sizes = [128, 64], strides = [1, 1]} : vector<4096x64xf32> to vector<128x64xf32>
    %transpose3A_335 = tpu.transpose %slice3A_334, [1, 0] : vector<128x64xf32> -> vector<64x128xf32>
    %swap3A_336 = arith.constant 7 : index
    %swap3A_337 = arith.constant 0 : index
    %swap3A_338 = arith.constant 0 : index
    %swap3A_339 = vector.load %arg9[%swap3A_336, %swap3A_337, %swap3A_338] : memref<32x64x128xf32, #tpu.memory_space<vmem>>, vector<1x64x128xf32>
    %swap3A_340 = vector.shape_cast %swap3A_339 : vector<1x64x128xf32> to vector<64x128xf32>
    %swap3A_341 = vector.shape_cast %transpose3A_335 : vector<64x128xf32> to vector<1x64x128xf32>
    tpu.vector_store %arg9[%swap3A_336, %swap3A_337, %swap3A_338], %swap3A_341 {strides = array<i32>} : memref<32x64x128xf32, #tpu.memory_space<vmem>>, vector<1x64x128xf32>,
    %mul3A_342 = arith.mulf %slice3A_334, %slice3A_334 : vector<128x64xf32>
    %reduce_sum3A_343 = arith.constant dense<0.000000e+00> : vector<128xf32>
    %reduce_sum3A_344 = vector.multi_reduction <add>, %mul3A_342, %reduce_sum3A_343 [1] : vector<128x64xf32> to vector<128xf32>
    %broadcast_in_dim3A_345 = vector.shape_cast %reduce_sum3A_344 : vector<128xf32> to vector<128x1xf32>
    %dot_general3A_346 = arith.constant dense<0.000000e+00> : vector<1x128xf32>
    %dot_general3A_347 = tpu.matmul %broadcast_in_dim3A_50, %mul3A_342, %dot_general3A_346 {dimension_numbers = #tpu.dot_dimension_numbers<[1], [1], [0], [0], [0, 0, 1, 0], [], []>, precision = #tpu.contract_precision<fp32>, transpose_lhs_hint = false} : vector<1x64xf32>, vector<128x64xf32>, vector<1x128xf32> -> vector<1x128xf32>
    %dot_general3A_348 = arith.constant dense<0.000000e+00> : vector<128x128xf32>
    %dot_general3A_349 = tpu.matmul %slice3A_334, %slice3A_334, %dot_general3A_348 {dimension_numbers = #tpu.dot_dimension_numbers<[1], [1], [0], [0], [0, 0, 1, 0], [], []>, precision = #tpu.contract_precision<fp32>, transpose_lhs_hint = false} : vector<128x64xf32>, vector<128x64xf32>, vector<128x128xf32> -> vector<128x128xf32>
    %add3A_350 = vector.broadcast %broadcast_in_dim3A_345 : vector<128x1xf32> to vector<128x128xf32>
    %add3A_351 = vector.broadcast %dot_general3A_347 : vector<1x128xf32> to vector<128x128xf32>
    %add3A_352 = arith.addf %add3A_350, %add3A_351 : vector<128x128xf32>
    %mul3A_353 = arith.constant 2.000000e+00 : f32
    %mul3A_354 = vector.broadcast %mul3A_353 : f32 to vector<128x128xf32>
    %mul3A_355 = arith.mulf %mul3A_354, %dot_general3A_349 : vector<128x128xf32>
    %sub3A_356 = arith.subf %add3A_352, %mul3A_355 : vector<128x128xf32>
    %max3A_357 = arith.constant 0.000000e+00 : f32
    %max3A_358 = vector.broadcast %max3A_357 : f32 to vector<128x128xf32>
    %max3A_359 = arith.maximumf %sub3A_356, %max3A_358 : vector<128x128xf32>
    %jit3A_360 = arith.constant 3.000000e+38 : f32
    %broadcast_in_dim3A_361 = vector.broadcast %jit3A_360 : f32 to vector<128x128xf32>
    %select_n3A_362 = arith.select %eq3A, %broadcast_in_dim3A_361, %max3A_359 : vector<128x128xi1>, vector<128x128xf32>
    %bitcast_convert_type3A_363 = tpu.bitcast %select_n3A_362 : vector<128x128xf32> -> vector<128x128xi32>
    %not3A_364 = arith.constant 127 : i32
    %not3A_365 = arith.constant -1 : i32
    %not3A_366 = arith.xori %not3A_364, %not3A_365 : i32
    %and3A_367 = vector.broadcast %not3A_366 : i32 to vector<128x128xi32>
    %and3A_368 = arith.andi %bitcast_convert_type3A_363, %and3A_367 : vector<128x128xi32>
    %or3A_369 = arith.ori %and3A_368, %iota3A : vector<128x128xi32>
    %swap3A_370 = arith.constant 7 : index
    %swap3A_371 = arith.constant 0 : index
    %swap3A_372 = arith.constant 0 : index
    %swap3A_373 = vector.load %arg10[%swap3A_370, %swap3A_371, %swap3A_372] : memref<32x128x128xi32, #tpu.memory_space<vmem>>, vector<1x128x128xi32>
    %swap3A_374 = vector.shape_cast %swap3A_373 : vector<1x128x128xi32> to vector<128x128xi32>
    %swap3A_375 = vector.shape_cast %or3A_369 : vector<128x128xi32> to vector<1x128x128xi32>
    tpu.vector_store %arg10[%swap3A_370, %swap3A_371, %swap3A_372], %swap3A_375 {strides = array<i32>} : memref<32x128x128xi32, #tpu.memory_space<vmem>>, vector<1x128x128xi32>,
    %slice3A_376 = vector.extract_strided_slice %max3A_28 {offsets = [1024, 0], sizes = [128, 64], strides = [1, 1]} : vector<4096x64xf32> to vector<128x64xf32>
    %transpose3A_377 = tpu.transpose %slice3A_376, [1, 0] : vector<128x64xf32> -> vector<64x128xf32>
    %swap3A_378 = arith.constant 8 : index
    %swap3A_379 = arith.constant 0 : index
    %swap3A_380 = arith.constant 0 : index
    %swap3A_381 = vector.load %arg9[%swap3A_378, %swap3A_379, %swap3A_380] : memref<32x64x128xf32, #tpu.memory_space<vmem>>, vector<1x64x128xf32>
    %swap3A_382 = vector.shape_cast %swap3A_381 : vector<1x64x128xf32> to vector<64x128xf32>
    %swap3A_383 = vector.shape_cast %transpose3A_377 : vector<64x128xf32> to vector<1x64x128xf32>
    tpu.vector_store %arg9[%swap3A_378, %swap3A_379, %swap3A_380], %swap3A_383 {strides = array<i32>} : memref<32x64x128xf32, #tpu.memory_space<vmem>>, vector<1x64x128xf32>,
    %mul3A_384 = arith.mulf %slice3A_376, %slice3A_376 : vector<128x64xf32>
    %reduce_sum3A_385 = arith.constant dense<0.000000e+00> : vector<128xf32>
    %reduce_sum3A_386 = vector.multi_reduction <add>, %mul3A_384, %reduce_sum3A_385 [1] : vector<128x64xf32> to vector<128xf32>
    %broadcast_in_dim3A_387 = vector.shape_cast %reduce_sum3A_386 : vector<128xf32> to vector<128x1xf32>
    %dot_general3A_388 = arith.constant dense<0.000000e+00> : vector<1x128xf32>
    %dot_general3A_389 = tpu.matmul %broadcast_in_dim3A_50, %mul3A_384, %dot_general3A_388 {dimension_numbers = #tpu.dot_dimension_numbers<[1], [1], [0], [0], [0, 0, 1, 0], [], []>, precision = #tpu.contract_precision<fp32>, transpose_lhs_hint = false} : vector<1x64xf32>, vector<128x64xf32>, vector<1x128xf32> -> vector<1x128xf32>
    %dot_general3A_390 = arith.constant dense<0.000000e+00> : vector<128x128xf32>
    %dot_general3A_391 = tpu.matmul %slice3A_376, %slice3A_376, %dot_general3A_390 {dimension_numbers = #tpu.dot_dimension_numbers<[1], [1], [0], [0], [0, 0, 1, 0], [], []>, precision = #tpu.contract_precision<fp32>, transpose_lhs_hint = false} : vector<128x64xf32>, vector<128x64xf32>, vector<128x128xf32> -> vector<128x128xf32>
    %add3A_392 = vector.broadcast %broadcast_in_dim3A_387 : vector<128x1xf32> to vector<128x128xf32>
    %add3A_393 = vector.broadcast %dot_general3A_389 : vector<1x128xf32> to vector<128x128xf32>
    %add3A_394 = arith.addf %add3A_392, %add3A_393 : vector<128x128xf32>
    %mul3A_395 = arith.constant 2.000000e+00 : f32
    %mul3A_396 = vector.broadcast %mul3A_395 : f32 to vector<128x128xf32>
    %mul3A_397 = arith.mulf %mul3A_396, %dot_general3A_391 : vector<128x128xf32>
    %sub3A_398 = arith.subf %add3A_394, %mul3A_397 : vector<128x128xf32>
    %max3A_399 = arith.constant 0.000000e+00 : f32
    %max3A_400 = vector.broadcast %max3A_399 : f32 to vector<128x128xf32>
    %max3A_401 = arith.maximumf %sub3A_398, %max3A_400 : vector<128x128xf32>
    %jit3A_402 = arith.constant 3.000000e+38 : f32
    %broadcast_in_dim3A_403 = vector.broadcast %jit3A_402 : f32 to vector<128x128xf32>
    %select_n3A_404 = arith.select %eq3A, %broadcast_in_dim3A_403, %max3A_401 : vector<128x128xi1>, vector<128x128xf32>
    %bitcast_convert_type3A_405 = tpu.bitcast %select_n3A_404 : vector<128x128xf32> -> vector<128x128xi32>
    %not3A_406 = arith.constant 127 : i32
    %not3A_407 = arith.constant -1 : i32
    %not3A_408 = arith.xori %not3A_406, %not3A_407 : i32
    %and3A_409 = vector.broadcast %not3A_408 : i32 to vector<128x128xi32>
    %and3A_410 = arith.andi %bitcast_convert_type3A_405, %and3A_409 : vector<128x128xi32>
    %or3A_411 = arith.ori %and3A_410, %iota3A : vector<128x128xi32>
    %swap3A_412 = arith.constant 8 : index
    %swap3A_413 = arith.constant 0 : index
    %swap3A_414 = arith.constant 0 : index
    %swap3A_415 = vector.load %arg10[%swap3A_412, %swap3A_413, %swap3A_414] : memref<32x128x128xi32, #tpu.memory_space<vmem>>, vector<1x128x128xi32>
    %swap3A_416 = vector.shape_cast %swap3A_415 : vector<1x128x128xi32> to vector<128x128xi32>
    %swap3A_417 = vector.shape_cast %or3A_411 : vector<128x128xi32> to vector<1x128x128xi32>
    tpu.vector_store %arg10[%swap3A_412, %swap3A_413, %swap3A_414], %swap3A_417 {strides = array<i32>} : memref<32x128x128xi32, #tpu.memory_space<vmem>>, vector<1x128x128xi32>,
    %slice3A_418 = vector.extract_strided_slice %max3A_28 {offsets = [1152, 0], sizes = [128, 64], strides = [1, 1]} : vector<4096x64xf32> to vector<128x64xf32>
    %transpose3A_419 = tpu.transpose %slice3A_418, [1, 0] : vector<128x64xf32> -> vector<64x128xf32>
    %swap3A_420 = arith.constant 9 : index
    %swap3A_421 = arith.constant 0 : index
    %swap3A_422 = arith.constant 0 : index
    %swap3A_423 = vector.load %arg9[%swap3A_420, %swap3A_421, %swap3A_422] : memref<32x64x128xf32, #tpu.memory_space<vmem>>, vector<1x64x128xf32>
    %swap3A_424 = vector.shape_cast %swap3A_423 : vector<1x64x128xf32> to vector<64x128xf32>
    %swap3A_425 = vector.shape_cast %transpose3A_419 : vector<64x128xf32> to vector<1x64x128xf32>
    tpu.vector_store %arg9[%swap3A_420, %swap3A_421, %swap3A_422], %swap3A_425 {strides = array<i32>} : memref<32x64x128xf32, #tpu.memory_space<vmem>>, vector<1x64x128xf32>,
    %mul3A_426 = arith.mulf %slice3A_418, %slice3A_418 : vector<128x64xf32>
    %reduce_sum3A_427 = arith.constant dense<0.000000e+00> : vector<128xf32>
    %reduce_sum3A_428 = vector.multi_reduction <add>, %mul3A_426, %reduce_sum3A_427 [1] : vector<128x64xf32> to vector<128xf32>
    %broadcast_in_dim3A_429 = vector.shape_cast %reduce_sum3A_428 : vector<128xf32> to vector<128x1xf32>
    %dot_general3A_430 = arith.constant dense<0.000000e+00> : vector<1x128xf32>
    %dot_general3A_431 = tpu.matmul %broadcast_in_dim3A_50, %mul3A_426, %dot_general3A_430 {dimension_numbers = #tpu.dot_dimension_numbers<[1], [1], [0], [0], [0, 0, 1, 0], [], []>, precision = #tpu.contract_precision<fp32>, transpose_lhs_hint = false} : vector<1x64xf32>, vector<128x64xf32>, vector<1x128xf32> -> vector<1x128xf32>
    %dot_general3A_432 = arith.constant dense<0.000000e+00> : vector<128x128xf32>
    %dot_general3A_433 = tpu.matmul %slice3A_418, %slice3A_418, %dot_general3A_432 {dimension_numbers = #tpu.dot_dimension_numbers<[1], [1], [0], [0], [0, 0, 1, 0], [], []>, precision = #tpu.contract_precision<fp32>, transpose_lhs_hint = false} : vector<128x64xf32>, vector<128x64xf32>, vector<128x128xf32> -> vector<128x128xf32>
    %add3A_434 = vector.broadcast %broadcast_in_dim3A_429 : vector<128x1xf32> to vector<128x128xf32>
    %add3A_435 = vector.broadcast %dot_general3A_431 : vector<1x128xf32> to vector<128x128xf32>
    %add3A_436 = arith.addf %add3A_434, %add3A_435 : vector<128x128xf32>
    %mul3A_437 = arith.constant 2.000000e+00 : f32
    %mul3A_438 = vector.broadcast %mul3A_437 : f32 to vector<128x128xf32>
    %mul3A_439 = arith.mulf %mul3A_438, %dot_general3A_433 : vector<128x128xf32>
    %sub3A_440 = arith.subf %add3A_436, %mul3A_439 : vector<128x128xf32>
    %max3A_441 = arith.constant 0.000000e+00 : f32
    %max3A_442 = vector.broadcast %max3A_441 : f32 to vector<128x128xf32>
    %max3A_443 = arith.maximumf %sub3A_440, %max3A_442 : vector<128x128xf32>
    %jit3A_444 = arith.constant 3.000000e+38 : f32
    %broadcast_in_dim3A_445 = vector.broadcast %jit3A_444 : f32 to vector<128x128xf32>
    %select_n3A_446 = arith.select %eq3A, %broadcast_in_dim3A_445, %max3A_443 : vector<128x128xi1>, vector<128x128xf32>
    %bitcast_convert_type3A_447 = tpu.bitcast %select_n3A_446 : vector<128x128xf32> -> vector<128x128xi32>
    %not3A_448 = arith.constant 127 : i32
    %not3A_449 = arith.constant -1 : i32
    %not3A_450 = arith.xori %not3A_448, %not3A_449 : i32
    %and3A_451 = vector.broadcast %not3A_450 : i32 to vector<128x128xi32>
    %and3A_452 = arith.andi %bitcast_convert_type3A_447, %and3A_451 : vector<128x128xi32>
    %or3A_453 = arith.ori %and3A_452, %iota3A : vector<128x128xi32>
    %swap3A_454 = arith.constant 9 : index
    %swap3A_455 = arith.constant 0 : index
    %swap3A_456 = arith.constant 0 : index
    %swap3A_457 = vector.load %arg10[%swap3A_454, %swap3A_455, %swap3A_456] : memref<32x128x128xi32, #tpu.memory_space<vmem>>, vector<1x128x128xi32>
    %swap3A_458 = vector.shape_cast %swap3A_457 : vector<1x128x128xi32> to vector<128x128xi32>
    %swap3A_459 = vector.shape_cast %or3A_453 : vector<128x128xi32> to vector<1x128x128xi32>
    tpu.vector_store %arg10[%swap3A_454, %swap3A_455, %swap3A_456], %swap3A_459 {strides = array<i32>} : memref<32x128x128xi32, #tpu.memory_space<vmem>>, vector<1x128x128xi32>,
    %slice3A_460 = vector.extract_strided_slice %max3A_28 {offsets = [1280, 0], sizes = [128, 64], strides = [1, 1]} : vector<4096x64xf32> to vector<128x64xf32>
    %transpose3A_461 = tpu.transpose %slice3A_460, [1, 0] : vector<128x64xf32> -> vector<64x128xf32>
    %swap3A_462 = arith.constant 10 : index
    %swap3A_463 = arith.constant 0 : index
    %swap3A_464 = arith.constant 0 : index
    %swap3A_465 = vector.load %arg9[%swap3A_462, %swap3A_463, %swap3A_464] : memref<32x64x128xf32, #tpu.memory_space<vmem>>, vector<1x64x128xf32>
    %swap3A_466 = vector.shape_cast %swap3A_465 : vector<1x64x128xf32> to vector<64x128xf32>
    %swap3A_467 = vector.shape_cast %transpose3A_461 : vector<64x128xf32> to vector<1x64x128xf32>
    tpu.vector_store %arg9[%swap3A_462, %swap3A_463, %swap3A_464], %swap3A_467 {strides = array<i32>} : memref<32x64x128xf32, #tpu.memory_space<vmem>>, vector<1x64x128xf32>,
    %mul3A_468 = arith.mulf %slice3A_460, %slice3A_460 : vector<128x64xf32>
    %reduce_sum3A_469 = arith.constant dense<0.000000e+00> : vector<128xf32>
    %reduce_sum3A_470 = vector.multi_reduction <add>, %mul3A_468, %reduce_sum3A_469 [1] : vector<128x64xf32> to vector<128xf32>
    %broadcast_in_dim3A_471 = vector.shape_cast %reduce_sum3A_470 : vector<128xf32> to vector<128x1xf32>
    %dot_general3A_472 = arith.constant dense<0.000000e+00> : vector<1x128xf32>
    %dot_general3A_473 = tpu.matmul %broadcast_in_dim3A_50, %mul3A_468, %dot_general3A_472 {dimension_numbers = #tpu.dot_dimension_numbers<[1], [1], [0], [0], [0, 0, 1, 0], [], []>, precision = #tpu.contract_precision<fp32>, transpose_lhs_hint = false} : vector<1x64xf32>, vector<128x64xf32>, vector<1x128xf32> -> vector<1x128xf32>
    %dot_general3A_474 = arith.constant dense<0.000000e+00> : vector<128x128xf32>
    %dot_general3A_475 = tpu.matmul %slice3A_460, %slice3A_460, %dot_general3A_474 {dimension_numbers = #tpu.dot_dimension_numbers<[1], [1], [0], [0], [0, 0, 1, 0], [], []>, precision = #tpu.contract_precision<fp32>, transpose_lhs_hint = false} : vector<128x64xf32>, vector<128x64xf32>, vector<128x128xf32> -> vector<128x128xf32>
    %add3A_476 = vector.broadcast %broadcast_in_dim3A_471 : vector<128x1xf32> to vector<128x128xf32>
    %add3A_477 = vector.broadcast %dot_general3A_473 : vector<1x128xf32> to vector<128x128xf32>
    %add3A_478 = arith.addf %add3A_476, %add3A_477 : vector<128x128xf32>
    %mul3A_479 = arith.constant 2.000000e+00 : f32
    %mul3A_480 = vector.broadcast %mul3A_479 : f32 to vector<128x128xf32>
    %mul3A_481 = arith.mulf %mul3A_480, %dot_general3A_475 : vector<128x128xf32>
    %sub3A_482 = arith.subf %add3A_478, %mul3A_481 : vector<128x128xf32>
    %max3A_483 = arith.constant 0.000000e+00 : f32
    %max3A_484 = vector.broadcast %max3A_483 : f32 to vector<128x128xf32>
    %max3A_485 = arith.maximumf %sub3A_482, %max3A_484 : vector<128x128xf32>
    %jit3A_486 = arith.constant 3.000000e+38 : f32
    %broadcast_in_dim3A_487 = vector.broadcast %jit3A_486 : f32 to vector<128x128xf32>
    %select_n3A_488 = arith.select %eq3A, %broadcast_in_dim3A_487, %max3A_485 : vector<128x128xi1>, vector<128x128xf32>
    %bitcast_convert_type3A_489 = tpu.bitcast %select_n3A_488 : vector<128x128xf32> -> vector<128x128xi32>
    %not3A_490 = arith.constant 127 : i32
    %not3A_491 = arith.constant -1 : i32
    %not3A_492 = arith.xori %not3A_490, %not3A_491 : i32
    %and3A_493 = vector.broadcast %not3A_492 : i32 to vector<128x128xi32>
    %and3A_494 = arith.andi %bitcast_convert_type3A_489, %and3A_493 : vector<128x128xi32>
    %or3A_495 = arith.ori %and3A_494, %iota3A : vector<128x128xi32>
    %swap3A_496 = arith.constant 10 : index
    %swap3A_497 = arith.constant 0 : index
    %swap3A_498 = arith.constant 0 : index
    %swap3A_499 = vector.load %arg10[%swap3A_496, %swap3A_497, %swap3A_498] : memref<32x128x128xi32, #tpu.memory_space<vmem>>, vector<1x128x128xi32>
    %swap3A_500 = vector.shape_cast %swap3A_499 : vector<1x128x128xi32> to vector<128x128xi32>
    %swap3A_501 = vector.shape_cast %or3A_495 : vector<128x128xi32> to vector<1x128x128xi32>
    tpu.vector_store %arg10[%swap3A_496, %swap3A_497, %swap3A_498], %swap3A_501 {strides = array<i32>} : memref<32x128x128xi32, #tpu.memory_space<vmem>>, vector<1x128x128xi32>,
    %slice3A_502 = vector.extract_strided_slice %max3A_28 {offsets = [1408, 0], sizes = [128, 64], strides = [1, 1]} : vector<4096x64xf32> to vector<128x64xf32>
    %transpose3A_503 = tpu.transpose %slice3A_502, [1, 0] : vector<128x64xf32> -> vector<64x128xf32>
    %swap3A_504 = arith.constant 11 : index
    %swap3A_505 = arith.constant 0 : index
    %swap3A_506 = arith.constant 0 : index
    %swap3A_507 = vector.load %arg9[%swap3A_504, %swap3A_505, %swap3A_506] : memref<32x64x128xf32, #tpu.memory_space<vmem>>, vector<1x64x128xf32>
    %swap3A_508 = vector.shape_cast %swap3A_507 : vector<1x64x128xf32> to vector<64x128xf32>
    %swap3A_509 = vector.shape_cast %transpose3A_503 : vector<64x128xf32> to vector<1x64x128xf32>
    tpu.vector_store %arg9[%swap3A_504, %swap3A_505, %swap3A_506], %swap3A_509 {strides = array<i32>} : memref<32x64x128xf32, #tpu.memory_space<vmem>>, vector<1x64x128xf32>,
    %mul3A_510 = arith.mulf %slice3A_502, %slice3A_502 : vector<128x64xf32>
    %reduce_sum3A_511 = arith.constant dense<0.000000e+00> : vector<128xf32>
    %reduce_sum3A_512 = vector.multi_reduction <add>, %mul3A_510, %reduce_sum3A_511 [1] : vector<128x64xf32> to vector<128xf32>
    %broadcast_in_dim3A_513 = vector.shape_cast %reduce_sum3A_512 : vector<128xf32> to vector<128x1xf32>
    %dot_general3A_514 = arith.constant dense<0.000000e+00> : vector<1x128xf32>
    %dot_general3A_515 = tpu.matmul %broadcast_in_dim3A_50, %mul3A_510, %dot_general3A_514 {dimension_numbers = #tpu.dot_dimension_numbers<[1], [1], [0], [0], [0, 0, 1, 0], [], []>, precision = #tpu.contract_precision<fp32>, transpose_lhs_hint = false} : vector<1x64xf32>, vector<128x64xf32>, vector<1x128xf32> -> vector<1x128xf32>
    %dot_general3A_516 = arith.constant dense<0.000000e+00> : vector<128x128xf32>
    %dot_general3A_517 = tpu.matmul %slice3A_502, %slice3A_502, %dot_general3A_516 {dimension_numbers = #tpu.dot_dimension_numbers<[1], [1], [0], [0], [0, 0, 1, 0], [], []>, precision = #tpu.contract_precision<fp32>, transpose_lhs_hint = false} : vector<128x64xf32>, vector<128x64xf32>, vector<128x128xf32> -> vector<128x128xf32>
    %add3A_518 = vector.broadcast %broadcast_in_dim3A_513 : vector<128x1xf32> to vector<128x128xf32>
    %add3A_519 = vector.broadcast %dot_general3A_515 : vector<1x128xf32> to vector<128x128xf32>
    %add3A_520 = arith.addf %add3A_518, %add3A_519 : vector<128x128xf32>
    %mul3A_521 = arith.constant 2.000000e+00 : f32
    %mul3A_522 = vector.broadcast %mul3A_521 : f32 to vector<128x128xf32>
    %mul3A_523 = arith.mulf %mul3A_522, %dot_general3A_517 : vector<128x128xf32>
    %sub3A_524 = arith.subf %add3A_520, %mul3A_523 : vector<128x128xf32>
    %max3A_525 = arith.constant 0.000000e+00 : f32
    %max3A_526 = vector.broadcast %max3A_525 : f32 to vector<128x128xf32>
    %max3A_527 = arith.maximumf %sub3A_524, %max3A_526 : vector<128x128xf32>
    %jit3A_528 = arith.constant 3.000000e+38 : f32
    %broadcast_in_dim3A_529 = vector.broadcast %jit3A_528 : f32 to vector<128x128xf32>
    %select_n3A_530 = arith.select %eq3A, %broadcast_in_dim3A_529, %max3A_527 : vector<128x128xi1>, vector<128x128xf32>
    %bitcast_convert_type3A_531 = tpu.bitcast %select_n3A_530 : vector<128x128xf32> -> vector<128x128xi32>
    %not3A_532 = arith.constant 127 : i32
    %not3A_533 = arith.constant -1 : i32
    %not3A_534 = arith.xori %not3A_532, %not3A_533 : i32
    %and3A_535 = vector.broadcast %not3A_534 : i32 to vector<128x128xi32>
    %and3A_536 = arith.andi %bitcast_convert_type3A_531, %and3A_535 : vector<128x128xi32>
    %or3A_537 = arith.ori %and3A_536, %iota3A : vector<128x128xi32>
    %swap3A_538 = arith.constant 11 : index
    %swap3A_539 = arith.constant 0 : index
    %swap3A_540 = arith.constant 0 : index
    %swap3A_541 = vector.load %arg10[%swap3A_538, %swap3A_539, %swap3A_540] : memref<32x128x128xi32, #tpu.memory_space<vmem>>, vector<1x128x128xi32>
    %swap3A_542 = vector.shape_cast %swap3A_541 : vector<1x128x128xi32> to vector<128x128xi32>
    %swap3A_543 = vector.shape_cast %or3A_537 : vector<128x128xi32> to vector<1x128x128xi32>
    tpu.vector_store %arg10[%swap3A_538, %swap3A_539, %swap3A_540], %swap3A_543 {strides = array<i32>} : memref<32x128x128xi32, #tpu.memory_space<vmem>>, vector<1x128x128xi32>,
    %slice3A_544 = vector.extract_strided_slice %max3A_28 {offsets = [1536, 0], sizes = [128, 64], strides = [1, 1]} : vector<4096x64xf32> to vector<128x64xf32>
    %transpose3A_545 = tpu.transpose %slice3A_544, [1, 0] : vector<128x64xf32> -> vector<64x128xf32>
    %swap3A_546 = arith.constant 12 : index
    %swap3A_547 = arith.constant 0 : index
    %swap3A_548 = arith.constant 0 : index
    %swap3A_549 = vector.load %arg9[%swap3A_546, %swap3A_547, %swap3A_548] : memref<32x64x128xf32, #tpu.memory_space<vmem>>, vector<1x64x128xf32>
    %swap3A_550 = vector.shape_cast %swap3A_549 : vector<1x64x128xf32> to vector<64x128xf32>
    %swap3A_551 = vector.shape_cast %transpose3A_545 : vector<64x128xf32> to vector<1x64x128xf32>
    tpu.vector_store %arg9[%swap3A_546, %swap3A_547, %swap3A_548], %swap3A_551 {strides = array<i32>} : memref<32x64x128xf32, #tpu.memory_space<vmem>>, vector<1x64x128xf32>,
    %mul3A_552 = arith.mulf %slice3A_544, %slice3A_544 : vector<128x64xf32>
    %reduce_sum3A_553 = arith.constant dense<0.000000e+00> : vector<128xf32>
    %reduce_sum3A_554 = vector.multi_reduction <add>, %mul3A_552, %reduce_sum3A_553 [1] : vector<128x64xf32> to vector<128xf32>
    %broadcast_in_dim3A_555 = vector.shape_cast %reduce_sum3A_554 : vector<128xf32> to vector<128x1xf32>
    %dot_general3A_556 = arith.constant dense<0.000000e+00> : vector<1x128xf32>
    %dot_general3A_557 = tpu.matmul %broadcast_in_dim3A_50, %mul3A_552, %dot_general3A_556 {dimension_numbers = #tpu.dot_dimension_numbers<[1], [1], [0], [0], [0, 0, 1, 0], [], []>, precision = #tpu.contract_precision<fp32>, transpose_lhs_hint = false} : vector<1x64xf32>, vector<128x64xf32>, vector<1x128xf32> -> vector<1x128xf32>
    %dot_general3A_558 = arith.constant dense<0.000000e+00> : vector<128x128xf32>
    %dot_general3A_559 = tpu.matmul %slice3A_544, %slice3A_544, %dot_general3A_558 {dimension_numbers = #tpu.dot_dimension_numbers<[1], [1], [0], [0], [0, 0, 1, 0], [], []>, precision = #tpu.contract_precision<fp32>, transpose_lhs_hint = false} : vector<128x64xf32>, vector<128x64xf32>, vector<128x128xf32> -> vector<128x128xf32>
    %add3A_560 = vector.broadcast %broadcast_in_dim3A_555 : vector<128x1xf32> to vector<128x128xf32>
    %add3A_561 = vector.broadcast %dot_general3A_557 : vector<1x128xf32> to vector<128x128xf32>
    %add3A_562 = arith.addf %add3A_560, %add3A_561 : vector<128x128xf32>
    %mul3A_563 = arith.constant 2.000000e+00 : f32
    %mul3A_564 = vector.broadcast %mul3A_563 : f32 to vector<128x128xf32>
    %mul3A_565 = arith.mulf %mul3A_564, %dot_general3A_559 : vector<128x128xf32>
    %sub3A_566 = arith.subf %add3A_562, %mul3A_565 : vector<128x128xf32>
    %max3A_567 = arith.constant 0.000000e+00 : f32
    %max3A_568 = vector.broadcast %max3A_567 : f32 to vector<128x128xf32>
    %max3A_569 = arith.maximumf %sub3A_566, %max3A_568 : vector<128x128xf32>
    %jit3A_570 = arith.constant 3.000000e+38 : f32
    %broadcast_in_dim3A_571 = vector.broadcast %jit3A_570 : f32 to vector<128x128xf32>
    %select_n3A_572 = arith.select %eq3A, %broadcast_in_dim3A_571, %max3A_569 : vector<128x128xi1>, vector<128x128xf32>
    %bitcast_convert_type3A_573 = tpu.bitcast %select_n3A_572 : vector<128x128xf32> -> vector<128x128xi32>
    %not3A_574 = arith.constant 127 : i32
    %not3A_575 = arith.constant -1 : i32
    %not3A_576 = arith.xori %not3A_574, %not3A_575 : i32
    %and3A_577 = vector.broadcast %not3A_576 : i32 to vector<128x128xi32>
    %and3A_578 = arith.andi %bitcast_convert_type3A_573, %and3A_577 : vector<128x128xi32>
    %or3A_579 = arith.ori %and3A_578, %iota3A : vector<128x128xi32>
    %swap3A_580 = arith.constant 12 : index
    %swap3A_581 = arith.constant 0 : index
    %swap3A_582 = arith.constant 0 : index
    %swap3A_583 = vector.load %arg10[%swap3A_580, %swap3A_581, %swap3A_582] : memref<32x128x128xi32, #tpu.memory_space<vmem>>, vector<1x128x128xi32>
    %swap3A_584 = vector.shape_cast %swap3A_583 : vector<1x128x128xi32> to vector<128x128xi32>
    %swap3A_585 = vector.shape_cast %or3A_579 : vector<128x128xi32> to vector<1x128x128xi32>
    tpu.vector_store %arg10[%swap3A_580, %swap3A_581, %swap3A_582], %swap3A_585 {strides = array<i32>} : memref<32x128x128xi32, #tpu.memory_space<vmem>>, vector<1x128x128xi32>,
    %slice3A_586 = vector.extract_strided_slice %max3A_28 {offsets = [1664, 0], sizes = [128, 64], strides = [1, 1]} : vector<4096x64xf32> to vector<128x64xf32>
    %transpose3A_587 = tpu.transpose %slice3A_586, [1, 0] : vector<128x64xf32> -> vector<64x128xf32>
    %swap3A_588 = arith.constant 13 : index
    %swap3A_589 = arith.constant 0 : index
    %swap3A_590 = arith.constant 0 : index
    %swap3A_591 = vector.load %arg9[%swap3A_588, %swap3A_589, %swap3A_590] : memref<32x64x128xf32, #tpu.memory_space<vmem>>, vector<1x64x128xf32>
    %swap3A_592 = vector.shape_cast %swap3A_591 : vector<1x64x128xf32> to vector<64x128xf32>
    %swap3A_593 = vector.shape_cast %transpose3A_587 : vector<64x128xf32> to vector<1x64x128xf32>
    tpu.vector_store %arg9[%swap3A_588, %swap3A_589, %swap3A_590], %swap3A_593 {strides = array<i32>} : memref<32x64x128xf32, #tpu.memory_space<vmem>>, vector<1x64x128xf32>,
    %mul3A_594 = arith.mulf %slice3A_586, %slice3A_586 : vector<128x64xf32>
    %reduce_sum3A_595 = arith.constant dense<0.000000e+00> : vector<128xf32>
    %reduce_sum3A_596 = vector.multi_reduction <add>, %mul3A_594, %reduce_sum3A_595 [1] : vector<128x64xf32> to vector<128xf32>
    %broadcast_in_dim3A_597 = vector.shape_cast %reduce_sum3A_596 : vector<128xf32> to vector<128x1xf32>
    %dot_general3A_598 = arith.constant dense<0.000000e+00> : vector<1x128xf32>
    %dot_general3A_599 = tpu.matmul %broadcast_in_dim3A_50, %mul3A_594, %dot_general3A_598 {dimension_numbers = #tpu.dot_dimension_numbers<[1], [1], [0], [0], [0, 0, 1, 0], [], []>, precision = #tpu.contract_precision<fp32>, transpose_lhs_hint = false} : vector<1x64xf32>, vector<128x64xf32>, vector<1x128xf32> -> vector<1x128xf32>
    %dot_general3A_600 = arith.constant dense<0.000000e+00> : vector<128x128xf32>
    %dot_general3A_601 = tpu.matmul %slice3A_586, %slice3A_586, %dot_general3A_600 {dimension_numbers = #tpu.dot_dimension_numbers<[1], [1], [0], [0], [0, 0, 1, 0], [], []>, precision = #tpu.contract_precision<fp32>, transpose_lhs_hint = false} : vector<128x64xf32>, vector<128x64xf32>, vector<128x128xf32> -> vector<128x128xf32>
    %add3A_602 = vector.broadcast %broadcast_in_dim3A_597 : vector<128x1xf32> to vector<128x128xf32>
    %add3A_603 = vector.broadcast %dot_general3A_599 : vector<1x128xf32> to vector<128x128xf32>
    %add3A_604 = arith.addf %add3A_602, %add3A_603 : vector<128x128xf32>
    %mul3A_605 = arith.constant 2.000000e+00 : f32
    %mul3A_606 = vector.broadcast %mul3A_605 : f32 to vector<128x128xf32>
    %mul3A_607 = arith.mulf %mul3A_606, %dot_general3A_601 : vector<128x128xf32>
    %sub3A_608 = arith.subf %add3A_604, %mul3A_607 : vector<128x128xf32>
    %max3A_609 = arith.constant 0.000000e+00 : f32
    %max3A_610 = vector.broadcast %max3A_609 : f32 to vector<128x128xf32>
    %max3A_611 = arith.maximumf %sub3A_608, %max3A_610 : vector<128x128xf32>
    %jit3A_612 = arith.constant 3.000000e+38 : f32
    %broadcast_in_dim3A_613 = vector.broadcast %jit3A_612 : f32 to vector<128x128xf32>
    %select_n3A_614 = arith.select %eq3A, %broadcast_in_dim3A_613, %max3A_611 : vector<128x128xi1>, vector<128x128xf32>
    %bitcast_convert_type3A_615 = tpu.bitcast %select_n3A_614 : vector<128x128xf32> -> vector<128x128xi32>
    %not3A_616 = arith.constant 127 : i32
    %not3A_617 = arith.constant -1 : i32
    %not3A_618 = arith.xori %not3A_616, %not3A_617 : i32
    %and3A_619 = vector.broadcast %not3A_618 : i32 to vector<128x128xi32>
    %and3A_620 = arith.andi %bitcast_convert_type3A_615, %and3A_619 : vector<128x128xi32>
    %or3A_621 = arith.ori %and3A_620, %iota3A : vector<128x128xi32>
    %swap3A_622 = arith.constant 13 : index
    %swap3A_623 = arith.constant 0 : index
    %swap3A_624 = arith.constant 0 : index
    %swap3A_625 = vector.load %arg10[%swap3A_622, %swap3A_623, %swap3A_624] : memref<32x128x128xi32, #tpu.memory_space<vmem>>, vector<1x128x128xi32>
    %swap3A_626 = vector.shape_cast %swap3A_625 : vector<1x128x128xi32> to vector<128x128xi32>
    %swap3A_627 = vector.shape_cast %or3A_621 : vector<128x128xi32> to vector<1x128x128xi32>
    tpu.vector_store %arg10[%swap3A_622, %swap3A_623, %swap3A_624], %swap3A_627 {strides = array<i32>} : memref<32x128x128xi32, #tpu.memory_space<vmem>>, vector<1x128x128xi32>,
    %slice3A_628 = vector.extract_strided_slice %max3A_28 {offsets = [1792, 0], sizes = [128, 64], strides = [1, 1]} : vector<4096x64xf32> to vector<128x64xf32>
    %transpose3A_629 = tpu.transpose %slice3A_628, [1, 0] : vector<128x64xf32> -> vector<64x128xf32>
    %swap3A_630 = arith.constant 14 : index
    %swap3A_631 = arith.constant 0 : index
    %swap3A_632 = arith.constant 0 : index
    %swap3A_633 = vector.load %arg9[%swap3A_630, %swap3A_631, %swap3A_632] : memref<32x64x128xf32, #tpu.memory_space<vmem>>, vector<1x64x128xf32>
    %swap3A_634 = vector.shape_cast %swap3A_633 : vector<1x64x128xf32> to vector<64x128xf32>
    %swap3A_635 = vector.shape_cast %transpose3A_629 : vector<64x128xf32> to vector<1x64x128xf32>
    tpu.vector_store %arg9[%swap3A_630, %swap3A_631, %swap3A_632], %swap3A_635 {strides = array<i32>} : memref<32x64x128xf32, #tpu.memory_space<vmem>>, vector<1x64x128xf32>,
    %mul3A_636 = arith.mulf %slice3A_628, %slice3A_628 : vector<128x64xf32>
    %reduce_sum3A_637 = arith.constant dense<0.000000e+00> : vector<128xf32>
    %reduce_sum3A_638 = vector.multi_reduction <add>, %mul3A_636, %reduce_sum3A_637 [1] : vector<128x64xf32> to vector<128xf32>
    %broadcast_in_dim3A_639 = vector.shape_cast %reduce_sum3A_638 : vector<128xf32> to vector<128x1xf32>
    %dot_general3A_640 = arith.constant dense<0.000000e+00> : vector<1x128xf32>
    %dot_general3A_641 = tpu.matmul %broadcast_in_dim3A_50, %mul3A_636, %dot_general3A_640 {dimension_numbers = #tpu.dot_dimension_numbers<[1], [1], [0], [0], [0, 0, 1, 0], [], []>, precision = #tpu.contract_precision<fp32>, transpose_lhs_hint = false} : vector<1x64xf32>, vector<128x64xf32>, vector<1x128xf32> -> vector<1x128xf32>
    %dot_general3A_642 = arith.constant dense<0.000000e+00> : vector<128x128xf32>
    %dot_general3A_643 = tpu.matmul %slice3A_628, %slice3A_628, %dot_general3A_642 {dimension_numbers = #tpu.dot_dimension_numbers<[1], [1], [0], [0], [0, 0, 1, 0], [], []>, precision = #tpu.contract_precision<fp32>, transpose_lhs_hint = false} : vector<128x64xf32>, vector<128x64xf32>, vector<128x128xf32> -> vector<128x128xf32>
    %add3A_644 = vector.broadcast %broadcast_in_dim3A_639 : vector<128x1xf32> to vector<128x128xf32>
    %add3A_645 = vector.broadcast %dot_general3A_641 : vector<1x128xf32> to vector<128x128xf32>
    %add3A_646 = arith.addf %add3A_644, %add3A_645 : vector<128x128xf32>
    %mul3A_647 = arith.constant 2.000000e+00 : f32
    %mul3A_648 = vector.broadcast %mul3A_647 : f32 to vector<128x128xf32>
    %mul3A_649 = arith.mulf %mul3A_648, %dot_general3A_643 : vector<128x128xf32>
    %sub3A_650 = arith.subf %add3A_646, %mul3A_649 : vector<128x128xf32>
    %max3A_651 = arith.constant 0.000000e+00 : f32
    %max3A_652 = vector.broadcast %max3A_651 : f32 to vector<128x128xf32>
    %max3A_653 = arith.maximumf %sub3A_650, %max3A_652 : vector<128x128xf32>
    %jit3A_654 = arith.constant 3.000000e+38 : f32
    %broadcast_in_dim3A_655 = vector.broadcast %jit3A_654 : f32 to vector<128x128xf32>
    %select_n3A_656 = arith.select %eq3A, %broadcast_in_dim3A_655, %max3A_653 : vector<128x128xi1>, vector<128x128xf32>
    %bitcast_convert_type3A_657 = tpu.bitcast %select_n3A_656 : vector<128x128xf32> -> vector<128x128xi32>
    %not3A_658 = arith.constant 127 : i32
    %not3A_659 = arith.constant -1 : i32
    %not3A_660 = arith.xori %not3A_658, %not3A_659 : i32
    %and3A_661 = vector.broadcast %not3A_660 : i32 to vector<128x128xi32>
    %and3A_662 = arith.andi %bitcast_convert_type3A_657, %and3A_661 : vector<128x128xi32>
    %or3A_663 = arith.ori %and3A_662, %iota3A : vector<128x128xi32>
    %swap3A_664 = arith.constant 14 : index
    %swap3A_665 = arith.constant 0 : index
    %swap3A_666 = arith.constant 0 : index
    %swap3A_667 = vector.load %arg10[%swap3A_664, %swap3A_665, %swap3A_666] : memref<32x128x128xi32, #tpu.memory_space<vmem>>, vector<1x128x128xi32>
    %swap3A_668 = vector.shape_cast %swap3A_667 : vector<1x128x128xi32> to vector<128x128xi32>
    %swap3A_669 = vector.shape_cast %or3A_663 : vector<128x128xi32> to vector<1x128x128xi32>
    tpu.vector_store %arg10[%swap3A_664, %swap3A_665, %swap3A_666], %swap3A_669 {strides = array<i32>} : memref<32x128x128xi32, #tpu.memory_space<vmem>>, vector<1x128x128xi32>,
    %slice3A_670 = vector.extract_strided_slice %max3A_28 {offsets = [1920, 0], sizes = [128, 64], strides = [1, 1]} : vector<4096x64xf32> to vector<128x64xf32>
    %transpose3A_671 = tpu.transpose %slice3A_670, [1, 0] : vector<128x64xf32> -> vector<64x128xf32>
    %swap3A_672 = arith.constant 15 : index
    %swap3A_673 = arith.constant 0 : index
    %swap3A_674 = arith.constant 0 : index
    %swap3A_675 = vector.load %arg9[%swap3A_672, %swap3A_673, %swap3A_674] : memref<32x64x128xf32, #tpu.memory_space<vmem>>, vector<1x64x128xf32>
    %swap3A_676 = vector.shape_cast %swap3A_675 : vector<1x64x128xf32> to vector<64x128xf32>
    %swap3A_677 = vector.shape_cast %transpose3A_671 : vector<64x128xf32> to vector<1x64x128xf32>
    tpu.vector_store %arg9[%swap3A_672, %swap3A_673, %swap3A_674], %swap3A_677 {strides = array<i32>} : memref<32x64x128xf32, #tpu.memory_space<vmem>>, vector<1x64x128xf32>,
    %mul3A_678 = arith.mulf %slice3A_670, %slice3A_670 : vector<128x64xf32>
    %reduce_sum3A_679 = arith.constant dense<0.000000e+00> : vector<128xf32>
    %reduce_sum3A_680 = vector.multi_reduction <add>, %mul3A_678, %reduce_sum3A_679 [1] : vector<128x64xf32> to vector<128xf32>
    %broadcast_in_dim3A_681 = vector.shape_cast %reduce_sum3A_680 : vector<128xf32> to vector<128x1xf32>
    %dot_general3A_682 = arith.constant dense<0.000000e+00> : vector<1x128xf32>
    %dot_general3A_683 = tpu.matmul %broadcast_in_dim3A_50, %mul3A_678, %dot_general3A_682 {dimension_numbers = #tpu.dot_dimension_numbers<[1], [1], [0], [0], [0, 0, 1, 0], [], []>, precision = #tpu.contract_precision<fp32>, transpose_lhs_hint = false} : vector<1x64xf32>, vector<128x64xf32>, vector<1x128xf32> -> vector<1x128xf32>
    %dot_general3A_684 = arith.constant dense<0.000000e+00> : vector<128x128xf32>
    %dot_general3A_685 = tpu.matmul %slice3A_670, %slice3A_670, %dot_general3A_684 {dimension_numbers = #tpu.dot_dimension_numbers<[1], [1], [0], [0], [0, 0, 1, 0], [], []>, precision = #tpu.contract_precision<fp32>, transpose_lhs_hint = false} : vector<128x64xf32>, vector<128x64xf32>, vector<128x128xf32> -> vector<128x128xf32>
    %add3A_686 = vector.broadcast %broadcast_in_dim3A_681 : vector<128x1xf32> to vector<128x128xf32>
    %add3A_687 = vector.broadcast %dot_general3A_683 : vector<1x128xf32> to vector<128x128xf32>
    %add3A_688 = arith.addf %add3A_686, %add3A_687 : vector<128x128xf32>
    %mul3A_689 = arith.constant 2.000000e+00 : f32
    %mul3A_690 = vector.broadcast %mul3A_689 : f32 to vector<128x128xf32>
    %mul3A_691 = arith.mulf %mul3A_690, %dot_general3A_685 : vector<128x128xf32>
    %sub3A_692 = arith.subf %add3A_688, %mul3A_691 : vector<128x128xf32>
    %max3A_693 = arith.constant 0.000000e+00 : f32
    %max3A_694 = vector.broadcast %max3A_693 : f32 to vector<128x128xf32>
    %max3A_695 = arith.maximumf %sub3A_692, %max3A_694 : vector<128x128xf32>
    %jit3A_696 = arith.constant 3.000000e+38 : f32
    %broadcast_in_dim3A_697 = vector.broadcast %jit3A_696 : f32 to vector<128x128xf32>
    %select_n3A_698 = arith.select %eq3A, %broadcast_in_dim3A_697, %max3A_695 : vector<128x128xi1>, vector<128x128xf32>
    %bitcast_convert_type3A_699 = tpu.bitcast %select_n3A_698 : vector<128x128xf32> -> vector<128x128xi32>
    %not3A_700 = arith.constant 127 : i32
    %not3A_701 = arith.constant -1 : i32
    %not3A_702 = arith.xori %not3A_700, %not3A_701 : i32
    %and3A_703 = vector.broadcast %not3A_702 : i32 to vector<128x128xi32>
    %and3A_704 = arith.andi %bitcast_convert_type3A_699, %and3A_703 : vector<128x128xi32>
    %or3A_705 = arith.ori %and3A_704, %iota3A : vector<128x128xi32>
    %swap3A_706 = arith.constant 15 : index
    %swap3A_707 = arith.constant 0 : index
    %swap3A_708 = arith.constant 0 : index
    %swap3A_709 = vector.load %arg10[%swap3A_706, %swap3A_707, %swap3A_708] : memref<32x128x128xi32, #tpu.memory_space<vmem>>, vector<1x128x128xi32>
    %swap3A_710 = vector.shape_cast %swap3A_709 : vector<1x128x128xi32> to vector<128x128xi32>
    %swap3A_711 = vector.shape_cast %or3A_705 : vector<128x128xi32> to vector<1x128x128xi32>
    tpu.vector_store %arg10[%swap3A_706, %swap3A_707, %swap3A_708], %swap3A_711 {strides = array<i32>} : memref<32x128x128xi32, #tpu.memory_space<vmem>>, vector<1x128x128xi32>,
    %slice3A_712 = vector.extract_strided_slice %max3A_28 {offsets = [2048, 0], sizes = [128, 64], strides = [1, 1]} : vector<4096x64xf32> to vector<128x64xf32>
    %transpose3A_713 = tpu.transpose %slice3A_712, [1, 0] : vector<128x64xf32> -> vector<64x128xf32>
    %swap3A_714 = arith.constant 16 : index
    %swap3A_715 = arith.constant 0 : index
    %swap3A_716 = arith.constant 0 : index
    %swap3A_717 = vector.load %arg9[%swap3A_714, %swap3A_715, %swap3A_716] : memref<32x64x128xf32, #tpu.memory_space<vmem>>, vector<1x64x128xf32>
    %swap3A_718 = vector.shape_cast %swap3A_717 : vector<1x64x128xf32> to vector<64x128xf32>
    %swap3A_719 = vector.shape_cast %transpose3A_713 : vector<64x128xf32> to vector<1x64x128xf32>
    tpu.vector_store %arg9[%swap3A_714, %swap3A_715, %swap3A_716], %swap3A_719 {strides = array<i32>} : memref<32x64x128xf32, #tpu.memory_space<vmem>>, vector<1x64x128xf32>,
    %mul3A_720 = arith.mulf %slice3A_712, %slice3A_712 : vector<128x64xf32>
    %reduce_sum3A_721 = arith.constant dense<0.000000e+00> : vector<128xf32>
    %reduce_sum3A_722 = vector.multi_reduction <add>, %mul3A_720, %reduce_sum3A_721 [1] : vector<128x64xf32> to vector<128xf32>
    %broadcast_in_dim3A_723 = vector.shape_cast %reduce_sum3A_722 : vector<128xf32> to vector<128x1xf32>
    %dot_general3A_724 = arith.constant dense<0.000000e+00> : vector<1x128xf32>
    %dot_general3A_725 = tpu.matmul %broadcast_in_dim3A_50, %mul3A_720, %dot_general3A_724 {dimension_numbers = #tpu.dot_dimension_numbers<[1], [1], [0], [0], [0, 0, 1, 0], [], []>, precision = #tpu.contract_precision<fp32>, transpose_lhs_hint = false} : vector<1x64xf32>, vector<128x64xf32>, vector<1x128xf32> -> vector<1x128xf32>
    %dot_general3A_726 = arith.constant dense<0.000000e+00> : vector<128x128xf32>
    %dot_general3A_727 = tpu.matmul %slice3A_712, %slice3A_712, %dot_general3A_726 {dimension_numbers = #tpu.dot_dimension_numbers<[1], [1], [0], [0], [0, 0, 1, 0], [], []>, precision = #tpu.contract_precision<fp32>, transpose_lhs_hint = false} : vector<128x64xf32>, vector<128x64xf32>, vector<128x128xf32> -> vector<128x128xf32>
    %add3A_728 = vector.broadcast %broadcast_in_dim3A_723 : vector<128x1xf32> to vector<128x128xf32>
    %add3A_729 = vector.broadcast %dot_general3A_725 : vector<1x128xf32> to vector<128x128xf32>
    %add3A_730 = arith.addf %add3A_728, %add3A_729 : vector<128x128xf32>
    %mul3A_731 = arith.constant 2.000000e+00 : f32
    %mul3A_732 = vector.broadcast %mul3A_731 : f32 to vector<128x128xf32>
    %mul3A_733 = arith.mulf %mul3A_732, %dot_general3A_727 : vector<128x128xf32>
    %sub3A_734 = arith.subf %add3A_730, %mul3A_733 : vector<128x128xf32>
    %max3A_735 = arith.constant 0.000000e+00 : f32
    %max3A_736 = vector.broadcast %max3A_735 : f32 to vector<128x128xf32>
    %max3A_737 = arith.maximumf %sub3A_734, %max3A_736 : vector<128x128xf32>
    %jit3A_738 = arith.constant 3.000000e+38 : f32
    %broadcast_in_dim3A_739 = vector.broadcast %jit3A_738 : f32 to vector<128x128xf32>
    %select_n3A_740 = arith.select %eq3A, %broadcast_in_dim3A_739, %max3A_737 : vector<128x128xi1>, vector<128x128xf32>
    %bitcast_convert_type3A_741 = tpu.bitcast %select_n3A_740 : vector<128x128xf32> -> vector<128x128xi32>
    %not3A_742 = arith.constant 127 : i32
    %not3A_743 = arith.constant -1 : i32
    %not3A_744 = arith.xori %not3A_742, %not3A_743 : i32
    %and3A_745 = vector.broadcast %not3A_744 : i32 to vector<128x128xi32>
    %and3A_746 = arith.andi %bitcast_convert_type3A_741, %and3A_745 : vector<128x128xi32>
    %or3A_747 = arith.ori %and3A_746, %iota3A : vector<128x128xi32>
    %swap3A_748 = arith.constant 16 : index
    %swap3A_749 = arith.constant 0 : index
    %swap3A_750 = arith.constant 0 : index
    %swap3A_751 = vector.load %arg10[%swap3A_748, %swap3A_749, %swap3A_750] : memref<32x128x128xi32, #tpu.memory_space<vmem>>, vector<1x128x128xi32>
    %swap3A_752 = vector.shape_cast %swap3A_751 : vector<1x128x128xi32> to vector<128x128xi32>
    %swap3A_753 = vector.shape_cast %or3A_747 : vector<128x128xi32> to vector<1x128x128xi32>
    tpu.vector_store %arg10[%swap3A_748, %swap3A_749, %swap3A_750], %swap3A_753 {strides = array<i32>} : memref<32x128x128xi32, #tpu.memory_space<vmem>>, vector<1x128x128xi32>,
    %slice3A_754 = vector.extract_strided_slice %max3A_28 {offsets = [2176, 0], sizes = [128, 64], strides = [1, 1]} : vector<4096x64xf32> to vector<128x64xf32>
    %transpose3A_755 = tpu.transpose %slice3A_754, [1, 0] : vector<128x64xf32> -> vector<64x128xf32>
    %swap3A_756 = arith.constant 17 : index
    %swap3A_757 = arith.constant 0 : index
    %swap3A_758 = arith.constant 0 : index
    %swap3A_759 = vector.load %arg9[%swap3A_756, %swap3A_757, %swap3A_758] : memref<32x64x128xf32, #tpu.memory_space<vmem>>, vector<1x64x128xf32>
    %swap3A_760 = vector.shape_cast %swap3A_759 : vector<1x64x128xf32> to vector<64x128xf32>
    %swap3A_761 = vector.shape_cast %transpose3A_755 : vector<64x128xf32> to vector<1x64x128xf32>
    tpu.vector_store %arg9[%swap3A_756, %swap3A_757, %swap3A_758], %swap3A_761 {strides = array<i32>} : memref<32x64x128xf32, #tpu.memory_space<vmem>>, vector<1x64x128xf32>,
    %mul3A_762 = arith.mulf %slice3A_754, %slice3A_754 : vector<128x64xf32>
    %reduce_sum3A_763 = arith.constant dense<0.000000e+00> : vector<128xf32>
    %reduce_sum3A_764 = vector.multi_reduction <add>, %mul3A_762, %reduce_sum3A_763 [1] : vector<128x64xf32> to vector<128xf32>
    %broadcast_in_dim3A_765 = vector.shape_cast %reduce_sum3A_764 : vector<128xf32> to vector<128x1xf32>
    %dot_general3A_766 = arith.constant dense<0.000000e+00> : vector<1x128xf32>
    %dot_general3A_767 = tpu.matmul %broadcast_in_dim3A_50, %mul3A_762, %dot_general3A_766 {dimension_numbers = #tpu.dot_dimension_numbers<[1], [1], [0], [0], [0, 0, 1, 0], [], []>, precision = #tpu.contract_precision<fp32>, transpose_lhs_hint = false} : vector<1x64xf32>, vector<128x64xf32>, vector<1x128xf32> -> vector<1x128xf32>
    %dot_general3A_768 = arith.constant dense<0.000000e+00> : vector<128x128xf32>
    %dot_general3A_769 = tpu.matmul %slice3A_754, %slice3A_754, %dot_general3A_768 {dimension_numbers = #tpu.dot_dimension_numbers<[1], [1], [0], [0], [0, 0, 1, 0], [], []>, precision = #tpu.contract_precision<fp32>, transpose_lhs_hint = false} : vector<128x64xf32>, vector<128x64xf32>, vector<128x128xf32> -> vector<128x128xf32>
    %add3A_770 = vector.broadcast %broadcast_in_dim3A_765 : vector<128x1xf32> to vector<128x128xf32>
    %add3A_771 = vector.broadcast %dot_general3A_767 : vector<1x128xf32> to vector<128x128xf32>
    %add3A_772 = arith.addf %add3A_770, %add3A_771 : vector<128x128xf32>
    %mul3A_773 = arith.constant 2.000000e+00 : f32
    %mul3A_774 = vector.broadcast %mul3A_773 : f32 to vector<128x128xf32>
    %mul3A_775 = arith.mulf %mul3A_774, %dot_general3A_769 : vector<128x128xf32>
    %sub3A_776 = arith.subf %add3A_772, %mul3A_775 : vector<128x128xf32>
    %max3A_777 = arith.constant 0.000000e+00 : f32
    %max3A_778 = vector.broadcast %max3A_777 : f32 to vector<128x128xf32>
    %max3A_779 = arith.maximumf %sub3A_776, %max3A_778 : vector<128x128xf32>
    %jit3A_780 = arith.constant 3.000000e+38 : f32
    %broadcast_in_dim3A_781 = vector.broadcast %jit3A_780 : f32 to vector<128x128xf32>
    %select_n3A_782 = arith.select %eq3A, %broadcast_in_dim3A_781, %max3A_779 : vector<128x128xi1>, vector<128x128xf32>
    %bitcast_convert_type3A_783 = tpu.bitcast %select_n3A_782 : vector<128x128xf32> -> vector<128x128xi32>
    %not3A_784 = arith.constant 127 : i32
    %not3A_785 = arith.constant -1 : i32
    %not3A_786 = arith.xori %not3A_784, %not3A_785 : i32
    %and3A_787 = vector.broadcast %not3A_786 : i32 to vector<128x128xi32>
    %and3A_788 = arith.andi %bitcast_convert_type3A_783, %and3A_787 : vector<128x128xi32>
    %or3A_789 = arith.ori %and3A_788, %iota3A : vector<128x128xi32>
    %swap3A_790 = arith.constant 17 : index
    %swap3A_791 = arith.constant 0 : index
    %swap3A_792 = arith.constant 0 : index
    %swap3A_793 = vector.load %arg10[%swap3A_790, %swap3A_791, %swap3A_792] : memref<32x128x128xi32, #tpu.memory_space<vmem>>, vector<1x128x128xi32>
    %swap3A_794 = vector.shape_cast %swap3A_793 : vector<1x128x128xi32> to vector<128x128xi32>
    %swap3A_795 = vector.shape_cast %or3A_789 : vector<128x128xi32> to vector<1x128x128xi32>
    tpu.vector_store %arg10[%swap3A_790, %swap3A_791, %swap3A_792], %swap3A_795 {strides = array<i32>} : memref<32x128x128xi32, #tpu.memory_space<vmem>>, vector<1x128x128xi32>,
    %slice3A_796 = vector.extract_strided_slice %max3A_28 {offsets = [2304, 0], sizes = [128, 64], strides = [1, 1]} : vector<4096x64xf32> to vector<128x64xf32>
    %transpose3A_797 = tpu.transpose %slice3A_796, [1, 0] : vector<128x64xf32> -> vector<64x128xf32>
    %swap3A_798 = arith.constant 18 : index
    %swap3A_799 = arith.constant 0 : index
    %swap3A_800 = arith.constant 0 : index
    %swap3A_801 = vector.load %arg9[%swap3A_798, %swap3A_799, %swap3A_800] : memref<32x64x128xf32, #tpu.memory_space<vmem>>, vector<1x64x128xf32>
    %swap3A_802 = vector.shape_cast %swap3A_801 : vector<1x64x128xf32> to vector<64x128xf32>
    %swap3A_803 = vector.shape_cast %transpose3A_797 : vector<64x128xf32> to vector<1x64x128xf32>
    tpu.vector_store %arg9[%swap3A_798, %swap3A_799, %swap3A_800], %swap3A_803 {strides = array<i32>} : memref<32x64x128xf32, #tpu.memory_space<vmem>>, vector<1x64x128xf32>,
    %mul3A_804 = arith.mulf %slice3A_796, %slice3A_796 : vector<128x64xf32>
    %reduce_sum3A_805 = arith.constant dense<0.000000e+00> : vector<128xf32>
    %reduce_sum3A_806 = vector.multi_reduction <add>, %mul3A_804, %reduce_sum3A_805 [1] : vector<128x64xf32> to vector<128xf32>
    %broadcast_in_dim3A_807 = vector.shape_cast %reduce_sum3A_806 : vector<128xf32> to vector<128x1xf32>
    %dot_general3A_808 = arith.constant dense<0.000000e+00> : vector<1x128xf32>
    %dot_general3A_809 = tpu.matmul %broadcast_in_dim3A_50, %mul3A_804, %dot_general3A_808 {dimension_numbers = #tpu.dot_dimension_numbers<[1], [1], [0], [0], [0, 0, 1, 0], [], []>, precision = #tpu.contract_precision<fp32>, transpose_lhs_hint = false} : vector<1x64xf32>, vector<128x64xf32>, vector<1x128xf32> -> vector<1x128xf32>
    %dot_general3A_810 = arith.constant dense<0.000000e+00> : vector<128x128xf32>
    %dot_general3A_811 = tpu.matmul %slice3A_796, %slice3A_796, %dot_general3A_810 {dimension_numbers = #tpu.dot_dimension_numbers<[1], [1], [0], [0], [0, 0, 1, 0], [], []>, precision = #tpu.contract_precision<fp32>, transpose_lhs_hint = false} : vector<128x64xf32>, vector<128x64xf32>, vector<128x128xf32> -> vector<128x128xf32>
    %add3A_812 = vector.broadcast %broadcast_in_dim3A_807 : vector<128x1xf32> to vector<128x128xf32>
    %add3A_813 = vector.broadcast %dot_general3A_809 : vector<1x128xf32> to vector<128x128xf32>
    %add3A_814 = arith.addf %add3A_812, %add3A_813 : vector<128x128xf32>
    %mul3A_815 = arith.constant 2.000000e+00 : f32
    %mul3A_816 = vector.broadcast %mul3A_815 : f32 to vector<128x128xf32>
    %mul3A_817 = arith.mulf %mul3A_816, %dot_general3A_811 : vector<128x128xf32>
    %sub3A_818 = arith.subf %add3A_814, %mul3A_817 : vector<128x128xf32>
    %max3A_819 = arith.constant 0.000000e+00 : f32
    %max3A_820 = vector.broadcast %max3A_819 : f32 to vector<128x128xf32>
    %max3A_821 = arith.maximumf %sub3A_818, %max3A_820 : vector<128x128xf32>
    %jit3A_822 = arith.constant 3.000000e+38 : f32
    %broadcast_in_dim3A_823 = vector.broadcast %jit3A_822 : f32 to vector<128x128xf32>
    %select_n3A_824 = arith.select %eq3A, %broadcast_in_dim3A_823, %max3A_821 : vector<128x128xi1>, vector<128x128xf32>
    %bitcast_convert_type3A_825 = tpu.bitcast %select_n3A_824 : vector<128x128xf32> -> vector<128x128xi32>
    %not3A_826 = arith.constant 127 : i32
    %not3A_827 = arith.constant -1 : i32
    %not3A_828 = arith.xori %not3A_826, %not3A_827 : i32
    %and3A_829 = vector.broadcast %not3A_828 : i32 to vector<128x128xi32>
    %and3A_830 = arith.andi %bitcast_convert_type3A_825, %and3A_829 : vector<128x128xi32>
    %or3A_831 = arith.ori %and3A_830, %iota3A : vector<128x128xi32>
    %swap3A_832 = arith.constant 18 : index
    %swap3A_833 = arith.constant 0 : index
    %swap3A_834 = arith.constant 0 : index
    %swap3A_835 = vector.load %arg10[%swap3A_832, %swap3A_833, %swap3A_834] : memref<32x128x128xi32, #tpu.memory_space<vmem>>, vector<1x128x128xi32>
    %swap3A_836 = vector.shape_cast %swap3A_835 : vector<1x128x128xi32> to vector<128x128xi32>
    %swap3A_837 = vector.shape_cast %or3A_831 : vector<128x128xi32> to vector<1x128x128xi32>
    tpu.vector_store %arg10[%swap3A_832, %swap3A_833, %swap3A_834], %swap3A_837 {strides = array<i32>} : memref<32x128x128xi32, #tpu.memory_space<vmem>>, vector<1x128x128xi32>,
    %slice3A_838 = vector.extract_strided_slice %max3A_28 {offsets = [2432, 0], sizes = [128, 64], strides = [1, 1]} : vector<4096x64xf32> to vector<128x64xf32>
    %transpose3A_839 = tpu.transpose %slice3A_838, [1, 0] : vector<128x64xf32> -> vector<64x128xf32>
    %swap3A_840 = arith.constant 19 : index
    %swap3A_841 = arith.constant 0 : index
    %swap3A_842 = arith.constant 0 : index
    %swap3A_843 = vector.load %arg9[%swap3A_840, %swap3A_841, %swap3A_842] : memref<32x64x128xf32, #tpu.memory_space<vmem>>, vector<1x64x128xf32>
    %swap3A_844 = vector.shape_cast %swap3A_843 : vector<1x64x128xf32> to vector<64x128xf32>
    %swap3A_845 = vector.shape_cast %transpose3A_839 : vector<64x128xf32> to vector<1x64x128xf32>
    tpu.vector_store %arg9[%swap3A_840, %swap3A_841, %swap3A_842], %swap3A_845 {strides = array<i32>} : memref<32x64x128xf32, #tpu.memory_space<vmem>>, vector<1x64x128xf32>,
    %mul3A_846 = arith.mulf %slice3A_838, %slice3A_838 : vector<128x64xf32>
    %reduce_sum3A_847 = arith.constant dense<0.000000e+00> : vector<128xf32>
    %reduce_sum3A_848 = vector.multi_reduction <add>, %mul3A_846, %reduce_sum3A_847 [1] : vector<128x64xf32> to vector<128xf32>
    %broadcast_in_dim3A_849 = vector.shape_cast %reduce_sum3A_848 : vector<128xf32> to vector<128x1xf32>
    %dot_general3A_850 = arith.constant dense<0.000000e+00> : vector<1x128xf32>
    %dot_general3A_851 = tpu.matmul %broadcast_in_dim3A_50, %mul3A_846, %dot_general3A_850 {dimension_numbers = #tpu.dot_dimension_numbers<[1], [1], [0], [0], [0, 0, 1, 0], [], []>, precision = #tpu.contract_precision<fp32>, transpose_lhs_hint = false} : vector<1x64xf32>, vector<128x64xf32>, vector<1x128xf32> -> vector<1x128xf32>
    %dot_general3A_852 = arith.constant dense<0.000000e+00> : vector<128x128xf32>
    %dot_general3A_853 = tpu.matmul %slice3A_838, %slice3A_838, %dot_general3A_852 {dimension_numbers = #tpu.dot_dimension_numbers<[1], [1], [0], [0], [0, 0, 1, 0], [], []>, precision = #tpu.contract_precision<fp32>, transpose_lhs_hint = false} : vector<128x64xf32>, vector<128x64xf32>, vector<128x128xf32> -> vector<128x128xf32>
    %add3A_854 = vector.broadcast %broadcast_in_dim3A_849 : vector<128x1xf32> to vector<128x128xf32>
    %add3A_855 = vector.broadcast %dot_general3A_851 : vector<1x128xf32> to vector<128x128xf32>
    %add3A_856 = arith.addf %add3A_854, %add3A_855 : vector<128x128xf32>
    %mul3A_857 = arith.constant 2.000000e+00 : f32
    %mul3A_858 = vector.broadcast %mul3A_857 : f32 to vector<128x128xf32>
    %mul3A_859 = arith.mulf %mul3A_858, %dot_general3A_853 : vector<128x128xf32>
    %sub3A_860 = arith.subf %add3A_856, %mul3A_859 : vector<128x128xf32>
    %max3A_861 = arith.constant 0.000000e+00 : f32
    %max3A_862 = vector.broadcast %max3A_861 : f32 to vector<128x128xf32>
    %max3A_863 = arith.maximumf %sub3A_860, %max3A_862 : vector<128x128xf32>
    %jit3A_864 = arith.constant 3.000000e+38 : f32
    %broadcast_in_dim3A_865 = vector.broadcast %jit3A_864 : f32 to vector<128x128xf32>
    %select_n3A_866 = arith.select %eq3A, %broadcast_in_dim3A_865, %max3A_863 : vector<128x128xi1>, vector<128x128xf32>
    %bitcast_convert_type3A_867 = tpu.bitcast %select_n3A_866 : vector<128x128xf32> -> vector<128x128xi32>
    %not3A_868 = arith.constant 127 : i32
    %not3A_869 = arith.constant -1 : i32
    %not3A_870 = arith.xori %not3A_868, %not3A_869 : i32
    %and3A_871 = vector.broadcast %not3A_870 : i32 to vector<128x128xi32>
    %and3A_872 = arith.andi %bitcast_convert_type3A_867, %and3A_871 : vector<128x128xi32>
    %or3A_873 = arith.ori %and3A_872, %iota3A : vector<128x128xi32>
    %swap3A_874 = arith.constant 19 : index
    %swap3A_875 = arith.constant 0 : index
    %swap3A_876 = arith.constant 0 : index
    %swap3A_877 = vector.load %arg10[%swap3A_874, %swap3A_875, %swap3A_876] : memref<32x128x128xi32, #tpu.memory_space<vmem>>, vector<1x128x128xi32>
    %swap3A_878 = vector.shape_cast %swap3A_877 : vector<1x128x128xi32> to vector<128x128xi32>
    %swap3A_879 = vector.shape_cast %or3A_873 : vector<128x128xi32> to vector<1x128x128xi32>
    tpu.vector_store %arg10[%swap3A_874, %swap3A_875, %swap3A_876], %swap3A_879 {strides = array<i32>} : memref<32x128x128xi32, #tpu.memory_space<vmem>>, vector<1x128x128xi32>,
    %slice3A_880 = vector.extract_strided_slice %max3A_28 {offsets = [2560, 0], sizes = [128, 64], strides = [1, 1]} : vector<4096x64xf32> to vector<128x64xf32>
    %transpose3A_881 = tpu.transpose %slice3A_880, [1, 0] : vector<128x64xf32> -> vector<64x128xf32>
    %swap3A_882 = arith.constant 20 : index
    %swap3A_883 = arith.constant 0 : index
    %swap3A_884 = arith.constant 0 : index
    %swap3A_885 = vector.load %arg9[%swap3A_882, %swap3A_883, %swap3A_884] : memref<32x64x128xf32, #tpu.memory_space<vmem>>, vector<1x64x128xf32>
    %swap3A_886 = vector.shape_cast %swap3A_885 : vector<1x64x128xf32> to vector<64x128xf32>
    %swap3A_887 = vector.shape_cast %transpose3A_881 : vector<64x128xf32> to vector<1x64x128xf32>
    tpu.vector_store %arg9[%swap3A_882, %swap3A_883, %swap3A_884], %swap3A_887 {strides = array<i32>} : memref<32x64x128xf32, #tpu.memory_space<vmem>>, vector<1x64x128xf32>,
    %mul3A_888 = arith.mulf %slice3A_880, %slice3A_880 : vector<128x64xf32>
    %reduce_sum3A_889 = arith.constant dense<0.000000e+00> : vector<128xf32>
    %reduce_sum3A_890 = vector.multi_reduction <add>, %mul3A_888, %reduce_sum3A_889 [1] : vector<128x64xf32> to vector<128xf32>
    %broadcast_in_dim3A_891 = vector.shape_cast %reduce_sum3A_890 : vector<128xf32> to vector<128x1xf32>
    %dot_general3A_892 = arith.constant dense<0.000000e+00> : vector<1x128xf32>
    %dot_general3A_893 = tpu.matmul %broadcast_in_dim3A_50, %mul3A_888, %dot_general3A_892 {dimension_numbers = #tpu.dot_dimension_numbers<[1], [1], [0], [0], [0, 0, 1, 0], [], []>, precision = #tpu.contract_precision<fp32>, transpose_lhs_hint = false} : vector<1x64xf32>, vector<128x64xf32>, vector<1x128xf32> -> vector<1x128xf32>
    %dot_general3A_894 = arith.constant dense<0.000000e+00> : vector<128x128xf32>
    %dot_general3A_895 = tpu.matmul %slice3A_880, %slice3A_880, %dot_general3A_894 {dimension_numbers = #tpu.dot_dimension_numbers<[1], [1], [0], [0], [0, 0, 1, 0], [], []>, precision = #tpu.contract_precision<fp32>, transpose_lhs_hint = false} : vector<128x64xf32>, vector<128x64xf32>, vector<128x128xf32> -> vector<128x128xf32>
    %add3A_896 = vector.broadcast %broadcast_in_dim3A_891 : vector<128x1xf32> to vector<128x128xf32>
    %add3A_897 = vector.broadcast %dot_general3A_893 : vector<1x128xf32> to vector<128x128xf32>
    %add3A_898 = arith.addf %add3A_896, %add3A_897 : vector<128x128xf32>
    %mul3A_899 = arith.constant 2.000000e+00 : f32
    %mul3A_900 = vector.broadcast %mul3A_899 : f32 to vector<128x128xf32>
    %mul3A_901 = arith.mulf %mul3A_900, %dot_general3A_895 : vector<128x128xf32>
    %sub3A_902 = arith.subf %add3A_898, %mul3A_901 : vector<128x128xf32>
    %max3A_903 = arith.constant 0.000000e+00 : f32
    %max3A_904 = vector.broadcast %max3A_903 : f32 to vector<128x128xf32>
    %max3A_905 = arith.maximumf %sub3A_902, %max3A_904 : vector<128x128xf32>
    %jit3A_906 = arith.constant 3.000000e+38 : f32
    %broadcast_in_dim3A_907 = vector.broadcast %jit3A_906 : f32 to vector<128x128xf32>
    %select_n3A_908 = arith.select %eq3A, %broadcast_in_dim3A_907, %max3A_905 : vector<128x128xi1>, vector<128x128xf32>
    %bitcast_convert_type3A_909 = tpu.bitcast %select_n3A_908 : vector<128x128xf32> -> vector<128x128xi32>
    %not3A_910 = arith.constant 127 : i32
    %not3A_911 = arith.constant -1 : i32
    %not3A_912 = arith.xori %not3A_910, %not3A_911 : i32
    %and3A_913 = vector.broadcast %not3A_912 : i32 to vector<128x128xi32>
    %and3A_914 = arith.andi %bitcast_convert_type3A_909, %and3A_913 : vector<128x128xi32>
    %or3A_915 = arith.ori %and3A_914, %iota3A : vector<128x128xi32>
    %swap3A_916 = arith.constant 20 : index
    %swap3A_917 = arith.constant 0 : index
    %swap3A_918 = arith.constant 0 : index
    %swap3A_919 = vector.load %arg10[%swap3A_916, %swap3A_917, %swap3A_918] : memref<32x128x128xi32, #tpu.memory_space<vmem>>, vector<1x128x128xi32>
    %swap3A_920 = vector.shape_cast %swap3A_919 : vector<1x128x128xi32> to vector<128x128xi32>
    %swap3A_921 = vector.shape_cast %or3A_915 : vector<128x128xi32> to vector<1x128x128xi32>
    tpu.vector_store %arg10[%swap3A_916, %swap3A_917, %swap3A_918], %swap3A_921 {strides = array<i32>} : memref<32x128x128xi32, #tpu.memory_space<vmem>>, vector<1x128x128xi32>,
    %slice3A_922 = vector.extract_strided_slice %max3A_28 {offsets = [2688, 0], sizes = [128, 64], strides = [1, 1]} : vector<4096x64xf32> to vector<128x64xf32>
    %transpose3A_923 = tpu.transpose %slice3A_922, [1, 0] : vector<128x64xf32> -> vector<64x128xf32>
    %swap3A_924 = arith.constant 21 : index
    %swap3A_925 = arith.constant 0 : index
    %swap3A_926 = arith.constant 0 : index
    %swap3A_927 = vector.load %arg9[%swap3A_924, %swap3A_925, %swap3A_926] : memref<32x64x128xf32, #tpu.memory_space<vmem>>, vector<1x64x128xf32>
    %swap3A_928 = vector.shape_cast %swap3A_927 : vector<1x64x128xf32> to vector<64x128xf32>
    %swap3A_929 = vector.shape_cast %transpose3A_923 : vector<64x128xf32> to vector<1x64x128xf32>
    tpu.vector_store %arg9[%swap3A_924, %swap3A_925, %swap3A_926], %swap3A_929 {strides = array<i32>} : memref<32x64x128xf32, #tpu.memory_space<vmem>>, vector<1x64x128xf32>,
    %mul3A_930 = arith.mulf %slice3A_922, %slice3A_922 : vector<128x64xf32>
    %reduce_sum3A_931 = arith.constant dense<0.000000e+00> : vector<128xf32>
    %reduce_sum3A_932 = vector.multi_reduction <add>, %mul3A_930, %reduce_sum3A_931 [1] : vector<128x64xf32> to vector<128xf32>
    %broadcast_in_dim3A_933 = vector.shape_cast %reduce_sum3A_932 : vector<128xf32> to vector<128x1xf32>
    %dot_general3A_934 = arith.constant dense<0.000000e+00> : vector<1x128xf32>
    %dot_general3A_935 = tpu.matmul %broadcast_in_dim3A_50, %mul3A_930, %dot_general3A_934 {dimension_numbers = #tpu.dot_dimension_numbers<[1], [1], [0], [0], [0, 0, 1, 0], [], []>, precision = #tpu.contract_precision<fp32>, transpose_lhs_hint = false} : vector<1x64xf32>, vector<128x64xf32>, vector<1x128xf32> -> vector<1x128xf32>
    %dot_general3A_936 = arith.constant dense<0.000000e+00> : vector<128x128xf32>
    %dot_general3A_937 = tpu.matmul %slice3A_922, %slice3A_922, %dot_general3A_936 {dimension_numbers = #tpu.dot_dimension_numbers<[1], [1], [0], [0], [0, 0, 1, 0], [], []>, precision = #tpu.contract_precision<fp32>, transpose_lhs_hint = false} : vector<128x64xf32>, vector<128x64xf32>, vector<128x128xf32> -> vector<128x128xf32>
    %add3A_938 = vector.broadcast %broadcast_in_dim3A_933 : vector<128x1xf32> to vector<128x128xf32>
    %add3A_939 = vector.broadcast %dot_general3A_935 : vector<1x128xf32> to vector<128x128xf32>
    %add3A_940 = arith.addf %add3A_938, %add3A_939 : vector<128x128xf32>
    %mul3A_941 = arith.constant 2.000000e+00 : f32
    %mul3A_942 = vector.broadcast %mul3A_941 : f32 to vector<128x128xf32>
    %mul3A_943 = arith.mulf %mul3A_942, %dot_general3A_937 : vector<128x128xf32>
    %sub3A_944 = arith.subf %add3A_940, %mul3A_943 : vector<128x128xf32>
    %max3A_945 = arith.constant 0.000000e+00 : f32
    %max3A_946 = vector.broadcast %max3A_945 : f32 to vector<128x128xf32>
    %max3A_947 = arith.maximumf %sub3A_944, %max3A_946 : vector<128x128xf32>
    %jit3A_948 = arith.constant 3.000000e+38 : f32
    %broadcast_in_dim3A_949 = vector.broadcast %jit3A_948 : f32 to vector<128x128xf32>
    %select_n3A_950 = arith.select %eq3A, %broadcast_in_dim3A_949, %max3A_947 : vector<128x128xi1>, vector<128x128xf32>
    %bitcast_convert_type3A_951 = tpu.bitcast %select_n3A_950 : vector<128x128xf32> -> vector<128x128xi32>
    %not3A_952 = arith.constant 127 : i32
    %not3A_953 = arith.constant -1 : i32
    %not3A_954 = arith.xori %not3A_952, %not3A_953 : i32
    %and3A_955 = vector.broadcast %not3A_954 : i32 to vector<128x128xi32>
    %and3A_956 = arith.andi %bitcast_convert_type3A_951, %and3A_955 : vector<128x128xi32>
    %or3A_957 = arith.ori %and3A_956, %iota3A : vector<128x128xi32>
    %swap3A_958 = arith.constant 21 : index
    %swap3A_959 = arith.constant 0 : index
    %swap3A_960 = arith.constant 0 : index
    %swap3A_961 = vector.load %arg10[%swap3A_958, %swap3A_959, %swap3A_960] : memref<32x128x128xi32, #tpu.memory_space<vmem>>, vector<1x128x128xi32>
    %swap3A_962 = vector.shape_cast %swap3A_961 : vector<1x128x128xi32> to vector<128x128xi32>
    %swap3A_963 = vector.shape_cast %or3A_957 : vector<128x128xi32> to vector<1x128x128xi32>
    tpu.vector_store %arg10[%swap3A_958, %swap3A_959, %swap3A_960], %swap3A_963 {strides = array<i32>} : memref<32x128x128xi32, #tpu.memory_space<vmem>>, vector<1x128x128xi32>,
    %slice3A_964 = vector.extract_strided_slice %max3A_28 {offsets = [2816, 0], sizes = [128, 64], strides = [1, 1]} : vector<4096x64xf32> to vector<128x64xf32>
    %transpose3A_965 = tpu.transpose %slice3A_964, [1, 0] : vector<128x64xf32> -> vector<64x128xf32>
    %swap3A_966 = arith.constant 22 : index
    %swap3A_967 = arith.constant 0 : index
    %swap3A_968 = arith.constant 0 : index
    %swap3A_969 = vector.load %arg9[%swap3A_966, %swap3A_967, %swap3A_968] : memref<32x64x128xf32, #tpu.memory_space<vmem>>, vector<1x64x128xf32>
    %swap3A_970 = vector.shape_cast %swap3A_969 : vector<1x64x128xf32> to vector<64x128xf32>
    %swap3A_971 = vector.shape_cast %transpose3A_965 : vector<64x128xf32> to vector<1x64x128xf32>
    tpu.vector_store %arg9[%swap3A_966, %swap3A_967, %swap3A_968], %swap3A_971 {strides = array<i32>} : memref<32x64x128xf32, #tpu.memory_space<vmem>>, vector<1x64x128xf32>,
    %mul3A_972 = arith.mulf %slice3A_964, %slice3A_964 : vector<128x64xf32>
    %reduce_sum3A_973 = arith.constant dense<0.000000e+00> : vector<128xf32>
    %reduce_sum3A_974 = vector.multi_reduction <add>, %mul3A_972, %reduce_sum3A_973 [1] : vector<128x64xf32> to vector<128xf32>
    %broadcast_in_dim3A_975 = vector.shape_cast %reduce_sum3A_974 : vector<128xf32> to vector<128x1xf32>
    %dot_general3A_976 = arith.constant dense<0.000000e+00> : vector<1x128xf32>
    %dot_general3A_977 = tpu.matmul %broadcast_in_dim3A_50, %mul3A_972, %dot_general3A_976 {dimension_numbers = #tpu.dot_dimension_numbers<[1], [1], [0], [0], [0, 0, 1, 0], [], []>, precision = #tpu.contract_precision<fp32>, transpose_lhs_hint = false} : vector<1x64xf32>, vector<128x64xf32>, vector<1x128xf32> -> vector<1x128xf32>
    %dot_general3A_978 = arith.constant dense<0.000000e+00> : vector<128x128xf32>
    %dot_general3A_979 = tpu.matmul %slice3A_964, %slice3A_964, %dot_general3A_978 {dimension_numbers = #tpu.dot_dimension_numbers<[1], [1], [0], [0], [0, 0, 1, 0], [], []>, precision = #tpu.contract_precision<fp32>, transpose_lhs_hint = false} : vector<128x64xf32>, vector<128x64xf32>, vector<128x128xf32> -> vector<128x128xf32>
    %add3A_980 = vector.broadcast %broadcast_in_dim3A_975 : vector<128x1xf32> to vector<128x128xf32>
    %add3A_981 = vector.broadcast %dot_general3A_977 : vector<1x128xf32> to vector<128x128xf32>
    %add3A_982 = arith.addf %add3A_980, %add3A_981 : vector<128x128xf32>
    %mul3A_983 = arith.constant 2.000000e+00 : f32
    %mul3A_984 = vector.broadcast %mul3A_983 : f32 to vector<128x128xf32>
    %mul3A_985 = arith.mulf %mul3A_984, %dot_general3A_979 : vector<128x128xf32>
    %sub3A_986 = arith.subf %add3A_982, %mul3A_985 : vector<128x128xf32>
    %max3A_987 = arith.constant 0.000000e+00 : f32
    %max3A_988 = vector.broadcast %max3A_987 : f32 to vector<128x128xf32>
    %max3A_989 = arith.maximumf %sub3A_986, %max3A_988 : vector<128x128xf32>
    %jit3A_990 = arith.constant 3.000000e+38 : f32
    %broadcast_in_dim3A_991 = vector.broadcast %jit3A_990 : f32 to vector<128x128xf32>
    %select_n3A_992 = arith.select %eq3A, %broadcast_in_dim3A_991, %max3A_989 : vector<128x128xi1>, vector<128x128xf32>
    %bitcast_convert_type3A_993 = tpu.bitcast %select_n3A_992 : vector<128x128xf32> -> vector<128x128xi32>
    %not3A_994 = arith.constant 127 : i32
    %not3A_995 = arith.constant -1 : i32
    %not3A_996 = arith.xori %not3A_994, %not3A_995 : i32
    %and3A_997 = vector.broadcast %not3A_996 : i32 to vector<128x128xi32>
    %and3A_998 = arith.andi %bitcast_convert_type3A_993, %and3A_997 : vector<128x128xi32>
    %or3A_999 = arith.ori %and3A_998, %iota3A : vector<128x128xi32>
    %swap3A_1000 = arith.constant 22 : index
    %swap3A_1001 = arith.constant 0 : index
    %swap3A_1002 = arith.constant 0 : index
    %swap3A_1003 = vector.load %arg10[%swap3A_1000, %swap3A_1001, %swap3A_1002] : memref<32x128x128xi32, #tpu.memory_space<vmem>>, vector<1x128x128xi32>
    %swap3A_1004 = vector.shape_cast %swap3A_1003 : vector<1x128x128xi32> to vector<128x128xi32>
    %swap3A_1005 = vector.shape_cast %or3A_999 : vector<128x128xi32> to vector<1x128x128xi32>
    tpu.vector_store %arg10[%swap3A_1000, %swap3A_1001, %swap3A_1002], %swap3A_1005 {strides = array<i32>} : memref<32x128x128xi32, #tpu.memory_space<vmem>>, vector<1x128x128xi32>,
    %slice3A_1006 = vector.extract_strided_slice %max3A_28 {offsets = [2944, 0], sizes = [128, 64], strides = [1, 1]} : vector<4096x64xf32> to vector<128x64xf32>
    %transpose3A_1007 = tpu.transpose %slice3A_1006, [1, 0] : vector<128x64xf32> -> vector<64x128xf32>
    %swap3A_1008 = arith.constant 23 : index
    %swap3A_1009 = arith.constant 0 : index
    %swap3A_1010 = arith.constant 0 : index
    %swap3A_1011 = vector.load %arg9[%swap3A_1008, %swap3A_1009, %swap3A_1010] : memref<32x64x128xf32, #tpu.memory_space<vmem>>, vector<1x64x128xf32>
    %swap3A_1012 = vector.shape_cast %swap3A_1011 : vector<1x64x128xf32> to vector<64x128xf32>
    %swap3A_1013 = vector.shape_cast %transpose3A_1007 : vector<64x128xf32> to vector<1x64x128xf32>
    tpu.vector_store %arg9[%swap3A_1008, %swap3A_1009, %swap3A_1010], %swap3A_1013 {strides = array<i32>} : memref<32x64x128xf32, #tpu.memory_space<vmem>>, vector<1x64x128xf32>,
    %mul3A_1014 = arith.mulf %slice3A_1006, %slice3A_1006 : vector<128x64xf32>
    %reduce_sum3A_1015 = arith.constant dense<0.000000e+00> : vector<128xf32>
    %reduce_sum3A_1016 = vector.multi_reduction <add>, %mul3A_1014, %reduce_sum3A_1015 [1] : vector<128x64xf32> to vector<128xf32>
    %broadcast_in_dim3A_1017 = vector.shape_cast %reduce_sum3A_1016 : vector<128xf32> to vector<128x1xf32>
    %dot_general3A_1018 = arith.constant dense<0.000000e+00> : vector<1x128xf32>
    %dot_general3A_1019 = tpu.matmul %broadcast_in_dim3A_50, %mul3A_1014, %dot_general3A_1018 {dimension_numbers = #tpu.dot_dimension_numbers<[1], [1], [0], [0], [0, 0, 1, 0], [], []>, precision = #tpu.contract_precision<fp32>, transpose_lhs_hint = false} : vector<1x64xf32>, vector<128x64xf32>, vector<1x128xf32> -> vector<1x128xf32>
    %dot_general3A_1020 = arith.constant dense<0.000000e+00> : vector<128x128xf32>
    %dot_general3A_1021 = tpu.matmul %slice3A_1006, %slice3A_1006, %dot_general3A_1020 {dimension_numbers = #tpu.dot_dimension_numbers<[1], [1], [0], [0], [0, 0, 1, 0], [], []>, precision = #tpu.contract_precision<fp32>, transpose_lhs_hint = false} : vector<128x64xf32>, vector<128x64xf32>, vector<128x128xf32> -> vector<128x128xf32>
    %add3A_1022 = vector.broadcast %broadcast_in_dim3A_1017 : vector<128x1xf32> to vector<128x128xf32>
    %add3A_1023 = vector.broadcast %dot_general3A_1019 : vector<1x128xf32> to vector<128x128xf32>
    %add3A_1024 = arith.addf %add3A_1022, %add3A_1023 : vector<128x128xf32>
    %mul3A_1025 = arith.constant 2.000000e+00 : f32
    %mul3A_1026 = vector.broadcast %mul3A_1025 : f32 to vector<128x128xf32>
    %mul3A_1027 = arith.mulf %mul3A_1026, %dot_general3A_1021 : vector<128x128xf32>
    %sub3A_1028 = arith.subf %add3A_1024, %mul3A_1027 : vector<128x128xf32>
    %max3A_1029 = arith.constant 0.000000e+00 : f32
    %max3A_1030 = vector.broadcast %max3A_1029 : f32 to vector<128x128xf32>
    %max3A_1031 = arith.maximumf %sub3A_1028, %max3A_1030 : vector<128x128xf32>
    %jit3A_1032 = arith.constant 3.000000e+38 : f32
    %broadcast_in_dim3A_1033 = vector.broadcast %jit3A_1032 : f32 to vector<128x128xf32>
    %select_n3A_1034 = arith.select %eq3A, %broadcast_in_dim3A_1033, %max3A_1031 : vector<128x128xi1>, vector<128x128xf32>
    %bitcast_convert_type3A_1035 = tpu.bitcast %select_n3A_1034 : vector<128x128xf32> -> vector<128x128xi32>
    %not3A_1036 = arith.constant 127 : i32
    %not3A_1037 = arith.constant -1 : i32
    %not3A_1038 = arith.xori %not3A_1036, %not3A_1037 : i32
    %and3A_1039 = vector.broadcast %not3A_1038 : i32 to vector<128x128xi32>
    %and3A_1040 = arith.andi %bitcast_convert_type3A_1035, %and3A_1039 : vector<128x128xi32>
    %or3A_1041 = arith.ori %and3A_1040, %iota3A : vector<128x128xi32>
    %swap3A_1042 = arith.constant 23 : index
    %swap3A_1043 = arith.constant 0 : index
    %swap3A_1044 = arith.constant 0 : index
    %swap3A_1045 = vector.load %arg10[%swap3A_1042, %swap3A_1043, %swap3A_1044] : memref<32x128x128xi32, #tpu.memory_space<vmem>>, vector<1x128x128xi32>
    %swap3A_1046 = vector.shape_cast %swap3A_1045 : vector<1x128x128xi32> to vector<128x128xi32>
    %swap3A_1047 = vector.shape_cast %or3A_1041 : vector<128x128xi32> to vector<1x128x128xi32>
    tpu.vector_store %arg10[%swap3A_1042, %swap3A_1043, %swap3A_1044], %swap3A_1047 {strides = array<i32>} : memref<32x128x128xi32, #tpu.memory_space<vmem>>, vector<1x128x128xi32>,
    %slice3A_1048 = vector.extract_strided_slice %max3A_28 {offsets = [3072, 0], sizes = [128, 64], strides = [1, 1]} : vector<4096x64xf32> to vector<128x64xf32>
    %transpose3A_1049 = tpu.transpose %slice3A_1048, [1, 0] : vector<128x64xf32> -> vector<64x128xf32>
    %swap3A_1050 = arith.constant 24 : index
    %swap3A_1051 = arith.constant 0 : index
    %swap3A_1052 = arith.constant 0 : index
    %swap3A_1053 = vector.load %arg9[%swap3A_1050, %swap3A_1051, %swap3A_1052] : memref<32x64x128xf32, #tpu.memory_space<vmem>>, vector<1x64x128xf32>
    %swap3A_1054 = vector.shape_cast %swap3A_1053 : vector<1x64x128xf32> to vector<64x128xf32>
    %swap3A_1055 = vector.shape_cast %transpose3A_1049 : vector<64x128xf32> to vector<1x64x128xf32>
    tpu.vector_store %arg9[%swap3A_1050, %swap3A_1051, %swap3A_1052], %swap3A_1055 {strides = array<i32>} : memref<32x64x128xf32, #tpu.memory_space<vmem>>, vector<1x64x128xf32>,
    %mul3A_1056 = arith.mulf %slice3A_1048, %slice3A_1048 : vector<128x64xf32>
    %reduce_sum3A_1057 = arith.constant dense<0.000000e+00> : vector<128xf32>
    %reduce_sum3A_1058 = vector.multi_reduction <add>, %mul3A_1056, %reduce_sum3A_1057 [1] : vector<128x64xf32> to vector<128xf32>
    %broadcast_in_dim3A_1059 = vector.shape_cast %reduce_sum3A_1058 : vector<128xf32> to vector<128x1xf32>
    %dot_general3A_1060 = arith.constant dense<0.000000e+00> : vector<1x128xf32>
    %dot_general3A_1061 = tpu.matmul %broadcast_in_dim3A_50, %mul3A_1056, %dot_general3A_1060 {dimension_numbers = #tpu.dot_dimension_numbers<[1], [1], [0], [0], [0, 0, 1, 0], [], []>, precision = #tpu.contract_precision<fp32>, transpose_lhs_hint = false} : vector<1x64xf32>, vector<128x64xf32>, vector<1x128xf32> -> vector<1x128xf32>
    %dot_general3A_1062 = arith.constant dense<0.000000e+00> : vector<128x128xf32>
    %dot_general3A_1063 = tpu.matmul %slice3A_1048, %slice3A_1048, %dot_general3A_1062 {dimension_numbers = #tpu.dot_dimension_numbers<[1], [1], [0], [0], [0, 0, 1, 0], [], []>, precision = #tpu.contract_precision<fp32>, transpose_lhs_hint = false} : vector<128x64xf32>, vector<128x64xf32>, vector<128x128xf32> -> vector<128x128xf32>
    %add3A_1064 = vector.broadcast %broadcast_in_dim3A_1059 : vector<128x1xf32> to vector<128x128xf32>
    %add3A_1065 = vector.broadcast %dot_general3A_1061 : vector<1x128xf32> to vector<128x128xf32>
    %add3A_1066 = arith.addf %add3A_1064, %add3A_1065 : vector<128x128xf32>
    %mul3A_1067 = arith.constant 2.000000e+00 : f32
    %mul3A_1068 = vector.broadcast %mul3A_1067 : f32 to vector<128x128xf32>
    %mul3A_1069 = arith.mulf %mul3A_1068, %dot_general3A_1063 : vector<128x128xf32>
    %sub3A_1070 = arith.subf %add3A_1066, %mul3A_1069 : vector<128x128xf32>
    %max3A_1071 = arith.constant 0.000000e+00 : f32
    %max3A_1072 = vector.broadcast %max3A_1071 : f32 to vector<128x128xf32>
    %max3A_1073 = arith.maximumf %sub3A_1070, %max3A_1072 : vector<128x128xf32>
    %jit3A_1074 = arith.constant 3.000000e+38 : f32
    %broadcast_in_dim3A_1075 = vector.broadcast %jit3A_1074 : f32 to vector<128x128xf32>
    %select_n3A_1076 = arith.select %eq3A, %broadcast_in_dim3A_1075, %max3A_1073 : vector<128x128xi1>, vector<128x128xf32>
    %bitcast_convert_type3A_1077 = tpu.bitcast %select_n3A_1076 : vector<128x128xf32> -> vector<128x128xi32>
    %not3A_1078 = arith.constant 127 : i32
    %not3A_1079 = arith.constant -1 : i32
    %not3A_1080 = arith.xori %not3A_1078, %not3A_1079 : i32
    %and3A_1081 = vector.broadcast %not3A_1080 : i32 to vector<128x128xi32>
    %and3A_1082 = arith.andi %bitcast_convert_type3A_1077, %and3A_1081 : vector<128x128xi32>
    %or3A_1083 = arith.ori %and3A_1082, %iota3A : vector<128x128xi32>
    %swap3A_1084 = arith.constant 24 : index
    %swap3A_1085 = arith.constant 0 : index
    %swap3A_1086 = arith.constant 0 : index
    %swap3A_1087 = vector.load %arg10[%swap3A_1084, %swap3A_1085, %swap3A_1086] : memref<32x128x128xi32, #tpu.memory_space<vmem>>, vector<1x128x128xi32>
    %swap3A_1088 = vector.shape_cast %swap3A_1087 : vector<1x128x128xi32> to vector<128x128xi32>
    %swap3A_1089 = vector.shape_cast %or3A_1083 : vector<128x128xi32> to vector<1x128x128xi32>
    tpu.vector_store %arg10[%swap3A_1084, %swap3A_1085, %swap3A_1086], %swap3A_1089 {strides = array<i32>} : memref<32x128x128xi32, #tpu.memory_space<vmem>>, vector<1x128x128xi32>,
    %slice3A_1090 = vector.extract_strided_slice %max3A_28 {offsets = [3200, 0], sizes = [128, 64], strides = [1, 1]} : vector<4096x64xf32> to vector<128x64xf32>
    %transpose3A_1091 = tpu.transpose %slice3A_1090, [1, 0] : vector<128x64xf32> -> vector<64x128xf32>
    %swap3A_1092 = arith.constant 25 : index
    %swap3A_1093 = arith.constant 0 : index
    %swap3A_1094 = arith.constant 0 : index
    %swap3A_1095 = vector.load %arg9[%swap3A_1092, %swap3A_1093, %swap3A_1094] : memref<32x64x128xf32, #tpu.memory_space<vmem>>, vector<1x64x128xf32>
    %swap3A_1096 = vector.shape_cast %swap3A_1095 : vector<1x64x128xf32> to vector<64x128xf32>
    %swap3A_1097 = vector.shape_cast %transpose3A_1091 : vector<64x128xf32> to vector<1x64x128xf32>
    tpu.vector_store %arg9[%swap3A_1092, %swap3A_1093, %swap3A_1094], %swap3A_1097 {strides = array<i32>} : memref<32x64x128xf32, #tpu.memory_space<vmem>>, vector<1x64x128xf32>,
    %mul3A_1098 = arith.mulf %slice3A_1090, %slice3A_1090 : vector<128x64xf32>
    %reduce_sum3A_1099 = arith.constant dense<0.000000e+00> : vector<128xf32>
    %reduce_sum3A_1100 = vector.multi_reduction <add>, %mul3A_1098, %reduce_sum3A_1099 [1] : vector<128x64xf32> to vector<128xf32>
    %broadcast_in_dim3A_1101 = vector.shape_cast %reduce_sum3A_1100 : vector<128xf32> to vector<128x1xf32>
    %dot_general3A_1102 = arith.constant dense<0.000000e+00> : vector<1x128xf32>
    %dot_general3A_1103 = tpu.matmul %broadcast_in_dim3A_50, %mul3A_1098, %dot_general3A_1102 {dimension_numbers = #tpu.dot_dimension_numbers<[1], [1], [0], [0], [0, 0, 1, 0], [], []>, precision = #tpu.contract_precision<fp32>, transpose_lhs_hint = false} : vector<1x64xf32>, vector<128x64xf32>, vector<1x128xf32> -> vector<1x128xf32>
    %dot_general3A_1104 = arith.constant dense<0.000000e+00> : vector<128x128xf32>
    %dot_general3A_1105 = tpu.matmul %slice3A_1090, %slice3A_1090, %dot_general3A_1104 {dimension_numbers = #tpu.dot_dimension_numbers<[1], [1], [0], [0], [0, 0, 1, 0], [], []>, precision = #tpu.contract_precision<fp32>, transpose_lhs_hint = false} : vector<128x64xf32>, vector<128x64xf32>, vector<128x128xf32> -> vector<128x128xf32>
    %add3A_1106 = vector.broadcast %broadcast_in_dim3A_1101 : vector<128x1xf32> to vector<128x128xf32>
    %add3A_1107 = vector.broadcast %dot_general3A_1103 : vector<1x128xf32> to vector<128x128xf32>
    %add3A_1108 = arith.addf %add3A_1106, %add3A_1107 : vector<128x128xf32>
    %mul3A_1109 = arith.constant 2.000000e+00 : f32
    %mul3A_1110 = vector.broadcast %mul3A_1109 : f32 to vector<128x128xf32>
    %mul3A_1111 = arith.mulf %mul3A_1110, %dot_general3A_1105 : vector<128x128xf32>
    %sub3A_1112 = arith.subf %add3A_1108, %mul3A_1111 : vector<128x128xf32>
    %max3A_1113 = arith.constant 0.000000e+00 : f32
    %max3A_1114 = vector.broadcast %max3A_1113 : f32 to vector<128x128xf32>
    %max3A_1115 = arith.maximumf %sub3A_1112, %max3A_1114 : vector<128x128xf32>
    %jit3A_1116 = arith.constant 3.000000e+38 : f32
    %broadcast_in_dim3A_1117 = vector.broadcast %jit3A_1116 : f32 to vector<128x128xf32>
    %select_n3A_1118 = arith.select %eq3A, %broadcast_in_dim3A_1117, %max3A_1115 : vector<128x128xi1>, vector<128x128xf32>
    %bitcast_convert_type3A_1119 = tpu.bitcast %select_n3A_1118 : vector<128x128xf32> -> vector<128x128xi32>
    %not3A_1120 = arith.constant 127 : i32
    %not3A_1121 = arith.constant -1 : i32
    %not3A_1122 = arith.xori %not3A_1120, %not3A_1121 : i32
    %and3A_1123 = vector.broadcast %not3A_1122 : i32 to vector<128x128xi32>
    %and3A_1124 = arith.andi %bitcast_convert_type3A_1119, %and3A_1123 : vector<128x128xi32>
    %or3A_1125 = arith.ori %and3A_1124, %iota3A : vector<128x128xi32>
    %swap3A_1126 = arith.constant 25 : index
    %swap3A_1127 = arith.constant 0 : index
    %swap3A_1128 = arith.constant 0 : index
    %swap3A_1129 = vector.load %arg10[%swap3A_1126, %swap3A_1127, %swap3A_1128] : memref<32x128x128xi32, #tpu.memory_space<vmem>>, vector<1x128x128xi32>
    %swap3A_1130 = vector.shape_cast %swap3A_1129 : vector<1x128x128xi32> to vector<128x128xi32>
    %swap3A_1131 = vector.shape_cast %or3A_1125 : vector<128x128xi32> to vector<1x128x128xi32>
    tpu.vector_store %arg10[%swap3A_1126, %swap3A_1127, %swap3A_1128], %swap3A_1131 {strides = array<i32>} : memref<32x128x128xi32, #tpu.memory_space<vmem>>, vector<1x128x128xi32>,
    %slice3A_1132 = vector.extract_strided_slice %max3A_28 {offsets = [3328, 0], sizes = [128, 64], strides = [1, 1]} : vector<4096x64xf32> to vector<128x64xf32>
    %transpose3A_1133 = tpu.transpose %slice3A_1132, [1, 0] : vector<128x64xf32> -> vector<64x128xf32>
    %swap3A_1134 = arith.constant 26 : index
    %swap3A_1135 = arith.constant 0 : index
    %swap3A_1136 = arith.constant 0 : index
    %swap3A_1137 = vector.load %arg9[%swap3A_1134, %swap3A_1135, %swap3A_1136] : memref<32x64x128xf32, #tpu.memory_space<vmem>>, vector<1x64x128xf32>
    %swap3A_1138 = vector.shape_cast %swap3A_1137 : vector<1x64x128xf32> to vector<64x128xf32>
    %swap3A_1139 = vector.shape_cast %transpose3A_1133 : vector<64x128xf32> to vector<1x64x128xf32>
    tpu.vector_store %arg9[%swap3A_1134, %swap3A_1135, %swap3A_1136], %swap3A_1139 {strides = array<i32>} : memref<32x64x128xf32, #tpu.memory_space<vmem>>, vector<1x64x128xf32>,
    %mul3A_1140 = arith.mulf %slice3A_1132, %slice3A_1132 : vector<128x64xf32>
    %reduce_sum3A_1141 = arith.constant dense<0.000000e+00> : vector<128xf32>
    %reduce_sum3A_1142 = vector.multi_reduction <add>, %mul3A_1140, %reduce_sum3A_1141 [1] : vector<128x64xf32> to vector<128xf32>
    %broadcast_in_dim3A_1143 = vector.shape_cast %reduce_sum3A_1142 : vector<128xf32> to vector<128x1xf32>
    %dot_general3A_1144 = arith.constant dense<0.000000e+00> : vector<1x128xf32>
    %dot_general3A_1145 = tpu.matmul %broadcast_in_dim3A_50, %mul3A_1140, %dot_general3A_1144 {dimension_numbers = #tpu.dot_dimension_numbers<[1], [1], [0], [0], [0, 0, 1, 0], [], []>, precision = #tpu.contract_precision<fp32>, transpose_lhs_hint = false} : vector<1x64xf32>, vector<128x64xf32>, vector<1x128xf32> -> vector<1x128xf32>
    %dot_general3A_1146 = arith.constant dense<0.000000e+00> : vector<128x128xf32>
    %dot_general3A_1147 = tpu.matmul %slice3A_1132, %slice3A_1132, %dot_general3A_1146 {dimension_numbers = #tpu.dot_dimension_numbers<[1], [1], [0], [0], [0, 0, 1, 0], [], []>, precision = #tpu.contract_precision<fp32>, transpose_lhs_hint = false} : vector<128x64xf32>, vector<128x64xf32>, vector<128x128xf32> -> vector<128x128xf32>
    %add3A_1148 = vector.broadcast %broadcast_in_dim3A_1143 : vector<128x1xf32> to vector<128x128xf32>
    %add3A_1149 = vector.broadcast %dot_general3A_1145 : vector<1x128xf32> to vector<128x128xf32>
    %add3A_1150 = arith.addf %add3A_1148, %add3A_1149 : vector<128x128xf32>
    %mul3A_1151 = arith.constant 2.000000e+00 : f32
    %mul3A_1152 = vector.broadcast %mul3A_1151 : f32 to vector<128x128xf32>
    %mul3A_1153 = arith.mulf %mul3A_1152, %dot_general3A_1147 : vector<128x128xf32>
    %sub3A_1154 = arith.subf %add3A_1150, %mul3A_1153 : vector<128x128xf32>
    %max3A_1155 = arith.constant 0.000000e+00 : f32
    %max3A_1156 = vector.broadcast %max3A_1155 : f32 to vector<128x128xf32>
    %max3A_1157 = arith.maximumf %sub3A_1154, %max3A_1156 : vector<128x128xf32>
    %jit3A_1158 = arith.constant 3.000000e+38 : f32
    %broadcast_in_dim3A_1159 = vector.broadcast %jit3A_1158 : f32 to vector<128x128xf32>
    %select_n3A_1160 = arith.select %eq3A, %broadcast_in_dim3A_1159, %max3A_1157 : vector<128x128xi1>, vector<128x128xf32>
    %bitcast_convert_type3A_1161 = tpu.bitcast %select_n3A_1160 : vector<128x128xf32> -> vector<128x128xi32>
    %not3A_1162 = arith.constant 127 : i32
    %not3A_1163 = arith.constant -1 : i32
    %not3A_1164 = arith.xori %not3A_1162, %not3A_1163 : i32
    %and3A_1165 = vector.broadcast %not3A_1164 : i32 to vector<128x128xi32>
    %and3A_1166 = arith.andi %bitcast_convert_type3A_1161, %and3A_1165 : vector<128x128xi32>
    %or3A_1167 = arith.ori %and3A_1166, %iota3A : vector<128x128xi32>
    %swap3A_1168 = arith.constant 26 : index
    %swap3A_1169 = arith.constant 0 : index
    %swap3A_1170 = arith.constant 0 : index
    %swap3A_1171 = vector.load %arg10[%swap3A_1168, %swap3A_1169, %swap3A_1170] : memref<32x128x128xi32, #tpu.memory_space<vmem>>, vector<1x128x128xi32>
    %swap3A_1172 = vector.shape_cast %swap3A_1171 : vector<1x128x128xi32> to vector<128x128xi32>
    %swap3A_1173 = vector.shape_cast %or3A_1167 : vector<128x128xi32> to vector<1x128x128xi32>
    tpu.vector_store %arg10[%swap3A_1168, %swap3A_1169, %swap3A_1170], %swap3A_1173 {strides = array<i32>} : memref<32x128x128xi32, #tpu.memory_space<vmem>>, vector<1x128x128xi32>,
    %slice3A_1174 = vector.extract_strided_slice %max3A_28 {offsets = [3456, 0], sizes = [128, 64], strides = [1, 1]} : vector<4096x64xf32> to vector<128x64xf32>
    %transpose3A_1175 = tpu.transpose %slice3A_1174, [1, 0] : vector<128x64xf32> -> vector<64x128xf32>
    %swap3A_1176 = arith.constant 27 : index
    %swap3A_1177 = arith.constant 0 : index
    %swap3A_1178 = arith.constant 0 : index
    %swap3A_1179 = vector.load %arg9[%swap3A_1176, %swap3A_1177, %swap3A_1178] : memref<32x64x128xf32, #tpu.memory_space<vmem>>, vector<1x64x128xf32>
    %swap3A_1180 = vector.shape_cast %swap3A_1179 : vector<1x64x128xf32> to vector<64x128xf32>
    %swap3A_1181 = vector.shape_cast %transpose3A_1175 : vector<64x128xf32> to vector<1x64x128xf32>
    tpu.vector_store %arg9[%swap3A_1176, %swap3A_1177, %swap3A_1178], %swap3A_1181 {strides = array<i32>} : memref<32x64x128xf32, #tpu.memory_space<vmem>>, vector<1x64x128xf32>,
    %mul3A_1182 = arith.mulf %slice3A_1174, %slice3A_1174 : vector<128x64xf32>
    %reduce_sum3A_1183 = arith.constant dense<0.000000e+00> : vector<128xf32>
    %reduce_sum3A_1184 = vector.multi_reduction <add>, %mul3A_1182, %reduce_sum3A_1183 [1] : vector<128x64xf32> to vector<128xf32>
    %broadcast_in_dim3A_1185 = vector.shape_cast %reduce_sum3A_1184 : vector<128xf32> to vector<128x1xf32>
    %dot_general3A_1186 = arith.constant dense<0.000000e+00> : vector<1x128xf32>
    %dot_general3A_1187 = tpu.matmul %broadcast_in_dim3A_50, %mul3A_1182, %dot_general3A_1186 {dimension_numbers = #tpu.dot_dimension_numbers<[1], [1], [0], [0], [0, 0, 1, 0], [], []>, precision = #tpu.contract_precision<fp32>, transpose_lhs_hint = false} : vector<1x64xf32>, vector<128x64xf32>, vector<1x128xf32> -> vector<1x128xf32>
    %dot_general3A_1188 = arith.constant dense<0.000000e+00> : vector<128x128xf32>
    %dot_general3A_1189 = tpu.matmul %slice3A_1174, %slice3A_1174, %dot_general3A_1188 {dimension_numbers = #tpu.dot_dimension_numbers<[1], [1], [0], [0], [0, 0, 1, 0], [], []>, precision = #tpu.contract_precision<fp32>, transpose_lhs_hint = false} : vector<128x64xf32>, vector<128x64xf32>, vector<128x128xf32> -> vector<128x128xf32>
    %add3A_1190 = vector.broadcast %broadcast_in_dim3A_1185 : vector<128x1xf32> to vector<128x128xf32>
    %add3A_1191 = vector.broadcast %dot_general3A_1187 : vector<1x128xf32> to vector<128x128xf32>
    %add3A_1192 = arith.addf %add3A_1190, %add3A_1191 : vector<128x128xf32>
    %mul3A_1193 = arith.constant 2.000000e+00 : f32
    %mul3A_1194 = vector.broadcast %mul3A_1193 : f32 to vector<128x128xf32>
    %mul3A_1195 = arith.mulf %mul3A_1194, %dot_general3A_1189 : vector<128x128xf32>
    %sub3A_1196 = arith.subf %add3A_1192, %mul3A_1195 : vector<128x128xf32>
    %max3A_1197 = arith.constant 0.000000e+00 : f32
    %max3A_1198 = vector.broadcast %max3A_1197 : f32 to vector<128x128xf32>
    %max3A_1199 = arith.maximumf %sub3A_1196, %max3A_1198 : vector<128x128xf32>
    %jit3A_1200 = arith.constant 3.000000e+38 : f32
    %broadcast_in_dim3A_1201 = vector.broadcast %jit3A_1200 : f32 to vector<128x128xf32>
    %select_n3A_1202 = arith.select %eq3A, %broadcast_in_dim3A_1201, %max3A_1199 : vector<128x128xi1>, vector<128x128xf32>
    %bitcast_convert_type3A_1203 = tpu.bitcast %select_n3A_1202 : vector<128x128xf32> -> vector<128x128xi32>
    %not3A_1204 = arith.constant 127 : i32
    %not3A_1205 = arith.constant -1 : i32
    %not3A_1206 = arith.xori %not3A_1204, %not3A_1205 : i32
    %and3A_1207 = vector.broadcast %not3A_1206 : i32 to vector<128x128xi32>
    %and3A_1208 = arith.andi %bitcast_convert_type3A_1203, %and3A_1207 : vector<128x128xi32>
    %or3A_1209 = arith.ori %and3A_1208, %iota3A : vector<128x128xi32>
    %swap3A_1210 = arith.constant 27 : index
    %swap3A_1211 = arith.constant 0 : index
    %swap3A_1212 = arith.constant 0 : index
    %swap3A_1213 = vector.load %arg10[%swap3A_1210, %swap3A_1211, %swap3A_1212] : memref<32x128x128xi32, #tpu.memory_space<vmem>>, vector<1x128x128xi32>
    %swap3A_1214 = vector.shape_cast %swap3A_1213 : vector<1x128x128xi32> to vector<128x128xi32>
    %swap3A_1215 = vector.shape_cast %or3A_1209 : vector<128x128xi32> to vector<1x128x128xi32>
    tpu.vector_store %arg10[%swap3A_1210, %swap3A_1211, %swap3A_1212], %swap3A_1215 {strides = array<i32>} : memref<32x128x128xi32, #tpu.memory_space<vmem>>, vector<1x128x128xi32>,
    %slice3A_1216 = vector.extract_strided_slice %max3A_28 {offsets = [3584, 0], sizes = [128, 64], strides = [1, 1]} : vector<4096x64xf32> to vector<128x64xf32>
    %transpose3A_1217 = tpu.transpose %slice3A_1216, [1, 0] : vector<128x64xf32> -> vector<64x128xf32>
    %swap3A_1218 = arith.constant 28 : index
    %swap3A_1219 = arith.constant 0 : index
    %swap3A_1220 = arith.constant 0 : index
    %swap3A_1221 = vector.load %arg9[%swap3A_1218, %swap3A_1219, %swap3A_1220] : memref<32x64x128xf32, #tpu.memory_space<vmem>>, vector<1x64x128xf32>
    %swap3A_1222 = vector.shape_cast %swap3A_1221 : vector<1x64x128xf32> to vector<64x128xf32>
    %swap3A_1223 = vector.shape_cast %transpose3A_1217 : vector<64x128xf32> to vector<1x64x128xf32>
    tpu.vector_store %arg9[%swap3A_1218, %swap3A_1219, %swap3A_1220], %swap3A_1223 {strides = array<i32>} : memref<32x64x128xf32, #tpu.memory_space<vmem>>, vector<1x64x128xf32>,
    %mul3A_1224 = arith.mulf %slice3A_1216, %slice3A_1216 : vector<128x64xf32>
    %reduce_sum3A_1225 = arith.constant dense<0.000000e+00> : vector<128xf32>
    %reduce_sum3A_1226 = vector.multi_reduction <add>, %mul3A_1224, %reduce_sum3A_1225 [1] : vector<128x64xf32> to vector<128xf32>
    %broadcast_in_dim3A_1227 = vector.shape_cast %reduce_sum3A_1226 : vector<128xf32> to vector<128x1xf32>
    %dot_general3A_1228 = arith.constant dense<0.000000e+00> : vector<1x128xf32>
    %dot_general3A_1229 = tpu.matmul %broadcast_in_dim3A_50, %mul3A_1224, %dot_general3A_1228 {dimension_numbers = #tpu.dot_dimension_numbers<[1], [1], [0], [0], [0, 0, 1, 0], [], []>, precision = #tpu.contract_precision<fp32>, transpose_lhs_hint = false} : vector<1x64xf32>, vector<128x64xf32>, vector<1x128xf32> -> vector<1x128xf32>
    %dot_general3A_1230 = arith.constant dense<0.000000e+00> : vector<128x128xf32>
    %dot_general3A_1231 = tpu.matmul %slice3A_1216, %slice3A_1216, %dot_general3A_1230 {dimension_numbers = #tpu.dot_dimension_numbers<[1], [1], [0], [0], [0, 0, 1, 0], [], []>, precision = #tpu.contract_precision<fp32>, transpose_lhs_hint = false} : vector<128x64xf32>, vector<128x64xf32>, vector<128x128xf32> -> vector<128x128xf32>
    %add3A_1232 = vector.broadcast %broadcast_in_dim3A_1227 : vector<128x1xf32> to vector<128x128xf32>
    %add3A_1233 = vector.broadcast %dot_general3A_1229 : vector<1x128xf32> to vector<128x128xf32>
    %add3A_1234 = arith.addf %add3A_1232, %add3A_1233 : vector<128x128xf32>
    %mul3A_1235 = arith.constant 2.000000e+00 : f32
    %mul3A_1236 = vector.broadcast %mul3A_1235 : f32 to vector<128x128xf32>
    %mul3A_1237 = arith.mulf %mul3A_1236, %dot_general3A_1231 : vector<128x128xf32>
    %sub3A_1238 = arith.subf %add3A_1234, %mul3A_1237 : vector<128x128xf32>
    %max3A_1239 = arith.constant 0.000000e+00 : f32
    %max3A_1240 = vector.broadcast %max3A_1239 : f32 to vector<128x128xf32>
    %max3A_1241 = arith.maximumf %sub3A_1238, %max3A_1240 : vector<128x128xf32>
    %jit3A_1242 = arith.constant 3.000000e+38 : f32
    %broadcast_in_dim3A_1243 = vector.broadcast %jit3A_1242 : f32 to vector<128x128xf32>
    %select_n3A_1244 = arith.select %eq3A, %broadcast_in_dim3A_1243, %max3A_1241 : vector<128x128xi1>, vector<128x128xf32>
    %bitcast_convert_type3A_1245 = tpu.bitcast %select_n3A_1244 : vector<128x128xf32> -> vector<128x128xi32>
    %not3A_1246 = arith.constant 127 : i32
    %not3A_1247 = arith.constant -1 : i32
    %not3A_1248 = arith.xori %not3A_1246, %not3A_1247 : i32
    %and3A_1249 = vector.broadcast %not3A_1248 : i32 to vector<128x128xi32>
    %and3A_1250 = arith.andi %bitcast_convert_type3A_1245, %and3A_1249 : vector<128x128xi32>
    %or3A_1251 = arith.ori %and3A_1250, %iota3A : vector<128x128xi32>
    %swap3A_1252 = arith.constant 28 : index
    %swap3A_1253 = arith.constant 0 : index
    %swap3A_1254 = arith.constant 0 : index
    %swap3A_1255 = vector.load %arg10[%swap3A_1252, %swap3A_1253, %swap3A_1254] : memref<32x128x128xi32, #tpu.memory_space<vmem>>, vector<1x128x128xi32>
    %swap3A_1256 = vector.shape_cast %swap3A_1255 : vector<1x128x128xi32> to vector<128x128xi32>
    %swap3A_1257 = vector.shape_cast %or3A_1251 : vector<128x128xi32> to vector<1x128x128xi32>
    tpu.vector_store %arg10[%swap3A_1252, %swap3A_1253, %swap3A_1254], %swap3A_1257 {strides = array<i32>} : memref<32x128x128xi32, #tpu.memory_space<vmem>>, vector<1x128x128xi32>,
    %slice3A_1258 = vector.extract_strided_slice %max3A_28 {offsets = [3712, 0], sizes = [128, 64], strides = [1, 1]} : vector<4096x64xf32> to vector<128x64xf32>
    %transpose3A_1259 = tpu.transpose %slice3A_1258, [1, 0] : vector<128x64xf32> -> vector<64x128xf32>
    %swap3A_1260 = arith.constant 29 : index
    %swap3A_1261 = arith.constant 0 : index
    %swap3A_1262 = arith.constant 0 : index
    %swap3A_1263 = vector.load %arg9[%swap3A_1260, %swap3A_1261, %swap3A_1262] : memref<32x64x128xf32, #tpu.memory_space<vmem>>, vector<1x64x128xf32>
    %swap3A_1264 = vector.shape_cast %swap3A_1263 : vector<1x64x128xf32> to vector<64x128xf32>
    %swap3A_1265 = vector.shape_cast %transpose3A_1259 : vector<64x128xf32> to vector<1x64x128xf32>
    tpu.vector_store %arg9[%swap3A_1260, %swap3A_1261, %swap3A_1262], %swap3A_1265 {strides = array<i32>} : memref<32x64x128xf32, #tpu.memory_space<vmem>>, vector<1x64x128xf32>,
    %mul3A_1266 = arith.mulf %slice3A_1258, %slice3A_1258 : vector<128x64xf32>
    %reduce_sum3A_1267 = arith.constant dense<0.000000e+00> : vector<128xf32>
    %reduce_sum3A_1268 = vector.multi_reduction <add>, %mul3A_1266, %reduce_sum3A_1267 [1] : vector<128x64xf32> to vector<128xf32>
    %broadcast_in_dim3A_1269 = vector.shape_cast %reduce_sum3A_1268 : vector<128xf32> to vector<128x1xf32>
    %dot_general3A_1270 = arith.constant dense<0.000000e+00> : vector<1x128xf32>
    %dot_general3A_1271 = tpu.matmul %broadcast_in_dim3A_50, %mul3A_1266, %dot_general3A_1270 {dimension_numbers = #tpu.dot_dimension_numbers<[1], [1], [0], [0], [0, 0, 1, 0], [], []>, precision = #tpu.contract_precision<fp32>, transpose_lhs_hint = false} : vector<1x64xf32>, vector<128x64xf32>, vector<1x128xf32> -> vector<1x128xf32>
    %dot_general3A_1272 = arith.constant dense<0.000000e+00> : vector<128x128xf32>
    %dot_general3A_1273 = tpu.matmul %slice3A_1258, %slice3A_1258, %dot_general3A_1272 {dimension_numbers = #tpu.dot_dimension_numbers<[1], [1], [0], [0], [0, 0, 1, 0], [], []>, precision = #tpu.contract_precision<fp32>, transpose_lhs_hint = false} : vector<128x64xf32>, vector<128x64xf32>, vector<128x128xf32> -> vector<128x128xf32>
    %add3A_1274 = vector.broadcast %broadcast_in_dim3A_1269 : vector<128x1xf32> to vector<128x128xf32>
    %add3A_1275 = vector.broadcast %dot_general3A_1271 : vector<1x128xf32> to vector<128x128xf32>
    %add3A_1276 = arith.addf %add3A_1274, %add3A_1275 : vector<128x128xf32>
    %mul3A_1277 = arith.constant 2.000000e+00 : f32
    %mul3A_1278 = vector.broadcast %mul3A_1277 : f32 to vector<128x128xf32>
    %mul3A_1279 = arith.mulf %mul3A_1278, %dot_general3A_1273 : vector<128x128xf32>
    %sub3A_1280 = arith.subf %add3A_1276, %mul3A_1279 : vector<128x128xf32>
    %max3A_1281 = arith.constant 0.000000e+00 : f32
    %max3A_1282 = vector.broadcast %max3A_1281 : f32 to vector<128x128xf32>
    %max3A_1283 = arith.maximumf %sub3A_1280, %max3A_1282 : vector<128x128xf32>
    %jit3A_1284 = arith.constant 3.000000e+38 : f32
    %broadcast_in_dim3A_1285 = vector.broadcast %jit3A_1284 : f32 to vector<128x128xf32>
    %select_n3A_1286 = arith.select %eq3A, %broadcast_in_dim3A_1285, %max3A_1283 : vector<128x128xi1>, vector<128x128xf32>
    %bitcast_convert_type3A_1287 = tpu.bitcast %select_n3A_1286 : vector<128x128xf32> -> vector<128x128xi32>
    %not3A_1288 = arith.constant 127 : i32
    %not3A_1289 = arith.constant -1 : i32
    %not3A_1290 = arith.xori %not3A_1288, %not3A_1289 : i32
    %and3A_1291 = vector.broadcast %not3A_1290 : i32 to vector<128x128xi32>
    %and3A_1292 = arith.andi %bitcast_convert_type3A_1287, %and3A_1291 : vector<128x128xi32>
    %or3A_1293 = arith.ori %and3A_1292, %iota3A : vector<128x128xi32>
    %swap3A_1294 = arith.constant 29 : index
    %swap3A_1295 = arith.constant 0 : index
    %swap3A_1296 = arith.constant 0 : index
    %swap3A_1297 = vector.load %arg10[%swap3A_1294, %swap3A_1295, %swap3A_1296] : memref<32x128x128xi32, #tpu.memory_space<vmem>>, vector<1x128x128xi32>
    %swap3A_1298 = vector.shape_cast %swap3A_1297 : vector<1x128x128xi32> to vector<128x128xi32>
    %swap3A_1299 = vector.shape_cast %or3A_1293 : vector<128x128xi32> to vector<1x128x128xi32>
    tpu.vector_store %arg10[%swap3A_1294, %swap3A_1295, %swap3A_1296], %swap3A_1299 {strides = array<i32>} : memref<32x128x128xi32, #tpu.memory_space<vmem>>, vector<1x128x128xi32>,
    %slice3A_1300 = vector.extract_strided_slice %max3A_28 {offsets = [3840, 0], sizes = [128, 64], strides = [1, 1]} : vector<4096x64xf32> to vector<128x64xf32>
    %transpose3A_1301 = tpu.transpose %slice3A_1300, [1, 0] : vector<128x64xf32> -> vector<64x128xf32>
    %swap3A_1302 = arith.constant 30 : index
    %swap3A_1303 = arith.constant 0 : index
    %swap3A_1304 = arith.constant 0 : index
    %swap3A_1305 = vector.load %arg9[%swap3A_1302, %swap3A_1303, %swap3A_1304] : memref<32x64x128xf32, #tpu.memory_space<vmem>>, vector<1x64x128xf32>
    %swap3A_1306 = vector.shape_cast %swap3A_1305 : vector<1x64x128xf32> to vector<64x128xf32>
    %swap3A_1307 = vector.shape_cast %transpose3A_1301 : vector<64x128xf32> to vector<1x64x128xf32>
    tpu.vector_store %arg9[%swap3A_1302, %swap3A_1303, %swap3A_1304], %swap3A_1307 {strides = array<i32>} : memref<32x64x128xf32, #tpu.memory_space<vmem>>, vector<1x64x128xf32>,
    %mul3A_1308 = arith.mulf %slice3A_1300, %slice3A_1300 : vector<128x64xf32>
    %reduce_sum3A_1309 = arith.constant dense<0.000000e+00> : vector<128xf32>
    %reduce_sum3A_1310 = vector.multi_reduction <add>, %mul3A_1308, %reduce_sum3A_1309 [1] : vector<128x64xf32> to vector<128xf32>
    %broadcast_in_dim3A_1311 = vector.shape_cast %reduce_sum3A_1310 : vector<128xf32> to vector<128x1xf32>
    %dot_general3A_1312 = arith.constant dense<0.000000e+00> : vector<1x128xf32>
    %dot_general3A_1313 = tpu.matmul %broadcast_in_dim3A_50, %mul3A_1308, %dot_general3A_1312 {dimension_numbers = #tpu.dot_dimension_numbers<[1], [1], [0], [0], [0, 0, 1, 0], [], []>, precision = #tpu.contract_precision<fp32>, transpose_lhs_hint = false} : vector<1x64xf32>, vector<128x64xf32>, vector<1x128xf32> -> vector<1x128xf32>
    %dot_general3A_1314 = arith.constant dense<0.000000e+00> : vector<128x128xf32>
    %dot_general3A_1315 = tpu.matmul %slice3A_1300, %slice3A_1300, %dot_general3A_1314 {dimension_numbers = #tpu.dot_dimension_numbers<[1], [1], [0], [0], [0, 0, 1, 0], [], []>, precision = #tpu.contract_precision<fp32>, transpose_lhs_hint = false} : vector<128x64xf32>, vector<128x64xf32>, vector<128x128xf32> -> vector<128x128xf32>
    %add3A_1316 = vector.broadcast %broadcast_in_dim3A_1311 : vector<128x1xf32> to vector<128x128xf32>
    %add3A_1317 = vector.broadcast %dot_general3A_1313 : vector<1x128xf32> to vector<128x128xf32>
    %add3A_1318 = arith.addf %add3A_1316, %add3A_1317 : vector<128x128xf32>
    %mul3A_1319 = arith.constant 2.000000e+00 : f32
    %mul3A_1320 = vector.broadcast %mul3A_1319 : f32 to vector<128x128xf32>
    %mul3A_1321 = arith.mulf %mul3A_1320, %dot_general3A_1315 : vector<128x128xf32>
    %sub3A_1322 = arith.subf %add3A_1318, %mul3A_1321 : vector<128x128xf32>
    %max3A_1323 = arith.constant 0.000000e+00 : f32
    %max3A_1324 = vector.broadcast %max3A_1323 : f32 to vector<128x128xf32>
    %max3A_1325 = arith.maximumf %sub3A_1322, %max3A_1324 : vector<128x128xf32>
    %jit3A_1326 = arith.constant 3.000000e+38 : f32
    %broadcast_in_dim3A_1327 = vector.broadcast %jit3A_1326 : f32 to vector<128x128xf32>
    %select_n3A_1328 = arith.select %eq3A, %broadcast_in_dim3A_1327, %max3A_1325 : vector<128x128xi1>, vector<128x128xf32>
    %bitcast_convert_type3A_1329 = tpu.bitcast %select_n3A_1328 : vector<128x128xf32> -> vector<128x128xi32>
    %not3A_1330 = arith.constant 127 : i32
    %not3A_1331 = arith.constant -1 : i32
    %not3A_1332 = arith.xori %not3A_1330, %not3A_1331 : i32
    %and3A_1333 = vector.broadcast %not3A_1332 : i32 to vector<128x128xi32>
    %and3A_1334 = arith.andi %bitcast_convert_type3A_1329, %and3A_1333 : vector<128x128xi32>
    %or3A_1335 = arith.ori %and3A_1334, %iota3A : vector<128x128xi32>
    %swap3A_1336 = arith.constant 30 : index
    %swap3A_1337 = arith.constant 0 : index
    %swap3A_1338 = arith.constant 0 : index
    %swap3A_1339 = vector.load %arg10[%swap3A_1336, %swap3A_1337, %swap3A_1338] : memref<32x128x128xi32, #tpu.memory_space<vmem>>, vector<1x128x128xi32>
    %swap3A_1340 = vector.shape_cast %swap3A_1339 : vector<1x128x128xi32> to vector<128x128xi32>
    %swap3A_1341 = vector.shape_cast %or3A_1335 : vector<128x128xi32> to vector<1x128x128xi32>
    tpu.vector_store %arg10[%swap3A_1336, %swap3A_1337, %swap3A_1338], %swap3A_1341 {strides = array<i32>} : memref<32x128x128xi32, #tpu.memory_space<vmem>>, vector<1x128x128xi32>,
    %slice3A_1342 = vector.extract_strided_slice %max3A_28 {offsets = [3968, 0], sizes = [128, 64], strides = [1, 1]} : vector<4096x64xf32> to vector<128x64xf32>
    %transpose3A_1343 = tpu.transpose %slice3A_1342, [1, 0] : vector<128x64xf32> -> vector<64x128xf32>
    %swap3A_1344 = arith.constant 31 : index
    %swap3A_1345 = arith.constant 0 : index
    %swap3A_1346 = arith.constant 0 : index
    %swap3A_1347 = vector.load %arg9[%swap3A_1344, %swap3A_1345, %swap3A_1346] : memref<32x64x128xf32, #tpu.memory_space<vmem>>, vector<1x64x128xf32>
    %swap3A_1348 = vector.shape_cast %swap3A_1347 : vector<1x64x128xf32> to vector<64x128xf32>
    %swap3A_1349 = vector.shape_cast %transpose3A_1343 : vector<64x128xf32> to vector<1x64x128xf32>
    tpu.vector_store %arg9[%swap3A_1344, %swap3A_1345, %swap3A_1346], %swap3A_1349 {strides = array<i32>} : memref<32x64x128xf32, #tpu.memory_space<vmem>>, vector<1x64x128xf32>,
    %mul3A_1350 = arith.mulf %slice3A_1342, %slice3A_1342 : vector<128x64xf32>
    %reduce_sum3A_1351 = arith.constant dense<0.000000e+00> : vector<128xf32>
    %reduce_sum3A_1352 = vector.multi_reduction <add>, %mul3A_1350, %reduce_sum3A_1351 [1] : vector<128x64xf32> to vector<128xf32>
    %broadcast_in_dim3A_1353 = vector.shape_cast %reduce_sum3A_1352 : vector<128xf32> to vector<128x1xf32>
    %dot_general3A_1354 = arith.constant dense<0.000000e+00> : vector<1x128xf32>
    %dot_general3A_1355 = tpu.matmul %broadcast_in_dim3A_50, %mul3A_1350, %dot_general3A_1354 {dimension_numbers = #tpu.dot_dimension_numbers<[1], [1], [0], [0], [0, 0, 1, 0], [], []>, precision = #tpu.contract_precision<fp32>, transpose_lhs_hint = false} : vector<1x64xf32>, vector<128x64xf32>, vector<1x128xf32> -> vector<1x128xf32>
    %dot_general3A_1356 = arith.constant dense<0.000000e+00> : vector<128x128xf32>
    %dot_general3A_1357 = tpu.matmul %slice3A_1342, %slice3A_1342, %dot_general3A_1356 {dimension_numbers = #tpu.dot_dimension_numbers<[1], [1], [0], [0], [0, 0, 1, 0], [], []>, precision = #tpu.contract_precision<fp32>, transpose_lhs_hint = false} : vector<128x64xf32>, vector<128x64xf32>, vector<128x128xf32> -> vector<128x128xf32>
    %add3A_1358 = vector.broadcast %broadcast_in_dim3A_1353 : vector<128x1xf32> to vector<128x128xf32>
    %add3A_1359 = vector.broadcast %dot_general3A_1355 : vector<1x128xf32> to vector<128x128xf32>
    %add3A_1360 = arith.addf %add3A_1358, %add3A_1359 : vector<128x128xf32>
    %mul3A_1361 = arith.constant 2.000000e+00 : f32
    %mul3A_1362 = vector.broadcast %mul3A_1361 : f32 to vector<128x128xf32>
    %mul3A_1363 = arith.mulf %mul3A_1362, %dot_general3A_1357 : vector<128x128xf32>
    %sub3A_1364 = arith.subf %add3A_1360, %mul3A_1363 : vector<128x128xf32>
    %max3A_1365 = arith.constant 0.000000e+00 : f32
    %max3A_1366 = vector.broadcast %max3A_1365 : f32 to vector<128x128xf32>
    %max3A_1367 = arith.maximumf %sub3A_1364, %max3A_1366 : vector<128x128xf32>
    %jit3A_1368 = arith.constant 3.000000e+38 : f32
    %broadcast_in_dim3A_1369 = vector.broadcast %jit3A_1368 : f32 to vector<128x128xf32>
    %select_n3A_1370 = arith.select %eq3A, %broadcast_in_dim3A_1369, %max3A_1367 : vector<128x128xi1>, vector<128x128xf32>
    %bitcast_convert_type3A_1371 = tpu.bitcast %select_n3A_1370 : vector<128x128xf32> -> vector<128x128xi32>
    %not3A_1372 = arith.constant 127 : i32
    %not3A_1373 = arith.constant -1 : i32
    %not3A_1374 = arith.xori %not3A_1372, %not3A_1373 : i32
    %and3A_1375 = vector.broadcast %not3A_1374 : i32 to vector<128x128xi32>
    %and3A_1376 = arith.andi %bitcast_convert_type3A_1371, %and3A_1375 : vector<128x128xi32>
    %or3A_1377 = arith.ori %and3A_1376, %iota3A : vector<128x128xi32>
    %swap3A_1378 = arith.constant 31 : index
    %swap3A_1379 = arith.constant 0 : index
    %swap3A_1380 = arith.constant 0 : index
    %swap3A_1381 = vector.load %arg10[%swap3A_1378, %swap3A_1379, %swap3A_1380] : memref<32x128x128xi32, #tpu.memory_space<vmem>>, vector<1x128x128xi32>
    %swap3A_1382 = vector.shape_cast %swap3A_1381 : vector<1x128x128xi32> to vector<128x128xi32>
    %swap3A_1383 = vector.shape_cast %or3A_1377 : vector<128x128xi32> to vector<1x128x128xi32>
    tpu.vector_store %arg10[%swap3A_1378, %swap3A_1379, %swap3A_1380], %swap3A_1383 {strides = array<i32>} : memref<32x128x128xi32, #tpu.memory_space<vmem>>, vector<1x128x128xi32>,
    return
  }
}

module attributes {stable_mosaic.version = 14 : i64} {
  func.func @_stage_c_body(%arg0: memref<4096x64xf32, #tpu.memory_space<vmem>>, %arg1: memref<4096x64xf32, #tpu.memory_space<vmem>>, %arg2: memref<128x128xf32, #tpu.memory_space<vmem>>, %arg3: memref<1x128xf32, #tpu.memory_space<vmem>>, %arg4: memref<128x128xf32, #tpu.memory_space<vmem>>, %arg5: memref<1x128xf32, #tpu.memory_space<vmem>>, %arg6: memref<2x128xf32, #tpu.memory_space<vmem>>, %arg7: memref<1x128xf32, #tpu.memory_space<vmem>>, %arg8: memref<1x3xf32, #tpu.memory_space<vmem>>, %arg9: memref<32x128x2xf32, #tpu.memory_space<vmem>>, %arg10: memref<32x128x1xf32, #tpu.memory_space<vmem>>) attributes {dimension_semantics = [], scalar_prefetch = 0 : i64, scratch_operands = 0 : i64, tpu.core_type = #tpu.core_type<tc>} {
    %get3A = arith.constant 0 : index
    %get3A_0 = arith.constant 0 : index
    %get3A_1 = vector.load %arg0[%get3A, %get3A_0] : memref<4096x64xf32, #tpu.memory_space<vmem>>, vector<4096x64xf32>
    %get3A_2 = arith.constant 0 : index
    %get3A_3 = arith.constant 0 : index
    %get3A_4 = vector.load %arg1[%get3A_2, %get3A_3] : memref<4096x64xf32, #tpu.memory_space<vmem>>, vector<4096x64xf32>
    %get3A_5 = arith.constant 0 : index
    %get3A_6 = arith.constant 0 : index
    %get3A_7 = vector.load %arg2[%get3A_5, %get3A_6] : memref<128x128xf32, #tpu.memory_space<vmem>>, vector<128x128xf32>
    %slice3A = vector.extract_strided_slice %get3A_7 {offsets = [0, 0], sizes = [128, 64], strides = [1, 1]} : vector<128x128xf32> to vector<128x64xf32>
    %convert_element_type3A = arith.truncf %get3A_1 : vector<4096x64xf32> to vector<4096x64xbf16>
    %convert_element_type3A_8 = arith.truncf %slice3A : vector<128x64xf32> to vector<128x64xbf16>
    %dot_general3A = arith.constant dense<0.000000e+00> : vector<4096x128xf32>
    %dot_general3A_9 = tpu.matmul %convert_element_type3A, %convert_element_type3A_8, %dot_general3A {dimension_numbers = #tpu.dot_dimension_numbers<[1], [1], [0], [0], [0, 0, 1, 0], [], []>, transpose_lhs_hint = false} : vector<4096x64xbf16>, vector<128x64xbf16>, vector<4096x128xf32> -> vector<4096x128xf32>
    %slice3A_10 = vector.extract_strided_slice %get3A_7 {offsets = [0, 64], sizes = [128, 64], strides = [1, 1]} : vector<128x128xf32> to vector<128x64xf32>
    %convert_element_type3A_11 = arith.truncf %get3A_4 : vector<4096x64xf32> to vector<4096x64xbf16>
    %convert_element_type3A_12 = arith.truncf %slice3A_10 : vector<128x64xf32> to vector<128x64xbf16>
    %dot_general3A_13 = arith.constant dense<0.000000e+00> : vector<4096x128xf32>
    %dot_general3A_14 = tpu.matmul %convert_element_type3A_11, %convert_element_type3A_12, %dot_general3A_13 {dimension_numbers = #tpu.dot_dimension_numbers<[1], [1], [0], [0], [0, 0, 1, 0], [], []>, transpose_lhs_hint = false} : vector<4096x64xbf16>, vector<128x64xbf16>, vector<4096x128xf32> -> vector<4096x128xf32>
    %add3A = arith.addf %dot_general3A_9, %dot_general3A_14 : vector<4096x128xf32>
    %get3A_15 = arith.constant 0 : index
    %get3A_16 = arith.constant 0 : index
    %get3A_17 = vector.load %arg3[%get3A_15, %get3A_16] : memref<1x128xf32, #tpu.memory_space<vmem>>, vector<1x128xf32>
    %add3A_18 = vector.broadcast %get3A_17 : vector<1x128xf32> to vector<4096x128xf32>
    %add3A_19 = arith.addf %add3A, %add3A_18 : vector<4096x128xf32>
    %max3A = arith.constant 0.000000e+00 : f32
    %max3A_20 = vector.broadcast %max3A : f32 to vector<4096x128xf32>
    %max3A_21 = arith.maximumf %add3A_19, %max3A_20 : vector<4096x128xf32>
    %get3A_22 = arith.constant 0 : index
    %get3A_23 = arith.constant 0 : index
    %get3A_24 = vector.load %arg4[%get3A_22, %get3A_23] : memref<128x128xf32, #tpu.memory_space<vmem>>, vector<128x128xf32>
    %convert_element_type3A_25 = arith.truncf %max3A_21 : vector<4096x128xf32> to vector<4096x128xbf16>
    %convert_element_type3A_26 = arith.truncf %get3A_24 : vector<128x128xf32> to vector<128x128xbf16>
    %dot_general3A_27 = arith.constant dense<0.000000e+00> : vector<4096x128xf32>
    %dot_general3A_28 = tpu.matmul %convert_element_type3A_25, %convert_element_type3A_26, %dot_general3A_27 {dimension_numbers = #tpu.dot_dimension_numbers<[1], [1], [0], [0], [0, 0, 1, 0], [], []>, transpose_lhs_hint = false} : vector<4096x128xbf16>, vector<128x128xbf16>, vector<4096x128xf32> -> vector<4096x128xf32>
    %get3A_29 = arith.constant 0 : index
    %get3A_30 = arith.constant 0 : index
    %get3A_31 = vector.load %arg5[%get3A_29, %get3A_30] : memref<1x128xf32, #tpu.memory_space<vmem>>, vector<1x128xf32>
    %add3A_32 = vector.broadcast %get3A_31 : vector<1x128xf32> to vector<4096x128xf32>
    %add3A_33 = arith.addf %dot_general3A_28, %add3A_32 : vector<4096x128xf32>
    %max3A_34 = arith.constant 0.000000e+00 : f32
    %max3A_35 = vector.broadcast %max3A_34 : f32 to vector<4096x128xf32>
    %max3A_36 = arith.maximumf %add3A_33, %max3A_35 : vector<4096x128xf32>
    %get3A_37 = arith.constant 0 : index
    %get3A_38 = arith.constant 0 : index
    %get3A_39 = vector.load %arg6[%get3A_37, %get3A_38] : memref<2x128xf32, #tpu.memory_space<vmem>>, vector<2x128xf32>
    %get3A_40 = arith.constant 0 : index
    %get3A_41 = arith.constant 0 : index
    %get3A_42 = vector.load %arg7[%get3A_40, %get3A_41] : memref<1x128xf32, #tpu.memory_space<vmem>>, vector<1x128xf32>
    %concatenate3A = tpu.concatenate %get3A_39, %get3A_42 in 0 : vector<2x128xf32>, vector<1x128xf32> -> vector<3x128xf32>
    %convert_element_type3A_43 = arith.truncf %max3A_36 : vector<4096x128xf32> to vector<4096x128xbf16>
    %convert_element_type3A_44 = arith.truncf %concatenate3A : vector<3x128xf32> to vector<3x128xbf16>
    %dot_general3A_45 = arith.constant dense<0.000000e+00> : vector<4096x3xf32>
    %dot_general3A_46 = tpu.matmul %convert_element_type3A_43, %convert_element_type3A_44, %dot_general3A_45 {dimension_numbers = #tpu.dot_dimension_numbers<[1], [1], [0], [0], [0, 0, 1, 0], [], []>, transpose_lhs_hint = false} : vector<4096x128xbf16>, vector<3x128xbf16>, vector<4096x3xf32> -> vector<4096x3xf32>
    %get3A_47 = arith.constant 0 : index
    %get3A_48 = arith.constant 0 : index
    %get3A_49 = vector.load %arg8[%get3A_47, %get3A_48] : memref<1x3xf32, #tpu.memory_space<vmem>>, vector<1x3xf32>
    %add3A_50 = vector.broadcast %get3A_49 : vector<1x3xf32> to vector<4096x3xf32>
    %add3A_51 = arith.addf %dot_general3A_46, %add3A_50 : vector<4096x3xf32>
    %slice3A_52 = vector.extract_strided_slice %add3A_51 {offsets = [0, 0], sizes = [128, 3], strides = [1, 1]} : vector<4096x3xf32> to vector<128x3xf32>
    %slice3A_53 = vector.extract_strided_slice %slice3A_52 {offsets = [0, 0], sizes = [128, 2], strides = [1, 1]} : vector<128x3xf32> to vector<128x2xf32>
    %swap3A = arith.constant 0 : index
    %swap3A_54 = arith.constant 0 : index
    %swap3A_55 = arith.constant 0 : index
    %swap3A_56 = vector.load %arg9[%swap3A, %swap3A_54, %swap3A_55] : memref<32x128x2xf32, #tpu.memory_space<vmem>>, vector<1x128x2xf32>
    %swap3A_57 = vector.shape_cast %swap3A_56 : vector<1x128x2xf32> to vector<128x2xf32>
    %swap3A_58 = vector.shape_cast %slice3A_53 : vector<128x2xf32> to vector<1x128x2xf32>
    tpu.vector_store %arg9[%swap3A, %swap3A_54, %swap3A_55], %swap3A_58 {strides = array<i32>} : memref<32x128x2xf32, #tpu.memory_space<vmem>>, vector<1x128x2xf32>,
    %slice3A_59 = vector.extract_strided_slice %slice3A_52 {offsets = [0, 2], sizes = [128, 1], strides = [1, 1]} : vector<128x3xf32> to vector<128x1xf32>
    %swap3A_60 = arith.constant 0 : index
    %swap3A_61 = arith.constant 0 : index
    %swap3A_62 = arith.constant 0 : index
    %swap3A_63 = vector.load %arg10[%swap3A_60, %swap3A_61, %swap3A_62] : memref<32x128x1xf32, #tpu.memory_space<vmem>>, vector<1x128x1xf32>
    %swap3A_64 = vector.shape_cast %swap3A_63 : vector<1x128x1xf32> to vector<128x1xf32>
    %swap3A_65 = vector.shape_cast %slice3A_59 : vector<128x1xf32> to vector<1x128x1xf32>
    tpu.vector_store %arg10[%swap3A_60, %swap3A_61, %swap3A_62], %swap3A_65 {strides = array<i32>} : memref<32x128x1xf32, #tpu.memory_space<vmem>>, vector<1x128x1xf32>,
    %slice3A_66 = vector.extract_strided_slice %add3A_51 {offsets = [128, 0], sizes = [128, 3], strides = [1, 1]} : vector<4096x3xf32> to vector<128x3xf32>
    %slice3A_67 = vector.extract_strided_slice %slice3A_66 {offsets = [0, 0], sizes = [128, 2], strides = [1, 1]} : vector<128x3xf32> to vector<128x2xf32>
    %swap3A_68 = arith.constant 1 : index
    %swap3A_69 = arith.constant 0 : index
    %swap3A_70 = arith.constant 0 : index
    %swap3A_71 = vector.load %arg9[%swap3A_68, %swap3A_69, %swap3A_70] : memref<32x128x2xf32, #tpu.memory_space<vmem>>, vector<1x128x2xf32>
    %swap3A_72 = vector.shape_cast %swap3A_71 : vector<1x128x2xf32> to vector<128x2xf32>
    %swap3A_73 = vector.shape_cast %slice3A_67 : vector<128x2xf32> to vector<1x128x2xf32>
    tpu.vector_store %arg9[%swap3A_68, %swap3A_69, %swap3A_70], %swap3A_73 {strides = array<i32>} : memref<32x128x2xf32, #tpu.memory_space<vmem>>, vector<1x128x2xf32>,
    %slice3A_74 = vector.extract_strided_slice %slice3A_66 {offsets = [0, 2], sizes = [128, 1], strides = [1, 1]} : vector<128x3xf32> to vector<128x1xf32>
    %swap3A_75 = arith.constant 1 : index
    %swap3A_76 = arith.constant 0 : index
    %swap3A_77 = arith.constant 0 : index
    %swap3A_78 = vector.load %arg10[%swap3A_75, %swap3A_76, %swap3A_77] : memref<32x128x1xf32, #tpu.memory_space<vmem>>, vector<1x128x1xf32>
    %swap3A_79 = vector.shape_cast %swap3A_78 : vector<1x128x1xf32> to vector<128x1xf32>
    %swap3A_80 = vector.shape_cast %slice3A_74 : vector<128x1xf32> to vector<1x128x1xf32>
    tpu.vector_store %arg10[%swap3A_75, %swap3A_76, %swap3A_77], %swap3A_80 {strides = array<i32>} : memref<32x128x1xf32, #tpu.memory_space<vmem>>, vector<1x128x1xf32>,
    %slice3A_81 = vector.extract_strided_slice %add3A_51 {offsets = [256, 0], sizes = [128, 3], strides = [1, 1]} : vector<4096x3xf32> to vector<128x3xf32>
    %slice3A_82 = vector.extract_strided_slice %slice3A_81 {offsets = [0, 0], sizes = [128, 2], strides = [1, 1]} : vector<128x3xf32> to vector<128x2xf32>
    %swap3A_83 = arith.constant 2 : index
    %swap3A_84 = arith.constant 0 : index
    %swap3A_85 = arith.constant 0 : index
    %swap3A_86 = vector.load %arg9[%swap3A_83, %swap3A_84, %swap3A_85] : memref<32x128x2xf32, #tpu.memory_space<vmem>>, vector<1x128x2xf32>
    %swap3A_87 = vector.shape_cast %swap3A_86 : vector<1x128x2xf32> to vector<128x2xf32>
    %swap3A_88 = vector.shape_cast %slice3A_82 : vector<128x2xf32> to vector<1x128x2xf32>
    tpu.vector_store %arg9[%swap3A_83, %swap3A_84, %swap3A_85], %swap3A_88 {strides = array<i32>} : memref<32x128x2xf32, #tpu.memory_space<vmem>>, vector<1x128x2xf32>,
    %slice3A_89 = vector.extract_strided_slice %slice3A_81 {offsets = [0, 2], sizes = [128, 1], strides = [1, 1]} : vector<128x3xf32> to vector<128x1xf32>
    %swap3A_90 = arith.constant 2 : index
    %swap3A_91 = arith.constant 0 : index
    %swap3A_92 = arith.constant 0 : index
    %swap3A_93 = vector.load %arg10[%swap3A_90, %swap3A_91, %swap3A_92] : memref<32x128x1xf32, #tpu.memory_space<vmem>>, vector<1x128x1xf32>
    %swap3A_94 = vector.shape_cast %swap3A_93 : vector<1x128x1xf32> to vector<128x1xf32>
    %swap3A_95 = vector.shape_cast %slice3A_89 : vector<128x1xf32> to vector<1x128x1xf32>
    tpu.vector_store %arg10[%swap3A_90, %swap3A_91, %swap3A_92], %swap3A_95 {strides = array<i32>} : memref<32x128x1xf32, #tpu.memory_space<vmem>>, vector<1x128x1xf32>,
    %slice3A_96 = vector.extract_strided_slice %add3A_51 {offsets = [384, 0], sizes = [128, 3], strides = [1, 1]} : vector<4096x3xf32> to vector<128x3xf32>
    %slice3A_97 = vector.extract_strided_slice %slice3A_96 {offsets = [0, 0], sizes = [128, 2], strides = [1, 1]} : vector<128x3xf32> to vector<128x2xf32>
    %swap3A_98 = arith.constant 3 : index
    %swap3A_99 = arith.constant 0 : index
    %swap3A_100 = arith.constant 0 : index
    %swap3A_101 = vector.load %arg9[%swap3A_98, %swap3A_99, %swap3A_100] : memref<32x128x2xf32, #tpu.memory_space<vmem>>, vector<1x128x2xf32>
    %swap3A_102 = vector.shape_cast %swap3A_101 : vector<1x128x2xf32> to vector<128x2xf32>
    %swap3A_103 = vector.shape_cast %slice3A_97 : vector<128x2xf32> to vector<1x128x2xf32>
    tpu.vector_store %arg9[%swap3A_98, %swap3A_99, %swap3A_100], %swap3A_103 {strides = array<i32>} : memref<32x128x2xf32, #tpu.memory_space<vmem>>, vector<1x128x2xf32>,
    %slice3A_104 = vector.extract_strided_slice %slice3A_96 {offsets = [0, 2], sizes = [128, 1], strides = [1, 1]} : vector<128x3xf32> to vector<128x1xf32>
    %swap3A_105 = arith.constant 3 : index
    %swap3A_106 = arith.constant 0 : index
    %swap3A_107 = arith.constant 0 : index
    %swap3A_108 = vector.load %arg10[%swap3A_105, %swap3A_106, %swap3A_107] : memref<32x128x1xf32, #tpu.memory_space<vmem>>, vector<1x128x1xf32>
    %swap3A_109 = vector.shape_cast %swap3A_108 : vector<1x128x1xf32> to vector<128x1xf32>
    %swap3A_110 = vector.shape_cast %slice3A_104 : vector<128x1xf32> to vector<1x128x1xf32>
    tpu.vector_store %arg10[%swap3A_105, %swap3A_106, %swap3A_107], %swap3A_110 {strides = array<i32>} : memref<32x128x1xf32, #tpu.memory_space<vmem>>, vector<1x128x1xf32>,
    %slice3A_111 = vector.extract_strided_slice %add3A_51 {offsets = [512, 0], sizes = [128, 3], strides = [1, 1]} : vector<4096x3xf32> to vector<128x3xf32>
    %slice3A_112 = vector.extract_strided_slice %slice3A_111 {offsets = [0, 0], sizes = [128, 2], strides = [1, 1]} : vector<128x3xf32> to vector<128x2xf32>
    %swap3A_113 = arith.constant 4 : index
    %swap3A_114 = arith.constant 0 : index
    %swap3A_115 = arith.constant 0 : index
    %swap3A_116 = vector.load %arg9[%swap3A_113, %swap3A_114, %swap3A_115] : memref<32x128x2xf32, #tpu.memory_space<vmem>>, vector<1x128x2xf32>
    %swap3A_117 = vector.shape_cast %swap3A_116 : vector<1x128x2xf32> to vector<128x2xf32>
    %swap3A_118 = vector.shape_cast %slice3A_112 : vector<128x2xf32> to vector<1x128x2xf32>
    tpu.vector_store %arg9[%swap3A_113, %swap3A_114, %swap3A_115], %swap3A_118 {strides = array<i32>} : memref<32x128x2xf32, #tpu.memory_space<vmem>>, vector<1x128x2xf32>,
    %slice3A_119 = vector.extract_strided_slice %slice3A_111 {offsets = [0, 2], sizes = [128, 1], strides = [1, 1]} : vector<128x3xf32> to vector<128x1xf32>
    %swap3A_120 = arith.constant 4 : index
    %swap3A_121 = arith.constant 0 : index
    %swap3A_122 = arith.constant 0 : index
    %swap3A_123 = vector.load %arg10[%swap3A_120, %swap3A_121, %swap3A_122] : memref<32x128x1xf32, #tpu.memory_space<vmem>>, vector<1x128x1xf32>
    %swap3A_124 = vector.shape_cast %swap3A_123 : vector<1x128x1xf32> to vector<128x1xf32>
    %swap3A_125 = vector.shape_cast %slice3A_119 : vector<128x1xf32> to vector<1x128x1xf32>
    tpu.vector_store %arg10[%swap3A_120, %swap3A_121, %swap3A_122], %swap3A_125 {strides = array<i32>} : memref<32x128x1xf32, #tpu.memory_space<vmem>>, vector<1x128x1xf32>,
    %slice3A_126 = vector.extract_strided_slice %add3A_51 {offsets = [640, 0], sizes = [128, 3], strides = [1, 1]} : vector<4096x3xf32> to vector<128x3xf32>
    %slice3A_127 = vector.extract_strided_slice %slice3A_126 {offsets = [0, 0], sizes = [128, 2], strides = [1, 1]} : vector<128x3xf32> to vector<128x2xf32>
    %swap3A_128 = arith.constant 5 : index
    %swap3A_129 = arith.constant 0 : index
    %swap3A_130 = arith.constant 0 : index
    %swap3A_131 = vector.load %arg9[%swap3A_128, %swap3A_129, %swap3A_130] : memref<32x128x2xf32, #tpu.memory_space<vmem>>, vector<1x128x2xf32>
    %swap3A_132 = vector.shape_cast %swap3A_131 : vector<1x128x2xf32> to vector<128x2xf32>
    %swap3A_133 = vector.shape_cast %slice3A_127 : vector<128x2xf32> to vector<1x128x2xf32>
    tpu.vector_store %arg9[%swap3A_128, %swap3A_129, %swap3A_130], %swap3A_133 {strides = array<i32>} : memref<32x128x2xf32, #tpu.memory_space<vmem>>, vector<1x128x2xf32>,
    %slice3A_134 = vector.extract_strided_slice %slice3A_126 {offsets = [0, 2], sizes = [128, 1], strides = [1, 1]} : vector<128x3xf32> to vector<128x1xf32>
    %swap3A_135 = arith.constant 5 : index
    %swap3A_136 = arith.constant 0 : index
    %swap3A_137 = arith.constant 0 : index
    %swap3A_138 = vector.load %arg10[%swap3A_135, %swap3A_136, %swap3A_137] : memref<32x128x1xf32, #tpu.memory_space<vmem>>, vector<1x128x1xf32>
    %swap3A_139 = vector.shape_cast %swap3A_138 : vector<1x128x1xf32> to vector<128x1xf32>
    %swap3A_140 = vector.shape_cast %slice3A_134 : vector<128x1xf32> to vector<1x128x1xf32>
    tpu.vector_store %arg10[%swap3A_135, %swap3A_136, %swap3A_137], %swap3A_140 {strides = array<i32>} : memref<32x128x1xf32, #tpu.memory_space<vmem>>, vector<1x128x1xf32>,
    %slice3A_141 = vector.extract_strided_slice %add3A_51 {offsets = [768, 0], sizes = [128, 3], strides = [1, 1]} : vector<4096x3xf32> to vector<128x3xf32>
    %slice3A_142 = vector.extract_strided_slice %slice3A_141 {offsets = [0, 0], sizes = [128, 2], strides = [1, 1]} : vector<128x3xf32> to vector<128x2xf32>
    %swap3A_143 = arith.constant 6 : index
    %swap3A_144 = arith.constant 0 : index
    %swap3A_145 = arith.constant 0 : index
    %swap3A_146 = vector.load %arg9[%swap3A_143, %swap3A_144, %swap3A_145] : memref<32x128x2xf32, #tpu.memory_space<vmem>>, vector<1x128x2xf32>
    %swap3A_147 = vector.shape_cast %swap3A_146 : vector<1x128x2xf32> to vector<128x2xf32>
    %swap3A_148 = vector.shape_cast %slice3A_142 : vector<128x2xf32> to vector<1x128x2xf32>
    tpu.vector_store %arg9[%swap3A_143, %swap3A_144, %swap3A_145], %swap3A_148 {strides = array<i32>} : memref<32x128x2xf32, #tpu.memory_space<vmem>>, vector<1x128x2xf32>,
    %slice3A_149 = vector.extract_strided_slice %slice3A_141 {offsets = [0, 2], sizes = [128, 1], strides = [1, 1]} : vector<128x3xf32> to vector<128x1xf32>
    %swap3A_150 = arith.constant 6 : index
    %swap3A_151 = arith.constant 0 : index
    %swap3A_152 = arith.constant 0 : index
    %swap3A_153 = vector.load %arg10[%swap3A_150, %swap3A_151, %swap3A_152] : memref<32x128x1xf32, #tpu.memory_space<vmem>>, vector<1x128x1xf32>
    %swap3A_154 = vector.shape_cast %swap3A_153 : vector<1x128x1xf32> to vector<128x1xf32>
    %swap3A_155 = vector.shape_cast %slice3A_149 : vector<128x1xf32> to vector<1x128x1xf32>
    tpu.vector_store %arg10[%swap3A_150, %swap3A_151, %swap3A_152], %swap3A_155 {strides = array<i32>} : memref<32x128x1xf32, #tpu.memory_space<vmem>>, vector<1x128x1xf32>,
    %slice3A_156 = vector.extract_strided_slice %add3A_51 {offsets = [896, 0], sizes = [128, 3], strides = [1, 1]} : vector<4096x3xf32> to vector<128x3xf32>
    %slice3A_157 = vector.extract_strided_slice %slice3A_156 {offsets = [0, 0], sizes = [128, 2], strides = [1, 1]} : vector<128x3xf32> to vector<128x2xf32>
    %swap3A_158 = arith.constant 7 : index
    %swap3A_159 = arith.constant 0 : index
    %swap3A_160 = arith.constant 0 : index
    %swap3A_161 = vector.load %arg9[%swap3A_158, %swap3A_159, %swap3A_160] : memref<32x128x2xf32, #tpu.memory_space<vmem>>, vector<1x128x2xf32>
    %swap3A_162 = vector.shape_cast %swap3A_161 : vector<1x128x2xf32> to vector<128x2xf32>
    %swap3A_163 = vector.shape_cast %slice3A_157 : vector<128x2xf32> to vector<1x128x2xf32>
    tpu.vector_store %arg9[%swap3A_158, %swap3A_159, %swap3A_160], %swap3A_163 {strides = array<i32>} : memref<32x128x2xf32, #tpu.memory_space<vmem>>, vector<1x128x2xf32>,
    %slice3A_164 = vector.extract_strided_slice %slice3A_156 {offsets = [0, 2], sizes = [128, 1], strides = [1, 1]} : vector<128x3xf32> to vector<128x1xf32>
    %swap3A_165 = arith.constant 7 : index
    %swap3A_166 = arith.constant 0 : index
    %swap3A_167 = arith.constant 0 : index
    %swap3A_168 = vector.load %arg10[%swap3A_165, %swap3A_166, %swap3A_167] : memref<32x128x1xf32, #tpu.memory_space<vmem>>, vector<1x128x1xf32>
    %swap3A_169 = vector.shape_cast %swap3A_168 : vector<1x128x1xf32> to vector<128x1xf32>
    %swap3A_170 = vector.shape_cast %slice3A_164 : vector<128x1xf32> to vector<1x128x1xf32>
    tpu.vector_store %arg10[%swap3A_165, %swap3A_166, %swap3A_167], %swap3A_170 {strides = array<i32>} : memref<32x128x1xf32, #tpu.memory_space<vmem>>, vector<1x128x1xf32>,
    %slice3A_171 = vector.extract_strided_slice %add3A_51 {offsets = [1024, 0], sizes = [128, 3], strides = [1, 1]} : vector<4096x3xf32> to vector<128x3xf32>
    %slice3A_172 = vector.extract_strided_slice %slice3A_171 {offsets = [0, 0], sizes = [128, 2], strides = [1, 1]} : vector<128x3xf32> to vector<128x2xf32>
    %swap3A_173 = arith.constant 8 : index
    %swap3A_174 = arith.constant 0 : index
    %swap3A_175 = arith.constant 0 : index
    %swap3A_176 = vector.load %arg9[%swap3A_173, %swap3A_174, %swap3A_175] : memref<32x128x2xf32, #tpu.memory_space<vmem>>, vector<1x128x2xf32>
    %swap3A_177 = vector.shape_cast %swap3A_176 : vector<1x128x2xf32> to vector<128x2xf32>
    %swap3A_178 = vector.shape_cast %slice3A_172 : vector<128x2xf32> to vector<1x128x2xf32>
    tpu.vector_store %arg9[%swap3A_173, %swap3A_174, %swap3A_175], %swap3A_178 {strides = array<i32>} : memref<32x128x2xf32, #tpu.memory_space<vmem>>, vector<1x128x2xf32>,
    %slice3A_179 = vector.extract_strided_slice %slice3A_171 {offsets = [0, 2], sizes = [128, 1], strides = [1, 1]} : vector<128x3xf32> to vector<128x1xf32>
    %swap3A_180 = arith.constant 8 : index
    %swap3A_181 = arith.constant 0 : index
    %swap3A_182 = arith.constant 0 : index
    %swap3A_183 = vector.load %arg10[%swap3A_180, %swap3A_181, %swap3A_182] : memref<32x128x1xf32, #tpu.memory_space<vmem>>, vector<1x128x1xf32>
    %swap3A_184 = vector.shape_cast %swap3A_183 : vector<1x128x1xf32> to vector<128x1xf32>
    %swap3A_185 = vector.shape_cast %slice3A_179 : vector<128x1xf32> to vector<1x128x1xf32>
    tpu.vector_store %arg10[%swap3A_180, %swap3A_181, %swap3A_182], %swap3A_185 {strides = array<i32>} : memref<32x128x1xf32, #tpu.memory_space<vmem>>, vector<1x128x1xf32>,
    %slice3A_186 = vector.extract_strided_slice %add3A_51 {offsets = [1152, 0], sizes = [128, 3], strides = [1, 1]} : vector<4096x3xf32> to vector<128x3xf32>
    %slice3A_187 = vector.extract_strided_slice %slice3A_186 {offsets = [0, 0], sizes = [128, 2], strides = [1, 1]} : vector<128x3xf32> to vector<128x2xf32>
    %swap3A_188 = arith.constant 9 : index
    %swap3A_189 = arith.constant 0 : index
    %swap3A_190 = arith.constant 0 : index
    %swap3A_191 = vector.load %arg9[%swap3A_188, %swap3A_189, %swap3A_190] : memref<32x128x2xf32, #tpu.memory_space<vmem>>, vector<1x128x2xf32>
    %swap3A_192 = vector.shape_cast %swap3A_191 : vector<1x128x2xf32> to vector<128x2xf32>
    %swap3A_193 = vector.shape_cast %slice3A_187 : vector<128x2xf32> to vector<1x128x2xf32>
    tpu.vector_store %arg9[%swap3A_188, %swap3A_189, %swap3A_190], %swap3A_193 {strides = array<i32>} : memref<32x128x2xf32, #tpu.memory_space<vmem>>, vector<1x128x2xf32>,
    %slice3A_194 = vector.extract_strided_slice %slice3A_186 {offsets = [0, 2], sizes = [128, 1], strides = [1, 1]} : vector<128x3xf32> to vector<128x1xf32>
    %swap3A_195 = arith.constant 9 : index
    %swap3A_196 = arith.constant 0 : index
    %swap3A_197 = arith.constant 0 : index
    %swap3A_198 = vector.load %arg10[%swap3A_195, %swap3A_196, %swap3A_197] : memref<32x128x1xf32, #tpu.memory_space<vmem>>, vector<1x128x1xf32>
    %swap3A_199 = vector.shape_cast %swap3A_198 : vector<1x128x1xf32> to vector<128x1xf32>
    %swap3A_200 = vector.shape_cast %slice3A_194 : vector<128x1xf32> to vector<1x128x1xf32>
    tpu.vector_store %arg10[%swap3A_195, %swap3A_196, %swap3A_197], %swap3A_200 {strides = array<i32>} : memref<32x128x1xf32, #tpu.memory_space<vmem>>, vector<1x128x1xf32>,
    %slice3A_201 = vector.extract_strided_slice %add3A_51 {offsets = [1280, 0], sizes = [128, 3], strides = [1, 1]} : vector<4096x3xf32> to vector<128x3xf32>
    %slice3A_202 = vector.extract_strided_slice %slice3A_201 {offsets = [0, 0], sizes = [128, 2], strides = [1, 1]} : vector<128x3xf32> to vector<128x2xf32>
    %swap3A_203 = arith.constant 10 : index
    %swap3A_204 = arith.constant 0 : index
    %swap3A_205 = arith.constant 0 : index
    %swap3A_206 = vector.load %arg9[%swap3A_203, %swap3A_204, %swap3A_205] : memref<32x128x2xf32, #tpu.memory_space<vmem>>, vector<1x128x2xf32>
    %swap3A_207 = vector.shape_cast %swap3A_206 : vector<1x128x2xf32> to vector<128x2xf32>
    %swap3A_208 = vector.shape_cast %slice3A_202 : vector<128x2xf32> to vector<1x128x2xf32>
    tpu.vector_store %arg9[%swap3A_203, %swap3A_204, %swap3A_205], %swap3A_208 {strides = array<i32>} : memref<32x128x2xf32, #tpu.memory_space<vmem>>, vector<1x128x2xf32>,
    %slice3A_209 = vector.extract_strided_slice %slice3A_201 {offsets = [0, 2], sizes = [128, 1], strides = [1, 1]} : vector<128x3xf32> to vector<128x1xf32>
    %swap3A_210 = arith.constant 10 : index
    %swap3A_211 = arith.constant 0 : index
    %swap3A_212 = arith.constant 0 : index
    %swap3A_213 = vector.load %arg10[%swap3A_210, %swap3A_211, %swap3A_212] : memref<32x128x1xf32, #tpu.memory_space<vmem>>, vector<1x128x1xf32>
    %swap3A_214 = vector.shape_cast %swap3A_213 : vector<1x128x1xf32> to vector<128x1xf32>
    %swap3A_215 = vector.shape_cast %slice3A_209 : vector<128x1xf32> to vector<1x128x1xf32>
    tpu.vector_store %arg10[%swap3A_210, %swap3A_211, %swap3A_212], %swap3A_215 {strides = array<i32>} : memref<32x128x1xf32, #tpu.memory_space<vmem>>, vector<1x128x1xf32>,
    %slice3A_216 = vector.extract_strided_slice %add3A_51 {offsets = [1408, 0], sizes = [128, 3], strides = [1, 1]} : vector<4096x3xf32> to vector<128x3xf32>
    %slice3A_217 = vector.extract_strided_slice %slice3A_216 {offsets = [0, 0], sizes = [128, 2], strides = [1, 1]} : vector<128x3xf32> to vector<128x2xf32>
    %swap3A_218 = arith.constant 11 : index
    %swap3A_219 = arith.constant 0 : index
    %swap3A_220 = arith.constant 0 : index
    %swap3A_221 = vector.load %arg9[%swap3A_218, %swap3A_219, %swap3A_220] : memref<32x128x2xf32, #tpu.memory_space<vmem>>, vector<1x128x2xf32>
    %swap3A_222 = vector.shape_cast %swap3A_221 : vector<1x128x2xf32> to vector<128x2xf32>
    %swap3A_223 = vector.shape_cast %slice3A_217 : vector<128x2xf32> to vector<1x128x2xf32>
    tpu.vector_store %arg9[%swap3A_218, %swap3A_219, %swap3A_220], %swap3A_223 {strides = array<i32>} : memref<32x128x2xf32, #tpu.memory_space<vmem>>, vector<1x128x2xf32>,
    %slice3A_224 = vector.extract_strided_slice %slice3A_216 {offsets = [0, 2], sizes = [128, 1], strides = [1, 1]} : vector<128x3xf32> to vector<128x1xf32>
    %swap3A_225 = arith.constant 11 : index
    %swap3A_226 = arith.constant 0 : index
    %swap3A_227 = arith.constant 0 : index
    %swap3A_228 = vector.load %arg10[%swap3A_225, %swap3A_226, %swap3A_227] : memref<32x128x1xf32, #tpu.memory_space<vmem>>, vector<1x128x1xf32>
    %swap3A_229 = vector.shape_cast %swap3A_228 : vector<1x128x1xf32> to vector<128x1xf32>
    %swap3A_230 = vector.shape_cast %slice3A_224 : vector<128x1xf32> to vector<1x128x1xf32>
    tpu.vector_store %arg10[%swap3A_225, %swap3A_226, %swap3A_227], %swap3A_230 {strides = array<i32>} : memref<32x128x1xf32, #tpu.memory_space<vmem>>, vector<1x128x1xf32>,
    %slice3A_231 = vector.extract_strided_slice %add3A_51 {offsets = [1536, 0], sizes = [128, 3], strides = [1, 1]} : vector<4096x3xf32> to vector<128x3xf32>
    %slice3A_232 = vector.extract_strided_slice %slice3A_231 {offsets = [0, 0], sizes = [128, 2], strides = [1, 1]} : vector<128x3xf32> to vector<128x2xf32>
    %swap3A_233 = arith.constant 12 : index
    %swap3A_234 = arith.constant 0 : index
    %swap3A_235 = arith.constant 0 : index
    %swap3A_236 = vector.load %arg9[%swap3A_233, %swap3A_234, %swap3A_235] : memref<32x128x2xf32, #tpu.memory_space<vmem>>, vector<1x128x2xf32>
    %swap3A_237 = vector.shape_cast %swap3A_236 : vector<1x128x2xf32> to vector<128x2xf32>
    %swap3A_238 = vector.shape_cast %slice3A_232 : vector<128x2xf32> to vector<1x128x2xf32>
    tpu.vector_store %arg9[%swap3A_233, %swap3A_234, %swap3A_235], %swap3A_238 {strides = array<i32>} : memref<32x128x2xf32, #tpu.memory_space<vmem>>, vector<1x128x2xf32>,
    %slice3A_239 = vector.extract_strided_slice %slice3A_231 {offsets = [0, 2], sizes = [128, 1], strides = [1, 1]} : vector<128x3xf32> to vector<128x1xf32>
    %swap3A_240 = arith.constant 12 : index
    %swap3A_241 = arith.constant 0 : index
    %swap3A_242 = arith.constant 0 : index
    %swap3A_243 = vector.load %arg10[%swap3A_240, %swap3A_241, %swap3A_242] : memref<32x128x1xf32, #tpu.memory_space<vmem>>, vector<1x128x1xf32>
    %swap3A_244 = vector.shape_cast %swap3A_243 : vector<1x128x1xf32> to vector<128x1xf32>
    %swap3A_245 = vector.shape_cast %slice3A_239 : vector<128x1xf32> to vector<1x128x1xf32>
    tpu.vector_store %arg10[%swap3A_240, %swap3A_241, %swap3A_242], %swap3A_245 {strides = array<i32>} : memref<32x128x1xf32, #tpu.memory_space<vmem>>, vector<1x128x1xf32>,
    %slice3A_246 = vector.extract_strided_slice %add3A_51 {offsets = [1664, 0], sizes = [128, 3], strides = [1, 1]} : vector<4096x3xf32> to vector<128x3xf32>
    %slice3A_247 = vector.extract_strided_slice %slice3A_246 {offsets = [0, 0], sizes = [128, 2], strides = [1, 1]} : vector<128x3xf32> to vector<128x2xf32>
    %swap3A_248 = arith.constant 13 : index
    %swap3A_249 = arith.constant 0 : index
    %swap3A_250 = arith.constant 0 : index
    %swap3A_251 = vector.load %arg9[%swap3A_248, %swap3A_249, %swap3A_250] : memref<32x128x2xf32, #tpu.memory_space<vmem>>, vector<1x128x2xf32>
    %swap3A_252 = vector.shape_cast %swap3A_251 : vector<1x128x2xf32> to vector<128x2xf32>
    %swap3A_253 = vector.shape_cast %slice3A_247 : vector<128x2xf32> to vector<1x128x2xf32>
    tpu.vector_store %arg9[%swap3A_248, %swap3A_249, %swap3A_250], %swap3A_253 {strides = array<i32>} : memref<32x128x2xf32, #tpu.memory_space<vmem>>, vector<1x128x2xf32>,
    %slice3A_254 = vector.extract_strided_slice %slice3A_246 {offsets = [0, 2], sizes = [128, 1], strides = [1, 1]} : vector<128x3xf32> to vector<128x1xf32>
    %swap3A_255 = arith.constant 13 : index
    %swap3A_256 = arith.constant 0 : index
    %swap3A_257 = arith.constant 0 : index
    %swap3A_258 = vector.load %arg10[%swap3A_255, %swap3A_256, %swap3A_257] : memref<32x128x1xf32, #tpu.memory_space<vmem>>, vector<1x128x1xf32>
    %swap3A_259 = vector.shape_cast %swap3A_258 : vector<1x128x1xf32> to vector<128x1xf32>
    %swap3A_260 = vector.shape_cast %slice3A_254 : vector<128x1xf32> to vector<1x128x1xf32>
    tpu.vector_store %arg10[%swap3A_255, %swap3A_256, %swap3A_257], %swap3A_260 {strides = array<i32>} : memref<32x128x1xf32, #tpu.memory_space<vmem>>, vector<1x128x1xf32>,
    %slice3A_261 = vector.extract_strided_slice %add3A_51 {offsets = [1792, 0], sizes = [128, 3], strides = [1, 1]} : vector<4096x3xf32> to vector<128x3xf32>
    %slice3A_262 = vector.extract_strided_slice %slice3A_261 {offsets = [0, 0], sizes = [128, 2], strides = [1, 1]} : vector<128x3xf32> to vector<128x2xf32>
    %swap3A_263 = arith.constant 14 : index
    %swap3A_264 = arith.constant 0 : index
    %swap3A_265 = arith.constant 0 : index
    %swap3A_266 = vector.load %arg9[%swap3A_263, %swap3A_264, %swap3A_265] : memref<32x128x2xf32, #tpu.memory_space<vmem>>, vector<1x128x2xf32>
    %swap3A_267 = vector.shape_cast %swap3A_266 : vector<1x128x2xf32> to vector<128x2xf32>
    %swap3A_268 = vector.shape_cast %slice3A_262 : vector<128x2xf32> to vector<1x128x2xf32>
    tpu.vector_store %arg9[%swap3A_263, %swap3A_264, %swap3A_265], %swap3A_268 {strides = array<i32>} : memref<32x128x2xf32, #tpu.memory_space<vmem>>, vector<1x128x2xf32>,
    %slice3A_269 = vector.extract_strided_slice %slice3A_261 {offsets = [0, 2], sizes = [128, 1], strides = [1, 1]} : vector<128x3xf32> to vector<128x1xf32>
    %swap3A_270 = arith.constant 14 : index
    %swap3A_271 = arith.constant 0 : index
    %swap3A_272 = arith.constant 0 : index
    %swap3A_273 = vector.load %arg10[%swap3A_270, %swap3A_271, %swap3A_272] : memref<32x128x1xf32, #tpu.memory_space<vmem>>, vector<1x128x1xf32>
    %swap3A_274 = vector.shape_cast %swap3A_273 : vector<1x128x1xf32> to vector<128x1xf32>
    %swap3A_275 = vector.shape_cast %slice3A_269 : vector<128x1xf32> to vector<1x128x1xf32>
    tpu.vector_store %arg10[%swap3A_270, %swap3A_271, %swap3A_272], %swap3A_275 {strides = array<i32>} : memref<32x128x1xf32, #tpu.memory_space<vmem>>, vector<1x128x1xf32>,
    %slice3A_276 = vector.extract_strided_slice %add3A_51 {offsets = [1920, 0], sizes = [128, 3], strides = [1, 1]} : vector<4096x3xf32> to vector<128x3xf32>
    %slice3A_277 = vector.extract_strided_slice %slice3A_276 {offsets = [0, 0], sizes = [128, 2], strides = [1, 1]} : vector<128x3xf32> to vector<128x2xf32>
    %swap3A_278 = arith.constant 15 : index
    %swap3A_279 = arith.constant 0 : index
    %swap3A_280 = arith.constant 0 : index
    %swap3A_281 = vector.load %arg9[%swap3A_278, %swap3A_279, %swap3A_280] : memref<32x128x2xf32, #tpu.memory_space<vmem>>, vector<1x128x2xf32>
    %swap3A_282 = vector.shape_cast %swap3A_281 : vector<1x128x2xf32> to vector<128x2xf32>
    %swap3A_283 = vector.shape_cast %slice3A_277 : vector<128x2xf32> to vector<1x128x2xf32>
    tpu.vector_store %arg9[%swap3A_278, %swap3A_279, %swap3A_280], %swap3A_283 {strides = array<i32>} : memref<32x128x2xf32, #tpu.memory_space<vmem>>, vector<1x128x2xf32>,
    %slice3A_284 = vector.extract_strided_slice %slice3A_276 {offsets = [0, 2], sizes = [128, 1], strides = [1, 1]} : vector<128x3xf32> to vector<128x1xf32>
    %swap3A_285 = arith.constant 15 : index
    %swap3A_286 = arith.constant 0 : index
    %swap3A_287 = arith.constant 0 : index
    %swap3A_288 = vector.load %arg10[%swap3A_285, %swap3A_286, %swap3A_287] : memref<32x128x1xf32, #tpu.memory_space<vmem>>, vector<1x128x1xf32>
    %swap3A_289 = vector.shape_cast %swap3A_288 : vector<1x128x1xf32> to vector<128x1xf32>
    %swap3A_290 = vector.shape_cast %slice3A_284 : vector<128x1xf32> to vector<1x128x1xf32>
    tpu.vector_store %arg10[%swap3A_285, %swap3A_286, %swap3A_287], %swap3A_290 {strides = array<i32>} : memref<32x128x1xf32, #tpu.memory_space<vmem>>, vector<1x128x1xf32>,
    %slice3A_291 = vector.extract_strided_slice %add3A_51 {offsets = [2048, 0], sizes = [128, 3], strides = [1, 1]} : vector<4096x3xf32> to vector<128x3xf32>
    %slice3A_292 = vector.extract_strided_slice %slice3A_291 {offsets = [0, 0], sizes = [128, 2], strides = [1, 1]} : vector<128x3xf32> to vector<128x2xf32>
    %swap3A_293 = arith.constant 16 : index
    %swap3A_294 = arith.constant 0 : index
    %swap3A_295 = arith.constant 0 : index
    %swap3A_296 = vector.load %arg9[%swap3A_293, %swap3A_294, %swap3A_295] : memref<32x128x2xf32, #tpu.memory_space<vmem>>, vector<1x128x2xf32>
    %swap3A_297 = vector.shape_cast %swap3A_296 : vector<1x128x2xf32> to vector<128x2xf32>
    %swap3A_298 = vector.shape_cast %slice3A_292 : vector<128x2xf32> to vector<1x128x2xf32>
    tpu.vector_store %arg9[%swap3A_293, %swap3A_294, %swap3A_295], %swap3A_298 {strides = array<i32>} : memref<32x128x2xf32, #tpu.memory_space<vmem>>, vector<1x128x2xf32>,
    %slice3A_299 = vector.extract_strided_slice %slice3A_291 {offsets = [0, 2], sizes = [128, 1], strides = [1, 1]} : vector<128x3xf32> to vector<128x1xf32>
    %swap3A_300 = arith.constant 16 : index
    %swap3A_301 = arith.constant 0 : index
    %swap3A_302 = arith.constant 0 : index
    %swap3A_303 = vector.load %arg10[%swap3A_300, %swap3A_301, %swap3A_302] : memref<32x128x1xf32, #tpu.memory_space<vmem>>, vector<1x128x1xf32>
    %swap3A_304 = vector.shape_cast %swap3A_303 : vector<1x128x1xf32> to vector<128x1xf32>
    %swap3A_305 = vector.shape_cast %slice3A_299 : vector<128x1xf32> to vector<1x128x1xf32>
    tpu.vector_store %arg10[%swap3A_300, %swap3A_301, %swap3A_302], %swap3A_305 {strides = array<i32>} : memref<32x128x1xf32, #tpu.memory_space<vmem>>, vector<1x128x1xf32>,
    %slice3A_306 = vector.extract_strided_slice %add3A_51 {offsets = [2176, 0], sizes = [128, 3], strides = [1, 1]} : vector<4096x3xf32> to vector<128x3xf32>
    %slice3A_307 = vector.extract_strided_slice %slice3A_306 {offsets = [0, 0], sizes = [128, 2], strides = [1, 1]} : vector<128x3xf32> to vector<128x2xf32>
    %swap3A_308 = arith.constant 17 : index
    %swap3A_309 = arith.constant 0 : index
    %swap3A_310 = arith.constant 0 : index
    %swap3A_311 = vector.load %arg9[%swap3A_308, %swap3A_309, %swap3A_310] : memref<32x128x2xf32, #tpu.memory_space<vmem>>, vector<1x128x2xf32>
    %swap3A_312 = vector.shape_cast %swap3A_311 : vector<1x128x2xf32> to vector<128x2xf32>
    %swap3A_313 = vector.shape_cast %slice3A_307 : vector<128x2xf32> to vector<1x128x2xf32>
    tpu.vector_store %arg9[%swap3A_308, %swap3A_309, %swap3A_310], %swap3A_313 {strides = array<i32>} : memref<32x128x2xf32, #tpu.memory_space<vmem>>, vector<1x128x2xf32>,
    %slice3A_314 = vector.extract_strided_slice %slice3A_306 {offsets = [0, 2], sizes = [128, 1], strides = [1, 1]} : vector<128x3xf32> to vector<128x1xf32>
    %swap3A_315 = arith.constant 17 : index
    %swap3A_316 = arith.constant 0 : index
    %swap3A_317 = arith.constant 0 : index
    %swap3A_318 = vector.load %arg10[%swap3A_315, %swap3A_316, %swap3A_317] : memref<32x128x1xf32, #tpu.memory_space<vmem>>, vector<1x128x1xf32>
    %swap3A_319 = vector.shape_cast %swap3A_318 : vector<1x128x1xf32> to vector<128x1xf32>
    %swap3A_320 = vector.shape_cast %slice3A_314 : vector<128x1xf32> to vector<1x128x1xf32>
    tpu.vector_store %arg10[%swap3A_315, %swap3A_316, %swap3A_317], %swap3A_320 {strides = array<i32>} : memref<32x128x1xf32, #tpu.memory_space<vmem>>, vector<1x128x1xf32>,
    %slice3A_321 = vector.extract_strided_slice %add3A_51 {offsets = [2304, 0], sizes = [128, 3], strides = [1, 1]} : vector<4096x3xf32> to vector<128x3xf32>
    %slice3A_322 = vector.extract_strided_slice %slice3A_321 {offsets = [0, 0], sizes = [128, 2], strides = [1, 1]} : vector<128x3xf32> to vector<128x2xf32>
    %swap3A_323 = arith.constant 18 : index
    %swap3A_324 = arith.constant 0 : index
    %swap3A_325 = arith.constant 0 : index
    %swap3A_326 = vector.load %arg9[%swap3A_323, %swap3A_324, %swap3A_325] : memref<32x128x2xf32, #tpu.memory_space<vmem>>, vector<1x128x2xf32>
    %swap3A_327 = vector.shape_cast %swap3A_326 : vector<1x128x2xf32> to vector<128x2xf32>
    %swap3A_328 = vector.shape_cast %slice3A_322 : vector<128x2xf32> to vector<1x128x2xf32>
    tpu.vector_store %arg9[%swap3A_323, %swap3A_324, %swap3A_325], %swap3A_328 {strides = array<i32>} : memref<32x128x2xf32, #tpu.memory_space<vmem>>, vector<1x128x2xf32>,
    %slice3A_329 = vector.extract_strided_slice %slice3A_321 {offsets = [0, 2], sizes = [128, 1], strides = [1, 1]} : vector<128x3xf32> to vector<128x1xf32>
    %swap3A_330 = arith.constant 18 : index
    %swap3A_331 = arith.constant 0 : index
    %swap3A_332 = arith.constant 0 : index
    %swap3A_333 = vector.load %arg10[%swap3A_330, %swap3A_331, %swap3A_332] : memref<32x128x1xf32, #tpu.memory_space<vmem>>, vector<1x128x1xf32>
    %swap3A_334 = vector.shape_cast %swap3A_333 : vector<1x128x1xf32> to vector<128x1xf32>
    %swap3A_335 = vector.shape_cast %slice3A_329 : vector<128x1xf32> to vector<1x128x1xf32>
    tpu.vector_store %arg10[%swap3A_330, %swap3A_331, %swap3A_332], %swap3A_335 {strides = array<i32>} : memref<32x128x1xf32, #tpu.memory_space<vmem>>, vector<1x128x1xf32>,
    %slice3A_336 = vector.extract_strided_slice %add3A_51 {offsets = [2432, 0], sizes = [128, 3], strides = [1, 1]} : vector<4096x3xf32> to vector<128x3xf32>
    %slice3A_337 = vector.extract_strided_slice %slice3A_336 {offsets = [0, 0], sizes = [128, 2], strides = [1, 1]} : vector<128x3xf32> to vector<128x2xf32>
    %swap3A_338 = arith.constant 19 : index
    %swap3A_339 = arith.constant 0 : index
    %swap3A_340 = arith.constant 0 : index
    %swap3A_341 = vector.load %arg9[%swap3A_338, %swap3A_339, %swap3A_340] : memref<32x128x2xf32, #tpu.memory_space<vmem>>, vector<1x128x2xf32>
    %swap3A_342 = vector.shape_cast %swap3A_341 : vector<1x128x2xf32> to vector<128x2xf32>
    %swap3A_343 = vector.shape_cast %slice3A_337 : vector<128x2xf32> to vector<1x128x2xf32>
    tpu.vector_store %arg9[%swap3A_338, %swap3A_339, %swap3A_340], %swap3A_343 {strides = array<i32>} : memref<32x128x2xf32, #tpu.memory_space<vmem>>, vector<1x128x2xf32>,
    %slice3A_344 = vector.extract_strided_slice %slice3A_336 {offsets = [0, 2], sizes = [128, 1], strides = [1, 1]} : vector<128x3xf32> to vector<128x1xf32>
    %swap3A_345 = arith.constant 19 : index
    %swap3A_346 = arith.constant 0 : index
    %swap3A_347 = arith.constant 0 : index
    %swap3A_348 = vector.load %arg10[%swap3A_345, %swap3A_346, %swap3A_347] : memref<32x128x1xf32, #tpu.memory_space<vmem>>, vector<1x128x1xf32>
    %swap3A_349 = vector.shape_cast %swap3A_348 : vector<1x128x1xf32> to vector<128x1xf32>
    %swap3A_350 = vector.shape_cast %slice3A_344 : vector<128x1xf32> to vector<1x128x1xf32>
    tpu.vector_store %arg10[%swap3A_345, %swap3A_346, %swap3A_347], %swap3A_350 {strides = array<i32>} : memref<32x128x1xf32, #tpu.memory_space<vmem>>, vector<1x128x1xf32>,
    %slice3A_351 = vector.extract_strided_slice %add3A_51 {offsets = [2560, 0], sizes = [128, 3], strides = [1, 1]} : vector<4096x3xf32> to vector<128x3xf32>
    %slice3A_352 = vector.extract_strided_slice %slice3A_351 {offsets = [0, 0], sizes = [128, 2], strides = [1, 1]} : vector<128x3xf32> to vector<128x2xf32>
    %swap3A_353 = arith.constant 20 : index
    %swap3A_354 = arith.constant 0 : index
    %swap3A_355 = arith.constant 0 : index
    %swap3A_356 = vector.load %arg9[%swap3A_353, %swap3A_354, %swap3A_355] : memref<32x128x2xf32, #tpu.memory_space<vmem>>, vector<1x128x2xf32>
    %swap3A_357 = vector.shape_cast %swap3A_356 : vector<1x128x2xf32> to vector<128x2xf32>
    %swap3A_358 = vector.shape_cast %slice3A_352 : vector<128x2xf32> to vector<1x128x2xf32>
    tpu.vector_store %arg9[%swap3A_353, %swap3A_354, %swap3A_355], %swap3A_358 {strides = array<i32>} : memref<32x128x2xf32, #tpu.memory_space<vmem>>, vector<1x128x2xf32>,
    %slice3A_359 = vector.extract_strided_slice %slice3A_351 {offsets = [0, 2], sizes = [128, 1], strides = [1, 1]} : vector<128x3xf32> to vector<128x1xf32>
    %swap3A_360 = arith.constant 20 : index
    %swap3A_361 = arith.constant 0 : index
    %swap3A_362 = arith.constant 0 : index
    %swap3A_363 = vector.load %arg10[%swap3A_360, %swap3A_361, %swap3A_362] : memref<32x128x1xf32, #tpu.memory_space<vmem>>, vector<1x128x1xf32>
    %swap3A_364 = vector.shape_cast %swap3A_363 : vector<1x128x1xf32> to vector<128x1xf32>
    %swap3A_365 = vector.shape_cast %slice3A_359 : vector<128x1xf32> to vector<1x128x1xf32>
    tpu.vector_store %arg10[%swap3A_360, %swap3A_361, %swap3A_362], %swap3A_365 {strides = array<i32>} : memref<32x128x1xf32, #tpu.memory_space<vmem>>, vector<1x128x1xf32>,
    %slice3A_366 = vector.extract_strided_slice %add3A_51 {offsets = [2688, 0], sizes = [128, 3], strides = [1, 1]} : vector<4096x3xf32> to vector<128x3xf32>
    %slice3A_367 = vector.extract_strided_slice %slice3A_366 {offsets = [0, 0], sizes = [128, 2], strides = [1, 1]} : vector<128x3xf32> to vector<128x2xf32>
    %swap3A_368 = arith.constant 21 : index
    %swap3A_369 = arith.constant 0 : index
    %swap3A_370 = arith.constant 0 : index
    %swap3A_371 = vector.load %arg9[%swap3A_368, %swap3A_369, %swap3A_370] : memref<32x128x2xf32, #tpu.memory_space<vmem>>, vector<1x128x2xf32>
    %swap3A_372 = vector.shape_cast %swap3A_371 : vector<1x128x2xf32> to vector<128x2xf32>
    %swap3A_373 = vector.shape_cast %slice3A_367 : vector<128x2xf32> to vector<1x128x2xf32>
    tpu.vector_store %arg9[%swap3A_368, %swap3A_369, %swap3A_370], %swap3A_373 {strides = array<i32>} : memref<32x128x2xf32, #tpu.memory_space<vmem>>, vector<1x128x2xf32>,
    %slice3A_374 = vector.extract_strided_slice %slice3A_366 {offsets = [0, 2], sizes = [128, 1], strides = [1, 1]} : vector<128x3xf32> to vector<128x1xf32>
    %swap3A_375 = arith.constant 21 : index
    %swap3A_376 = arith.constant 0 : index
    %swap3A_377 = arith.constant 0 : index
    %swap3A_378 = vector.load %arg10[%swap3A_375, %swap3A_376, %swap3A_377] : memref<32x128x1xf32, #tpu.memory_space<vmem>>, vector<1x128x1xf32>
    %swap3A_379 = vector.shape_cast %swap3A_378 : vector<1x128x1xf32> to vector<128x1xf32>
    %swap3A_380 = vector.shape_cast %slice3A_374 : vector<128x1xf32> to vector<1x128x1xf32>
    tpu.vector_store %arg10[%swap3A_375, %swap3A_376, %swap3A_377], %swap3A_380 {strides = array<i32>} : memref<32x128x1xf32, #tpu.memory_space<vmem>>, vector<1x128x1xf32>,
    %slice3A_381 = vector.extract_strided_slice %add3A_51 {offsets = [2816, 0], sizes = [128, 3], strides = [1, 1]} : vector<4096x3xf32> to vector<128x3xf32>
    %slice3A_382 = vector.extract_strided_slice %slice3A_381 {offsets = [0, 0], sizes = [128, 2], strides = [1, 1]} : vector<128x3xf32> to vector<128x2xf32>
    %swap3A_383 = arith.constant 22 : index
    %swap3A_384 = arith.constant 0 : index
    %swap3A_385 = arith.constant 0 : index
    %swap3A_386 = vector.load %arg9[%swap3A_383, %swap3A_384, %swap3A_385] : memref<32x128x2xf32, #tpu.memory_space<vmem>>, vector<1x128x2xf32>
    %swap3A_387 = vector.shape_cast %swap3A_386 : vector<1x128x2xf32> to vector<128x2xf32>
    %swap3A_388 = vector.shape_cast %slice3A_382 : vector<128x2xf32> to vector<1x128x2xf32>
    tpu.vector_store %arg9[%swap3A_383, %swap3A_384, %swap3A_385], %swap3A_388 {strides = array<i32>} : memref<32x128x2xf32, #tpu.memory_space<vmem>>, vector<1x128x2xf32>,
    %slice3A_389 = vector.extract_strided_slice %slice3A_381 {offsets = [0, 2], sizes = [128, 1], strides = [1, 1]} : vector<128x3xf32> to vector<128x1xf32>
    %swap3A_390 = arith.constant 22 : index
    %swap3A_391 = arith.constant 0 : index
    %swap3A_392 = arith.constant 0 : index
    %swap3A_393 = vector.load %arg10[%swap3A_390, %swap3A_391, %swap3A_392] : memref<32x128x1xf32, #tpu.memory_space<vmem>>, vector<1x128x1xf32>
    %swap3A_394 = vector.shape_cast %swap3A_393 : vector<1x128x1xf32> to vector<128x1xf32>
    %swap3A_395 = vector.shape_cast %slice3A_389 : vector<128x1xf32> to vector<1x128x1xf32>
    tpu.vector_store %arg10[%swap3A_390, %swap3A_391, %swap3A_392], %swap3A_395 {strides = array<i32>} : memref<32x128x1xf32, #tpu.memory_space<vmem>>, vector<1x128x1xf32>,
    %slice3A_396 = vector.extract_strided_slice %add3A_51 {offsets = [2944, 0], sizes = [128, 3], strides = [1, 1]} : vector<4096x3xf32> to vector<128x3xf32>
    %slice3A_397 = vector.extract_strided_slice %slice3A_396 {offsets = [0, 0], sizes = [128, 2], strides = [1, 1]} : vector<128x3xf32> to vector<128x2xf32>
    %swap3A_398 = arith.constant 23 : index
    %swap3A_399 = arith.constant 0 : index
    %swap3A_400 = arith.constant 0 : index
    %swap3A_401 = vector.load %arg9[%swap3A_398, %swap3A_399, %swap3A_400] : memref<32x128x2xf32, #tpu.memory_space<vmem>>, vector<1x128x2xf32>
    %swap3A_402 = vector.shape_cast %swap3A_401 : vector<1x128x2xf32> to vector<128x2xf32>
    %swap3A_403 = vector.shape_cast %slice3A_397 : vector<128x2xf32> to vector<1x128x2xf32>
    tpu.vector_store %arg9[%swap3A_398, %swap3A_399, %swap3A_400], %swap3A_403 {strides = array<i32>} : memref<32x128x2xf32, #tpu.memory_space<vmem>>, vector<1x128x2xf32>,
    %slice3A_404 = vector.extract_strided_slice %slice3A_396 {offsets = [0, 2], sizes = [128, 1], strides = [1, 1]} : vector<128x3xf32> to vector<128x1xf32>
    %swap3A_405 = arith.constant 23 : index
    %swap3A_406 = arith.constant 0 : index
    %swap3A_407 = arith.constant 0 : index
    %swap3A_408 = vector.load %arg10[%swap3A_405, %swap3A_406, %swap3A_407] : memref<32x128x1xf32, #tpu.memory_space<vmem>>, vector<1x128x1xf32>
    %swap3A_409 = vector.shape_cast %swap3A_408 : vector<1x128x1xf32> to vector<128x1xf32>
    %swap3A_410 = vector.shape_cast %slice3A_404 : vector<128x1xf32> to vector<1x128x1xf32>
    tpu.vector_store %arg10[%swap3A_405, %swap3A_406, %swap3A_407], %swap3A_410 {strides = array<i32>} : memref<32x128x1xf32, #tpu.memory_space<vmem>>, vector<1x128x1xf32>,
    %slice3A_411 = vector.extract_strided_slice %add3A_51 {offsets = [3072, 0], sizes = [128, 3], strides = [1, 1]} : vector<4096x3xf32> to vector<128x3xf32>
    %slice3A_412 = vector.extract_strided_slice %slice3A_411 {offsets = [0, 0], sizes = [128, 2], strides = [1, 1]} : vector<128x3xf32> to vector<128x2xf32>
    %swap3A_413 = arith.constant 24 : index
    %swap3A_414 = arith.constant 0 : index
    %swap3A_415 = arith.constant 0 : index
    %swap3A_416 = vector.load %arg9[%swap3A_413, %swap3A_414, %swap3A_415] : memref<32x128x2xf32, #tpu.memory_space<vmem>>, vector<1x128x2xf32>
    %swap3A_417 = vector.shape_cast %swap3A_416 : vector<1x128x2xf32> to vector<128x2xf32>
    %swap3A_418 = vector.shape_cast %slice3A_412 : vector<128x2xf32> to vector<1x128x2xf32>
    tpu.vector_store %arg9[%swap3A_413, %swap3A_414, %swap3A_415], %swap3A_418 {strides = array<i32>} : memref<32x128x2xf32, #tpu.memory_space<vmem>>, vector<1x128x2xf32>,
    %slice3A_419 = vector.extract_strided_slice %slice3A_411 {offsets = [0, 2], sizes = [128, 1], strides = [1, 1]} : vector<128x3xf32> to vector<128x1xf32>
    %swap3A_420 = arith.constant 24 : index
    %swap3A_421 = arith.constant 0 : index
    %swap3A_422 = arith.constant 0 : index
    %swap3A_423 = vector.load %arg10[%swap3A_420, %swap3A_421, %swap3A_422] : memref<32x128x1xf32, #tpu.memory_space<vmem>>, vector<1x128x1xf32>
    %swap3A_424 = vector.shape_cast %swap3A_423 : vector<1x128x1xf32> to vector<128x1xf32>
    %swap3A_425 = vector.shape_cast %slice3A_419 : vector<128x1xf32> to vector<1x128x1xf32>
    tpu.vector_store %arg10[%swap3A_420, %swap3A_421, %swap3A_422], %swap3A_425 {strides = array<i32>} : memref<32x128x1xf32, #tpu.memory_space<vmem>>, vector<1x128x1xf32>,
    %slice3A_426 = vector.extract_strided_slice %add3A_51 {offsets = [3200, 0], sizes = [128, 3], strides = [1, 1]} : vector<4096x3xf32> to vector<128x3xf32>
    %slice3A_427 = vector.extract_strided_slice %slice3A_426 {offsets = [0, 0], sizes = [128, 2], strides = [1, 1]} : vector<128x3xf32> to vector<128x2xf32>
    %swap3A_428 = arith.constant 25 : index
    %swap3A_429 = arith.constant 0 : index
    %swap3A_430 = arith.constant 0 : index
    %swap3A_431 = vector.load %arg9[%swap3A_428, %swap3A_429, %swap3A_430] : memref<32x128x2xf32, #tpu.memory_space<vmem>>, vector<1x128x2xf32>
    %swap3A_432 = vector.shape_cast %swap3A_431 : vector<1x128x2xf32> to vector<128x2xf32>
    %swap3A_433 = vector.shape_cast %slice3A_427 : vector<128x2xf32> to vector<1x128x2xf32>
    tpu.vector_store %arg9[%swap3A_428, %swap3A_429, %swap3A_430], %swap3A_433 {strides = array<i32>} : memref<32x128x2xf32, #tpu.memory_space<vmem>>, vector<1x128x2xf32>,
    %slice3A_434 = vector.extract_strided_slice %slice3A_426 {offsets = [0, 2], sizes = [128, 1], strides = [1, 1]} : vector<128x3xf32> to vector<128x1xf32>
    %swap3A_435 = arith.constant 25 : index
    %swap3A_436 = arith.constant 0 : index
    %swap3A_437 = arith.constant 0 : index
    %swap3A_438 = vector.load %arg10[%swap3A_435, %swap3A_436, %swap3A_437] : memref<32x128x1xf32, #tpu.memory_space<vmem>>, vector<1x128x1xf32>
    %swap3A_439 = vector.shape_cast %swap3A_438 : vector<1x128x1xf32> to vector<128x1xf32>
    %swap3A_440 = vector.shape_cast %slice3A_434 : vector<128x1xf32> to vector<1x128x1xf32>
    tpu.vector_store %arg10[%swap3A_435, %swap3A_436, %swap3A_437], %swap3A_440 {strides = array<i32>} : memref<32x128x1xf32, #tpu.memory_space<vmem>>, vector<1x128x1xf32>,
    %slice3A_441 = vector.extract_strided_slice %add3A_51 {offsets = [3328, 0], sizes = [128, 3], strides = [1, 1]} : vector<4096x3xf32> to vector<128x3xf32>
    %slice3A_442 = vector.extract_strided_slice %slice3A_441 {offsets = [0, 0], sizes = [128, 2], strides = [1, 1]} : vector<128x3xf32> to vector<128x2xf32>
    %swap3A_443 = arith.constant 26 : index
    %swap3A_444 = arith.constant 0 : index
    %swap3A_445 = arith.constant 0 : index
    %swap3A_446 = vector.load %arg9[%swap3A_443, %swap3A_444, %swap3A_445] : memref<32x128x2xf32, #tpu.memory_space<vmem>>, vector<1x128x2xf32>
    %swap3A_447 = vector.shape_cast %swap3A_446 : vector<1x128x2xf32> to vector<128x2xf32>
    %swap3A_448 = vector.shape_cast %slice3A_442 : vector<128x2xf32> to vector<1x128x2xf32>
    tpu.vector_store %arg9[%swap3A_443, %swap3A_444, %swap3A_445], %swap3A_448 {strides = array<i32>} : memref<32x128x2xf32, #tpu.memory_space<vmem>>, vector<1x128x2xf32>,
    %slice3A_449 = vector.extract_strided_slice %slice3A_441 {offsets = [0, 2], sizes = [128, 1], strides = [1, 1]} : vector<128x3xf32> to vector<128x1xf32>
    %swap3A_450 = arith.constant 26 : index
    %swap3A_451 = arith.constant 0 : index
    %swap3A_452 = arith.constant 0 : index
    %swap3A_453 = vector.load %arg10[%swap3A_450, %swap3A_451, %swap3A_452] : memref<32x128x1xf32, #tpu.memory_space<vmem>>, vector<1x128x1xf32>
    %swap3A_454 = vector.shape_cast %swap3A_453 : vector<1x128x1xf32> to vector<128x1xf32>
    %swap3A_455 = vector.shape_cast %slice3A_449 : vector<128x1xf32> to vector<1x128x1xf32>
    tpu.vector_store %arg10[%swap3A_450, %swap3A_451, %swap3A_452], %swap3A_455 {strides = array<i32>} : memref<32x128x1xf32, #tpu.memory_space<vmem>>, vector<1x128x1xf32>,
    %slice3A_456 = vector.extract_strided_slice %add3A_51 {offsets = [3456, 0], sizes = [128, 3], strides = [1, 1]} : vector<4096x3xf32> to vector<128x3xf32>
    %slice3A_457 = vector.extract_strided_slice %slice3A_456 {offsets = [0, 0], sizes = [128, 2], strides = [1, 1]} : vector<128x3xf32> to vector<128x2xf32>
    %swap3A_458 = arith.constant 27 : index
    %swap3A_459 = arith.constant 0 : index
    %swap3A_460 = arith.constant 0 : index
    %swap3A_461 = vector.load %arg9[%swap3A_458, %swap3A_459, %swap3A_460] : memref<32x128x2xf32, #tpu.memory_space<vmem>>, vector<1x128x2xf32>
    %swap3A_462 = vector.shape_cast %swap3A_461 : vector<1x128x2xf32> to vector<128x2xf32>
    %swap3A_463 = vector.shape_cast %slice3A_457 : vector<128x2xf32> to vector<1x128x2xf32>
    tpu.vector_store %arg9[%swap3A_458, %swap3A_459, %swap3A_460], %swap3A_463 {strides = array<i32>} : memref<32x128x2xf32, #tpu.memory_space<vmem>>, vector<1x128x2xf32>,
    %slice3A_464 = vector.extract_strided_slice %slice3A_456 {offsets = [0, 2], sizes = [128, 1], strides = [1, 1]} : vector<128x3xf32> to vector<128x1xf32>
    %swap3A_465 = arith.constant 27 : index
    %swap3A_466 = arith.constant 0 : index
    %swap3A_467 = arith.constant 0 : index
    %swap3A_468 = vector.load %arg10[%swap3A_465, %swap3A_466, %swap3A_467] : memref<32x128x1xf32, #tpu.memory_space<vmem>>, vector<1x128x1xf32>
    %swap3A_469 = vector.shape_cast %swap3A_468 : vector<1x128x1xf32> to vector<128x1xf32>
    %swap3A_470 = vector.shape_cast %slice3A_464 : vector<128x1xf32> to vector<1x128x1xf32>
    tpu.vector_store %arg10[%swap3A_465, %swap3A_466, %swap3A_467], %swap3A_470 {strides = array<i32>} : memref<32x128x1xf32, #tpu.memory_space<vmem>>, vector<1x128x1xf32>,
    %slice3A_471 = vector.extract_strided_slice %add3A_51 {offsets = [3584, 0], sizes = [128, 3], strides = [1, 1]} : vector<4096x3xf32> to vector<128x3xf32>
    %slice3A_472 = vector.extract_strided_slice %slice3A_471 {offsets = [0, 0], sizes = [128, 2], strides = [1, 1]} : vector<128x3xf32> to vector<128x2xf32>
    %swap3A_473 = arith.constant 28 : index
    %swap3A_474 = arith.constant 0 : index
    %swap3A_475 = arith.constant 0 : index
    %swap3A_476 = vector.load %arg9[%swap3A_473, %swap3A_474, %swap3A_475] : memref<32x128x2xf32, #tpu.memory_space<vmem>>, vector<1x128x2xf32>
    %swap3A_477 = vector.shape_cast %swap3A_476 : vector<1x128x2xf32> to vector<128x2xf32>
    %swap3A_478 = vector.shape_cast %slice3A_472 : vector<128x2xf32> to vector<1x128x2xf32>
    tpu.vector_store %arg9[%swap3A_473, %swap3A_474, %swap3A_475], %swap3A_478 {strides = array<i32>} : memref<32x128x2xf32, #tpu.memory_space<vmem>>, vector<1x128x2xf32>,
    %slice3A_479 = vector.extract_strided_slice %slice3A_471 {offsets = [0, 2], sizes = [128, 1], strides = [1, 1]} : vector<128x3xf32> to vector<128x1xf32>
    %swap3A_480 = arith.constant 28 : index
    %swap3A_481 = arith.constant 0 : index
    %swap3A_482 = arith.constant 0 : index
    %swap3A_483 = vector.load %arg10[%swap3A_480, %swap3A_481, %swap3A_482] : memref<32x128x1xf32, #tpu.memory_space<vmem>>, vector<1x128x1xf32>
    %swap3A_484 = vector.shape_cast %swap3A_483 : vector<1x128x1xf32> to vector<128x1xf32>
    %swap3A_485 = vector.shape_cast %slice3A_479 : vector<128x1xf32> to vector<1x128x1xf32>
    tpu.vector_store %arg10[%swap3A_480, %swap3A_481, %swap3A_482], %swap3A_485 {strides = array<i32>} : memref<32x128x1xf32, #tpu.memory_space<vmem>>, vector<1x128x1xf32>,
    %slice3A_486 = vector.extract_strided_slice %add3A_51 {offsets = [3712, 0], sizes = [128, 3], strides = [1, 1]} : vector<4096x3xf32> to vector<128x3xf32>
    %slice3A_487 = vector.extract_strided_slice %slice3A_486 {offsets = [0, 0], sizes = [128, 2], strides = [1, 1]} : vector<128x3xf32> to vector<128x2xf32>
    %swap3A_488 = arith.constant 29 : index
    %swap3A_489 = arith.constant 0 : index
    %swap3A_490 = arith.constant 0 : index
    %swap3A_491 = vector.load %arg9[%swap3A_488, %swap3A_489, %swap3A_490] : memref<32x128x2xf32, #tpu.memory_space<vmem>>, vector<1x128x2xf32>
    %swap3A_492 = vector.shape_cast %swap3A_491 : vector<1x128x2xf32> to vector<128x2xf32>
    %swap3A_493 = vector.shape_cast %slice3A_487 : vector<128x2xf32> to vector<1x128x2xf32>
    tpu.vector_store %arg9[%swap3A_488, %swap3A_489, %swap3A_490], %swap3A_493 {strides = array<i32>} : memref<32x128x2xf32, #tpu.memory_space<vmem>>, vector<1x128x2xf32>,
    %slice3A_494 = vector.extract_strided_slice %slice3A_486 {offsets = [0, 2], sizes = [128, 1], strides = [1, 1]} : vector<128x3xf32> to vector<128x1xf32>
    %swap3A_495 = arith.constant 29 : index
    %swap3A_496 = arith.constant 0 : index
    %swap3A_497 = arith.constant 0 : index
    %swap3A_498 = vector.load %arg10[%swap3A_495, %swap3A_496, %swap3A_497] : memref<32x128x1xf32, #tpu.memory_space<vmem>>, vector<1x128x1xf32>
    %swap3A_499 = vector.shape_cast %swap3A_498 : vector<1x128x1xf32> to vector<128x1xf32>
    %swap3A_500 = vector.shape_cast %slice3A_494 : vector<128x1xf32> to vector<1x128x1xf32>
    tpu.vector_store %arg10[%swap3A_495, %swap3A_496, %swap3A_497], %swap3A_500 {strides = array<i32>} : memref<32x128x1xf32, #tpu.memory_space<vmem>>, vector<1x128x1xf32>,
    %slice3A_501 = vector.extract_strided_slice %add3A_51 {offsets = [3840, 0], sizes = [128, 3], strides = [1, 1]} : vector<4096x3xf32> to vector<128x3xf32>
    %slice3A_502 = vector.extract_strided_slice %slice3A_501 {offsets = [0, 0], sizes = [128, 2], strides = [1, 1]} : vector<128x3xf32> to vector<128x2xf32>
    %swap3A_503 = arith.constant 30 : index
    %swap3A_504 = arith.constant 0 : index
    %swap3A_505 = arith.constant 0 : index
    %swap3A_506 = vector.load %arg9[%swap3A_503, %swap3A_504, %swap3A_505] : memref<32x128x2xf32, #tpu.memory_space<vmem>>, vector<1x128x2xf32>
    %swap3A_507 = vector.shape_cast %swap3A_506 : vector<1x128x2xf32> to vector<128x2xf32>
    %swap3A_508 = vector.shape_cast %slice3A_502 : vector<128x2xf32> to vector<1x128x2xf32>
    tpu.vector_store %arg9[%swap3A_503, %swap3A_504, %swap3A_505], %swap3A_508 {strides = array<i32>} : memref<32x128x2xf32, #tpu.memory_space<vmem>>, vector<1x128x2xf32>,
    %slice3A_509 = vector.extract_strided_slice %slice3A_501 {offsets = [0, 2], sizes = [128, 1], strides = [1, 1]} : vector<128x3xf32> to vector<128x1xf32>
    %swap3A_510 = arith.constant 30 : index
    %swap3A_511 = arith.constant 0 : index
    %swap3A_512 = arith.constant 0 : index
    %swap3A_513 = vector.load %arg10[%swap3A_510, %swap3A_511, %swap3A_512] : memref<32x128x1xf32, #tpu.memory_space<vmem>>, vector<1x128x1xf32>
    %swap3A_514 = vector.shape_cast %swap3A_513 : vector<1x128x1xf32> to vector<128x1xf32>
    %swap3A_515 = vector.shape_cast %slice3A_509 : vector<128x1xf32> to vector<1x128x1xf32>
    tpu.vector_store %arg10[%swap3A_510, %swap3A_511, %swap3A_512], %swap3A_515 {strides = array<i32>} : memref<32x128x1xf32, #tpu.memory_space<vmem>>, vector<1x128x1xf32>,
    %slice3A_516 = vector.extract_strided_slice %add3A_51 {offsets = [3968, 0], sizes = [128, 3], strides = [1, 1]} : vector<4096x3xf32> to vector<128x3xf32>
    %slice3A_517 = vector.extract_strided_slice %slice3A_516 {offsets = [0, 0], sizes = [128, 2], strides = [1, 1]} : vector<128x3xf32> to vector<128x2xf32>
    %swap3A_518 = arith.constant 31 : index
    %swap3A_519 = arith.constant 0 : index
    %swap3A_520 = arith.constant 0 : index
    %swap3A_521 = vector.load %arg9[%swap3A_518, %swap3A_519, %swap3A_520] : memref<32x128x2xf32, #tpu.memory_space<vmem>>, vector<1x128x2xf32>
    %swap3A_522 = vector.shape_cast %swap3A_521 : vector<1x128x2xf32> to vector<128x2xf32>
    %swap3A_523 = vector.shape_cast %slice3A_517 : vector<128x2xf32> to vector<1x128x2xf32>
    tpu.vector_store %arg9[%swap3A_518, %swap3A_519, %swap3A_520], %swap3A_523 {strides = array<i32>} : memref<32x128x2xf32, #tpu.memory_space<vmem>>, vector<1x128x2xf32>,
    %slice3A_524 = vector.extract_strided_slice %slice3A_516 {offsets = [0, 2], sizes = [128, 1], strides = [1, 1]} : vector<128x3xf32> to vector<128x1xf32>
    %swap3A_525 = arith.constant 31 : index
    %swap3A_526 = arith.constant 0 : index
    %swap3A_527 = arith.constant 0 : index
    %swap3A_528 = vector.load %arg10[%swap3A_525, %swap3A_526, %swap3A_527] : memref<32x128x1xf32, #tpu.memory_space<vmem>>, vector<1x128x1xf32>
    %swap3A_529 = vector.shape_cast %swap3A_528 : vector<1x128x1xf32> to vector<128x1xf32>
    %swap3A_530 = vector.shape_cast %slice3A_524 : vector<128x1xf32> to vector<1x128x1xf32>
    tpu.vector_store %arg10[%swap3A_525, %swap3A_526, %swap3A_527], %swap3A_530 {strides = array<i32>} : memref<32x128x1xf32, #tpu.memory_space<vmem>>, vector<1x128x1xf32>,
    return
  }
}

</mosaic_0001>

<sc_bundles>
// kernel: sc_knn_gather_mean.3.cloned.1.call-start
scs
__scs_entry_jumppad:
0x0: {  	(pc) =	sbr.rel $0x88, $3  }
0x1: {  	(tag) =	ssettag $0x0;
	lr =	simm.s32 $0x1  }
0x2: {  	[smem:$0x3F91] =	sst lr;
	_ =	strace $0xD0000000  }
0x3: {  	_ = 	snop  }
0x4: {  	_ = 	snop  }
0x5: {  	_ = 	snop  }
0x6: {  	_ = 	snop  }
0x7: {  	_ = 	snop  }
__scs_overlays_trampoline_lowered:
0x8: {  	[smem:$0x3FA0] =	sst s0  }
0x9: {  	[smem:$0x3FA1] =	sst s1  }
0xa: {  	[smem:$0x3FA2] =	sst s2  }
0xb: {  	[smem:$0x3FA3] =	sst s3  }
0xc: {  	[smem:$0x3FA4] =	sst s4  }
0xd: {  	[smem:$0x3FA5] =	sst s5  }
0xe: {  	[smem:$0x3FA6] =	sst s6  }
0xf: {  	[smem:$0x3FA7] =	sst s7  }
0x10: {  	[smem:$0x3FA8] =	sst s8  }
0x11: {  	[smem:$0x3FA9] =	sst s9;
	s0 =	simm.s32 @!p0 $0x0  }
0x12: {  	s1 =	sld [smem:$0x3F8F];
	s0 =	simm.s32 @p0 $0x1  }
0x13: {  	[smem:$0x3FAA] =	sst s0;
	s0 =	simm.s32 @!p1 $0x0  }
0x14: {  	s2 =	sld [smem:$0x3F8E];
	s0 =	simm.s32 @p1 $0x1  }
0x15: {  	[smem:$0x3FAB] =	sst s0;
	s0 =	simm.s32 @!p2 $0x0  }
0x16: {  	s3 =	sld [smem:$0x3FDB];
	s0 =	simm.s32 @p2 $0x1  }
0x17: {  	s4 =	simm.s32 $0x1BF5;
	[smem:$0x3FAD] =	sst s0  }
0x18: {  	s0 =	sld [smem:$0x3F90];
	_ =	swait.ge [sflag:s4], $0x0  }
0x19: {  	s7 =	sld [smem:$0x3F91]  }
0x1a: {  	s8 =	sadd.s32 $0xFFFFE003, lr  }
0x1b: {  	s9 =	sadd.s32 $0xFFFFFEF7, lr;
	s5 =	simm.s32 $0xFFFFFFFF;
	p2 =	slt.u32 s8, $0xFFFFF086  }
0x1c: {  	p1 =	slt.u32 s9, $0xF7A;
	s5 =	simm.s32 @!p2 $0x0  }
0x1d: {  	s5 =	simm.s32 @p1 $0x1;
	p0 =	seq.s32 s7, s2  }
0x1e: {  	s7 =	smul.u32 @!p0 $0xF7A, s2;
	p2 =	seq.s32 @!p0 s5, $0x0  }
0x1f: {  	s9 =	smul.u32 $0xF7A, s1;
	s8 =	simm.s32 @!p0 $0x1BF5;
	p2 =	por !p2, p0  }
0x20: {  	[sflag:s8] =	ssyncset.s32 @!p0 $0xFFFFF086;
	s6 =	sadd.s32 @!p0 s3, s7;
	s7 =	simm.s32 @!p0 $0x108  }
0x21: {  	s3 =	sadd.s32 s3, s9;
	s6 =	sadd.s32 @!p0 $0x88, s6;
	s7 =	simm.s32 @p2 $0x1082  }
0x22: {  	[simem:s7], [sflag:s8] =	dma.local @!p0 [hbm:s6], $0xF7A  }
0x23: {  	s9 =	sor.u32 $0xD0000000, s2;
	s6 =	simm.s32 $0x108;
	_ =	swait.ge @!p0 [sflag:s8], $0x0  }
0x24: {  	s3 =	sadd.s32 $0x88, s3;
	s6 =	simm.s32 @!p1 $0x1082;
	[sflag:s4] =	ssyncset.s32 $0xFFFFF086  }
0x25: {  	[simem:s6], [sflag:s4] =	dma.local [hbm:s3], $0xF7A  }
0x26: {  	[smem:$0x3F91] =	sst s1;
	(tag) =	ssettag s2;
	_ =	strace s9  }
0x27: {  	s1 =	sld [smem:$0x3FA1]  }
0x28: {  	s2 =	sld [smem:$0x3FA2]  }
0x29: {  	s4 =	sld [smem:$0x3FA4]  }
0x2a: {  	p0 =	seq.s32 s5, $0x0;
	s5 =	sld [smem:$0x3FA5]  }
0x2b: {  	s6 =	sld [smem:$0x3FA6]  }
0x2c: {  	s7 =	sld [smem:$0x3FA7]  }
0x2d: {  	s3 =	simm.s32 $0x108;
	s8 =	sld [smem:$0x3FA8]  }
0x2e: {  	s3 =	simm.s32 @!p0 $0x1082;
	s9 =	sld [smem:$0x3FA9]  }
0x2f: {  	lr =	sadd.s32 s0, s3;
	s0 =	sld [smem:$0x3FA0]  }
0x30: {  	s3 =	sld [smem:$0x3FA3]  }
0x31: {  	[smem:$0x3FAC] =	sst s10  }
0x32: {  	s10 =	sld [smem:$0x3FAA];
	_ =	sdelay $0x3  }
0x33: {  	p0 =	seq.s32 s10, $0x1;
	s10 =	sld [smem:$0x3FAC];
	_ =	sdelay $0x3  }
0x34: {  	[smem:$0x3FAC] =	sst s10  }
0x35: {  	s10 =	sld [smem:$0x3FAB];
	_ =	sdelay $0x3  }
0x36: {  	p1 =	seq.s32 s10, $0x1;
	s10 =	sld [smem:$0x3FAC];
	_ =	sdelay $0x3  }
0x37: {  	[smem:$0x3FAC] =	sst s10  }
0x38: {  	s10 =	sld [smem:$0x3FAD]  }
0x39: {  	_ = 	snop;
	(pc) =	sbr.ind lr, $3  }
0x3a: {  	_ = 	snop  }
0x3b: {  	_ = 	snop  }
0x3c: {  	p2 =	seq.s32 s10, $0x1;
	s10 =	sld [smem:$0x3FAC]  }
0x3d: {  	_ =	shalt  }
0x3e: {  	_ =	shalt  }
0x3f: {  	_ =	shalt  }
0x40: {  	_ =	shalt  }
0x41: {  	_ =	shalt  }
0x42: {  	_ =	shalt  }
0x43: {  	_ =	shalt  }
0x44: {  	_ =	shalt  }
0x45: {  	_ =	shalt  }
0x46: {  	_ =	shalt  }
0x47: {  	_ =	shalt  }
0x48: {  	_ =	shalt  }
0x49: {  	_ =	shalt  }
0x4a: {  	_ =	shalt  }
0x4b: {  	_ =	shalt  }
0x4c: {  	_ =	shalt  }
0x4d: {  	_ =	shalt  }
0x4e: {  	_ =	shalt  }
0x4f: {  	_ =	shalt  }
0x50: {  	_ =	shalt  }
0x51: {  	_ =	shalt  }
0x52: {  	_ =	shalt  }
0x53: {  	_ =	shalt  }
0x54: {  	_ =	shalt  }
0x55: {  	_ =	shalt  }
0x56: {  	_ =	shalt  }
0x57: {  	_ =	shalt  }
0x58: {  	_ =	shalt  }
0x59: {  	_ =	shalt  }
0x5a: {  	_ =	shalt  }
0x5b: {  	_ =	shalt  }
0x5c: {  	_ =	shalt  }
0x5d: {  	_ =	shalt  }
0x5e: {  	_ =	shalt  }
0x5f: {  	_ =	shalt  }
0x60: {  	_ =	shalt  }
0x61: {  	_ =	shalt  }
0x62: {  	_ =	shalt  }
0x63: {  	_ =	shalt  }
0x64: {  	_ =	shalt  }
0x65: {  	_ =	shalt  }
0x66: {  	_ =	shalt  }
0x67: {  	_ =	shalt  }
0x68: {  	_ =	shalt  }
0x69: {  	_ =	shalt  }
0x6a: {  	_ =	shalt  }
0x6b: {  	_ =	shalt  }
0x6c: {  	_ =	shalt  }
0x6d: {  	_ =	shalt  }
0x6e: {  	_ =	shalt  }
0x6f: {  	_ =	shalt  }
0x70: {  	_ =	shalt  }
0x71: {  	_ =	shalt  }
0x72: {  	_ =	shalt  }
0x73: {  	_ =	shalt  }
0x74: {  	_ =	shalt  }
0x75: {  	_ =	shalt  }
0x76: {  	_ =	shalt  }
0x77: {  	_ =	shalt  }
0x78: {  	_ =	shalt  }
0x79: {  	_ =	shalt  }
0x7a: {  	_ =	shalt  }
0x7b: {  	_ =	shalt  }
0x7c: {  	_ =	shalt  }
0x7d: {  	_ =	shalt  }
0x7e: {  	_ =	shalt  }
0x7f: {  	_ =	shalt  }
0x80: {  	_ =	shalt  }
0x81: {  	_ =	shalt  }
0x82: {  	_ =	shalt  }
0x83: {  	_ =	shalt  }
0x84: {  	_ =	shalt  }
0x85: {  	_ =	shalt  }
0x86: {  	_ =	shalt  }
0x87: {  	_ =	shalt  }
.Lfunc_end0:
.L_simem_size_0:
called_computation_lowered:
.L_overlay_start_0:
0x88: {  	s2 =	sld [smem:$0x3FD9]  }
0x89: {  	s3 =	sld [smem:$0x3FFE];
	_ =	sdelay $0x1  }
0x8a: {  	s1 =	srdreg.scid  }
0x8b: {  	s0 =	sand.u32 $0x1, s1  }
0x8c: {  	s16 =	sshll.u32 s0, $0xA;
	s2 =	sadd.s32 s3, s2  }
0x8d: {  	s2 =	sadd.s32 s2, s16  }
0x8e: {  	[smem:$0x3FB8] =	sst s2  }
0x8f: {  	_ = 	snop  }
0x90: {  	(tm) =	ssettm $0x1  }
0x91: {  	s17 =	sld [smem:$0x3FFB];
	_ =	sdelay $0x3  }
0x92: {  	_ =	strace s17  }
0x93: {  	s2 =	sld [smem:$0x3FFC];
	_ =	sdelay $0x3  }
0x94: {  	_ =	strace s2  }
0x95: {  	s2 =	sld [smem:$0x3FFD];
	_ =	sdelay $0x3  }
0x96: {  	_ =	strace s2  }
0x97: {  	_ =	strace $0x8FFFFFFF  }
0x98: {  	s18 =	sld [smem:$0x3FDB];
	_ =	sdelay $0x1  }
0x99: {  	s19 =	simm.s32 $_scs_section_size  }
0x9a: {  	s4 =	simm.s32 $_size__tile_overlayer_lowered;
	s5 =	simm.s32 $_tile_overlayer_lowered  }
0x9b: {  	s22 =	simm.s32 $0x1BFF;
	s21 =	sshll.u32 s5, $0x1;
	s2 =	sadd.s32 s19, s18  }
0x9c: {  	s6 =	simm.s32 $0x0;
	s20 =	sshll.u32 s4, $0x1;
	s4 =	sadd.s32 s21, s2  }
0x9d: {  	[timem:s6], [sflag:s22] =	dma.local [hbm:s4], s20  }
0x9e: {  	_ =	swait.ge [sflag:s22], s20  }
0x9f: {  	s3 =	ssub.s32 $0x0, s20;
	[sflag:s22] =	ssyncset.done $0x0  }
0xa0: {  	[sflag:s22] =	ssyncadd.s32 s3;
	_ =	sdelay $0x1  }
0xa1: {  	s23 =	simm.s32 $0x1B8B  }
0xa2: {  	_ =	swait.ge [sflag:s23], $0x1  }
0xa3: {  	[sflag:s23] =	ssyncset.done $0x0  }
0xa4: {  	s25 =	simm.s32 $0x1B8E;
	s24 =	sld [smem:$0x3FFE];
	[sflag:s23] =	ssyncadd.s32 $0xFFFFFFFF  }
0xa5: {  	s26 =	simm.s32 $execute0_lowered;
	[smem:$0x3FD2] =	sst s25  }
0xa6: {  	s4 =	sshll.u32 s26, $0x1;
	_ =	strace $0x80000046;
	[dreg:$0x1] =	wrdreg $0xFFFFFFFF  }
0xa7: {  	s28 =	simm.s32 $_size_execute0_lowered;
	s2 =	sadd.s32 s2, s4;
	[dreg:$0x0] =	wrdreg $0x0  }
0xa8: {  	s4 =	sshll.u32 s28, $0x1;
	[dreg:$0x2] =	wrdreg s2  }
0xa9: {  	[dreg:$0x3] =	wrdreg s4  }
0xaa: {  	[dreg:$0x4] =	wrdreg $0xC0  }
0xab: {  	_ =	task [dreg:s6], $0x5FFFF  }
0xac: {  	[dreg:$0x1] =	wrdreg $0xFFFFFFFF  }
0xad: {  	[dreg:$0x0] =	wrdreg $0x60  }
0xae: {  	[dreg:$0x2] =	wrdreg s24  }
0xaf: {  	[dreg:$0x3] =	wrdreg $0x9  }
0xb0: {  	_ =	task.clear_ibuf [dreg:s6], $0x4FFFF;
	_ =	strace $0x90000046  }
0xb1: {  	s29 =	simm.s32 $0x9;
	_ =	strace $0x80000048  }
0xb2: {  	_ =	swait.ge [sflag:s29], $0x1  }
0xb3: {  	[sflag:s29] =	ssyncadd.s32 $0xFFFFFFFF  }
0xb4: {  	_ =	strace $0x90000048  }
0xb5: {  	_ =	sfence  }
0xb6: {  	s30 =	sld [smem:$0x0];
	_ =	sdelay $0x2  }
0xb7: {  	s31 =	sshll.u32 s1, $0xD;
	s1 =	sshrl.u32 s1, $0x2  }
0xb8: {  	s3 =	sand.u32 $0x4000, s31;
	s1 =	sadd.s32 s1, s30  }
0xb9: {  	s0 =	sor.u32 s3, s0;
	s1 =	sshll.u32 s1, $0x11  }
0xba: {  	s0 =	sor.u32 s1, s0  }
0xbb: {  	s0 =	sadd.s32 $0x8F2B, s0  }
0xbc: {  	[sflag:s0] =	ssyncadd.remote.s32 $0x1  }
0xbd: {  	_ =	sfence.sel $0xFFFF  }
0xbe: {  	[dreg:$0x0] =	wrdreg $0xFFFFFFFF;
	(pc) =	sbr.abs _section_cstart, $3  }
0xbf: {  	[dreg:$0x1] =	wrdreg $0xFFFFFFFF  }
0xc0: {  	_ =	task.clear_ibuf [dreg:s6], $0x2FFFF;
	_ =	strace $0x9FFFFFFF  }
0xc1: {  	(tm) =	ssettm $0x7FFFFFFF  }
tec
execute0_lowered:
.L_overlay_start_1:
0x0: {  	(tag) =	ssettag $0x1  }
0x1: {  	s4 =	rddreg [dreg:$0x0]  }
0x2: {  	s0 =	rddreg [dreg:$0x1]  }
0x3: {  	s3 =	srdreg.scid;
	s1 =	stileid.u32;
	s2 =	simm.s32 $0x0  }
0x4: {  	s9 =	simm.s32 $0x5;
	s10 =	simm.s32 $0x1;
	s11 =	simm.s32 $0x80  }
0x5: {  	s12 =	simm.s32 $0xA000;
	s13 =	simm.s32 $0xA180;
	s14 =	simm.s32 $0xA080  }
0x6: {  	s15 =	simm.s32 $0xE180;
	s16 =	simm.s32 $0xA100;
	s17 =	simm.s32 $0x12180  }
0x7: {  	s18 =	simm.s32 $0x2;
	s19 =	simm.s32 $0x3;
	s21 =	simm.s32 $0x6000  }
0x8: {  	s3 =	sand.u32 $0x1, s3;
	s5 =	sshll.u32 s1, $0x1;
	[smem:$0x7FF] =	sst s2  }
0x9: {  	s22 =	simm.s32 $0x0;
	s6 =	sor.u32 s3, s5;
	_ =	strace $0x80000047  }
0xa: {  	s8 =	ssub.s32 $0x2, s3;
	s3 =	sadd.s32 $0x12C00, s4;
	s5 =	sshll.u32 s6, $0xA  }
0xb: {  	s7 =	sshll.u32 s6, $0xB;
	s31 =	sshrl.u32 s8, $0x1;
	s20 =	sshll.u32 s6, $0x7  }
0xc: {  	s5 =	sadd.s32 s5, s4;
	s7 =	sadd.s32 s7, s4;
	s8 =	ssub.s32 s8, s31  }
0xd: {  	v0 =	vmov s20;
	s20 =	simm.s32 $0x4;
	s4 =	sadd.s32 $0x22C00, s5;
	s5 =	sadd.s32 $0x2C00, s7  }
0xe: {  	s6 =	sadd.s32 $0x2AC00, s7;
	s7 =	smax.u32 s8, $0x1;
	s8 =	simm.s32 $0x4000  }
.LBB2_1:
0xf: {  	[tilespmem:s8], [sflag:$0x1] =	stream.linear.gather [hbm4b:s4+s2], $0x2000, $0x38;
	[tilespmem:$0x16180] =	vst v63  }
0x10: {  	_ = 	snop  }
0x11: {  	[tilespmem:s2], [sflag:$0x5] =	stream.linear.gather [hbm4b:s5+s2], $0x4000, $0x38;
	[tilespmem:$0x16180] =	vst v63  }
0x12: {  	_ =	swait.ge [sflag:s9], $0x4000  }
0x13: {  	[sflag:s9] =	ssyncset.done $0x0  }
0x14: {  	s24 =	simm.s32 $0x200;
	[sflag:s9] =	ssyncadd.s32 $0xFFFFC000  }
0x15: {  	v1 =	vld [tilespmem:s24+$0xFFFFFE00];
	_ =	sdelay $0x2  }
0x16: {  	v2 =	vld [tilespmem:s24+$0xFFFFFE80]  }
0x17: {  	v3 =	vimm.s32 $0x7F000000  }
0x18: {  	vm0 =	vlt.s32 v1, v3  }
0x19: {  	v4 =	vld [tilespmem:s24+$0xFFFFFF00];
	v1 =	vsel vm0, v1, v3  }
0x1a: {  	v3 =	vsel vm0, v3, v1  }
0x1b: {  	vm0 =	vlt.s32 v2, v3  }
0x1c: {  	vm1 =	vlt.s32 v2, v1;
	v5 =	vsel vm0, v2, v3  }
0x1d: {  	v6 =	vld [tilespmem:s24+$0xFFFFFF80];
	v7 =	vsel vm1, v1, v5  }
0x1e: {  	v3 =	vsel vm0, v3, v5;
	v1 =	vsel vm1, v2, v1;
	vm0 =	vlt.s32 v4, v7  }
0x1f: {  	vm1 =	vlt.s32 v4, v3;
	vm2 =	vlt.s32 v4, v1;
	v2 =	vsel vm0, v4, v7  }
0x20: {  	v8 =	vld [tilespmem:s24+$0x0];
	v5 =	vsel vm1, v4, v3;
	v2 =	vsel vm2, v1, v2  }
0x21: {  	v7 =	vsel vm0, v7, v5;
	v3 =	vsel vm1, v3, v5;
	v1 =	vsel vm2, v4, v1  }
0x22: {  	vm0 =	vlt.s32 v6, v2;
	vm1 =	vlt.s32 v6, v7;
	vm3 =	vlt.s32 v6, v3  }
0x23: {  	v10 =	vld [tilespmem:s24+$0x80];
	v5 =	vsel vm0, v6, v2;
	v9 =	vsel vm1, v6, v7;
	v3 =	vsel vm3, v6, v3  }
0x24: {  	v2 =	vsel vm0, v2, v9;
	v3 =	vsel vm1, v7, v3;
	vm0 =	vlt.s32 v6, v1  }
0x25: {  	vm1 =	vlt.s32 v8, v2;
	vm2 =	vlt.s32 v8, v3;
	v4 =	vsel vm0, v1, v5  }
0x26: {  	v6 =	vsel vm0, v6, v1;
	v3 =	vsel vm2, v8, v3;
	vm0 =	vlt.s32 v8, v4  }
0x27: {  	v5 =	vsel vm1, v8, v2;
	v2 =	vsel vm1, v2, v3;
	v3 =	vsel vm0, v8, v4  }
0x28: {  	v1 =	vld [tilespmem:s24+$0x100];
	vm1 =	vlt.s32 v8, v6;
	v4 =	vsel vm0, v4, v5;
	vm2 =	vlt.s32 v10, v2  }
0x29: {  	v3 =	vsel vm1, v6, v3;
	v5 =	vsel vm1, v8, v6;
	vm1 =	vlt.s32 v10, v4  }
0x2a: {  	vm0 =	vlt.s32 v10, v3;
	vm3 =	vlt.s32 v10, v5;
	v2 =	vsel vm2, v10, v2  }
0x2b: {  	v7 =	vsel vm1, v10, v4;
	v6 =	vsel vm0, v10, v3;
	v4 =	vsel vm1, v4, v2;
	v2 =	vld [tilespmem:s24+$0x180]  }
0x2c: {  	v3 =	vsel vm0, v3, v7;
	v8 =	vsel vm3, v5, v6  }
0x2d: {  	v7 =	vsel vm3, v10, v5;
	vm0 =	vlt.s32 v1, v3;
	vm2 =	vlt.s32 v1, v8  }
0x2e: {  	vm1 =	vlt.s32 v1, v7;
	v63 =	vsel vm0, v1, v3;
	v5 =	vsel vm2, v1, v8  }
0x2f: {  	s23 =	simm.s32 $0x0;
	s24 =	simm.s32 $0x600;
	v6 =	vsel vm1, v7, v5;
	v5 =	vsel vm2, v8, v63;
	vm2 =	vlt.s32 v1, v4  }
.LBB2_2:
0x30: {  	v8 =	vld [tilespmem:s24+$0xFFFFFE00];
	s23 =	sadd.s32 $0x8, s23;
	v7 =	vsel vm1, v1, v7;
	vm1 =	vlt.s32 v2, v5  }
0x31: {  	v1 =	vsel vm2, v1, v4;
	p0 =	slt.u32 s23, $0x78;
	vm2 =	vlt.s32 v2, v7;
	v4 =	vsel vm1, v2, v5  }
0x32: {  	v1 =	vsel vm0, v3, v1;
	vm0 =	vlt.s32 v2, v6;
	v3 =	vsel vm2, v2, v7  }
0x33: {  	v10 =	vsel vm0, v2, v6;
	v4 =	vsel vm0, v6, v4;
	vm0 =	vlt.s32 v2, v1;
	v9 =	vld [tilespmem:s24+$0xFFFFFE80]  }
0x34: {  	v6 =	vsel vm2, v7, v10;
	v1 =	vsel vm0, v2, v1  }
0x35: {  	v1 =	vsel vm1, v5, v1;
	vm0 =	vlt.s32 v8, v6;
	vm2 =	vlt.s32 v8, v4  }
0x36: {  	vm1 =	vlt.s32 v8, v3;
	v2 =	vsel vm0, v8, v6;
	v5 =	vsel vm2, v8, v4  }
0x37: {  	vm3 =	vlt.s32 v8, v1;
	v2 =	vsel vm1, v3, v2;
	v3 =	vsel vm1, v8, v3;
	v7 =	vld [tilespmem:s24+$0xFFFFFF00]  }
0x38: {  	v1 =	vsel vm3, v8, v1;
	vm1 =	vlt.s32 v9, v2;
	vm3 =	vlt.s32 v9, v3  }
0x39: {  	v5 =	vsel vm0, v6, v5;
	v1 =	vsel vm2, v4, v1;
	v4 =	vsel vm1, v9, v2  }
0x3a: {  	vm0 =	vlt.s32 v9, v5;
	vm2 =	vlt.s32 v9, v1;
	v4 =	vsel vm3, v3, v4  }
0x3b: {  	v6 =	vsel vm0, v9, v5;
	v1 =	vsel vm2, v9, v1;
	v3 =	vsel vm3, v9, v3;
	v8 =	vld [tilespmem:s24+$0xFFFFFF80]  }
0x3c: {  	v2 =	vsel vm1, v2, v6;
	v1 =	vsel vm0, v5, v1;
	vm0 =	vlt.s32 v7, v3  }
0x3d: {  	vm1 =	vlt.s32 v7, v4;
	vm2 =	vlt.s32 v7, v2;
	vm3 =	vlt.s32 v7, v1  }
0x3e: {  	v5 =	vsel vm1, v7, v4;
	v6 =	vsel vm2, v7, v2;
	v1 =	vsel vm3, v7, v1;
	v9 =	vld [tilespmem:s24+$0x0]  }
0x3f: {  	v5 =	vsel vm0, v3, v5;
	v4 =	vsel vm1, v4, v6;
	v1 =	vsel vm2, v2, v1  }
0x40: {  	vm1 =	vlt.s32 v8, v5;
	vm2 =	vlt.s32 v8, v4;
	vm3 =	vlt.s32 v8, v1  }
0x41: {  	v2 =	vsel vm1, v8, v5;
	v6 =	vsel vm2, v8, v4;
	v1 =	vsel vm3, v8, v1;
	v10 =	vld [tilespmem:s24+$0x80]  }
0x42: {  	v3 =	vsel vm0, v7, v3;
	v5 =	vsel vm1, v5, v6;
	v1 =	vsel vm2, v4, v1  }
0x43: {  	vm0 =	vlt.s32 v8, v3;
	vm1 =	vlt.s32 v9, v5;
	vm2 =	vlt.s32 v9, v1  }
0x44: {  	v2 =	vsel vm0, v3, v2;
	v4 =	vsel vm1, v9, v5;
	v1 =	vsel vm2, v9, v1  }
0x45: {  	v3 =	vsel vm0, v8, v3;
	vm0 =	vlt.s32 v9, v2;
	v5 =	vsel vm1, v5, v1  }
0x46: {  	v6 =	vsel vm0, v9, v2;
	vm1 =	vlt.s32 v9, v3;
	vm2 =	vlt.s32 v10, v5;
	v1 =	vld [tilespmem:s24+$0x100]  }
0x47: {  	v4 =	vsel vm0, v2, v4;
	v6 =	vsel vm1, v3, v6;
	v7 =	vsel vm1, v9, v3  }
0x48: {  	vm1 =	vlt.s32 v10, v4;
	vm0 =	vlt.s32 v10, v6;
	vm3 =	vlt.s32 v10, v7  }
.Ltmp0:
0x49: {  	v8 =	vsel vm1, v10, v4;
	v5 =	vsel vm2, v10, v5;
	v3 =	vsel vm0, v10, v6;
	v2 =	vld [tilespmem:s24+$0x180];
	(pc) =	sbr.rel @p0 .LBB2_2-.Ltmp0, $4  }
0x4a: {  	v4 =	vsel vm1, v4, v5;
	v9 =	vsel vm3, v7, v3;
	v3 =	vsel vm0, v6, v8  }
0x4b: {  	v7 =	vsel vm3, v10, v7;
	vm2 =	vlt.s32 v1, v9;
	vm0 =	vlt.s32 v1, v3  }
0x4c: {  	vm1 =	vlt.s32 v1, v7;
	v5 =	vsel vm2, v1, v9;
	v8 =	vsel vm0, v1, v3  }
0x4d: {  	s24 =	sadd.s32 $0x400, s24;
	v6 =	vsel vm1, v7, v5;
	v5 =	vsel vm2, v9, v8;
	vm2 =	vlt.s32 v1, v4  }
0x4e: {  	v7 =	vsel vm1, v1, v7;
	vm12 =	vlt.s32 v2, v5;
	v1 =	vsel vm2, v1, v4  }
0x4f: {  	vm14 =	vlt.s32 v2, v6;
	vm13 =	vlt.s32 v2, v7;
	v4 =	vsel vm12, v2, v5  }
0x50: {  	_ =	swait.ge [sflag:s10], $0x2000;
	v1 =	vsel vm0, v3, v1;
	v8 =	vsel vm14, v2, v6;
	v3 =	vsel vm13, v2, v7  }
0x51: {  	s24 =	simm.s32 $0x0;
	[sflag:s10] =	ssyncset.done $0x0;
	v6 =	vsel vm14, v6, v4;
	v7 =	vsel vm13, v7, v8;
	v4 =	vand.u32 $0x7F, v3  }
0x52: {  	s23 =	simm.s32 $0x4100;
	vm15 =	vlt.s32 v2, v1;
	[sflag:s10] =	ssyncadd.s32 $0xFFFFE000;
	v3 =	vand.u32 $0x7F, v7;
	v8 =	vor.u32 s24, v4  }
0x53: {  	v1 =	vsel vm15, v2, v1;
	v2 =	vand.u32 $0x7F, v6;
	v6 =	vld [tilespmem:s23+$0x80];
	v9 =	vor.u32 s24, v3  }
0x54: {  	s30 =	simm.s32 $0x180;
	v7 =	vld [tilespmem:s23+$0xFFFFFF80];
	v10 =	vor.u32 s24, v2  }
0x55: {  	v12 =	vld [tilespmem:s23+$0xFFFFFF00];
	v13 =	vor.u32 s30, v4  }
0x56: {  	v1 =	vsel vm12, v5, v1;
	v5 =	vld [tilespmem:s23+$0x0];
	v15 =	vor.u32 s30, v3  }
0x57: {  	v22 =	vor.u32 s30, v2;
	v1 =	vand.u32 $0x7F, v1;
	v16 =	vld.idx.msk [tilespmem:v8+s8+$0x0], $0xffff  }
0x58: {  	v11 =	vor.u32 s24, v1;
	v17 =	vld.idx.msk [tilespmem:v9+s8+$0x0], $0xffff  }
0x59: {  	s31 =	simm.s32 $0x100;
	v9 =	vor.u32 s30, v1;
	v19 =	vld.idx.msk [tilespmem:v10+s8+$0x0], $0xffff  }
0x5a: {  	v14 =	vor.u32 s31, v4;
	v20 =	vld.idx.msk [tilespmem:v13+s8+$0x0], $0xffff  }
0x5b: {  	v13 =	vor.u32 s31, v3;
	v21 =	vld.idx.msk [tilespmem:v15+s8+$0x0], $0xffff  }
0x5c: {  	s28 =	simm.s32 $0x80;
	v15 =	vor.u32 s31, v2;
	v22 =	vld.idx.msk [tilespmem:v22+s8+$0x0], $0xffff  }
0x5d: {  	v25 =	vor.u32 s28, v4;
	v24 =	vor.u32 s31, v1;
	v8 =	vimm.f32 $0.0e+00;
	v18 =	vld.idx.msk [tilespmem:v11+s8+$0x0], $0xffff  }
0x5e: {  	s24 =	simm.s32 $0x4;
	v10 =	vimm.f32 $0.0e+00;
	v11 =	vimm.f32 $0.0e+00;
	v23 =	vld.idx.msk [tilespmem:v9+s8+$0x0], $0xffff;
	v9 =	vimm.f32 $0.0e+00  }
.LBB2_4:
0x5f: {  	s25 =	sshll.u32 s24, $0x7;
	p0 =	slt.u32 s24, $0x3C;
	v26 =	vor.u32 s28, v3;
	v27 =	vld.idx.msk [tilespmem:v14+s8+$0x0], $0xffff  }
0x60: {  	v30 =	vor.u32 s28, v2;
	v28 =	vor.u32 s25, v4;
	v29 =	vor.u32 s25, v3;
	v31 =	vld.idx.msk [tilespmem:v13+s8+$0x0], $0xffff  }
0x61: {  	v34 =	vor.u32 s28, v1;
	v32 =	vor.u32 s25, v2;
	v33 =	vor.u32 s25, v1;
	s29 =	sadd.s32 $0x180, s25;
	v35 =	vld.idx.msk [tilespmem:v15+s8+$0x0], $0xffff  }
0x62: {  	v16 =	vsub.f32 v12, v16;
	v36 =	vor.u32 s29, v4;
	v37 =	vor.u32 s29, v3;
	v24 =	vld.idx.msk [tilespmem:v24+s8+$0x0], $0xffff  }
0x63: {  	v17 =	vsub.f32 v12, v17;
	v19 =	vsub.f32 v12, v19;
	v38 =	vor.u32 s29, v2;
	v25 =	vld.idx.msk [tilespmem:v25+s8+$0x0], $0xffff  }
0x64: {  	v12 =	vsub.f32 v12, v18;
	s26 =	sadd.s32 $0x100, s25;
	v20 =	vsub.f32 v6, v20;
	v39 =	vor.u32 s29, v1;
	v18 =	vld.idx.msk [tilespmem:v26+s8+$0x0], $0xffff  }
0x65: {  	v14 =	vor.u32 s26, v4;
	v21 =	vsub.f32 v6, v21;
	v22 =	vsub.f32 v6, v22;
	v26 =	vld.idx.msk [tilespmem:v30+s8+$0x0], $0xffff  }
0x66: {  	v13 =	vor.u32 s26, v3;
	v23 =	vsub.f32 v6, v23;
	v27 =	vsub.f32 v5, v27;
	v30 =	vld.idx.msk [tilespmem:v34+s8+$0x0], $0xffff  }
0x67: {  	v15 =	vor.u32 s26, v2;
	v31 =	vsub.f32 v5, v31;
	v34 =	vsub.f32 v5, v35  }
0x68: {  	s23 =	sadd.s32 $0x200, s23;
	v17 =	vmul.f32 v17, v17;
	v35 =	vmul.f32 v16, v16;
	v24 =	vsub.f32 v5, v24  }
0x69: {  	v19 =	vmul.f32 v19, v19;
	v40 =	vmul.f32 v12, v12;
	v16 =	vsub.f32 v7, v25;
	v6 =	vld [tilespmem:s23+$0x80]  }
0x6a: {  	v41 =	vmul.f32 v21, v21;
	v25 =	vmul.f32 v20, v20;
	v18 =	vsub.f32 v7, v18;
	v5 =	vld [tilespmem:s23+$0x0]  }
0x6b: {  	v21 =	vmul.f32 v27, v27;
	v20 =	vsub.f32 v7, v26;
	v26 =	vmul.f32 v31, v31;
	v42 =	vld [tilespmem:s23+$0xFFFFFF80]  }
0x6c: {  	v27 =	vmul.f32 v16, v16;
	v7 =	vsub.f32 v7, v30;
	v18 =	vmul.f32 v18, v18;
	v12 =	vld [tilespmem:s23+$0xFFFFFF00]  }
0x6d: {  	v11 =	vadd.f32 v17, v11;
	v8 =	vadd.f32 v35, v8;
	v20 =	vmul.f32 v20, v20;
	v16 =	vld.idx.msk [tilespmem:v28+s8+$0x0], $0xffff  }
0x6e: {  	v10 =	vadd.f32 v19, v10;
	v9 =	vadd.f32 v40, v9;
	v7 =	vmul.f32 v7, v7;
	v17 =	vld.idx.msk [tilespmem:v29+s8+$0x0], $0xffff  }
0x6f: {  	v8 =	vadd.f32 v27, v8;
	v27 =	vmul.f32 v34, v34;
	v11 =	vadd.f32 v18, v11;
	v19 =	vld.idx.msk [tilespmem:v32+s8+$0x0], $0xffff  }
.Ltmp1:
0x70: {  	v10 =	vadd.f32 v20, v10;
	v28 =	vadd.f32 v7, v9;
	v9 =	vmul.f32 v24, v24;
	v18 =	vld.idx.msk [tilespmem:v33+s8+$0x0], $0xffff;
	(pc) =	sbr.rel @p0 .LBB2_4-.Ltmp1, $4  }
0x71: {  	v8 =	vadd.f32 v21, v8;
	v11 =	vadd.f32 v26, v11;
	v26 =	vmul.f32 v22, v22;
	v20 =	vld.idx.msk [tilespmem:v36+s8+$0x0], $0xffff  }
0x72: {  	v10 =	vadd.f32 v27, v10;
	v27 =	vmul.f32 v23, v23;
	v9 =	vadd.f32 v9, v28;
	v21 =	vld.idx.msk [tilespmem:v37+s8+$0x0], $0xffff  }
0x73: {  	s28 =	sadd.s32 $0x80, s25;
	v24 =	vor.u32 s26, v1;
	v8 =	vadd.f32 v25, v8;
	v11 =	vadd.f32 v41, v11;
	v7 =	vmovc v42;
	v22 =	vld.idx.msk [tilespmem:v38+s8+$0x0], $0xffff  }
0x74: {  	s24 =	sadd.s32 $0x4, s24;
	v25 =	vor.u32 s28, v4;
	v10 =	vadd.f32 v26, v10;
	v9 =	vadd.f32 v27, v9;
	v23 =	vld.idx.msk [tilespmem:v39+s8+$0x0], $0xffff  }
0x75: {  	_ =	sdelay $0x3  }
0x76: {  	v26 =	vor.u32 s28, v3;
	v14 =	vld.idx.msk [tilespmem:v14+s8+$0x0], $0xffff  }
0x77: {  	v27 =	vor.u32 s28, v2;
	v13 =	vld.idx.msk [tilespmem:v13+s8+$0x0], $0xffff  }
0x78: {  	v16 =	vsub.f32 v12, v16;
	v28 =	vor.u32 s28, v1;
	v25 =	vld.idx.msk [tilespmem:v25+s8+$0x0], $0xffff  }
0x79: {  	v15 =	vld.idx.msk [tilespmem:v15+s8+$0x0], $0xffff;
	v17 =	vsub.f32 v12, v17;
	v19 =	vsub.f32 v12, v19  }
0x7a: {  	v24 =	vld.idx.msk [tilespmem:v24+s8+$0x0], $0xffff;
	v46 =	vsub.f32 v12, v18;
	v47 =	vsub.f32 v6, v20  }
0x7b: {  	v21 =	vsub.f32 v6, v21;
	v16 =	vmul.f32 v16, v16;
	v17 =	vmul.f32 v17, v17;
	v48 =	vld.idx.msk [tilespmem:v26+s8+$0x0], $0xffff  }
0x7c: {  	v19 =	vmul.f32 v19, v19;
	v22 =	vsub.f32 v6, v22;
	v6 =	vsub.f32 v6, v23;
	v49 =	vld.idx.msk [tilespmem:v27+s8+$0x0], $0xffff  }
0x7d: {  	v12 =	vmul.f32 v46, v46;
	v8 =	vadd.f32 v16, v8;
	v50 =	vld.idx.msk [tilespmem:v28+s8+$0x0], $0xffff;
	v51 =	vsub.f32 v7, v25  }
0x7e: {  	v18 =	vmul.f32 v47, v47;
	v14 =	vsub.f32 v5, v14;
	v13 =	vsub.f32 v5, v13  }
0x7f: {  	v15 =	vsub.f32 v5, v15;
	v5 =	vsub.f32 v5, v24;
	v24 =	vmul.f32 v51, v51  }
0x80: {  	v21 =	vmul.f32 v21, v21;
	v11 =	vadd.f32 v17, v11;
	v20 =	vsub.f32 v7, v48  }
0x81: {  	v14 =	vmul.f32 v14, v14;
	v8 =	vadd.f32 v24, v8;
	v52 =	vsub.f32 v7, v49  }
0x82: {  	v10 =	vadd.f32 v19, v10;
	v7 =	vsub.f32 v7, v50;
	v53 =	vmul.f32 v20, v20  }
0x83: {  	v9 =	vadd.f32 v12, v9;
	v8 =	vadd.f32 v14, v8;
	v54 =	vmul.f32 v52, v52  }
0x84: {  	v13 =	vmul.f32 v13, v13;
	v7 =	vmul.f32 v7, v7;
	v11 =	vadd.f32 v53, v11  }
0x85: {  	v55 =	vmul.f32 v15, v15;
	v8 =	vadd.f32 v18, v8;
	v10 =	vadd.f32 v54, v10  }
0x86: {  	v5 =	vmul.f32 v5, v5;
	v7 =	vadd.f32 v7, v9;
	v11 =	vadd.f32 v13, v11  }
0x87: {  	v56 =	vmul.f32 v22, v22;
	v6 =	vmul.f32 v6, v6;
	v10 =	vadd.f32 v55, v10  }
0x88: {  	vm0 =	vlt.f32 v8, $3.000000010e+38;
	v5 =	vadd.f32 v5, v7;
	v11 =	vadd.f32 v21, v11  }
0x89: {  	v8 =	vnsel vm0, $0x7F61B1E6, v8;
	v4 =	vnsel vm0, $0x0, v4;
	v7 =	vadd.f32 v56, v10  }
0x8a: {  	v5 =	vadd.f32 v6, v5;
	vm1 =	vlt.f32 v11, $3.000000010e+38;
	vm2 =	vlt.f32 v11, v8  }
0x8b: {  	v6 =	vnsel vm1, $0x7F61B1E6, v11;
	v57 =	vnsel vm1, $0x0, v3;
	v3 =	vsel vm2, v3, v4  }
0x8c: {  	v6 =	vsel vm2, v8, v6;
	v9 =	vsel vm2, v4, v57;
	v8 =	vsel vm2, v11, v8  }
0x8d: {  	vm2 =	vlt.f32 v7, $3.000000010e+38;
	vm0 =	vlt.f32 v7, v6;
	vm1 =	vlt.f32 v7, v8  }
0x8e: {  	v59 =	vnsel vm2, $0x7F61B1E6, v7;
	v60 =	vnsel vm2, $0x0, v2;
	v4 =	vsel vm0, v7, v6  }
0x8f: {  	v58 =	vsel vm0, v2, v9;
	v6 =	vsel vm0, v6, v59;
	v9 =	vsel vm0, v9, v60  }
0x90: {  	v7 =	vsel vm1, v7, v8;
	v2 =	vsel vm1, v2, v3;
	v4 =	vsel vm1, v8, v4  }
0x91: {  	v10 =	vsel vm1, v3, v58;
	vm0 =	vlt.f32 v5, v7;
	vm1 =	vlt.f32 v5, v4  }
0x92: {  	vm2 =	vlt.f32 v5, v6;
	v4 =	vsel vm0, v1, v2;
	v3 =	vsel vm1, v1, v10  }
0x93: {  	v1 =	vsel vm2, v1, v9;
	v2 =	vsel vm0, v2, v3;
	v3 =	vor.u32 v0, v4  }
0x94: {  	v1 =	vsel vm1, v10, v1;
	[tilespmem:$0xA000] =	vst v3;
	v2 =	vadd.s32 v0, v2  }
0x95: {  	v1 =	vor.u32 v0, v1;
	[tilespmem:$0xA080] =	vst v2  }
0x96: {  	s24 =	simm.s32 $0x210;
	[tilespmem:$0xA100] =	vst v1  }
0x97: {  	v1 =	vld [tilespmem:s24+$0xFFFFFE00];
	_ =	sdelay $0x2  }
0x98: {  	v2 =	vld [tilespmem:s24+$0xFFFFFE80]  }
0x99: {  	v3 =	vimm.s32 $0x7F000000  }
0x9a: {  	vm0 =	vlt.s32 v1, v3  }
0x9b: {  	v4 =	vld [tilespmem:s24+$0xFFFFFF00];
	v1 =	vsel vm0, v1, v3  }
0x9c: {  	v3 =	vsel vm0, v3, v1  }
0x9d: {  	vm0 =	vlt.s32 v2, v3  }
0x9e: {  	vm1 =	vlt.s32 v2, v1;
	v5 =	vsel vm0, v2, v3  }
0x9f: {  	v6 =	vld [tilespmem:s24+$0xFFFFFF80];
	v7 =	vsel vm1, v1, v5  }
0xa0: {  	v3 =	vsel vm0, v3, v5;
	v1 =	vsel vm1, v2, v1;
	vm0 =	vlt.s32 v4, v7  }
0xa1: {  	vm1 =	vlt.s32 v4, v3;
	vm2 =	vlt.s32 v4, v1;
	v2 =	vsel vm0, v4, v7  }
0xa2: {  	v8 =	vld [tilespmem:s24+$0x0];
	v5 =	vsel vm1, v4, v3;
	v2 =	vsel vm2, v1, v2  }
0xa3: {  	v7 =	vsel vm0, v7, v5;
	v3 =	vsel vm1, v3, v5;
	v1 =	vsel vm2, v4, v1  }
0xa4: {  	vm0 =	vlt.s32 v6, v2;
	vm1 =	vlt.s32 v6, v7;
	vm3 =	vlt.s32 v6, v3  }
0xa5: {  	v62 =	vld [tilespmem:s24+$0x80];
	v5 =	vsel vm0, v6, v2;
	v61 =	vsel vm1, v6, v7;
	v3 =	vsel vm3, v6, v3  }
0xa6: {  	v2 =	vsel vm0, v2, v61;
	v3 =	vsel vm1, v7, v3;
	vm0 =	vlt.s32 v6, v1  }
0xa7: {  	vm1 =	vlt.s32 v8, v2;
	vm2 =	vlt.s32 v8, v3;
	v4 =	vsel vm0, v1, v5  }
0xa8: {  	v6 =	vsel vm0, v6, v1;
	v3 =	vsel vm2, v8, v3;
	vm0 =	vlt.s32 v8, v4  }
0xa9: {  	v5 =	vsel vm1, v8, v2;
	v2 =	vsel vm1, v2, v3;
	v3 =	vsel vm0, v8, v4  }
0xaa: {  	v1 =	vld [tilespmem:s24+$0x100];
	vm1 =	vlt.s32 v8, v6;
	v4 =	vsel vm0, v4, v5;
	vm2 =	vlt.s32 v62, v2  }
0xab: {  	v3 =	vsel vm1, v6, v3;
	v5 =	vsel vm1, v8, v6;
	vm1 =	vlt.s32 v62, v4  }
0xac: {  	vm0 =	vlt.s32 v62, v3;
	vm3 =	vlt.s32 v62, v5;
	v2 =	vsel vm2, v62, v2  }
0xad: {  	v7 =	vsel vm1, v62, v4;
	v6 =	vsel vm0, v62, v3;
	v4 =	vsel vm1, v4, v2;
	v2 =	vld [tilespmem:s24+$0x180]  }
0xae: {  	v3 =	vsel vm0, v3, v7;
	v8 =	vsel vm3, v5, v6  }
0xaf: {  	v7 =	vsel vm3, v62, v5;
	vm0 =	vlt.s32 v1, v3;
	vm2 =	vlt.s32 v1, v8  }
0xb0: {  	vm1 =	vlt.s32 v1, v7;
	v63 =	vsel vm0, v1, v3;
	v5 =	vsel vm2, v1, v8  }
0xb1: {  	s23 =	simm.s32 $0x0;
	s24 =	simm.s32 $0x610;
	v6 =	vsel vm1, v7, v5;
	v5 =	vsel vm2, v8, v63;
	vm2 =	vlt.s32 v1, v4  }
.LBB2_6:
0xb2: {  	v8 =	vld [tilespmem:s24+$0xFFFFFE00];
	s23 =	sadd.s32 $0x8, s23;
	v7 =	vsel vm1, v1, v7;
	vm1 =	vlt.s32 v2, v5  }
0xb3: {  	v1 =	vsel vm2, v1, v4;
	p0 =	slt.u32 s23, $0x78;
	vm2 =	vlt.s32 v2, v7;
	v4 =	vsel vm1, v2, v5  }
0xb4: {  	v1 =	vsel vm0, v3, v1;
	vm0 =	vlt.s32 v2, v6;
	v3 =	vsel vm2, v2, v7  }
0xb5: {  	v10 =	vsel vm0, v2, v6;
	v4 =	vsel vm0, v6, v4;
	vm0 =	vlt.s32 v2, v1;
	v9 =	vld [tilespmem:s24+$0xFFFFFE80]  }
0xb6: {  	v6 =	vsel vm2, v7, v10;
	v1 =	vsel vm0, v2, v1  }
0xb7: {  	v1 =	vsel vm1, v5, v1;
	vm0 =	vlt.s32 v8, v6;
	vm2 =	vlt.s32 v8, v4  }
0xb8: {  	vm1 =	vlt.s32 v8, v3;
	v2 =	vsel vm0, v8, v6;
	v5 =	vsel vm2, v8, v4  }
0xb9: {  	vm3 =	vlt.s32 v8, v1;
	v2 =	vsel vm1, v3, v2;
	v3 =	vsel vm1, v8, v3;
	v7 =	vld [tilespmem:s24+$0xFFFFFF00]  }
0xba: {  	v1 =	vsel vm3, v8, v1;
	vm1 =	vlt.s32 v9, v2;
	vm3 =	vlt.s32 v9, v3  }
0xbb: {  	v5 =	vsel vm0, v6, v5;
	v1 =	vsel vm2, v4, v1;
	v4 =	vsel vm1, v9, v2  }
0xbc: {  	vm0 =	vlt.s32 v9, v5;
	vm2 =	vlt.s32 v9, v1;
	v4 =	vsel vm3, v3, v4  }
0xbd: {  	v6 =	vsel vm0, v9, v5;
	v1 =	vsel vm2, v9, v1;
	v3 =	vsel vm3, v9, v3;
	v8 =	vld [tilespmem:s24+$0xFFFFFF80]  }
0xbe: {  	v2 =	vsel vm1, v2, v6;
	v1 =	vsel vm0, v5, v1;
	vm0 =	vlt.s32 v7, v3  }
0xbf: {  	vm1 =	vlt.s32 v7, v4;
	vm2 =	vlt.s32 v7, v2;
	vm3 =	vlt.s32 v7, v1  }
0xc0: {  	v5 =	vsel vm1, v7, v4;
	v6 =	vsel vm2, v7, v2;
	v1 =	vsel vm3, v7, v1;
	v9 =	vld [tilespmem:s24+$0x0]  }
0xc1: {  	v5 =	vsel vm0, v3, v5;
	v4 =	vsel vm1, v4, v6;
	v1 =	vsel vm2, v2, v1  }
0xc2: {  	vm1 =	vlt.s32 v8, v5;
	vm2 =	vlt.s32 v8, v4;
	vm3 =	vlt.s32 v8, v1  }
0xc3: {  	v2 =	vsel vm1, v8, v5;
	v6 =	vsel vm2, v8, v4;
	v1 =	vsel vm3, v8, v1;
	v10 =	vld [tilespmem:s24+$0x80]  }
0xc4: {  	v3 =	vsel vm0, v7, v3;
	v5 =	vsel vm1, v5, v6;
	v1 =	vsel vm2, v4, v1  }
0xc5: {  	vm0 =	vlt.s32 v8, v3;
	vm1 =	vlt.s32 v9, v5;
	vm2 =	vlt.s32 v9, v1  }
0xc6: {  	v2 =	vsel vm0, v3, v2;
	v4 =	vsel vm1, v9, v5;
	v1 =	vsel vm2, v9, v1  }
0xc7: {  	v3 =	vsel vm0, v8, v3;
	vm0 =	vlt.s32 v9, v2;
	v5 =	vsel vm1, v5, v1  }
0xc8: {  	v6 =	vsel vm0, v9, v2;
	vm1 =	vlt.s32 v9, v3;
	vm2 =	vlt.s32 v10, v5;
	v1 =	vld [tilespmem:s24+$0x100]  }
0xc9: {  	v4 =	vsel vm0, v2, v4;
	v6 =	vsel vm1, v3, v6;
	v7 =	vsel vm1, v9, v3  }
0xca: {  	vm1 =	vlt.s32 v10, v4;
	vm0 =	vlt.s32 v10, v6;
	vm3 =	vlt.s32 v10, v7  }
.Ltmp2:
0xcb: {  	v8 =	vsel vm1, v10, v4;
	v5 =	vsel vm2, v10, v5;
	v3 =	vsel vm0, v10, v6;
	v2 =	vld [tilespmem:s24+$0x180];
	(pc) =	sbr.rel @p0 .LBB2_6-.Ltmp2, $4  }
0xcc: {  	v4 =	vsel vm1, v4, v5;
	v9 =	vsel vm3, v7, v3;
	v3 =	vsel vm0, v6, v8  }
0xcd: {  	v7 =	vsel vm3, v10, v7;
	vm2 =	vlt.s32 v1, v9;
	vm0 =	vlt.s32 v1, v3  }
0xce: {  	vm1 =	vlt.s32 v1, v7;
	v5 =	vsel vm2, v1, v9;
	v8 =	vsel vm0, v1, v3  }
0xcf: {  	s24 =	sadd.s32 $0x400, s24;
	v6 =	vsel vm1, v7, v5;
	v5 =	vsel vm2, v9, v8;
	vm2 =	vlt.s32 v1, v4  }
0xd0: {  	v7 =	vsel vm1, v1, v7;
	vm12 =	vlt.s32 v2, v5;
	v1 =	vsel vm2, v1, v4  }
0xd1: {  	vm14 =	vlt.s32 v2, v6;
	vm13 =	vlt.s32 v2, v7;
	v4 =	vsel vm12, v2, v5  }
0xd2: {  	v1 =	vsel vm0, v3, v1;
	v8 =	vsel vm14, v2, v6;
	v3 =	vsel vm13, v2, v7  }
0xd3: {  	s24 =	simm.s32 $0x0;
	v6 =	vsel vm14, v6, v4;
	v7 =	vsel vm13, v7, v8;
	v4 =	vand.u32 $0x7F, v3  }
0xd4: {  	s23 =	simm.s32 $0x4110;
	vm15 =	vlt.s32 v2, v1;
	v3 =	vand.u32 $0x7F, v7;
	v8 =	vor.u32 s24, v4  }
0xd5: {  	v12 =	vld [tilespmem:s23+$0xFFFFFF00];
	v1 =	vsel vm15, v2, v1;
	v2 =	vand.u32 $0x7F, v6;
	v9 =	vor.u32 s24, v3  }
0xd6: {  	s30 =	simm.s32 $0x180;
	v6 =	vld [tilespmem:s23+$0x80];
	v10 =	vor.u32 s24, v2  }
0xd7: {  	v7 =	vld [tilespmem:s23+$0xFFFFFF80];
	v13 =	vor.u32 s30, v4  }
0xd8: {  	v1 =	vsel vm12, v5, v1;
	v5 =	vld [tilespmem:s23+$0x0];
	v15 =	vor.u32 s30, v3  }
0xd9: {  	v22 =	vor.u32 s30, v2;
	v1 =	vand.u32 $0x7F, v1;
	v16 =	vld.idx.msk [tilespmem:v8+s8+$0x0], $0xffff  }
0xda: {  	v11 =	vor.u32 s24, v1;
	v17 =	vld.idx.msk [tilespmem:v9+s8+$0x0], $0xffff  }
0xdb: {  	s31 =	simm.s32 $0x100;
	v9 =	vor.u32 s30, v1;
	v19 =	vld.idx.msk [tilespmem:v10+s8+$0x0], $0xffff  }
0xdc: {  	v14 =	vor.u32 s31, v4;
	v20 =	vld.idx.msk [tilespmem:v13+s8+$0x0], $0xffff  }
0xdd: {  	v13 =	vor.u32 s31, v3;
	v21 =	vld.idx.msk [tilespmem:v15+s8+$0x0], $0xffff  }
0xde: {  	s28 =	simm.s32 $0x80;
	v15 =	vor.u32 s31, v2;
	v22 =	vld.idx.msk [tilespmem:v22+s8+$0x0], $0xffff  }
0xdf: {  	v25 =	vor.u32 s28, v4;
	v24 =	vor.u32 s31, v1;
	v8 =	vimm.f32 $0.0e+00;
	v18 =	vld.idx.msk [tilespmem:v11+s8+$0x0], $0xffff  }
0xe0: {  	s24 =	simm.s32 $0x4;
	v10 =	vimm.f32 $0.0e+00;
	v11 =	vimm.f32 $0.0e+00;
	v23 =	vld.idx.msk [tilespmem:v9+s8+$0x0], $0xffff;
	v9 =	vimm.f32 $0.0e+00  }
.LBB2_8:
0xe1: {  	s25 =	sshll.u32 s24, $0x7;
	p0 =	slt.u32 s24, $0x3C;
	v26 =	vor.u32 s28, v3;
	v27 =	vld.idx.msk [tilespmem:v14+s8+$0x0], $0xffff  }
0xe2: {  	v30 =	vor.u32 s28, v2;
	v28 =	vor.u32 s25, v4;
	v29 =	vor.u32 s25, v3;
	v31 =	vld.idx.msk [tilespmem:v13+s8+$0x0], $0xffff  }
0xe3: {  	v34 =	vor.u32 s28, v1;
	v32 =	vor.u32 s25, v2;
	v33 =	vor.u32 s25, v1;
	s29 =	sadd.s32 $0x180, s25;
	v35 =	vld.idx.msk [tilespmem:v15+s8+$0x0], $0xffff  }
0xe4: {  	v16 =	vsub.f32 v12, v16;
	v36 =	vor.u32 s29, v4;
	v37 =	vor.u32 s29, v3;
	v24 =	vld.idx.msk [tilespmem:v24+s8+$0x0], $0xffff  }
0xe5: {  	v17 =	vsub.f32 v12, v17;
	v19 =	vsub.f32 v12, v19;
	v38 =	vor.u32 s29, v2;
	v25 =	vld.idx.msk [tilespmem:v25+s8+$0x0], $0xffff  }
0xe6: {  	v12 =	vsub.f32 v12, v18;
	s26 =	sadd.s32 $0x100, s25;
	v20 =	vsub.f32 v6, v20;
	v39 =	vor.u32 s29, v1;
	v18 =	vld.idx.msk [tilespmem:v26+s8+$0x0], $0xffff  }
0xe7: {  	v14 =	vor.u32 s26, v4;
	v21 =	vsub.f32 v6, v21;
	v22 =	vsub.f32 v6, v22;
	v26 =	vld.idx.msk [tilespmem:v30+s8+$0x0], $0xffff  }
0xe8: {  	v13 =	vor.u32 s26, v3;
	v23 =	vsub.f32 v6, v23;
	v27 =	vsub.f32 v5, v27;
	v30 =	vld.idx.msk [tilespmem:v34+s8+$0x0], $0xffff  }
0xe9: {  	v15 =	vor.u32 s26, v2;
	v31 =	vsub.f32 v5, v31;
	v34 =	vsub.f32 v5, v35  }
0xea: {  	s23 =	sadd.s32 $0x200, s23;
	v17 =	vmul.f32 v17, v17;
	v35 =	vmul.f32 v16, v16;
	v24 =	vsub.f32 v5, v24  }
0xeb: {  	v19 =	vmul.f32 v19, v19;
	v40 =	vmul.f32 v12, v12;
	v16 =	vsub.f32 v7, v25;
	v6 =	vld [tilespmem:s23+$0x80]  }
0xec: {  	v41 =	vmul.f32 v21, v21;
	v25 =	vmul.f32 v20, v20;
	v18 =	vsub.f32 v7, v18;
	v5 =	vld [tilespmem:s23+$0x0]  }
0xed: {  	v21 =	vmul.f32 v27, v27;
	v20 =	vsub.f32 v7, v26;
	v26 =	vmul.f32 v31, v31;
	v42 =	vld [tilespmem:s23+$0xFFFFFF80]  }
0xee: {  	v27 =	vmul.f32 v16, v16;
	v7 =	vsub.f32 v7, v30;
	v18 =	vmul.f32 v18, v18;
	v12 =	vld [tilespmem:s23+$0xFFFFFF00]  }
0xef: {  	v11 =	vadd.f32 v17, v11;
	v8 =	vadd.f32 v35, v8;
	v20 =	vmul.f32 v20, v20;
	v16 =	vld.idx.msk [tilespmem:v28+s8+$0x0], $0xffff  }
0xf0: {  	v10 =	vadd.f32 v19, v10;
	v9 =	vadd.f32 v40, v9;
	v7 =	vmul.f32 v7, v7;
	v17 =	vld.idx.msk [tilespmem:v29+s8+$0x0], $0xffff  }
0xf1: {  	v8 =	vadd.f32 v27, v8;
	v27 =	vmul.f32 v34, v34;
	v11 =	vadd.f32 v18, v11;
	v19 =	vld.idx.msk [tilespmem:v32+s8+$0x0], $0xffff  }
.Ltmp3:
0xf2: {  	v10 =	vadd.f32 v20, v10;
	v28 =	vadd.f32 v7, v9;
	v9 =	vmul.f32 v24, v24;
	v18 =	vld.idx.msk [tilespmem:v33+s8+$0x0], $0xffff;
	(pc) =	sbr.rel @p0 .LBB2_8-.Ltmp3, $4  }
0xf3: {  	v8 =	vadd.f32 v21, v8;
	v11 =	vadd.f32 v26, v11;
	v26 =	vmul.f32 v22, v22;
	v20 =	vld.idx.msk [tilespmem:v36+s8+$0x0], $0xffff  }
0xf4: {  	v10 =	vadd.f32 v27, v10;
	v27 =	vmul.f32 v23, v23;
	v9 =	vadd.f32 v9, v28;
	v21 =	vld.idx.msk [tilespmem:v37+s8+$0x0], $0xffff  }
0xf5: {  	s28 =	sadd.s32 $0x80, s25;
	v24 =	vor.u32 s26, v1;
	v8 =	vadd.f32 v25, v8;
	v11 =	vadd.f32 v41, v11;
	v7 =	vmovc v42;
	v22 =	vld.idx.msk [tilespmem:v38+s8+$0x0], $0xffff  }
0xf6: {  	s24 =	sadd.s32 $0x4, s24;
	v25 =	vor.u32 s28, v4;
	v10 =	vadd.f32 v26, v10;
	v9 =	vadd.f32 v27, v9;
	v23 =	vld.idx.msk [tilespmem:v39+s8+$0x0], $0xffff  }
0xf7: {  	_ =	sdelay $0x3  }
0xf8: {  	v26 =	vor.u32 s28, v3;
	v14 =	vld.idx.msk [tilespmem:v14+s8+$0x0], $0xffff  }
0xf9: {  	v27 =	vor.u32 s28, v2;
	v13 =	vld.idx.msk [tilespmem:v13+s8+$0x0], $0xffff  }
0xfa: {  	v16 =	vsub.f32 v12, v16;
	v28 =	vor.u32 s28, v1;
	v25 =	vld.idx.msk [tilespmem:v25+s8+$0x0], $0xffff  }
0xfb: {  	v15 =	vld.idx.msk [tilespmem:v15+s8+$0x0], $0xffff;
	v17 =	vsub.f32 v12, v17;
	v19 =	vsub.f32 v12, v19  }
0xfc: {  	v24 =	vld.idx.msk [tilespmem:v24+s8+$0x0], $0xffff;
	v46 =	vsub.f32 v12, v18;
	v47 =	vsub.f32 v6, v20  }
0xfd: {  	v21 =	vsub.f32 v6, v21;
	v16 =	vmul.f32 v16, v16;
	v17 =	vmul.f32 v17, v17;
	v48 =	vld.idx.msk [tilespmem:v26+s8+$0x0], $0xffff  }
0xfe: {  	v19 =	vmul.f32 v19, v19;
	v22 =	vsub.f32 v6, v22;
	v6 =	vsub.f32 v6, v23;
	v49 =	vld.idx.msk [tilespmem:v27+s8+$0x0], $0xffff  }
0xff: {  	v12 =	vmul.f32 v46, v46;
	v8 =	vadd.f32 v16, v8;
	v50 =	vld.idx.msk [tilespmem:v28+s8+$0x0], $0xffff;
	v51 =	vsub.f32 v7, v25  }
0x100: {  	v18 =	vmul.f32 v47, v47;
	v14 =	vsub.f32 v5, v14;
	v13 =	vsub.f32 v5, v13  }
0x101: {  	v15 =	vsub.f32 v5, v15;
	v5 =	vsub.f32 v5, v24;
	v24 =	vmul.f32 v51, v51  }
0x102: {  	v21 =	vmul.f32 v21, v21;
	v11 =	vadd.f32 v17, v11;
	v20 =	vsub.f32 v7, v48  }
0x103: {  	v14 =	vmul.f32 v14, v14;
	v8 =	vadd.f32 v24, v8;
	v52 =	vsub.f32 v7, v49  }
0x104: {  	v10 =	vadd.f32 v19, v10;
	v7 =	vsub.f32 v7, v50;
	v53 =	vmul.f32 v20, v20  }
0x105: {  	v9 =	vadd.f32 v12, v9;
	v8 =	vadd.f32 v14, v8;
	v54 =	vmul.f32 v52, v52  }
0x106: {  	v13 =	vmul.f32 v13, v13;
	v7 =	vmul.f32 v7, v7;
	v11 =	vadd.f32 v53, v11  }
0x107: {  	v55 =	vmul.f32 v15, v15;
	v8 =	vadd.f32 v18, v8;
	v10 =	vadd.f32 v54, v10  }
0x108: {  	v5 =	vmul.f32 v5, v5;
	v7 =	vadd.f32 v7, v9;
	v11 =	vadd.f32 v13, v11  }
0x109: {  	v56 =	vmul.f32 v22, v22;
	v6 =	vmul.f32 v6, v6;
	v10 =	vadd.f32 v55, v10  }
0x10a: {  	vm0 =	vlt.f32 v8, $3.000000010e+38;
	v5 =	vadd.f32 v5, v7;
	v11 =	vadd.f32 v21, v11  }
0x10b: {  	v8 =	vnsel vm0, $0x7F61B1E6, v8;
	v4 =	vnsel vm0, $0x0, v4;
	v7 =	vadd.f32 v56, v10  }
0x10c: {  	v5 =	vadd.f32 v6, v5;
	vm1 =	vlt.f32 v11, $3.000000010e+38;
	vm2 =	vlt.f32 v11, v8  }
0x10d: {  	v6 =	vnsel vm1, $0x7F61B1E6, v11;
	v57 =	vnsel vm1, $0x0, v3;
	v3 =	vsel vm2, v3, v4  }
0x10e: {  	v6 =	vsel vm2, v8, v6;
	v9 =	vsel vm2, v4, v57;
	v8 =	vsel vm2, v11, v8  }
0x10f: {  	vm2 =	vlt.f32 v7, $3.000000010e+38;
	vm0 =	vlt.f32 v7, v6;
	vm1 =	vlt.f32 v7, v8  }
0x110: {  	v59 =	vnsel vm2, $0x7F61B1E6, v7;
	v60 =	vnsel vm2, $0x0, v2;
	v4 =	vsel vm0, v7, v6  }
0x111: {  	v58 =	vsel vm0, v2, v9;
	v6 =	vsel vm0, v6, v59;
	v9 =	vsel vm0, v9, v60  }
0x112: {  	v7 =	vsel vm1, v7, v8;
	v2 =	vsel vm1, v2, v3;
	v4 =	vsel vm1, v8, v4  }
0x113: {  	v10 =	vsel vm1, v3, v58;
	vm0 =	vlt.f32 v5, v7;
	vm1 =	vlt.f32 v5, v4  }
0x114: {  	vm2 =	vlt.f32 v5, v6;
	v4 =	vsel vm0, v1, v2;
	v3 =	vsel vm1, v1, v10  }
0x115: {  	v1 =	vsel vm2, v1, v9;
	v2 =	vsel vm0, v2, v3;
	v3 =	vor.u32 v0, v4  }
0x116: {  	v1 =	vsel vm1, v10, v1;
	[tilespmem:$0xA010] =	vst v3;
	v2 =	vadd.s32 v0, v2  }
0x117: {  	v1 =	vor.u32 v0, v1;
	[tilespmem:$0xA090] =	vst v2  }
0x118: {  	s24 =	simm.s32 $0x220;
	[tilespmem:$0xA110] =	vst v1  }
0x119: {  	v1 =	vld [tilespmem:s24+$0xFFFFFE00];
	_ =	sdelay $0x2  }
0x11a: {  	v2 =	vld [tilespmem:s24+$0xFFFFFE80]  }
0x11b: {  	v3 =	vimm.s32 $0x7F000000  }
0x11c: {  	vm0 =	vlt.s32 v1, v3  }
0x11d: {  	v4 =	vld [tilespmem:s24+$0xFFFFFF00];
	v1 =	vsel vm0, v1, v3  }
0x11e: {  	v3 =	vsel vm0, v3, v1  }
0x11f: {  	vm0 =	vlt.s32 v2, v3  }
0x120: {  	vm1 =	vlt.s32 v2, v1;
	v5 =	vsel vm0, v2, v3  }
0x121: {  	v6 =	vld [tilespmem:s24+$0xFFFFFF80];
	v7 =	vsel vm1, v1, v5  }
0x122: {  	v3 =	vsel vm0, v3, v5;
	v1 =	vsel vm1, v2, v1;
	vm0 =	vlt.s32 v4, v7  }
0x123: {  	vm1 =	vlt.s32 v4, v3;
	vm2 =	vlt.s32 v4, v1;
	v2 =	vsel vm0, v4, v7  }
0x124: {  	v8 =	vld [tilespmem:s24+$0x0];
	v5 =	vsel vm1, v4, v3;
	v2 =	vsel vm2, v1, v2  }
0x125: {  	v7 =	vsel vm0, v7, v5;
	v3 =	vsel vm1, v3, v5;
	v1 =	vsel vm2, v4, v1  }
0x126: {  	vm0 =	vlt.s32 v6, v2;
	vm1 =	vlt.s32 v6, v7;
	vm3 =	vlt.s32 v6, v3  }
0x127: {  	v62 =	vld [tilespmem:s24+$0x80];
	v5 =	vsel vm0, v6, v2;
	v61 =	vsel vm1, v6, v7;
	v3 =	vsel vm3, v6, v3  }
0x128: {  	v2 =	vsel vm0, v2, v61;
	v3 =	vsel vm1, v7, v3;
	vm0 =	vlt.s32 v6, v1  }
0x129: {  	vm1 =	vlt.s32 v8, v2;
	vm2 =	vlt.s32 v8, v3;
	v4 =	vsel vm0, v1, v5  }
0x12a: {  	v6 =	vsel vm0, v6, v1;
	v3 =	vsel vm2, v8, v3;
	vm0 =	vlt.s32 v8, v4  }
0x12b: {  	v5 =	vsel vm1, v8, v2;
	v2 =	vsel vm1, v2, v3;
	v3 =	vsel vm0, v8, v4  }
0x12c: {  	v1 =	vld [tilespmem:s24+$0x100];
	vm1 =	vlt.s32 v8, v6;
	v4 =	vsel vm0, v4, v5;
	vm2 =	vlt.s32 v62, v2  }
0x12d: {  	v3 =	vsel vm1, v6, v3;
	v5 =	vsel vm1, v8, v6;
	vm1 =	vlt.s32 v62, v4  }
0x12e: {  	vm0 =	vlt.s32 v62, v3;
	vm3 =	vlt.s32 v62, v5;
	v2 =	vsel vm2, v62, v2  }
0x12f: {  	v7 =	vsel vm1, v62, v4;
	v6 =	vsel vm0, v62, v3;
	v4 =	vsel vm1, v4, v2;
	v2 =	vld [tilespmem:s24+$0x180]  }
0x130: {  	v3 =	vsel vm0, v3, v7;
	v8 =	vsel vm3, v5, v6  }
0x131: {  	v7 =	vsel vm3, v62, v5;
	vm0 =	vlt.s32 v1, v3;
	vm2 =	vlt.s32 v1, v8  }
0x132: {  	vm1 =	vlt.s32 v1, v7;
	v63 =	vsel vm0, v1, v3;
	v5 =	vsel vm2, v1, v8  }
0x133: {  	s23 =	simm.s32 $0x0;
	s24 =	simm.s32 $0x620;
	v6 =	vsel vm1, v7, v5;
	v5 =	vsel vm2, v8, v63;
	vm2 =	vlt.s32 v1, v4  }
.LBB2_10:
0x134: {  	v8 =	vld [tilespmem:s24+$0xFFFFFE00];
	s23 =	sadd.s32 $0x8, s23;
	v7 =	vsel vm1, v1, v7;
	vm1 =	vlt.s32 v2, v5  }
0x135: {  	v1 =	vsel vm2, v1, v4;
	p0 =	slt.u32 s23, $0x78;
	vm2 =	vlt.s32 v2, v7;
	v4 =	vsel vm1, v2, v5  }
0x136: {  	v1 =	vsel vm0, v3, v1;
	vm0 =	vlt.s32 v2, v6;
	v3 =	vsel vm2, v2, v7  }
0x137: {  	v10 =	vsel vm0, v2, v6;
	v4 =	vsel vm0, v6, v4;
	vm0 =	vlt.s32 v2, v1;
	v9 =	vld [tilespmem:s24+$0xFFFFFE80]  }
0x138: {  	v6 =	vsel vm2, v7, v10;
	v1 =	vsel vm0, v2, v1  }
0x139: {  	v1 =	vsel vm1, v5, v1;
	vm0 =	vlt.s32 v8, v6;
	vm2 =	vlt.s32 v8, v4  }
0x13a: {  	vm1 =	vlt.s32 v8, v3;
	v2 =	vsel vm0, v8, v6;
	v5 =	vsel vm2, v8, v4  }
0x13b: {  	vm3 =	vlt.s32 v8, v1;
	v2 =	vsel vm1, v3, v2;
	v3 =	vsel vm1, v8, v3;
	v7 =	vld [tilespmem:s24+$0xFFFFFF00]  }
0x13c: {  	v1 =	vsel vm3, v8, v1;
	vm1 =	vlt.s32 v9, v2;
	vm3 =	vlt.s32 v9, v3  }
0x13d: {  	v5 =	vsel vm0, v6, v5;
	v1 =	vsel vm2, v4, v1;
	v4 =	vsel vm1, v9, v2  }
0x13e: {  	vm0 =	vlt.s32 v9, v5;
	vm2 =	vlt.s32 v9, v1;
	v4 =	vsel vm3, v3, v4  }
0x13f: {  	v6 =	vsel vm0, v9, v5;
	v1 =	vsel vm2, v9, v1;
	v3 =	vsel vm3, v9, v3;
	v8 =	vld [tilespmem:s24+$0xFFFFFF80]  }
0x140: {  	v2 =	vsel vm1, v2, v6;
	v1 =	vsel vm0, v5, v1;
	vm0 =	vlt.s32 v7, v3  }
0x141: {  	vm1 =	vlt.s32 v7, v4;
	vm2 =	vlt.s32 v7, v2;
	vm3 =	vlt.s32 v7, v1  }
0x142: {  	v5 =	vsel vm1, v7, v4;
	v6 =	vsel vm2, v7, v2;
	v1 =	vsel vm3, v7, v1;
	v9 =	vld [tilespmem:s24+$0x0]  }
0x143: {  	v5 =	vsel vm0, v3, v5;
	v4 =	vsel vm1, v4, v6;
	v1 =	vsel vm2, v2, v1  }
0x144: {  	vm1 =	vlt.s32 v8, v5;
	vm2 =	vlt.s32 v8, v4;
	vm3 =	vlt.s32 v8, v1  }
0x145: {  	v2 =	vsel vm1, v8, v5;
	v6 =	vsel vm2, v8, v4;
	v1 =	vsel vm3, v8, v1;
	v10 =	vld [tilespmem:s24+$0x80]  }
0x146: {  	v3 =	vsel vm0, v7, v3;
	v5 =	vsel vm1, v5, v6;
	v1 =	vsel vm2, v4, v1  }
0x147: {  	vm0 =	vlt.s32 v8, v3;
	vm1 =	vlt.s32 v9, v5;
	vm2 =	vlt.s32 v9, v1  }
0x148: {  	v2 =	vsel vm0, v3, v2;
	v4 =	vsel vm1, v9, v5;
	v1 =	vsel vm2, v9, v1  }
0x149: {  	v3 =	vsel vm0, v8, v3;
	vm0 =	vlt.s32 v9, v2;
	v5 =	vsel vm1, v5, v1  }
0x14a: {  	v6 =	vsel vm0, v9, v2;
	vm1 =	vlt.s32 v9, v3;
	vm2 =	vlt.s32 v10, v5;
	v1 =	vld [tilespmem:s24+$0x100]  }
0x14b: {  	v4 =	vsel vm0, v2, v4;
	v6 =	vsel vm1, v3, v6;
	v7 =	vsel vm1, v9, v3  }
0x14c: {  	vm1 =	vlt.s32 v10, v4;
	vm0 =	vlt.s32 v10, v6;
	vm3 =	vlt.s32 v10, v7  }
.Ltmp4:
0x14d: {  	v8 =	vsel vm1, v10, v4;
	v5 =	vsel vm2, v10, v5;
	v3 =	vsel vm0, v10, v6;
	v2 =	vld [tilespmem:s24+$0x180];
	(pc) =	sbr.rel @p0 .LBB2_10-.Ltmp4, $4  }
0x14e: {  	v4 =	vsel vm1, v4, v5;
	v9 =	vsel vm3, v7, v3;
	v3 =	vsel vm0, v6, v8  }
0x14f: {  	v7 =	vsel vm3, v10, v7;
	vm2 =	vlt.s32 v1, v9;
	vm0 =	vlt.s32 v1, v3  }
0x150: {  	vm1 =	vlt.s32 v1, v7;
	v5 =	vsel vm2, v1, v9;
	v8 =	vsel vm0, v1, v3  }
0x151: {  	s24 =	sadd.s32 $0x400, s24;
	v6 =	vsel vm1, v7, v5;
	v5 =	vsel vm2, v9, v8;
	vm2 =	vlt.s32 v1, v4  }
0x152: {  	v7 =	vsel vm1, v1, v7;
	vm12 =	vlt.s32 v2, v5;
	v1 =	vsel vm2, v1, v4  }
0x153: {  	vm14 =	vlt.s32 v2, v6;
	vm13 =	vlt.s32 v2, v7;
	v4 =	vsel vm12, v2, v5  }
0x154: {  	v1 =	vsel vm0, v3, v1;
	v8 =	vsel vm14, v2, v6;
	v3 =	vsel vm13, v2, v7  }
0x155: {  	s24 =	simm.s32 $0x0;
	v6 =	vsel vm14, v6, v4;
	v7 =	vsel vm13, v7, v8;
	v4 =	vand.u32 $0x7F, v3  }
0x156: {  	s23 =	simm.s32 $0x4120;
	vm15 =	vlt.s32 v2, v1;
	v3 =	vand.u32 $0x7F, v7;
	v8 =	vor.u32 s24, v4  }
0x157: {  	v12 =	vld [tilespmem:s23+$0xFFFFFF00];
	v1 =	vsel vm15, v2, v1;
	v2 =	vand.u32 $0x7F, v6;
	v9 =	vor.u32 s24, v3  }
0x158: {  	s30 =	simm.s32 $0x180;
	v6 =	vld [tilespmem:s23+$0x80];
	v10 =	vor.u32 s24, v2  }
0x159: {  	v7 =	vld [tilespmem:s23+$0xFFFFFF80];
	v13 =	vor.u32 s30, v4  }
0x15a: {  	v1 =	vsel vm12, v5, v1;
	v5 =	vld [tilespmem:s23+$0x0];
	v15 =	vor.u32 s30, v3  }
0x15b: {  	v22 =	vor.u32 s30, v2;
	v1 =	vand.u32 $0x7F, v1;
	v16 =	vld.idx.msk [tilespmem:v8+s8+$0x0], $0xffff  }
0x15c: {  	v11 =	vor.u32 s24, v1;
	v17 =	vld.idx.msk [tilespmem:v9+s8+$0x0], $0xffff  }
0x15d: {  	s31 =	simm.s32 $0x100;
	v9 =	vor.u32 s30, v1;
	v19 =	vld.idx.msk [tilespmem:v10+s8+$0x0], $0xffff  }
0x15e: {  	v14 =	vor.u32 s31, v4;
	v20 =	vld.idx.msk [tilespmem:v13+s8+$0x0], $0xffff  }
0x15f: {  	v13 =	vor.u32 s31, v3;
	v21 =	vld.idx.msk [tilespmem:v15+s8+$0x0], $0xffff  }
0x160: {  	s28 =	simm.s32 $0x80;
	v15 =	vor.u32 s31, v2;
	v22 =	vld.idx.msk [tilespmem:v22+s8+$0x0], $0xffff  }
0x161: {  	v25 =	vor.u32 s28, v4;
	v24 =	vor.u32 s31, v1;
	v8 =	vimm.f32 $0.0e+00;
	v18 =	vld.idx.msk [tilespmem:v11+s8+$0x0], $0xffff  }
0x162: {  	s24 =	simm.s32 $0x4;
	v10 =	vimm.f32 $0.0e+00;
	v11 =	vimm.f32 $0.0e+00;
	v23 =	vld.idx.msk [tilespmem:v9+s8+$0x0], $0xffff;
	v9 =	vimm.f32 $0.0e+00  }
.LBB2_12:
0x163: {  	s25 =	sshll.u32 s24, $0x7;
	p0 =	slt.u32 s24, $0x3C;
	v26 =	vor.u32 s28, v3;
	v27 =	vld.idx.msk [tilespmem:v14+s8+$0x0], $0xffff  }
0x164: {  	v30 =	vor.u32 s28, v2;
	v28 =	vor.u32 s25, v4;
	v29 =	vor.u32 s25, v3;
	v31 =	vld.idx.msk [tilespmem:v13+s8+$0x0], $0xffff  }
0x165: {  	v34 =	vor.u32 s28, v1;
	v32 =	vor.u32 s25, v2;
	v33 =	vor.u32 s25, v1;
	s29 =	sadd.s32 $0x180, s25;
	v35 =	vld.idx.msk [tilespmem:v15+s8+$0x0], $0xffff  }
0x166: {  	v16 =	vsub.f32 v12, v16;
	v36 =	vor.u32 s29, v4;
	v37 =	vor.u32 s29, v3;
	v24 =	vld.idx.msk [tilespmem:v24+s8+$0x0], $0xffff  }
0x167: {  	v17 =	vsub.f32 v12, v17;
	v19 =	vsub.f32 v12, v19;
	v38 =	vor.u32 s29, v2;
	v25 =	vld.idx.msk [tilespmem:v25+s8+$0x0], $0xffff  }
0x168: {  	v12 =	vsub.f32 v12, v18;
	s26 =	sadd.s32 $0x100, s25;
	v20 =	vsub.f32 v6, v20;
	v39 =	vor.u32 s29, v1;
	v18 =	vld.idx.msk [tilespmem:v26+s8+$0x0], $0xffff  }
0x169: {  	v14 =	vor.u32 s26, v4;
	v21 =	vsub.f32 v6, v21;
	v22 =	vsub.f32 v6, v22;
	v26 =	vld.idx.msk [tilespmem:v30+s8+$0x0], $0xffff  }
0x16a: {  	v13 =	vor.u32 s26, v3;
	v23 =	vsub.f32 v6, v23;
	v27 =	vsub.f32 v5, v27;
	v30 =	vld.idx.msk [tilespmem:v34+s8+$0x0], $0xffff  }
0x16b: {  	v15 =	vor.u32 s26, v2;
	v31 =	vsub.f32 v5, v31;
	v34 =	vsub.f32 v5, v35  }
0x16c: {  	s23 =	sadd.s32 $0x200, s23;
	v17 =	vmul.f32 v17, v17;
	v35 =	vmul.f32 v16, v16;
	v24 =	vsub.f32 v5, v24  }
0x16d: {  	v19 =	vmul.f32 v19, v19;
	v40 =	vmul.f32 v12, v12;
	v16 =	vsub.f32 v7, v25;
	v6 =	vld [tilespmem:s23+$0x80]  }
0x16e: {  	v41 =	vmul.f32 v21, v21;
	v25 =	vmul.f32 v20, v20;
	v18 =	vsub.f32 v7, v18;
	v5 =	vld [tilespmem:s23+$0x0]  }
0x16f: {  	v21 =	vmul.f32 v27, v27;
	v20 =	vsub.f32 v7, v26;
	v26 =	vmul.f32 v31, v31;
	v42 =	vld [tilespmem:s23+$0xFFFFFF80]  }
0x170: {  	v27 =	vmul.f32 v16, v16;
	v7 =	vsub.f32 v7, v30;
	v18 =	vmul.f32 v18, v18;
	v12 =	vld [tilespmem:s23+$0xFFFFFF00]  }
0x171: {  	v11 =	vadd.f32 v17, v11;
	v8 =	vadd.f32 v35, v8;
	v20 =	vmul.f32 v20, v20;
	v16 =	vld.idx.msk [tilespmem:v28+s8+$0x0], $0xffff  }
0x172: {  	v10 =	vadd.f32 v19, v10;
	v9 =	vadd.f32 v40, v9;
	v7 =	vmul.f32 v7, v7;
	v17 =	vld.idx.msk [tilespmem:v29+s8+$0x0], $0xffff  }
0x173: {  	v8 =	vadd.f32 v27, v8;
	v27 =	vmul.f32 v34, v34;
	v11 =	vadd.f32 v18, v11;
	v19 =	vld.idx.msk [tilespmem:v32+s8+$0x0], $0xffff  }
.Ltmp5:
0x174: {  	v10 =	vadd.f32 v20, v10;
	v28 =	vadd.f32 v7, v9;
	v9 =	vmul.f32 v24, v24;
	v18 =	vld.idx.msk [tilespmem:v33+s8+$0x0], $0xffff;
	(pc) =	sbr.rel @p0 .LBB2_12-.Ltmp5, $4  }
0x175: {  	v8 =	vadd.f32 v21, v8;
	v11 =	vadd.f32 v26, v11;
	v26 =	vmul.f32 v22, v22;
	v20 =	vld.idx.msk [tilespmem:v36+s8+$0x0], $0xffff  }
0x176: {  	v10 =	vadd.f32 v27, v10;
	v27 =	vmul.f32 v23, v23;
	v9 =	vadd.f32 v9, v28;
	v21 =	vld.idx.msk [tilespmem:v37+s8+$0x0], $0xffff  }
0x177: {  	s28 =	sadd.s32 $0x80, s25;
	v24 =	vor.u32 s26, v1;
	v8 =	vadd.f32 v25, v8;
	v11 =	vadd.f32 v41, v11;
	v7 =	vmovc v42;
	v22 =	vld.idx.msk [tilespmem:v38+s8+$0x0], $0xffff  }
0x178: {  	s24 =	sadd.s32 $0x4, s24;
	v25 =	vor.u32 s28, v4;
	v10 =	vadd.f32 v26, v10;
	v9 =	vadd.f32 v27, v9;
	v23 =	vld.idx.msk [tilespmem:v39+s8+$0x0], $0xffff  }
0x179: {  	_ =	sdelay $0x3  }
0x17a: {  	v26 =	vor.u32 s28, v3;
	v14 =	vld.idx.msk [tilespmem:v14+s8+$0x0], $0xffff  }
0x17b: {  	v27 =	vor.u32 s28, v2;
	v13 =	vld.idx.msk [tilespmem:v13+s8+$0x0], $0xffff  }
0x17c: {  	v16 =	vsub.f32 v12, v16;
	v28 =	vor.u32 s28, v1;
	v25 =	vld.idx.msk [tilespmem:v25+s8+$0x0], $0xffff  }
0x17d: {  	v15 =	vld.idx.msk [tilespmem:v15+s8+$0x0], $0xffff;
	v17 =	vsub.f32 v12, v17;
	v19 =	vsub.f32 v12, v19  }
0x17e: {  	v24 =	vld.idx.msk [tilespmem:v24+s8+$0x0], $0xffff;
	v46 =	vsub.f32 v12, v18;
	v47 =	vsub.f32 v6, v20  }
0x17f: {  	v21 =	vsub.f32 v6, v21;
	v16 =	vmul.f32 v16, v16;
	v17 =	vmul.f32 v17, v17;
	v48 =	vld.idx.msk [tilespmem:v26+s8+$0x0], $0xffff  }
0x180: {  	v19 =	vmul.f32 v19, v19;
	v22 =	vsub.f32 v6, v22;
	v6 =	vsub.f32 v6, v23;
	v49 =	vld.idx.msk [tilespmem:v27+s8+$0x0], $0xffff  }
0x181: {  	v12 =	vmul.f32 v46, v46;
	v8 =	vadd.f32 v16, v8;
	v50 =	vld.idx.msk [tilespmem:v28+s8+$0x0], $0xffff;
	v51 =	vsub.f32 v7, v25  }
0x182: {  	v18 =	vmul.f32 v47, v47;
	v14 =	vsub.f32 v5, v14;
	v13 =	vsub.f32 v5, v13  }
0x183: {  	v15 =	vsub.f32 v5, v15;
	v5 =	vsub.f32 v5, v24;
	v24 =	vmul.f32 v51, v51  }
0x184: {  	v21 =	vmul.f32 v21, v21;
	v11 =	vadd.f32 v17, v11;
	v20 =	vsub.f32 v7, v48  }
0x185: {  	v14 =	vmul.f32 v14, v14;
	v8 =	vadd.f32 v24, v8;
	v52 =	vsub.f32 v7, v49  }
0x186: {  	v10 =	vadd.f32 v19, v10;
	v7 =	vsub.f32 v7, v50;
	v53 =	vmul.f32 v20, v20  }
0x187: {  	v9 =	vadd.f32 v12, v9;
	v8 =	vadd.f32 v14, v8;
	v54 =	vmul.f32 v52, v52  }
0x188: {  	v13 =	vmul.f32 v13, v13;
	v7 =	vmul.f32 v7, v7;
	v11 =	vadd.f32 v53, v11  }
0x189: {  	v55 =	vmul.f32 v15, v15;
	v8 =	vadd.f32 v18, v8;
	v10 =	vadd.f32 v54, v10  }
0x18a: {  	v5 =	vmul.f32 v5, v5;
	v7 =	vadd.f32 v7, v9;
	v11 =	vadd.f32 v13, v11  }
0x18b: {  	v56 =	vmul.f32 v22, v22;
	v6 =	vmul.f32 v6, v6;
	v10 =	vadd.f32 v55, v10  }
0x18c: {  	vm0 =	vlt.f32 v8, $3.000000010e+38;
	v5 =	vadd.f32 v5, v7;
	v11 =	vadd.f32 v21, v11  }
0x18d: {  	v8 =	vnsel vm0, $0x7F61B1E6, v8;
	v4 =	vnsel vm0, $0x0, v4;
	v7 =	vadd.f32 v56, v10  }
0x18e: {  	v5 =	vadd.f32 v6, v5;
	vm1 =	vlt.f32 v11, $3.000000010e+38;
	vm2 =	vlt.f32 v11, v8  }
0x18f: {  	v6 =	vnsel vm1, $0x7F61B1E6, v11;
	v57 =	vnsel vm1, $0x0, v3;
	v3 =	vsel vm2, v3, v4  }
0x190: {  	v6 =	vsel vm2, v8, v6;
	v9 =	vsel vm2, v4, v57;
	v8 =	vsel vm2, v11, v8  }
0x191: {  	vm2 =	vlt.f32 v7, $3.000000010e+38;
	vm0 =	vlt.f32 v7, v6;
	vm1 =	vlt.f32 v7, v8  }
0x192: {  	v59 =	vnsel vm2, $0x7F61B1E6, v7;
	v60 =	vnsel vm2, $0x0, v2;
	v4 =	vsel vm0, v7, v6  }
0x193: {  	v58 =	vsel vm0, v2, v9;
	v6 =	vsel vm0, v6, v59;
	v9 =	vsel vm0, v9, v60  }
0x194: {  	v7 =	vsel vm1, v7, v8;
	v2 =	vsel vm1, v2, v3;
	v4 =	vsel vm1, v8, v4  }
0x195: {  	v10 =	vsel vm1, v3, v58;
	vm0 =	vlt.f32 v5, v7;
	vm1 =	vlt.f32 v5, v4  }
0x196: {  	vm2 =	vlt.f32 v5, v6;
	v4 =	vsel vm0, v1, v2;
	v3 =	vsel vm1, v1, v10  }
0x197: {  	v1 =	vsel vm2, v1, v9;
	v2 =	vsel vm0, v2, v3;
	v3 =	vor.u32 v0, v4  }
0x198: {  	v1 =	vsel vm1, v10, v1;
	[tilespmem:$0xA020] =	vst v3;
	v2 =	vadd.s32 v0, v2  }
0x199: {  	v1 =	vor.u32 v0, v1;
	[tilespmem:$0xA0A0] =	vst v2  }
0x19a: {  	s24 =	simm.s32 $0x230;
	[tilespmem:$0xA120] =	vst v1  }
0x19b: {  	v1 =	vld [tilespmem:s24+$0xFFFFFE00];
	_ =	sdelay $0x2  }
0x19c: {  	v2 =	vld [tilespmem:s24+$0xFFFFFE80]  }
0x19d: {  	v3 =	vimm.s32 $0x7F000000  }
0x19e: {  	vm0 =	vlt.s32 v1, v3  }
0x19f: {  	v4 =	vld [tilespmem:s24+$0xFFFFFF00];
	v1 =	vsel vm0, v1, v3  }
0x1a0: {  	v3 =	vsel vm0, v3, v1  }
0x1a1: {  	vm0 =	vlt.s32 v2, v3  }
0x1a2: {  	vm1 =	vlt.s32 v2, v1;
	v5 =	vsel vm0, v2, v3  }
0x1a3: {  	v6 =	vld [tilespmem:s24+$0xFFFFFF80];
	v7 =	vsel vm1, v1, v5  }
0x1a4: {  	v3 =	vsel vm0, v3, v5;
	v1 =	vsel vm1, v2, v1;
	vm0 =	vlt.s32 v4, v7  }
0x1a5: {  	vm1 =	vlt.s32 v4, v3;
	vm2 =	vlt.s32 v4, v1;
	v2 =	vsel vm0, v4, v7  }
0x1a6: {  	v8 =	vld [tilespmem:s24+$0x0];
	v5 =	vsel vm1, v4, v3;
	v2 =	vsel vm2, v1, v2  }
0x1a7: {  	v7 =	vsel vm0, v7, v5;
	v3 =	vsel vm1, v3, v5;
	v1 =	vsel vm2, v4, v1  }
0x1a8: {  	vm0 =	vlt.s32 v6, v2;
	vm1 =	vlt.s32 v6, v7;
	vm3 =	vlt.s32 v6, v3  }
0x1a9: {  	v62 =	vld [tilespmem:s24+$0x80];
	v5 =	vsel vm0, v6, v2;
	v61 =	vsel vm1, v6, v7;
	v3 =	vsel vm3, v6, v3  }
0x1aa: {  	v2 =	vsel vm0, v2, v61;
	v3 =	vsel vm1, v7, v3;
	vm0 =	vlt.s32 v6, v1  }
0x1ab: {  	vm1 =	vlt.s32 v8, v2;
	vm2 =	vlt.s32 v8, v3;
	v4 =	vsel vm0, v1, v5  }
0x1ac: {  	v6 =	vsel vm0, v6, v1;
	v3 =	vsel vm2, v8, v3;
	vm0 =	vlt.s32 v8, v4  }
0x1ad: {  	v5 =	vsel vm1, v8, v2;
	v2 =	vsel vm1, v2, v3;
	v3 =	vsel vm0, v8, v4  }
0x1ae: {  	v1 =	vld [tilespmem:s24+$0x100];
	vm1 =	vlt.s32 v8, v6;
	v4 =	vsel vm0, v4, v5;
	vm2 =	vlt.s32 v62, v2  }
0x1af: {  	v3 =	vsel vm1, v6, v3;
	v5 =	vsel vm1, v8, v6;
	vm1 =	vlt.s32 v62, v4  }
0x1b0: {  	vm0 =	vlt.s32 v62, v3;
	vm3 =	vlt.s32 v62, v5;
	v2 =	vsel vm2, v62, v2  }
0x1b1: {  	v7 =	vsel vm1, v62, v4;
	v6 =	vsel vm0, v62, v3;
	v4 =	vsel vm1, v4, v2;
	v2 =	vld [tilespmem:s24+$0x180]  }
0x1b2: {  	v3 =	vsel vm0, v3, v7;
	v8 =	vsel vm3, v5, v6  }
0x1b3: {  	v7 =	vsel vm3, v62, v5;
	vm0 =	vlt.s32 v1, v3;
	vm2 =	vlt.s32 v1, v8  }
0x1b4: {  	vm1 =	vlt.s32 v1, v7;
	v63 =	vsel vm0, v1, v3;
	v5 =	vsel vm2, v1, v8  }
0x1b5: {  	s23 =	simm.s32 $0x0;
	s24 =	simm.s32 $0x630;
	v6 =	vsel vm1, v7, v5;
	v5 =	vsel vm2, v8, v63;
	vm2 =	vlt.s32 v1, v4  }
.LBB2_14:
0x1b6: {  	v8 =	vld [tilespmem:s24+$0xFFFFFE00];
	s23 =	sadd.s32 $0x8, s23;
	v7 =	vsel vm1, v1, v7;
	vm1 =	vlt.s32 v2, v5  }
0x1b7: {  	v1 =	vsel vm2, v1, v4;
	p0 =	slt.u32 s23, $0x78;
	vm2 =	vlt.s32 v2, v7;
	v4 =	vsel vm1, v2, v5  }
0x1b8: {  	v1 =	vsel vm0, v3, v1;
	vm0 =	vlt.s32 v2, v6;
	v3 =	vsel vm2, v2, v7  }
0x1b9: {  	v10 =	vsel vm0, v2, v6;
	v4 =	vsel vm0, v6, v4;
	vm0 =	vlt.s32 v2, v1;
	v9 =	vld [tilespmem:s24+$0xFFFFFE80]  }
0x1ba: {  	v6 =	vsel vm2, v7, v10;
	v1 =	vsel vm0, v2, v1  }
0x1bb: {  	v1 =	vsel vm1, v5, v1;
	vm0 =	vlt.s32 v8, v6;
	vm2 =	vlt.s32 v8, v4  }
0x1bc: {  	vm1 =	vlt.s32 v8, v3;
	v2 =	vsel vm0, v8, v6;
	v5 =	vsel vm2, v8, v4  }
0x1bd: {  	vm3 =	vlt.s32 v8, v1;
	v2 =	vsel vm1, v3, v2;
	v3 =	vsel vm1, v8, v3;
	v7 =	vld [tilespmem:s24+$0xFFFFFF00]  }
0x1be: {  	v1 =	vsel vm3, v8, v1;
	vm1 =	vlt.s32 v9, v2;
	vm3 =	vlt.s32 v9, v3  }
0x1bf: {  	v5 =	vsel vm0, v6, v5;
	v1 =	vsel vm2, v4, v1;
	v4 =	vsel vm1, v9, v2  }
0x1c0: {  	vm0 =	vlt.s32 v9, v5;
	vm2 =	vlt.s32 v9, v1;
	v4 =	vsel vm3, v3, v4  }
0x1c1: {  	v6 =	vsel vm0, v9, v5;
	v1 =	vsel vm2, v9, v1;
	v3 =	vsel vm3, v9, v3;
	v8 =	vld [tilespmem:s24+$0xFFFFFF80]  }
0x1c2: {  	v2 =	vsel vm1, v2, v6;
	v1 =	vsel vm0, v5, v1;
	vm0 =	vlt.s32 v7, v3  }
0x1c3: {  	vm1 =	vlt.s32 v7, v4;
	vm2 =	vlt.s32 v7, v2;
	vm3 =	vlt.s32 v7, v1  }
0x1c4: {  	v5 =	vsel vm1, v7, v4;
	v6 =	vsel vm2, v7, v2;
	v1 =	vsel vm3, v7, v1;
	v9 =	vld [tilespmem:s24+$0x0]  }
0x1c5: {  	v5 =	vsel vm0, v3, v5;
	v4 =	vsel vm1, v4, v6;
	v1 =	vsel vm2, v2, v1  }
0x1c6: {  	vm1 =	vlt.s32 v8, v5;
	vm2 =	vlt.s32 v8, v4;
	vm3 =	vlt.s32 v8, v1  }
0x1c7: {  	v2 =	vsel vm1, v8, v5;
	v6 =	vsel vm2, v8, v4;
	v1 =	vsel vm3, v8, v1;
	v10 =	vld [tilespmem:s24+$0x80]  }
0x1c8: {  	v3 =	vsel vm0, v7, v3;
	v5 =	vsel vm1, v5, v6;
	v1 =	vsel vm2, v4, v1  }
0x1c9: {  	vm0 =	vlt.s32 v8, v3;
	vm1 =	vlt.s32 v9, v5;
	vm2 =	vlt.s32 v9, v1  }
0x1ca: {  	v2 =	vsel vm0, v3, v2;
	v4 =	vsel vm1, v9, v5;
	v1 =	vsel vm2, v9, v1  }
0x1cb: {  	v3 =	vsel vm0, v8, v3;
	vm0 =	vlt.s32 v9, v2;
	v5 =	vsel vm1, v5, v1  }
0x1cc: {  	v6 =	vsel vm0, v9, v2;
	vm1 =	vlt.s32 v9, v3;
	vm2 =	vlt.s32 v10, v5;
	v1 =	vld [tilespmem:s24+$0x100]  }
0x1cd: {  	v4 =	vsel vm0, v2, v4;
	v6 =	vsel vm1, v3, v6;
	v7 =	vsel vm1, v9, v3  }
0x1ce: {  	vm1 =	vlt.s32 v10, v4;
	vm0 =	vlt.s32 v10, v6;
	vm3 =	vlt.s32 v10, v7  }
.Ltmp6:
0x1cf: {  	v8 =	vsel vm1, v10, v4;
	v5 =	vsel vm2, v10, v5;
	v3 =	vsel vm0, v10, v6;
	v2 =	vld [tilespmem:s24+$0x180];
	(pc) =	sbr.rel @p0 .LBB2_14-.Ltmp6, $4  }
0x1d0: {  	v4 =	vsel vm1, v4, v5;
	v9 =	vsel vm3, v7, v3;
	v3 =	vsel vm0, v6, v8  }
0x1d1: {  	v7 =	vsel vm3, v10, v7;
	vm2 =	vlt.s32 v1, v9;
	vm0 =	vlt.s32 v1, v3  }
0x1d2: {  	vm1 =	vlt.s32 v1, v7;
	v5 =	vsel vm2, v1, v9;
	v8 =	vsel vm0, v1, v3  }
0x1d3: {  	s24 =	sadd.s32 $0x400, s24;
	v6 =	vsel vm1, v7, v5;
	v5 =	vsel vm2, v9, v8;
	vm2 =	vlt.s32 v1, v4  }
0x1d4: {  	v7 =	vsel vm1, v1, v7;
	vm12 =	vlt.s32 v2, v5;
	v1 =	vsel vm2, v1, v4  }
0x1d5: {  	vm14 =	vlt.s32 v2, v6;
	vm13 =	vlt.s32 v2, v7;
	v4 =	vsel vm12, v2, v5  }
0x1d6: {  	v1 =	vsel vm0, v3, v1;
	v8 =	vsel vm14, v2, v6;
	v3 =	vsel vm13, v2, v7  }
0x1d7: {  	s24 =	simm.s32 $0x0;
	v6 =	vsel vm14, v6, v4;
	v7 =	vsel vm13, v7, v8;
	v4 =	vand.u32 $0x7F, v3  }
0x1d8: {  	s23 =	simm.s32 $0x4130;
	vm15 =	vlt.s32 v2, v1;
	v3 =	vand.u32 $0x7F, v7;
	v8 =	vor.u32 s24, v4  }
0x1d9: {  	v12 =	vld [tilespmem:s23+$0xFFFFFF00];
	v1 =	vsel vm15, v2, v1;
	v2 =	vand.u32 $0x7F, v6;
	v9 =	vor.u32 s24, v3  }
0x1da: {  	s30 =	simm.s32 $0x180;
	v6 =	vld [tilespmem:s23+$0x80];
	v10 =	vor.u32 s24, v2  }
0x1db: {  	v7 =	vld [tilespmem:s23+$0xFFFFFF80];
	v13 =	vor.u32 s30, v4  }
0x1dc: {  	v1 =	vsel vm12, v5, v1;
	v5 =	vld [tilespmem:s23+$0x0];
	v15 =	vor.u32 s30, v3  }
0x1dd: {  	v22 =	vor.u32 s30, v2;
	v1 =	vand.u32 $0x7F, v1;
	v16 =	vld.idx.msk [tilespmem:v8+s8+$0x0], $0xffff  }
0x1de: {  	v11 =	vor.u32 s24, v1;
	v17 =	vld.idx.msk [tilespmem:v9+s8+$0x0], $0xffff  }
0x1df: {  	s31 =	simm.s32 $0x100;
	v9 =	vor.u32 s30, v1;
	v19 =	vld.idx.msk [tilespmem:v10+s8+$0x0], $0xffff  }
0x1e0: {  	v14 =	vor.u32 s31, v4;
	v20 =	vld.idx.msk [tilespmem:v13+s8+$0x0], $0xffff  }
0x1e1: {  	v13 =	vor.u32 s31, v3;
	v21 =	vld.idx.msk [tilespmem:v15+s8+$0x0], $0xffff  }
0x1e2: {  	s28 =	simm.s32 $0x80;
	v15 =	vor.u32 s31, v2;
	v22 =	vld.idx.msk [tilespmem:v22+s8+$0x0], $0xffff  }
0x1e3: {  	v25 =	vor.u32 s28, v4;
	v24 =	vor.u32 s31, v1;
	v8 =	vimm.f32 $0.0e+00;
	v18 =	vld.idx.msk [tilespmem:v11+s8+$0x0], $0xffff  }
0x1e4: {  	s24 =	simm.s32 $0x4;
	v10 =	vimm.f32 $0.0e+00;
	v11 =	vimm.f32 $0.0e+00;
	v23 =	vld.idx.msk [tilespmem:v9+s8+$0x0], $0xffff;
	v9 =	vimm.f32 $0.0e+00  }
.LBB2_16:
0x1e5: {  	s25 =	sshll.u32 s24, $0x7;
	p0 =	slt.u32 s24, $0x3C;
	v26 =	vor.u32 s28, v3;
	v27 =	vld.idx.msk [tilespmem:v14+s8+$0x0], $0xffff  }
0x1e6: {  	v30 =	vor.u32 s28, v2;
	v28 =	vor.u32 s25, v4;
	v29 =	vor.u32 s25, v3;
	v31 =	vld.idx.msk [tilespmem:v13+s8+$0x0], $0xffff  }
0x1e7: {  	v34 =	vor.u32 s28, v1;
	v32 =	vor.u32 s25, v2;
	v33 =	vor.u32 s25, v1;
	s29 =	sadd.s32 $0x180, s25;
	v35 =	vld.idx.msk [tilespmem:v15+s8+$0x0], $0xffff  }
0x1e8: {  	v16 =	vsub.f32 v12, v16;
	v36 =	vor.u32 s29, v4;
	v37 =	vor.u32 s29, v3;
	v24 =	vld.idx.msk [tilespmem:v24+s8+$0x0], $0xffff  }
0x1e9: {  	v17 =	vsub.f32 v12, v17;
	v19 =	vsub.f32 v12, v19;
	v38 =	vor.u32 s29, v2;
	v25 =	vld.idx.msk [tilespmem:v25+s8+$0x0], $0xffff  }
0x1ea: {  	v12 =	vsub.f32 v12, v18;
	s26 =	sadd.s32 $0x100, s25;
	v20 =	vsub.f32 v6, v20;
	v39 =	vor.u32 s29, v1;
	v18 =	vld.idx.msk [tilespmem:v26+s8+$0x0], $0xffff  }
0x1eb: {  	v14 =	vor.u32 s26, v4;
	v21 =	vsub.f32 v6, v21;
	v22 =	vsub.f32 v6, v22;
	v26 =	vld.idx.msk [tilespmem:v30+s8+$0x0], $0xffff  }
0x1ec: {  	v13 =	vor.u32 s26, v3;
	v23 =	vsub.f32 v6, v23;
	v27 =	vsub.f32 v5, v27;
	v30 =	vld.idx.msk [tilespmem:v34+s8+$0x0], $0xffff  }
0x1ed: {  	v15 =	vor.u32 s26, v2;
	v31 =	vsub.f32 v5, v31;
	v34 =	vsub.f32 v5, v35  }
0x1ee: {  	s23 =	sadd.s32 $0x200, s23;
	v17 =	vmul.f32 v17, v17;
	v35 =	vmul.f32 v16, v16;
	v24 =	vsub.f32 v5, v24  }
0x1ef: {  	v19 =	vmul.f32 v19, v19;
	v40 =	vmul.f32 v12, v12;
	v16 =	vsub.f32 v7, v25;
	v6 =	vld [tilespmem:s23+$0x80]  }
0x1f0: {  	v41 =	vmul.f32 v21, v21;
	v25 =	vmul.f32 v20, v20;
	v18 =	vsub.f32 v7, v18;
	v5 =	vld [tilespmem:s23+$0x0]  }
0x1f1: {  	v21 =	vmul.f32 v27, v27;
	v20 =	vsub.f32 v7, v26;
	v26 =	vmul.f32 v31, v31;
	v42 =	vld [tilespmem:s23+$0xFFFFFF80]  }
0x1f2: {  	v27 =	vmul.f32 v16, v16;
	v7 =	vsub.f32 v7, v30;
	v18 =	vmul.f32 v18, v18;
	v12 =	vld [tilespmem:s23+$0xFFFFFF00]  }
0x1f3: {  	v11 =	vadd.f32 v17, v11;
	v8 =	vadd.f32 v35, v8;
	v20 =	vmul.f32 v20, v20;
	v16 =	vld.idx.msk [tilespmem:v28+s8+$0x0], $0xffff  }
0x1f4: {  	v10 =	vadd.f32 v19, v10;
	v9 =	vadd.f32 v40, v9;
	v7 =	vmul.f32 v7, v7;
	v17 =	vld.idx.msk [tilespmem:v29+s8+$0x0], $0xffff  }
0x1f5: {  	v8 =	vadd.f32 v27, v8;
	v27 =	vmul.f32 v34, v34;
	v11 =	vadd.f32 v18, v11;
	v19 =	vld.idx.msk [tilespmem:v32+s8+$0x0], $0xffff  }
.Ltmp7:
0x1f6: {  	v10 =	vadd.f32 v20, v10;
	v28 =	vadd.f32 v7, v9;
	v9 =	vmul.f32 v24, v24;
	v18 =	vld.idx.msk [tilespmem:v33+s8+$0x0], $0xffff;
	(pc) =	sbr.rel @p0 .LBB2_16-.Ltmp7, $4  }
0x1f7: {  	v8 =	vadd.f32 v21, v8;
	v11 =	vadd.f32 v26, v11;
	v26 =	vmul.f32 v22, v22;
	v20 =	vld.idx.msk [tilespmem:v36+s8+$0x0], $0xffff  }
0x1f8: {  	v10 =	vadd.f32 v27, v10;
	v27 =	vmul.f32 v23, v23;
	v9 =	vadd.f32 v9, v28;
	v21 =	vld.idx.msk [tilespmem:v37+s8+$0x0], $0xffff  }
0x1f9: {  	s28 =	sadd.s32 $0x80, s25;
	v24 =	vor.u32 s26, v1;
	v8 =	vadd.f32 v25, v8;
	v11 =	vadd.f32 v41, v11;
	v7 =	vmovc v42;
	v22 =	vld.idx.msk [tilespmem:v38+s8+$0x0], $0xffff  }
0x1fa: {  	s24 =	sadd.s32 $0x4, s24;
	v25 =	vor.u32 s28, v4;
	v10 =	vadd.f32 v26, v10;
	v9 =	vadd.f32 v27, v9;
	v23 =	vld.idx.msk [tilespmem:v39+s8+$0x0], $0xffff  }
0x1fb: {  	_ =	sdelay $0x3  }
0x1fc: {  	v26 =	vor.u32 s28, v3;
	v14 =	vld.idx.msk [tilespmem:v14+s8+$0x0], $0xffff  }
0x1fd: {  	v27 =	vor.u32 s28, v2;
	v13 =	vld.idx.msk [tilespmem:v13+s8+$0x0], $0xffff  }
0x1fe: {  	v16 =	vsub.f32 v12, v16;
	v28 =	vor.u32 s28, v1;
	v25 =	vld.idx.msk [tilespmem:v25+s8+$0x0], $0xffff  }
0x1ff: {  	v15 =	vld.idx.msk [tilespmem:v15+s8+$0x0], $0xffff;
	v17 =	vsub.f32 v12, v17;
	v19 =	vsub.f32 v12, v19  }
0x200: {  	v24 =	vld.idx.msk [tilespmem:v24+s8+$0x0], $0xffff;
	v46 =	vsub.f32 v12, v18;
	v47 =	vsub.f32 v6, v20  }
0x201: {  	v21 =	vsub.f32 v6, v21;
	v16 =	vmul.f32 v16, v16;
	v17 =	vmul.f32 v17, v17;
	v48 =	vld.idx.msk [tilespmem:v26+s8+$0x0], $0xffff  }
0x202: {  	v19 =	vmul.f32 v19, v19;
	v22 =	vsub.f32 v6, v22;
	v6 =	vsub.f32 v6, v23;
	v49 =	vld.idx.msk [tilespmem:v27+s8+$0x0], $0xffff  }
0x203: {  	v12 =	vmul.f32 v46, v46;
	v8 =	vadd.f32 v16, v8;
	v50 =	vld.idx.msk [tilespmem:v28+s8+$0x0], $0xffff;
	v51 =	vsub.f32 v7, v25  }
0x204: {  	v18 =	vmul.f32 v47, v47;
	v14 =	vsub.f32 v5, v14;
	v13 =	vsub.f32 v5, v13  }
0x205: {  	v15 =	vsub.f32 v5, v15;
	v5 =	vsub.f32 v5, v24;
	v24 =	vmul.f32 v51, v51  }
0x206: {  	v21 =	vmul.f32 v21, v21;
	v11 =	vadd.f32 v17, v11;
	v20 =	vsub.f32 v7, v48  }
0x207: {  	v14 =	vmul.f32 v14, v14;
	v8 =	vadd.f32 v24, v8;
	v52 =	vsub.f32 v7, v49  }
0x208: {  	v10 =	vadd.f32 v19, v10;
	v7 =	vsub.f32 v7, v50;
	v53 =	vmul.f32 v20, v20  }
0x209: {  	v9 =	vadd.f32 v12, v9;
	v8 =	vadd.f32 v14, v8;
	v54 =	vmul.f32 v52, v52  }
0x20a: {  	v13 =	vmul.f32 v13, v13;
	v7 =	vmul.f32 v7, v7;
	v11 =	vadd.f32 v53, v11  }
0x20b: {  	v55 =	vmul.f32 v15, v15;
	v8 =	vadd.f32 v18, v8;
	v10 =	vadd.f32 v54, v10  }
0x20c: {  	v5 =	vmul.f32 v5, v5;
	v7 =	vadd.f32 v7, v9;
	v11 =	vadd.f32 v13, v11  }
0x20d: {  	v56 =	vmul.f32 v22, v22;
	v6 =	vmul.f32 v6, v6;
	v10 =	vadd.f32 v55, v10  }
0x20e: {  	vm0 =	vlt.f32 v8, $3.000000010e+38;
	v5 =	vadd.f32 v5, v7;
	v11 =	vadd.f32 v21, v11  }
0x20f: {  	v8 =	vnsel vm0, $0x7F61B1E6, v8;
	v4 =	vnsel vm0, $0x0, v4;
	v7 =	vadd.f32 v56, v10  }
0x210: {  	v5 =	vadd.f32 v6, v5;
	vm1 =	vlt.f32 v11, $3.000000010e+38;
	vm2 =	vlt.f32 v11, v8  }
0x211: {  	v6 =	vnsel vm1, $0x7F61B1E6, v11;
	v57 =	vnsel vm1, $0x0, v3;
	v3 =	vsel vm2, v3, v4  }
0x212: {  	v6 =	vsel vm2, v8, v6;
	v9 =	vsel vm2, v4, v57;
	v8 =	vsel vm2, v11, v8  }
0x213: {  	vm2 =	vlt.f32 v7, $3.000000010e+38;
	vm0 =	vlt.f32 v7, v6;
	vm1 =	vlt.f32 v7, v8  }
0x214: {  	v59 =	vnsel vm2, $0x7F61B1E6, v7;
	v60 =	vnsel vm2, $0x0, v2;
	v4 =	vsel vm0, v7, v6  }
0x215: {  	v58 =	vsel vm0, v2, v9;
	v6 =	vsel vm0, v6, v59;
	v9 =	vsel vm0, v9, v60  }
0x216: {  	v7 =	vsel vm1, v7, v8;
	v2 =	vsel vm1, v2, v3;
	v4 =	vsel vm1, v8, v4  }
0x217: {  	v10 =	vsel vm1, v3, v58;
	vm0 =	vlt.f32 v5, v7;
	vm1 =	vlt.f32 v5, v4  }
0x218: {  	vm2 =	vlt.f32 v5, v6;
	v4 =	vsel vm0, v1, v2;
	v3 =	vsel vm1, v1, v10  }
0x219: {  	v1 =	vsel vm2, v1, v9;
	v2 =	vsel vm0, v2, v3;
	v3 =	vor.u32 v0, v4  }
0x21a: {  	v1 =	vsel vm1, v10, v1;
	[tilespmem:$0xA030] =	vst v3;
	v2 =	vadd.s32 v0, v2  }
0x21b: {  	v1 =	vor.u32 v0, v1;
	[tilespmem:$0xA0B0] =	vst v2  }
0x21c: {  	s24 =	simm.s32 $0x240;
	[tilespmem:$0xA130] =	vst v1  }
0x21d: {  	v1 =	vld [tilespmem:s24+$0xFFFFFE00];
	_ =	sdelay $0x2  }
0x21e: {  	v2 =	vld [tilespmem:s24+$0xFFFFFE80]  }
0x21f: {  	v3 =	vimm.s32 $0x7F000000  }
0x220: {  	vm0 =	vlt.s32 v1, v3  }
0x221: {  	v4 =	vld [tilespmem:s24+$0xFFFFFF00];
	v1 =	vsel vm0, v1, v3  }
0x222: {  	v3 =	vsel vm0, v3, v1  }
0x223: {  	vm0 =	vlt.s32 v2, v3  }
0x224: {  	vm1 =	vlt.s32 v2, v1;
	v5 =	vsel vm0, v2, v3  }
0x225: {  	v6 =	vld [tilespmem:s24+$0xFFFFFF80];
	v7 =	vsel vm1, v1, v5  }
0x226: {  	v3 =	vsel vm0, v3, v5;
	v1 =	vsel vm1, v2, v1;
	vm0 =	vlt.s32 v4, v7  }
0x227: {  	vm1 =	vlt.s32 v4, v3;
	vm2 =	vlt.s32 v4, v1;
	v2 =	vsel vm0, v4, v7  }
0x228: {  	v8 =	vld [tilespmem:s24+$0x0];
	v5 =	vsel vm1, v4, v3;
	v2 =	vsel vm2, v1, v2  }
0x229: {  	v7 =	vsel vm0, v7, v5;
	v3 =	vsel vm1, v3, v5;
	v1 =	vsel vm2, v4, v1  }
0x22a: {  	vm0 =	vlt.s32 v6, v2;
	vm1 =	vlt.s32 v6, v7;
	vm3 =	vlt.s32 v6, v3  }
0x22b: {  	v62 =	vld [tilespmem:s24+$0x80];
	v5 =	vsel vm0, v6, v2;
	v61 =	vsel vm1, v6, v7;
	v3 =	vsel vm3, v6, v3  }
0x22c: {  	v2 =	vsel vm0, v2, v61;
	v3 =	vsel vm1, v7, v3;
	vm0 =	vlt.s32 v6, v1  }
0x22d: {  	vm1 =	vlt.s32 v8, v2;
	vm2 =	vlt.s32 v8, v3;
	v4 =	vsel vm0, v1, v5  }
0x22e: {  	v6 =	vsel vm0, v6, v1;
	v3 =	vsel vm2, v8, v3;
	vm0 =	vlt.s32 v8, v4  }
0x22f: {  	v5 =	vsel vm1, v8, v2;
	v2 =	vsel vm1, v2, v3;
	v3 =	vsel vm0, v8, v4  }
0x230: {  	v1 =	vld [tilespmem:s24+$0x100];
	vm1 =	vlt.s32 v8, v6;
	v4 =	vsel vm0, v4, v5;
	vm2 =	vlt.s32 v62, v2  }
0x231: {  	v3 =	vsel vm1, v6, v3;
	v5 =	vsel vm1, v8, v6;
	vm1 =	vlt.s32 v62, v4  }
0x232: {  	vm0 =	vlt.s32 v62, v3;
	vm3 =	vlt.s32 v62, v5;
	v2 =	vsel vm2, v62, v2  }
0x233: {  	v7 =	vsel vm1, v62, v4;
	v6 =	vsel vm0, v62, v3;
	v4 =	vsel vm1, v4, v2;
	v2 =	vld [tilespmem:s24+$0x180]  }
0x234: {  	v3 =	vsel vm0, v3, v7;
	v8 =	vsel vm3, v5, v6  }
0x235: {  	v7 =	vsel vm3, v62, v5;
	vm0 =	vlt.s32 v1, v3;
	vm2 =	vlt.s32 v1, v8  }
0x236: {  	vm1 =	vlt.s32 v1, v7;
	v63 =	vsel vm0, v1, v3;
	v5 =	vsel vm2, v1, v8  }
0x237: {  	s23 =	simm.s32 $0x0;
	s24 =	simm.s32 $0x640;
	v6 =	vsel vm1, v7, v5;
	v5 =	vsel vm2, v8, v63;
	vm2 =	vlt.s32 v1, v4  }
.LBB2_18:
0x238: {  	v8 =	vld [tilespmem:s24+$0xFFFFFE00];
	s23 =	sadd.s32 $0x8, s23;
	v7 =	vsel vm1, v1, v7;
	vm1 =	vlt.s32 v2, v5  }
0x239: {  	v1 =	vsel vm2, v1, v4;
	p0 =	slt.u32 s23, $0x78;
	vm2 =	vlt.s32 v2, v7;
	v4 =	vsel vm1, v2, v5  }
0x23a: {  	v1 =	vsel vm0, v3, v1;
	vm0 =	vlt.s32 v2, v6;
	v3 =	vsel vm2, v2, v7  }
0x23b: {  	v10 =	vsel vm0, v2, v6;
	v4 =	vsel vm0, v6, v4;
	vm0 =	vlt.s32 v2, v1;
	v9 =	vld [tilespmem:s24+$0xFFFFFE80]  }
0x23c: {  	v6 =	vsel vm2, v7, v10;
	v1 =	vsel vm0, v2, v1  }
0x23d: {  	v1 =	vsel vm1, v5, v1;
	vm0 =	vlt.s32 v8, v6;
	vm2 =	vlt.s32 v8, v4  }
0x23e: {  	vm1 =	vlt.s32 v8, v3;
	v2 =	vsel vm0, v8, v6;
	v5 =	vsel vm2, v8, v4  }
0x23f: {  	vm3 =	vlt.s32 v8, v1;
	v2 =	vsel vm1, v3, v2;
	v3 =	vsel vm1, v8, v3;
	v7 =	vld [tilespmem:s24+$0xFFFFFF00]  }
0x240: {  	v1 =	vsel vm3, v8, v1;
	vm1 =	vlt.s32 v9, v2;
	vm3 =	vlt.s32 v9, v3  }
0x241: {  	v5 =	vsel vm0, v6, v5;
	v1 =	vsel vm2, v4, v1;
	v4 =	vsel vm1, v9, v2  }
0x242: {  	vm0 =	vlt.s32 v9, v5;
	vm2 =	vlt.s32 v9, v1;
	v4 =	vsel vm3, v3, v4  }
0x243: {  	v6 =	vsel vm0, v9, v5;
	v1 =	vsel vm2, v9, v1;
	v3 =	vsel vm3, v9, v3;
	v8 =	vld [tilespmem:s24+$0xFFFFFF80]  }
0x244: {  	v2 =	vsel vm1, v2, v6;
	v1 =	vsel vm0, v5, v1;
	vm0 =	vlt.s32 v7, v3  }
0x245: {  	vm1 =	vlt.s32 v7, v4;
	vm2 =	vlt.s32 v7, v2;
	vm3 =	vlt.s32 v7, v1  }
0x246: {  	v5 =	vsel vm1, v7, v4;
	v6 =	vsel vm2, v7, v2;
	v1 =	vsel vm3, v7, v1;
	v9 =	vld [tilespmem:s24+$0x0]  }
0x247: {  	v5 =	vsel vm0, v3, v5;
	v4 =	vsel vm1, v4, v6;
	v1 =	vsel vm2, v2, v1  }
0x248: {  	vm1 =	vlt.s32 v8, v5;
	vm2 =	vlt.s32 v8, v4;
	vm3 =	vlt.s32 v8, v1  }
0x249: {  	v2 =	vsel vm1, v8, v5;
	v6 =	vsel vm2, v8, v4;
	v1 =	vsel vm3, v8, v1;
	v10 =	vld [tilespmem:s24+$0x80]  }
0x24a: {  	v3 =	vsel vm0, v7, v3;
	v5 =	vsel vm1, v5, v6;
	v1 =	vsel vm2, v4, v1  }
0x24b: {  	vm0 =	vlt.s32 v8, v3;
	vm1 =	vlt.s32 v9, v5;
	vm2 =	vlt.s32 v9, v1  }
0x24c: {  	v2 =	vsel vm0, v3, v2;
	v4 =	vsel vm1, v9, v5;
	v1 =	vsel vm2, v9, v1  }
0x24d: {  	v3 =	vsel vm0, v8, v3;
	vm0 =	vlt.s32 v9, v2;
	v5 =	vsel vm1, v5, v1  }
0x24e: {  	v6 =	vsel vm0, v9, v2;
	vm1 =	vlt.s32 v9, v3;
	vm2 =	vlt.s32 v10, v5;
	v1 =	vld [tilespmem:s24+$0x100]  }
0x24f: {  	v4 =	vsel vm0, v2, v4;
	v6 =	vsel vm1, v3, v6;
	v7 =	vsel vm1, v9, v3  }
0x250: {  	vm1 =	vlt.s32 v10, v4;
	vm0 =	vlt.s32 v10, v6;
	vm3 =	vlt.s32 v10, v7  }
.Ltmp8:
0x251: {  	v8 =	vsel vm1, v10, v4;
	v5 =	vsel vm2, v10, v5;
	v3 =	vsel vm0, v10, v6;
	v2 =	vld [tilespmem:s24+$0x180];
	(pc) =	sbr.rel @p0 .LBB2_18-.Ltmp8, $4  }
0x252: {  	v4 =	vsel vm1, v4, v5;
	v9 =	vsel vm3, v7, v3;
	v3 =	vsel vm0, v6, v8  }
0x253: {  	v7 =	vsel vm3, v10, v7;
	vm2 =	vlt.s32 v1, v9;
	vm0 =	vlt.s32 v1, v3  }
0x254: {  	vm1 =	vlt.s32 v1, v7;
	v5 =	vsel vm2, v1, v9;
	v8 =	vsel vm0, v1, v3  }
0x255: {  	s24 =	sadd.s32 $0x400, s24;
	v6 =	vsel vm1, v7, v5;
	v5 =	vsel vm2, v9, v8;
	vm2 =	vlt.s32 v1, v4  }
0x256: {  	v7 =	vsel vm1, v1, v7;
	vm12 =	vlt.s32 v2, v5;
	v1 =	vsel vm2, v1, v4  }
0x257: {  	vm14 =	vlt.s32 v2, v6;
	vm13 =	vlt.s32 v2, v7;
	v4 =	vsel vm12, v2, v5  }
0x258: {  	v1 =	vsel vm0, v3, v1;
	v8 =	vsel vm14, v2, v6;
	v3 =	vsel vm13, v2, v7  }
0x259: {  	s24 =	simm.s32 $0x0;
	v6 =	vsel vm14, v6, v4;
	v7 =	vsel vm13, v7, v8;
	v4 =	vand.u32 $0x7F, v3  }
0x25a: {  	s23 =	simm.s32 $0x4140;
	vm15 =	vlt.s32 v2, v1;
	v3 =	vand.u32 $0x7F, v7;
	v8 =	vor.u32 s24, v4  }
0x25b: {  	v12 =	vld [tilespmem:s23+$0xFFFFFF00];
	v1 =	vsel vm15, v2, v1;
	v2 =	vand.u32 $0x7F, v6;
	v9 =	vor.u32 s24, v3  }
0x25c: {  	s30 =	simm.s32 $0x180;
	v6 =	vld [tilespmem:s23+$0x80];
	v10 =	vor.u32 s24, v2  }
0x25d: {  	v7 =	vld [tilespmem:s23+$0xFFFFFF80];
	v13 =	vor.u32 s30, v4  }
0x25e: {  	v1 =	vsel vm12, v5, v1;
	v5 =	vld [tilespmem:s23+$0x0];
	v15 =	vor.u32 s30, v3  }
0x25f: {  	v22 =	vor.u32 s30, v2;
	v1 =	vand.u32 $0x7F, v1;
	v16 =	vld.idx.msk [tilespmem:v8+s8+$0x0], $0xffff  }
0x260: {  	v11 =	vor.u32 s24, v1;
	v17 =	vld.idx.msk [tilespmem:v9+s8+$0x0], $0xffff  }
0x261: {  	s31 =	simm.s32 $0x100;
	v9 =	vor.u32 s30, v1;
	v19 =	vld.idx.msk [tilespmem:v10+s8+$0x0], $0xffff  }
0x262: {  	v14 =	vor.u32 s31, v4;
	v20 =	vld.idx.msk [tilespmem:v13+s8+$0x0], $0xffff  }
0x263: {  	v13 =	vor.u32 s31, v3;
	v21 =	vld.idx.msk [tilespmem:v15+s8+$0x0], $0xffff  }
0x264: {  	s28 =	simm.s32 $0x80;
	v15 =	vor.u32 s31, v2;
	v22 =	vld.idx.msk [tilespmem:v22+s8+$0x0], $0xffff  }
0x265: {  	v25 =	vor.u32 s28, v4;
	v24 =	vor.u32 s31, v1;
	v8 =	vimm.f32 $0.0e+00;
	v18 =	vld.idx.msk [tilespmem:v11+s8+$0x0], $0xffff  }
0x266: {  	s24 =	simm.s32 $0x4;
	v10 =	vimm.f32 $0.0e+00;
	v11 =	vimm.f32 $0.0e+00;
	v23 =	vld.idx.msk [tilespmem:v9+s8+$0x0], $0xffff;
	v9 =	vimm.f32 $0.0e+00  }
.LBB2_20:
0x267: {  	s25 =	sshll.u32 s24, $0x7;
	p0 =	slt.u32 s24, $0x3C;
	v26 =	vor.u32 s28, v3;
	v27 =	vld.idx.msk [tilespmem:v14+s8+$0x0], $0xffff  }
0x268: {  	v30 =	vor.u32 s28, v2;
	v28 =	vor.u32 s25, v4;
	v29 =	vor.u32 s25, v3;
	v31 =	vld.idx.msk [tilespmem:v13+s8+$0x0], $0xffff  }
0x269: {  	v34 =	vor.u32 s28, v1;
	v32 =	vor.u32 s25, v2;
	v33 =	vor.u32 s25, v1;
	s29 =	sadd.s32 $0x180, s25;
	v35 =	vld.idx.msk [tilespmem:v15+s8+$0x0], $0xffff  }
0x26a: {  	v16 =	vsub.f32 v12, v16;
	v36 =	vor.u32 s29, v4;
	v37 =	vor.u32 s29, v3;
	v24 =	vld.idx.msk [tilespmem:v24+s8+$0x0], $0xffff  }
0x26b: {  	v17 =	vsub.f32 v12, v17;
	v19 =	vsub.f32 v12, v19;
	v38 =	vor.u32 s29, v2;
	v25 =	vld.idx.msk [tilespmem:v25+s8+$0x0], $0xffff  }
0x26c: {  	v12 =	vsub.f32 v12, v18;
	s26 =	sadd.s32 $0x100, s25;
	v20 =	vsub.f32 v6, v20;
	v39 =	vor.u32 s29, v1;
	v18 =	vld.idx.msk [tilespmem:v26+s8+$0x0], $0xffff  }
0x26d: {  	v14 =	vor.u32 s26, v4;
	v21 =	vsub.f32 v6, v21;
	v22 =	vsub.f32 v6, v22;
	v26 =	vld.idx.msk [tilespmem:v30+s8+$0x0], $0xffff  }
0x26e: {  	v13 =	vor.u32 s26, v3;
	v23 =	vsub.f32 v6, v23;
	v27 =	vsub.f32 v5, v27;
	v30 =	vld.idx.msk [tilespmem:v34+s8+$0x0], $0xffff  }
0x26f: {  	v15 =	vor.u32 s26, v2;
	v31 =	vsub.f32 v5, v31;
	v34 =	vsub.f32 v5, v35  }
0x270: {  	s23 =	sadd.s32 $0x200, s23;
	v17 =	vmul.f32 v17, v17;
	v35 =	vmul.f32 v16, v16;
	v24 =	vsub.f32 v5, v24  }
0x271: {  	v19 =	vmul.f32 v19, v19;
	v40 =	vmul.f32 v12, v12;
	v16 =	vsub.f32 v7, v25;
	v6 =	vld [tilespmem:s23+$0x80]  }
0x272: {  	v41 =	vmul.f32 v21, v21;
	v25 =	vmul.f32 v20, v20;
	v18 =	vsub.f32 v7, v18;
	v5 =	vld [tilespmem:s23+$0x0]  }
0x273: {  	v21 =	vmul.f32 v27, v27;
	v20 =	vsub.f32 v7, v26;
	v26 =	vmul.f32 v31, v31;
	v42 =	vld [tilespmem:s23+$0xFFFFFF80]  }
0x274: {  	v27 =	vmul.f32 v16, v16;
	v7 =	vsub.f32 v7, v30;
	v18 =	vmul.f32 v18, v18;
	v12 =	vld [tilespmem:s23+$0xFFFFFF00]  }
0x275: {  	v11 =	vadd.f32 v17, v11;
	v8 =	vadd.f32 v35, v8;
	v20 =	vmul.f32 v20, v20;
	v16 =	vld.idx.msk [tilespmem:v28+s8+$0x0], $0xffff  }
0x276: {  	v10 =	vadd.f32 v19, v10;
	v9 =	vadd.f32 v40, v9;
	v7 =	vmul.f32 v7, v7;
	v17 =	vld.idx.msk [tilespmem:v29+s8+$0x0], $0xffff  }
0x277: {  	v8 =	vadd.f32 v27, v8;
	v27 =	vmul.f32 v34, v34;
	v11 =	vadd.f32 v18, v11;
	v19 =	vld.idx.msk [tilespmem:v32+s8+$0x0], $0xffff  }
.Ltmp9:
0x278: {  	v10 =	vadd.f32 v20, v10;
	v28 =	vadd.f32 v7, v9;
	v9 =	vmul.f32 v24, v24;
	v18 =	vld.idx.msk [tilespmem:v33+s8+$0x0], $0xffff;
	(pc) =	sbr.rel @p0 .LBB2_20-.Ltmp9, $4  }
0x279: {  	v8 =	vadd.f32 v21, v8;
	v11 =	vadd.f32 v26, v11;
	v26 =	vmul.f32 v22, v22;
	v20 =	vld.idx.msk [tilespmem:v36+s8+$0x0], $0xffff  }
0x27a: {  	v10 =	vadd.f32 v27, v10;
	v27 =	vmul.f32 v23, v23;
	v9 =	vadd.f32 v9, v28;
	v21 =	vld.idx.msk [tilespmem:v37+s8+$0x0], $0xffff  }
0x27b: {  	s28 =	sadd.s32 $0x80, s25;
	v24 =	vor.u32 s26, v1;
	v8 =	vadd.f32 v25, v8;
	v11 =	vadd.f32 v41, v11;
	v7 =	vmovc v42;
	v22 =	vld.idx.msk [tilespmem:v38+s8+$0x0], $0xffff  }
0x27c: {  	s24 =	sadd.s32 $0x4, s24;
	v25 =	vor.u32 s28, v4;
	v10 =	vadd.f32 v26, v10;
	v9 =	vadd.f32 v27, v9;
	v23 =	vld.idx.msk [tilespmem:v39+s8+$0x0], $0xffff  }
0x27d: {  	_ =	sdelay $0x3  }
0x27e: {  	v26 =	vor.u32 s28, v3;
	v14 =	vld.idx.msk [tilespmem:v14+s8+$0x0], $0xffff  }
0x27f: {  	v27 =	vor.u32 s28, v2;
	v13 =	vld.idx.msk [tilespmem:v13+s8+$0x0], $0xffff  }
0x280: {  	v16 =	vsub.f32 v12, v16;
	v28 =	vor.u32 s28, v1;
	v25 =	vld.idx.msk [tilespmem:v25+s8+$0x0], $0xffff  }
0x281: {  	v15 =	vld.idx.msk [tilespmem:v15+s8+$0x0], $0xffff;
	v17 =	vsub.f32 v12, v17;
	v19 =	vsub.f32 v12, v19  }
0x282: {  	v24 =	vld.idx.msk [tilespmem:v24+s8+$0x0], $0xffff;
	v46 =	vsub.f32 v12, v18;
	v47 =	vsub.f32 v6, v20  }
0x283: {  	v21 =	vsub.f32 v6, v21;
	v16 =	vmul.f32 v16, v16;
	v17 =	vmul.f32 v17, v17;
	v48 =	vld.idx.msk [tilespmem:v26+s8+$0x0], $0xffff  }
0x284: {  	v19 =	vmul.f32 v19, v19;
	v22 =	vsub.f32 v6, v22;
	v6 =	vsub.f32 v6, v23;
	v49 =	vld.idx.msk [tilespmem:v27+s8+$0x0], $0xffff  }
0x285: {  	v12 =	vmul.f32 v46, v46;
	v8 =	vadd.f32 v16, v8;
	v50 =	vld.idx.msk [tilespmem:v28+s8+$0x0], $0xffff;
	v51 =	vsub.f32 v7, v25  }
0x286: {  	v18 =	vmul.f32 v47, v47;
	v14 =	vsub.f32 v5, v14;
	v13 =	vsub.f32 v5, v13  }
0x287: {  	v15 =	vsub.f32 v5, v15;
	v5 =	vsub.f32 v5, v24;
	v24 =	vmul.f32 v51, v51  }
0x288: {  	v21 =	vmul.f32 v21, v21;
	v11 =	vadd.f32 v17, v11;
	v20 =	vsub.f32 v7, v48  }
0x289: {  	v14 =	vmul.f32 v14, v14;
	v8 =	vadd.f32 v24, v8;
	v52 =	vsub.f32 v7, v49  }
0x28a: {  	v10 =	vadd.f32 v19, v10;
	v7 =	vsub.f32 v7, v50;
	v53 =	vmul.f32 v20, v20  }
0x28b: {  	v9 =	vadd.f32 v12, v9;
	v8 =	vadd.f32 v14, v8;
	v54 =	vmul.f32 v52, v52  }
0x28c: {  	v13 =	vmul.f32 v13, v13;
	v7 =	vmul.f32 v7, v7;
	v11 =	vadd.f32 v53, v11  }
0x28d: {  	v55 =	vmul.f32 v15, v15;
	v8 =	vadd.f32 v18, v8;
	v10 =	vadd.f32 v54, v10  }
0x28e: {  	v5 =	vmul.f32 v5, v5;
	v7 =	vadd.f32 v7, v9;
	v11 =	vadd.f32 v13, v11  }
0x28f: {  	v56 =	vmul.f32 v22, v22;
	v6 =	vmul.f32 v6, v6;
	v10 =	vadd.f32 v55, v10  }
0x290: {  	vm0 =	vlt.f32 v8, $3.000000010e+38;
	v5 =	vadd.f32 v5, v7;
	v11 =	vadd.f32 v21, v11  }
0x291: {  	v8 =	vnsel vm0, $0x7F61B1E6, v8;
	v4 =	vnsel vm0, $0x0, v4;
	v7 =	vadd.f32 v56, v10  }
0x292: {  	v5 =	vadd.f32 v6, v5;
	vm1 =	vlt.f32 v11, $3.000000010e+38;
	vm2 =	vlt.f32 v11, v8  }
0x293: {  	v6 =	vnsel vm1, $0x7F61B1E6, v11;
	v57 =	vnsel vm1, $0x0, v3;
	v3 =	vsel vm2, v3, v4  }
0x294: {  	v6 =	vsel vm2, v8, v6;
	v9 =	vsel vm2, v4, v57;
	v8 =	vsel vm2, v11, v8  }
0x295: {  	vm2 =	vlt.f32 v7, $3.000000010e+38;
	vm0 =	vlt.f32 v7, v6;
	vm1 =	vlt.f32 v7, v8  }
0x296: {  	v59 =	vnsel vm2, $0x7F61B1E6, v7;
	v60 =	vnsel vm2, $0x0, v2;
	v4 =	vsel vm0, v7, v6  }
0x297: {  	v58 =	vsel vm0, v2, v9;
	v6 =	vsel vm0, v6, v59;
	v9 =	vsel vm0, v9, v60  }
0x298: {  	v7 =	vsel vm1, v7, v8;
	v2 =	vsel vm1, v2, v3;
	v4 =	vsel vm1, v8, v4  }
0x299: {  	v10 =	vsel vm1, v3, v58;
	vm0 =	vlt.f32 v5, v7;
	vm1 =	vlt.f32 v5, v4  }
0x29a: {  	vm2 =	vlt.f32 v5, v6;
	v4 =	vsel vm0, v1, v2;
	v3 =	vsel vm1, v1, v10  }
0x29b: {  	v1 =	vsel vm2, v1, v9;
	v2 =	vsel vm0, v2, v3;
	v3 =	vor.u32 v0, v4  }
0x29c: {  	v1 =	vsel vm1, v10, v1;
	[tilespmem:$0xA040] =	vst v3;
	v2 =	vadd.s32 v0, v2  }
0x29d: {  	v1 =	vor.u32 v0, v1;
	[tilespmem:$0xA0C0] =	vst v2  }
0x29e: {  	s24 =	simm.s32 $0x250;
	[tilespmem:$0xA140] =	vst v1  }
0x29f: {  	v1 =	vld [tilespmem:s24+$0xFFFFFE00];
	_ =	sdelay $0x2  }
0x2a0: {  	v2 =	vld [tilespmem:s24+$0xFFFFFE80]  }
0x2a1: {  	v3 =	vimm.s32 $0x7F000000  }
0x2a2: {  	vm0 =	vlt.s32 v1, v3  }
0x2a3: {  	v4 =	vld [tilespmem:s24+$0xFFFFFF00];
	v1 =	vsel vm0, v1, v3  }
0x2a4: {  	v3 =	vsel vm0, v3, v1  }
0x2a5: {  	vm0 =	vlt.s32 v2, v3  }
0x2a6: {  	vm1 =	vlt.s32 v2, v1;
	v5 =	vsel vm0, v2, v3  }
0x2a7: {  	v6 =	vld [tilespmem:s24+$0xFFFFFF80];
	v7 =	vsel vm1, v1, v5  }
0x2a8: {  	v3 =	vsel vm0, v3, v5;
	v1 =	vsel vm1, v2, v1;
	vm0 =	vlt.s32 v4, v7  }
0x2a9: {  	vm1 =	vlt.s32 v4, v3;
	vm2 =	vlt.s32 v4, v1;
	v2 =	vsel vm0, v4, v7  }
0x2aa: {  	v8 =	vld [tilespmem:s24+$0x0];
	v5 =	vsel vm1, v4, v3;
	v2 =	vsel vm2, v1, v2  }
0x2ab: {  	v7 =	vsel vm0, v7, v5;
	v3 =	vsel vm1, v3, v5;
	v1 =	vsel vm2, v4, v1  }
0x2ac: {  	vm0 =	vlt.s32 v6, v2;
	vm1 =	vlt.s32 v6, v7;
	vm3 =	vlt.s32 v6, v3  }
0x2ad: {  	v62 =	vld [tilespmem:s24+$0x80];
	v5 =	vsel vm0, v6, v2;
	v61 =	vsel vm1, v6, v7;
	v3 =	vsel vm3, v6, v3  }
0x2ae: {  	v2 =	vsel vm0, v2, v61;
	v3 =	vsel vm1, v7, v3;
	vm0 =	vlt.s32 v6, v1  }
0x2af: {  	vm1 =	vlt.s32 v8, v2;
	vm2 =	vlt.s32 v8, v3;
	v4 =	vsel vm0, v1, v5  }
0x2b0: {  	v6 =	vsel vm0, v6, v1;
	v3 =	vsel vm2, v8, v3;
	vm0 =	vlt.s32 v8, v4  }
0x2b1: {  	v5 =	vsel vm1, v8, v2;
	v2 =	vsel vm1, v2, v3;
	v3 =	vsel vm0, v8, v4  }
0x2b2: {  	v1 =	vld [tilespmem:s24+$0x100];
	vm1 =	vlt.s32 v8, v6;
	v4 =	vsel vm0, v4, v5;
	vm2 =	vlt.s32 v62, v2  }
0x2b3: {  	v3 =	vsel vm1, v6, v3;
	v5 =	vsel vm1, v8, v6;
	vm1 =	vlt.s32 v62, v4  }
0x2b4: {  	vm0 =	vlt.s32 v62, v3;
	vm3 =	vlt.s32 v62, v5;
	v2 =	vsel vm2, v62, v2  }
0x2b5: {  	v7 =	vsel vm1, v62, v4;
	v6 =	vsel vm0, v62, v3;
	v4 =	vsel vm1, v4, v2;
	v2 =	vld [tilespmem:s24+$0x180]  }
0x2b6: {  	v3 =	vsel vm0, v3, v7;
	v8 =	vsel vm3, v5, v6  }
0x2b7: {  	v7 =	vsel vm3, v62, v5;
	vm0 =	vlt.s32 v1, v3;
	vm2 =	vlt.s32 v1, v8  }
0x2b8: {  	vm1 =	vlt.s32 v1, v7;
	v63 =	vsel vm0, v1, v3;
	v5 =	vsel vm2, v1, v8  }
0x2b9: {  	s23 =	simm.s32 $0x0;
	s24 =	simm.s32 $0x650;
	v6 =	vsel vm1, v7, v5;
	v5 =	vsel vm2, v8, v63;
	vm2 =	vlt.s32 v1, v4  }
.LBB2_22:
0x2ba: {  	v8 =	vld [tilespmem:s24+$0xFFFFFE00];
	s23 =	sadd.s32 $0x8, s23;
	v7 =	vsel vm1, v1, v7;
	vm1 =	vlt.s32 v2, v5  }
0x2bb: {  	v1 =	vsel vm2, v1, v4;
	p0 =	slt.u32 s23, $0x78;
	vm2 =	vlt.s32 v2, v7;
	v4 =	vsel vm1, v2, v5  }
0x2bc: {  	v1 =	vsel vm0, v3, v1;
	vm0 =	vlt.s32 v2, v6;
	v3 =	vsel vm2, v2, v7  }
0x2bd: {  	v10 =	vsel vm0, v2, v6;
	v4 =	vsel vm0, v6, v4;
	vm0 =	vlt.s32 v2, v1;
	v9 =	vld [tilespmem:s24+$0xFFFFFE80]  }
0x2be: {  	v6 =	vsel vm2, v7, v10;
	v1 =	vsel vm0, v2, v1  }
0x2bf: {  	v1 =	vsel vm1, v5, v1;
	vm0 =	vlt.s32 v8, v6;
	vm2 =	vlt.s32 v8, v4  }
0x2c0: {  	vm1 =	vlt.s32 v8, v3;
	v2 =	vsel vm0, v8, v6;
	v5 =	vsel vm2, v8, v4  }
0x2c1: {  	vm3 =	vlt.s32 v8, v1;
	v2 =	vsel vm1, v3, v2;
	v3 =	vsel vm1, v8, v3;
	v7 =	vld [tilespmem:s24+$0xFFFFFF00]  }
0x2c2: {  	v1 =	vsel vm3, v8, v1;
	vm1 =	vlt.s32 v9, v2;
	vm3 =	vlt.s32 v9, v3  }
0x2c3: {  	v5 =	vsel vm0, v6, v5;
	v1 =	vsel vm2, v4, v1;
	v4 =	vsel vm1, v9, v2  }
0x2c4: {  	vm0 =	vlt.s32 v9, v5;
	vm2 =	vlt.s32 v9, v1;
	v4 =	vsel vm3, v3, v4  }
0x2c5: {  	v6 =	vsel vm0, v9, v5;
	v1 =	vsel vm2, v9, v1;
	v3 =	vsel vm3, v9, v3;
	v8 =	vld [tilespmem:s24+$0xFFFFFF80]  }
0x2c6: {  	v2 =	vsel vm1, v2, v6;
	v1 =	vsel vm0, v5, v1;
	vm0 =	vlt.s32 v7, v3  }
0x2c7: {  	vm1 =	vlt.s32 v7, v4;
	vm2 =	vlt.s32 v7, v2;
	vm3 =	vlt.s32 v7, v1  }
0x2c8: {  	v5 =	vsel vm1, v7, v4;
	v6 =	vsel vm2, v7, v2;
	v1 =	vsel vm3, v7, v1;
	v9 =	vld [tilespmem:s24+$0x0]  }
0x2c9: {  	v5 =	vsel vm0, v3, v5;
	v4 =	vsel vm1, v4, v6;
	v1 =	vsel vm2, v2, v1  }
0x2ca: {  	vm1 =	vlt.s32 v8, v5;
	vm2 =	vlt.s32 v8, v4;
	vm3 =	vlt.s32 v8, v1  }
0x2cb: {  	v2 =	vsel vm1, v8, v5;
	v6 =	vsel vm2, v8, v4;
	v1 =	vsel vm3, v8, v1;
	v10 =	vld [tilespmem:s24+$0x80]  }
0x2cc: {  	v3 =	vsel vm0, v7, v3;
	v5 =	vsel vm1, v5, v6;
	v1 =	vsel vm2, v4, v1  }
0x2cd: {  	vm0 =	vlt.s32 v8, v3;
	vm1 =	vlt.s32 v9, v5;
	vm2 =	vlt.s32 v9, v1  }
0x2ce: {  	v2 =	vsel vm0, v3, v2;
	v4 =	vsel vm1, v9, v5;
	v1 =	vsel vm2, v9, v1  }
0x2cf: {  	v3 =	vsel vm0, v8, v3;
	vm0 =	vlt.s32 v9, v2;
	v5 =	vsel vm1, v5, v1  }
0x2d0: {  	v6 =	vsel vm0, v9, v2;
	vm1 =	vlt.s32 v9, v3;
	vm2 =	vlt.s32 v10, v5;
	v1 =	vld [tilespmem:s24+$0x100]  }
0x2d1: {  	v4 =	vsel vm0, v2, v4;
	v6 =	vsel vm1, v3, v6;
	v7 =	vsel vm1, v9, v3  }
0x2d2: {  	vm1 =	vlt.s32 v10, v4;
	vm0 =	vlt.s32 v10, v6;
	vm3 =	vlt.s32 v10, v7  }
.Ltmp10:
0x2d3: {  	v8 =	vsel vm1, v10, v4;
	v5 =	vsel vm2, v10, v5;
	v3 =	vsel vm0, v10, v6;
	v2 =	vld [tilespmem:s24+$0x180];
	(pc) =	sbr.rel @p0 .LBB2_22-.Ltmp10, $4  }
0x2d4: {  	v4 =	vsel vm1, v4, v5;
	v9 =	vsel vm3, v7, v3;
	v3 =	vsel vm0, v6, v8  }
0x2d5: {  	v7 =	vsel vm3, v10, v7;
	vm2 =	vlt.s32 v1, v9;
	vm0 =	vlt.s32 v1, v3  }
0x2d6: {  	vm1 =	vlt.s32 v1, v7;
	v5 =	vsel vm2, v1, v9;
	v8 =	vsel vm0, v1, v3  }
0x2d7: {  	s24 =	sadd.s32 $0x400, s24;
	v6 =	vsel vm1, v7, v5;
	v5 =	vsel vm2, v9, v8;
	vm2 =	vlt.s32 v1, v4  }
0x2d8: {  	v7 =	vsel vm1, v1, v7;
	vm12 =	vlt.s32 v2, v5;
	v1 =	vsel vm2, v1, v4  }
0x2d9: {  	vm14 =	vlt.s32 v2, v6;
	vm13 =	vlt.s32 v2, v7;
	v4 =	vsel vm12, v2, v5  }
0x2da: {  	v1 =	vsel vm0, v3, v1;
	v8 =	vsel vm14, v2, v6;
	v3 =	vsel vm13, v2, v7  }
0x2db: {  	s24 =	simm.s32 $0x0;
	v6 =	vsel vm14, v6, v4;
	v7 =	vsel vm13, v7, v8;
	v4 =	vand.u32 $0x7F, v3  }
0x2dc: {  	s23 =	simm.s32 $0x4150;
	vm15 =	vlt.s32 v2, v1;
	v3 =	vand.u32 $0x7F, v7;
	v8 =	vor.u32 s24, v4  }
0x2dd: {  	v12 =	vld [tilespmem:s23+$0xFFFFFF00];
	v1 =	vsel vm15, v2, v1;
	v2 =	vand.u32 $0x7F, v6;
	v9 =	vor.u32 s24, v3  }
0x2de: {  	s30 =	simm.s32 $0x180;
	v6 =	vld [tilespmem:s23+$0x80];
	v10 =	vor.u32 s24, v2  }
0x2df: {  	v7 =	vld [tilespmem:s23+$0xFFFFFF80];
	v13 =	vor.u32 s30, v4  }
0x2e0: {  	v1 =	vsel vm12, v5, v1;
	v5 =	vld [tilespmem:s23+$0x0];
	v15 =	vor.u32 s30, v3  }
0x2e1: {  	v22 =	vor.u32 s30, v2;
	v1 =	vand.u32 $0x7F, v1;
	v16 =	vld.idx.msk [tilespmem:v8+s8+$0x0], $0xffff  }
0x2e2: {  	v11 =	vor.u32 s24, v1;
	v17 =	vld.idx.msk [tilespmem:v9+s8+$0x0], $0xffff  }
0x2e3: {  	s31 =	simm.s32 $0x100;
	v9 =	vor.u32 s30, v1;
	v19 =	vld.idx.msk [tilespmem:v10+s8+$0x0], $0xffff  }
0x2e4: {  	v14 =	vor.u32 s31, v4;
	v20 =	vld.idx.msk [tilespmem:v13+s8+$0x0], $0xffff  }
0x2e5: {  	v13 =	vor.u32 s31, v3;
	v21 =	vld.idx.msk [tilespmem:v15+s8+$0x0], $0xffff  }
0x2e6: {  	s28 =	simm.s32 $0x80;
	v15 =	vor.u32 s31, v2;
	v22 =	vld.idx.msk [tilespmem:v22+s8+$0x0], $0xffff  }
0x2e7: {  	v25 =	vor.u32 s28, v4;
	v24 =	vor.u32 s31, v1;
	v8 =	vimm.f32 $0.0e+00;
	v18 =	vld.idx.msk [tilespmem:v11+s8+$0x0], $0xffff  }
0x2e8: {  	s24 =	simm.s32 $0x4;
	v10 =	vimm.f32 $0.0e+00;
	v11 =	vimm.f32 $0.0e+00;
	v23 =	vld.idx.msk [tilespmem:v9+s8+$0x0], $0xffff;
	v9 =	vimm.f32 $0.0e+00  }
.LBB2_24:
0x2e9: {  	s25 =	sshll.u32 s24, $0x7;
	p0 =	slt.u32 s24, $0x3C;
	v26 =	vor.u32 s28, v3;
	v27 =	vld.idx.msk [tilespmem:v14+s8+$0x0], $0xffff  }
0x2ea: {  	v30 =	vor.u32 s28, v2;
	v28 =	vor.u32 s25, v4;
	v29 =	vor.u32 s25, v3;
	v31 =	vld.idx.msk [tilespmem:v13+s8+$0x0], $0xffff  }
0x2eb: {  	v34 =	vor.u32 s28, v1;
	v32 =	vor.u32 s25, v2;
	v33 =	vor.u32 s25, v1;
	s29 =	sadd.s32 $0x180, s25;
	v35 =	vld.idx.msk [tilespmem:v15+s8+$0x0], $0xffff  }
0x2ec: {  	v16 =	vsub.f32 v12, v16;
	v36 =	vor.u32 s29, v4;
	v37 =	vor.u32 s29, v3;
	v24 =	vld.idx.msk [tilespmem:v24+s8+$0x0], $0xffff  }
0x2ed: {  	v17 =	vsub.f32 v12, v17;
	v19 =	vsub.f32 v12, v19;
	v38 =	vor.u32 s29, v2;
	v25 =	vld.idx.msk [tilespmem:v25+s8+$0x0], $0xffff  }
0x2ee: {  	v12 =	vsub.f32 v12, v18;
	s26 =	sadd.s32 $0x100, s25;
	v20 =	vsub.f32 v6, v20;
	v39 =	vor.u32 s29, v1;
	v18 =	vld.idx.msk [tilespmem:v26+s8+$0x0], $0xffff  }
0x2ef: {  	v14 =	vor.u32 s26, v4;
	v21 =	vsub.f32 v6, v21;
	v22 =	vsub.f32 v6, v22;
	v26 =	vld.idx.msk [tilespmem:v30+s8+$0x0], $0xffff  }
0x2f0: {  	v13 =	vor.u32 s26, v3;
	v23 =	vsub.f32 v6, v23;
	v27 =	vsub.f32 v5, v27;
	v30 =	vld.idx.msk [tilespmem:v34+s8+$0x0], $0xffff  }
0x2f1: {  	v15 =	vor.u32 s26, v2;
	v31 =	vsub.f32 v5, v31;
	v34 =	vsub.f32 v5, v35  }
0x2f2: {  	s23 =	sadd.s32 $0x200, s23;
	v17 =	vmul.f32 v17, v17;
	v35 =	vmul.f32 v16, v16;
	v24 =	vsub.f32 v5, v24  }
0x2f3: {  	v19 =	vmul.f32 v19, v19;
	v40 =	vmul.f32 v12, v12;
	v16 =	vsub.f32 v7, v25;
	v6 =	vld [tilespmem:s23+$0x80]  }
0x2f4: {  	v41 =	vmul.f32 v21, v21;
	v25 =	vmul.f32 v20, v20;
	v18 =	vsub.f32 v7, v18;
	v5 =	vld [tilespmem:s23+$0x0]  }
0x2f5: {  	v21 =	vmul.f32 v27, v27;
	v20 =	vsub.f32 v7, v26;
	v26 =	vmul.f32 v31, v31;
	v42 =	vld [tilespmem:s23+$0xFFFFFF80]  }
0x2f6: {  	v27 =	vmul.f32 v16, v16;
	v7 =	vsub.f32 v7, v30;
	v18 =	vmul.f32 v18, v18;
	v12 =	vld [tilespmem:s23+$0xFFFFFF00]  }
0x2f7: {  	v11 =	vadd.f32 v17, v11;
	v8 =	vadd.f32 v35, v8;
	v20 =	vmul.f32 v20, v20;
	v16 =	vld.idx.msk [tilespmem:v28+s8+$0x0], $0xffff  }
0x2f8: {  	v10 =	vadd.f32 v19, v10;
	v9 =	vadd.f32 v40, v9;
	v7 =	vmul.f32 v7, v7;
	v17 =	vld.idx.msk [tilespmem:v29+s8+$0x0], $0xffff  }
0x2f9: {  	v8 =	vadd.f32 v27, v8;
	v27 =	vmul.f32 v34, v34;
	v11 =	vadd.f32 v18, v11;
	v19 =	vld.idx.msk [tilespmem:v32+s8+$0x0], $0xffff  }
.Ltmp11:
0x2fa: {  	v10 =	vadd.f32 v20, v10;
	v28 =	vadd.f32 v7, v9;
	v9 =	vmul.f32 v24, v24;
	v18 =	vld.idx.msk [tilespmem:v33+s8+$0x0], $0xffff;
	(pc) =	sbr.rel @p0 .LBB2_24-.Ltmp11, $4  }
0x2fb: {  	v8 =	vadd.f32 v21, v8;
	v11 =	vadd.f32 v26, v11;
	v26 =	vmul.f32 v22, v22;
	v20 =	vld.idx.msk [tilespmem:v36+s8+$0x0], $0xffff  }
0x2fc: {  	v10 =	vadd.f32 v27, v10;
	v27 =	vmul.f32 v23, v23;
	v9 =	vadd.f32 v9, v28;
	v21 =	vld.idx.msk [tilespmem:v37+s8+$0x0], $0xffff  }
0x2fd: {  	s28 =	sadd.s32 $0x80, s25;
	v24 =	vor.u32 s26, v1;
	v8 =	vadd.f32 v25, v8;
	v11 =	vadd.f32 v41, v11;
	v7 =	vmovc v42;
	v22 =	vld.idx.msk [tilespmem:v38+s8+$0x0], $0xffff  }
0x2fe: {  	s24 =	sadd.s32 $0x4, s24;
	v25 =	vor.u32 s28, v4;
	v10 =	vadd.f32 v26, v10;
	v9 =	vadd.f32 v27, v9;
	v23 =	vld.idx.msk [tilespmem:v39+s8+$0x0], $0xffff  }
0x2ff: {  	_ =	sdelay $0x3  }
0x300: {  	v26 =	vor.u32 s28, v3;
	v14 =	vld.idx.msk [tilespmem:v14+s8+$0x0], $0xffff  }
0x301: {  	v27 =	vor.u32 s28, v2;
	v13 =	vld.idx.msk [tilespmem:v13+s8+$0x0], $0xffff  }
0x302: {  	v16 =	vsub.f32 v12, v16;
	v28 =	vor.u32 s28, v1;
	v25 =	vld.idx.msk [tilespmem:v25+s8+$0x0], $0xffff  }
0x303: {  	v15 =	vld.idx.msk [tilespmem:v15+s8+$0x0], $0xffff;
	v17 =	vsub.f32 v12, v17;
	v19 =	vsub.f32 v12, v19  }
0x304: {  	v24 =	vld.idx.msk [tilespmem:v24+s8+$0x0], $0xffff;
	v46 =	vsub.f32 v12, v18;
	v47 =	vsub.f32 v6, v20  }
0x305: {  	v21 =	vsub.f32 v6, v21;
	v16 =	vmul.f32 v16, v16;
	v17 =	vmul.f32 v17, v17;
	v48 =	vld.idx.msk [tilespmem:v26+s8+$0x0], $0xffff  }
0x306: {  	v19 =	vmul.f32 v19, v19;
	v22 =	vsub.f32 v6, v22;
	v6 =	vsub.f32 v6, v23;
	v49 =	vld.idx.msk [tilespmem:v27+s8+$0x0], $0xffff  }
0x307: {  	v12 =	vmul.f32 v46, v46;
	v8 =	vadd.f32 v16, v8;
	v50 =	vld.idx.msk [tilespmem:v28+s8+$0x0], $0xffff;
	v51 =	vsub.f32 v7, v25  }
0x308: {  	v18 =	vmul.f32 v47, v47;
	v14 =	vsub.f32 v5, v14;
	v13 =	vsub.f32 v5, v13  }
0x309: {  	v15 =	vsub.f32 v5, v15;
	v5 =	vsub.f32 v5, v24;
	v24 =	vmul.f32 v51, v51  }
0x30a: {  	v21 =	vmul.f32 v21, v21;
	v11 =	vadd.f32 v17, v11;
	v20 =	vsub.f32 v7, v48  }
0x30b: {  	v14 =	vmul.f32 v14, v14;
	v8 =	vadd.f32 v24, v8;
	v52 =	vsub.f32 v7, v49  }
0x30c: {  	v10 =	vadd.f32 v19, v10;
	v7 =	vsub.f32 v7, v50;
	v53 =	vmul.f32 v20, v20  }
0x30d: {  	v9 =	vadd.f32 v12, v9;
	v8 =	vadd.f32 v14, v8;
	v54 =	vmul.f32 v52, v52  }
0x30e: {  	v13 =	vmul.f32 v13, v13;
	v7 =	vmul.f32 v7, v7;
	v11 =	vadd.f32 v53, v11  }
0x30f: {  	v55 =	vmul.f32 v15, v15;
	v8 =	vadd.f32 v18, v8;
	v10 =	vadd.f32 v54, v10  }
0x310: {  	v5 =	vmul.f32 v5, v5;
	v7 =	vadd.f32 v7, v9;
	v11 =	vadd.f32 v13, v11  }
0x311: {  	v56 =	vmul.f32 v22, v22;
	v6 =	vmul.f32 v6, v6;
	v10 =	vadd.f32 v55, v10  }
0x312: {  	vm0 =	vlt.f32 v8, $3.000000010e+38;
	v5 =	vadd.f32 v5, v7;
	v11 =	vadd.f32 v21, v11  }
0x313: {  	v8 =	vnsel vm0, $0x7F61B1E6, v8;
	v4 =	vnsel vm0, $0x0, v4;
	v7 =	vadd.f32 v56, v10  }
0x314: {  	v5 =	vadd.f32 v6, v5;
	vm1 =	vlt.f32 v11, $3.000000010e+38;
	vm2 =	vlt.f32 v11, v8  }
0x315: {  	v6 =	vnsel vm1, $0x7F61B1E6, v11;
	v57 =	vnsel vm1, $0x0, v3;
	v3 =	vsel vm2, v3, v4  }
0x316: {  	v6 =	vsel vm2, v8, v6;
	v9 =	vsel vm2, v4, v57;
	v8 =	vsel vm2, v11, v8  }
0x317: {  	vm2 =	vlt.f32 v7, $3.000000010e+38;
	vm0 =	vlt.f32 v7, v6;
	vm1 =	vlt.f32 v7, v8  }
0x318: {  	v59 =	vnsel vm2, $0x7F61B1E6, v7;
	v60 =	vnsel vm2, $0x0, v2;
	v4 =	vsel vm0, v7, v6  }
0x319: {  	v58 =	vsel vm0, v2, v9;
	v6 =	vsel vm0, v6, v59;
	v9 =	vsel vm0, v9, v60  }
0x31a: {  	v7 =	vsel vm1, v7, v8;
	v2 =	vsel vm1, v2, v3;
	v4 =	vsel vm1, v8, v4  }
0x31b: {  	v10 =	vsel vm1, v3, v58;
	vm0 =	vlt.f32 v5, v7;
	vm1 =	vlt.f32 v5, v4  }
0x31c: {  	vm2 =	vlt.f32 v5, v6;
	v4 =	vsel vm0, v1, v2;
	v3 =	vsel vm1, v1, v10  }
0x31d: {  	v1 =	vsel vm2, v1, v9;
	v2 =	vsel vm0, v2, v3;
	v3 =	vor.u32 v0, v4  }
0x31e: {  	v1 =	vsel vm1, v10, v1;
	[tilespmem:$0xA050] =	vst v3;
	v2 =	vadd.s32 v0, v2  }
0x31f: {  	v1 =	vor.u32 v0, v1;
	[tilespmem:$0xA0D0] =	vst v2  }
0x320: {  	s24 =	simm.s32 $0x260;
	[tilespmem:$0xA150] =	vst v1  }
0x321: {  	v1 =	vld [tilespmem:s24+$0xFFFFFE00];
	_ =	sdelay $0x2  }
0x322: {  	v2 =	vld [tilespmem:s24+$0xFFFFFE80]  }
0x323: {  	v3 =	vimm.s32 $0x7F000000  }
0x324: {  	vm0 =	vlt.s32 v1, v3  }
0x325: {  	v4 =	vld [tilespmem:s24+$0xFFFFFF00];
	v1 =	vsel vm0, v1, v3  }
0x326: {  	v3 =	vsel vm0, v3, v1  }
0x327: {  	vm0 =	vlt.s32 v2, v3  }
0x328: {  	vm1 =	vlt.s32 v2, v1;
	v5 =	vsel vm0, v2, v3  }
0x329: {  	v6 =	vld [tilespmem:s24+$0xFFFFFF80];
	v7 =	vsel vm1, v1, v5  }
0x32a: {  	v3 =	vsel vm0, v3, v5;
	v1 =	vsel vm1, v2, v1;
	vm0 =	vlt.s32 v4, v7  }
0x32b: {  	vm1 =	vlt.s32 v4, v3;
	vm2 =	vlt.s32 v4, v1;
	v2 =	vsel vm0, v4, v7  }
0x32c: {  	v8 =	vld [tilespmem:s24+$0x0];
	v5 =	vsel vm1, v4, v3;
	v2 =	vsel vm2, v1, v2  }
0x32d: {  	v7 =	vsel vm0, v7, v5;
	v3 =	vsel vm1, v3, v5;
	v1 =	vsel vm2, v4, v1  }
0x32e: {  	vm0 =	vlt.s32 v6, v2;
	vm1 =	vlt.s32 v6, v7;
	vm3 =	vlt.s32 v6, v3  }
0x32f: {  	v62 =	vld [tilespmem:s24+$0x80];
	v5 =	vsel vm0, v6, v2;
	v61 =	vsel vm1, v6, v7;
	v3 =	vsel vm3, v6, v3  }
0x330: {  	v2 =	vsel vm0, v2, v61;
	v3 =	vsel vm1, v7, v3;
	vm0 =	vlt.s32 v6, v1  }
0x331: {  	vm1 =	vlt.s32 v8, v2;
	vm2 =	vlt.s32 v8, v3;
	v4 =	vsel vm0, v1, v5  }
0x332: {  	v6 =	vsel vm0, v6, v1;
	v3 =	vsel vm2, v8, v3;
	vm0 =	vlt.s32 v8, v4  }
0x333: {  	v5 =	vsel vm1, v8, v2;
	v2 =	vsel vm1, v2, v3;
	v3 =	vsel vm0, v8, v4  }
0x334: {  	v1 =	vld [tilespmem:s24+$0x100];
	vm1 =	vlt.s32 v8, v6;
	v4 =	vsel vm0, v4, v5;
	vm2 =	vlt.s32 v62, v2  }
0x335: {  	v3 =	vsel vm1, v6, v3;
	v5 =	vsel vm1, v8, v6;
	vm1 =	vlt.s32 v62, v4  }
0x336: {  	vm0 =	vlt.s32 v62, v3;
	vm3 =	vlt.s32 v62, v5;
	v2 =	vsel vm2, v62, v2  }
0x337: {  	v7 =	vsel vm1, v62, v4;
	v6 =	vsel vm0, v62, v3;
	v4 =	vsel vm1, v4, v2;
	v2 =	vld [tilespmem:s24+$0x180]  }
0x338: {  	v3 =	vsel vm0, v3, v7;
	v8 =	vsel vm3, v5, v6  }
0x339: {  	v7 =	vsel vm3, v62, v5;
	vm0 =	vlt.s32 v1, v3;
	vm2 =	vlt.s32 v1, v8  }
0x33a: {  	vm1 =	vlt.s32 v1, v7;
	v63 =	vsel vm0, v1, v3;
	v5 =	vsel vm2, v1, v8  }
0x33b: {  	s23 =	simm.s32 $0x0;
	s24 =	simm.s32 $0x660;
	v6 =	vsel vm1, v7, v5;
	v5 =	vsel vm2, v8, v63;
	vm2 =	vlt.s32 v1, v4  }
.LBB2_26:
0x33c: {  	v8 =	vld [tilespmem:s24+$0xFFFFFE00];
	s23 =	sadd.s32 $0x8, s23;
	v7 =	vsel vm1, v1, v7;
	vm1 =	vlt.s32 v2, v5  }
0x33d: {  	v1 =	vsel vm2, v1, v4;
	p0 =	slt.u32 s23, $0x78;
	vm2 =	vlt.s32 v2, v7;
	v4 =	vsel vm1, v2, v5  }
0x33e: {  	v1 =	vsel vm0, v3, v1;
	vm0 =	vlt.s32 v2, v6;
	v3 =	vsel vm2, v2, v7  }
0x33f: {  	v10 =	vsel vm0, v2, v6;
	v4 =	vsel vm0, v6, v4;
	vm0 =	vlt.s32 v2, v1;
	v9 =	vld [tilespmem:s24+$0xFFFFFE80]  }
0x340: {  	v6 =	vsel vm2, v7, v10;
	v1 =	vsel vm0, v2, v1  }
0x341: {  	v1 =	vsel vm1, v5, v1;
	vm0 =	vlt.s32 v8, v6;
	vm2 =	vlt.s32 v8, v4  }
0x342: {  	vm1 =	vlt.s32 v8, v3;
	v2 =	vsel vm0, v8, v6;
	v5 =	vsel vm2, v8, v4  }
0x343: {  	vm3 =	vlt.s32 v8, v1;
	v2 =	vsel vm1, v3, v2;
	v3 =	vsel vm1, v8, v3;
	v7 =	vld [tilespmem:s24+$0xFFFFFF00]  }
0x344: {  	v1 =	vsel vm3, v8, v1;
	vm1 =	vlt.s32 v9, v2;
	vm3 =	vlt.s32 v9, v3  }
0x345: {  	v5 =	vsel vm0, v6, v5;
	v1 =	vsel vm2, v4, v1;
	v4 =	vsel vm1, v9, v2  }
0x346: {  	vm0 =	vlt.s32 v9, v5;
	vm2 =	vlt.s32 v9, v1;
	v4 =	vsel vm3, v3, v4  }
0x347: {  	v6 =	vsel vm0, v9, v5;
	v1 =	vsel vm2, v9, v1;
	v3 =	vsel vm3, v9, v3;
	v8 =	vld [tilespmem:s24+$0xFFFFFF80]  }
0x348: {  	v2 =	vsel vm1, v2, v6;
	v1 =	vsel vm0, v5, v1;
	vm0 =	vlt.s32 v7, v3  }
0x349: {  	vm1 =	vlt.s32 v7, v4;
	vm2 =	vlt.s32 v7, v2;
	vm3 =	vlt.s32 v7, v1  }
0x34a: {  	v5 =	vsel vm1, v7, v4;
	v6 =	vsel vm2, v7, v2;
	v1 =	vsel vm3, v7, v1;
	v9 =	vld [tilespmem:s24+$0x0]  }
0x34b: {  	v5 =	vsel vm0, v3, v5;
	v4 =	vsel vm1, v4, v6;
	v1 =	vsel vm2, v2, v1  }
0x34c: {  	vm1 =	vlt.s32 v8, v5;
	vm2 =	vlt.s32 v8, v4;
	vm3 =	vlt.s32 v8, v1  }
0x34d: {  	v2 =	vsel vm1, v8, v5;
	v6 =	vsel vm2, v8, v4;
	v1 =	vsel vm3, v8, v1;
	v10 =	vld [tilespmem:s24+$0x80]  }
0x34e: {  	v3 =	vsel vm0, v7, v3;
	v5 =	vsel vm1, v5, v6;
	v1 =	vsel vm2, v4, v1  }
0x34f: {  	vm0 =	vlt.s32 v8, v3;
	vm1 =	vlt.s32 v9, v5;
	vm2 =	vlt.s32 v9, v1  }
0x350: {  	v2 =	vsel vm0, v3, v2;
	v4 =	vsel vm1, v9, v5;
	v1 =	vsel vm2, v9, v1  }
0x351: {  	v3 =	vsel vm0, v8, v3;
	vm0 =	vlt.s32 v9, v2;
	v5 =	vsel vm1, v5, v1  }
0x352: {  	v6 =	vsel vm0, v9, v2;
	vm1 =	vlt.s32 v9, v3;
	vm2 =	vlt.s32 v10, v5;
	v1 =	vld [tilespmem:s24+$0x100]  }
0x353: {  	v4 =	vsel vm0, v2, v4;
	v6 =	vsel vm1, v3, v6;
	v7 =	vsel vm1, v9, v3  }
0x354: {  	vm1 =	vlt.s32 v10, v4;
	vm0 =	vlt.s32 v10, v6;
	vm3 =	vlt.s32 v10, v7  }
.Ltmp12:
0x355: {  	v8 =	vsel vm1, v10, v4;
	v5 =	vsel vm2, v10, v5;
	v3 =	vsel vm0, v10, v6;
	v2 =	vld [tilespmem:s24+$0x180];
	(pc) =	sbr.rel @p0 .LBB2_26-.Ltmp12, $4  }
0x356: {  	v4 =	vsel vm1, v4, v5;
	v9 =	vsel vm3, v7, v3;
	v3 =	vsel vm0, v6, v8  }
0x357: {  	v7 =	vsel vm3, v10, v7;
	vm2 =	vlt.s32 v1, v9;
	vm0 =	vlt.s32 v1, v3  }
0x358: {  	vm1 =	vlt.s32 v1, v7;
	v5 =	vsel vm2, v1, v9;
	v8 =	vsel vm0, v1, v3  }
0x359: {  	s24 =	sadd.s32 $0x400, s24;
	v6 =	vsel vm1, v7, v5;
	v5 =	vsel vm2, v9, v8;
	vm2 =	vlt.s32 v1, v4  }
0x35a: {  	v7 =	vsel vm1, v1, v7;
	vm12 =	vlt.s32 v2, v5;
	v1 =	vsel vm2, v1, v4  }
0x35b: {  	vm14 =	vlt.s32 v2, v6;
	vm13 =	vlt.s32 v2, v7;
	v4 =	vsel vm12, v2, v5  }
0x35c: {  	v1 =	vsel vm0, v3, v1;
	v8 =	vsel vm14, v2, v6;
	v3 =	vsel vm13, v2, v7  }
0x35d: {  	s24 =	simm.s32 $0x0;
	v6 =	vsel vm14, v6, v4;
	v7 =	vsel vm13, v7, v8;
	v4 =	vand.u32 $0x7F, v3  }
0x35e: {  	s23 =	simm.s32 $0x4160;
	vm15 =	vlt.s32 v2, v1;
	v3 =	vand.u32 $0x7F, v7;
	v8 =	vor.u32 s24, v4  }
0x35f: {  	v12 =	vld [tilespmem:s23+$0xFFFFFF00];
	v1 =	vsel vm15, v2, v1;
	v2 =	vand.u32 $0x7F, v6;
	v9 =	vor.u32 s24, v3  }
0x360: {  	s30 =	simm.s32 $0x180;
	v6 =	vld [tilespmem:s23+$0x80];
	v10 =	vor.u32 s24, v2  }
0x361: {  	v7 =	vld [tilespmem:s23+$0xFFFFFF80];
	v13 =	vor.u32 s30, v4  }
0x362: {  	v1 =	vsel vm12, v5, v1;
	v5 =	vld [tilespmem:s23+$0x0];
	v15 =	vor.u32 s30, v3  }
0x363: {  	v22 =	vor.u32 s30, v2;
	v1 =	vand.u32 $0x7F, v1;
	v16 =	vld.idx.msk [tilespmem:v8+s8+$0x0], $0xffff  }
0x364: {  	v11 =	vor.u32 s24, v1;
	v17 =	vld.idx.msk [tilespmem:v9+s8+$0x0], $0xffff  }
0x365: {  	s31 =	simm.s32 $0x100;
	v9 =	vor.u32 s30, v1;
	v19 =	vld.idx.msk [tilespmem:v10+s8+$0x0], $0xffff  }
0x366: {  	v14 =	vor.u32 s31, v4;
	v20 =	vld.idx.msk [tilespmem:v13+s8+$0x0], $0xffff  }
0x367: {  	v13 =	vor.u32 s31, v3;
	v21 =	vld.idx.msk [tilespmem:v15+s8+$0x0], $0xffff  }
0x368: {  	s28 =	simm.s32 $0x80;
	v15 =	vor.u32 s31, v2;
	v22 =	vld.idx.msk [tilespmem:v22+s8+$0x0], $0xffff  }
0x369: {  	v25 =	vor.u32 s28, v4;
	v24 =	vor.u32 s31, v1;
	v8 =	vimm.f32 $0.0e+00;
	v18 =	vld.idx.msk [tilespmem:v11+s8+$0x0], $0xffff  }
0x36a: {  	s24 =	simm.s32 $0x4;
	v10 =	vimm.f32 $0.0e+00;
	v11 =	vimm.f32 $0.0e+00;
	v23 =	vld.idx.msk [tilespmem:v9+s8+$0x0], $0xffff;
	v9 =	vimm.f32 $0.0e+00  }
.LBB2_28:
0x36b: {  	s25 =	sshll.u32 s24, $0x7;
	p0 =	slt.u32 s24, $0x3C;
	v26 =	vor.u32 s28, v3;
	v27 =	vld.idx.msk [tilespmem:v14+s8+$0x0], $0xffff  }
0x36c: {  	v30 =	vor.u32 s28, v2;
	v28 =	vor.u32 s25, v4;
	v29 =	vor.u32 s25, v3;
	v31 =	vld.idx.msk [tilespmem:v13+s8+$0x0], $0xffff  }
0x36d: {  	v34 =	vor.u32 s28, v1;
	v32 =	vor.u32 s25, v2;
	v33 =	vor.u32 s25, v1;
	s29 =	sadd.s32 $0x180, s25;
	v35 =	vld.idx.msk [tilespmem:v15+s8+$0x0], $0xffff  }
0x36e: {  	v16 =	vsub.f32 v12, v16;
	v36 =	vor.u32 s29, v4;
	v37 =	vor.u32 s29, v3;
	v24 =	vld.idx.msk [tilespmem:v24+s8+$0x0], $0xffff  }
0x36f: {  	v17 =	vsub.f32 v12, v17;
	v19 =	vsub.f32 v12, v19;
	v38 =	vor.u32 s29, v2;
	v25 =	vld.idx.msk [tilespmem:v25+s8+$0x0], $0xffff  }
0x370: {  	v12 =	vsub.f32 v12, v18;
	s26 =	sadd.s32 $0x100, s25;
	v20 =	vsub.f32 v6, v20;
	v39 =	vor.u32 s29, v1;
	v18 =	vld.idx.msk [tilespmem:v26+s8+$0x0], $0xffff  }
0x371: {  	v14 =	vor.u32 s26, v4;
	v21 =	vsub.f32 v6, v21;
	v22 =	vsub.f32 v6, v22;
	v26 =	vld.idx.msk [tilespmem:v30+s8+$0x0], $0xffff  }
0x372: {  	v13 =	vor.u32 s26, v3;
	v23 =	vsub.f32 v6, v23;
	v27 =	vsub.f32 v5, v27;
	v30 =	vld.idx.msk [tilespmem:v34+s8+$0x0], $0xffff  }
0x373: {  	v15 =	vor.u32 s26, v2;
	v31 =	vsub.f32 v5, v31;
	v34 =	vsub.f32 v5, v35  }
0x374: {  	s23 =	sadd.s32 $0x200, s23;
	v17 =	vmul.f32 v17, v17;
	v35 =	vmul.f32 v16, v16;
	v24 =	vsub.f32 v5, v24  }
0x375: {  	v19 =	vmul.f32 v19, v19;
	v40 =	vmul.f32 v12, v12;
	v16 =	vsub.f32 v7, v25;
	v6 =	vld [tilespmem:s23+$0x80]  }
0x376: {  	v41 =	vmul.f32 v21, v21;
	v25 =	vmul.f32 v20, v20;
	v18 =	vsub.f32 v7, v18;
	v5 =	vld [tilespmem:s23+$0x0]  }
0x377: {  	v21 =	vmul.f32 v27, v27;
	v20 =	vsub.f32 v7, v26;
	v26 =	vmul.f32 v31, v31;
	v42 =	vld [tilespmem:s23+$0xFFFFFF80]  }
0x378: {  	v27 =	vmul.f32 v16, v16;
	v7 =	vsub.f32 v7, v30;
	v18 =	vmul.f32 v18, v18;
	v12 =	vld [tilespmem:s23+$0xFFFFFF00]  }
0x379: {  	v11 =	vadd.f32 v17, v11;
	v8 =	vadd.f32 v35, v8;
	v20 =	vmul.f32 v20, v20;
	v16 =	vld.idx.msk [tilespmem:v28+s8+$0x0], $0xffff  }
0x37a: {  	v10 =	vadd.f32 v19, v10;
	v9 =	vadd.f32 v40, v9;
	v7 =	vmul.f32 v7, v7;
	v17 =	vld.idx.msk [tilespmem:v29+s8+$0x0], $0xffff  }
0x37b: {  	v8 =	vadd.f32 v27, v8;
	v27 =	vmul.f32 v34, v34;
	v11 =	vadd.f32 v18, v11;
	v19 =	vld.idx.msk [tilespmem:v32+s8+$0x0], $0xffff  }
.Ltmp13:
0x37c: {  	v10 =	vadd.f32 v20, v10;
	v28 =	vadd.f32 v7, v9;
	v9 =	vmul.f32 v24, v24;
	v18 =	vld.idx.msk [tilespmem:v33+s8+$0x0], $0xffff;
	(pc) =	sbr.rel @p0 .LBB2_28-.Ltmp13, $4  }
0x37d: {  	v8 =	vadd.f32 v21, v8;
	v11 =	vadd.f32 v26, v11;
	v26 =	vmul.f32 v22, v22;
	v20 =	vld.idx.msk [tilespmem:v36+s8+$0x0], $0xffff  }
0x37e: {  	v10 =	vadd.f32 v27, v10;
	v27 =	vmul.f32 v23, v23;
	v9 =	vadd.f32 v9, v28;
	v21 =	vld.idx.msk [tilespmem:v37+s8+$0x0], $0xffff  }
0x37f: {  	s28 =	sadd.s32 $0x80, s25;
	v24 =	vor.u32 s26, v1;
	v8 =	vadd.f32 v25, v8;
	v11 =	vadd.f32 v41, v11;
	v7 =	vmovc v42;
	v22 =	vld.idx.msk [tilespmem:v38+s8+$0x0], $0xffff  }
0x380: {  	s24 =	sadd.s32 $0x4, s24;
	v25 =	vor.u32 s28, v4;
	v10 =	vadd.f32 v26, v10;
	v9 =	vadd.f32 v27, v9;
	v23 =	vld.idx.msk [tilespmem:v39+s8+$0x0], $0xffff  }
0x381: {  	_ =	sdelay $0x3  }
0x382: {  	v26 =	vor.u32 s28, v3;
	v14 =	vld.idx.msk [tilespmem:v14+s8+$0x0], $0xffff  }
0x383: {  	v27 =	vor.u32 s28, v2;
	v13 =	vld.idx.msk [tilespmem:v13+s8+$0x0], $0xffff  }
0x384: {  	v16 =	vsub.f32 v12, v16;
	v28 =	vor.u32 s28, v1;
	v25 =	vld.idx.msk [tilespmem:v25+s8+$0x0], $0xffff  }
0x385: {  	v15 =	vld.idx.msk [tilespmem:v15+s8+$0x0], $0xffff;
	v17 =	vsub.f32 v12, v17;
	v19 =	vsub.f32 v12, v19  }
0x386: {  	v24 =	vld.idx.msk [tilespmem:v24+s8+$0x0], $0xffff;
	v46 =	vsub.f32 v12, v18;
	v47 =	vsub.f32 v6, v20  }
0x387: {  	v21 =	vsub.f32 v6, v21;
	v16 =	vmul.f32 v16, v16;
	v17 =	vmul.f32 v17, v17;
	v48 =	vld.idx.msk [tilespmem:v26+s8+$0x0], $0xffff  }
0x388: {  	v19 =	vmul.f32 v19, v19;
	v22 =	vsub.f32 v6, v22;
	v6 =	vsub.f32 v6, v23;
	v49 =	vld.idx.msk [tilespmem:v27+s8+$0x0], $0xffff  }
0x389: {  	v12 =	vmul.f32 v46, v46;
	v8 =	vadd.f32 v16, v8;
	v50 =	vld.idx.msk [tilespmem:v28+s8+$0x0], $0xffff;
	v51 =	vsub.f32 v7, v25  }
0x38a: {  	v18 =	vmul.f32 v47, v47;
	v14 =	vsub.f32 v5, v14;
	v13 =	vsub.f32 v5, v13  }
0x38b: {  	v15 =	vsub.f32 v5, v15;
	v5 =	vsub.f32 v5, v24;
	v24 =	vmul.f32 v51, v51  }
0x38c: {  	v21 =	vmul.f32 v21, v21;
	v11 =	vadd.f32 v17, v11;
	v20 =	vsub.f32 v7, v48  }
0x38d: {  	v14 =	vmul.f32 v14, v14;
	v8 =	vadd.f32 v24, v8;
	v52 =	vsub.f32 v7, v49  }
0x38e: {  	v10 =	vadd.f32 v19, v10;
	v7 =	vsub.f32 v7, v50;
	v53 =	vmul.f32 v20, v20  }
0x38f: {  	v9 =	vadd.f32 v12, v9;
	v8 =	vadd.f32 v14, v8;
	v54 =	vmul.f32 v52, v52  }
0x390: {  	v13 =	vmul.f32 v13, v13;
	v7 =	vmul.f32 v7, v7;
	v11 =	vadd.f32 v53, v11  }
0x391: {  	v55 =	vmul.f32 v15, v15;
	v8 =	vadd.f32 v18, v8;
	v10 =	vadd.f32 v54, v10  }
0x392: {  	v5 =	vmul.f32 v5, v5;
	v7 =	vadd.f32 v7, v9;
	v11 =	vadd.f32 v13, v11  }
0x393: {  	v56 =	vmul.f32 v22, v22;
	v6 =	vmul.f32 v6, v6;
	v10 =	vadd.f32 v55, v10  }
0x394: {  	vm0 =	vlt.f32 v8, $3.000000010e+38;
	v5 =	vadd.f32 v5, v7;
	v11 =	vadd.f32 v21, v11  }
0x395: {  	v8 =	vnsel vm0, $0x7F61B1E6, v8;
	v4 =	vnsel vm0, $0x0, v4;
	v7 =	vadd.f32 v56, v10  }
0x396: {  	v5 =	vadd.f32 v6, v5;
	vm1 =	vlt.f32 v11, $3.000000010e+38;
	vm2 =	vlt.f32 v11, v8  }
0x397: {  	v6 =	vnsel vm1, $0x7F61B1E6, v11;
	v57 =	vnsel vm1, $0x0, v3;
	v3 =	vsel vm2, v3, v4  }
0x398: {  	v6 =	vsel vm2, v8, v6;
	v9 =	vsel vm2, v4, v57;
	v8 =	vsel vm2, v11, v8  }
0x399: {  	vm2 =	vlt.f32 v7, $3.000000010e+38;
	vm0 =	vlt.f32 v7, v6;
	vm1 =	vlt.f32 v7, v8  }
0x39a: {  	v59 =	vnsel vm2, $0x7F61B1E6, v7;
	v60 =	vnsel vm2, $0x0, v2;
	v4 =	vsel vm0, v7, v6  }
0x39b: {  	v58 =	vsel vm0, v2, v9;
	v6 =	vsel vm0, v6, v59;
	v9 =	vsel vm0, v9, v60  }
0x39c: {  	v7 =	vsel vm1, v7, v8;
	v2 =	vsel vm1, v2, v3;
	v4 =	vsel vm1, v8, v4  }
0x39d: {  	v10 =	vsel vm1, v3, v58;
	vm0 =	vlt.f32 v5, v7;
	vm1 =	vlt.f32 v5, v4  }
0x39e: {  	vm2 =	vlt.f32 v5, v6;
	v4 =	vsel vm0, v1, v2;
	v3 =	vsel vm1, v1, v10  }
0x39f: {  	v1 =	vsel vm2, v1, v9;
	v2 =	vsel vm0, v2, v3;
	v3 =	vor.u32 v0, v4  }
0x3a0: {  	v1 =	vsel vm1, v10, v1;
	[tilespmem:$0xA060] =	vst v3;
	v2 =	vadd.s32 v0, v2  }
0x3a1: {  	v1 =	vor.u32 v0, v1;
	[tilespmem:$0xA0E0] =	vst v2  }
0x3a2: {  	s24 =	simm.s32 $0x270;
	[tilespmem:$0xA160] =	vst v1  }
0x3a3: {  	v1 =	vld [tilespmem:s24+$0xFFFFFE00];
	_ =	sdelay $0x2  }
0x3a4: {  	v2 =	vld [tilespmem:s24+$0xFFFFFE80]  }
0x3a5: {  	v3 =	vimm.s32 $0x7F000000  }
0x3a6: {  	vm0 =	vlt.s32 v1, v3  }
0x3a7: {  	v4 =	vld [tilespmem:s24+$0xFFFFFF00];
	v1 =	vsel vm0, v1, v3  }
0x3a8: {  	v3 =	vsel vm0, v3, v1  }
0x3a9: {  	vm0 =	vlt.s32 v2, v3  }
0x3aa: {  	vm1 =	vlt.s32 v2, v1;
	v5 =	vsel vm0, v2, v3  }
0x3ab: {  	v6 =	vld [tilespmem:s24+$0xFFFFFF80];
	v7 =	vsel vm1, v1, v5  }
0x3ac: {  	v3 =	vsel vm0, v3, v5;
	v1 =	vsel vm1, v2, v1;
	vm0 =	vlt.s32 v4, v7  }
0x3ad: {  	vm1 =	vlt.s32 v4, v3;
	vm2 =	vlt.s32 v4, v1;
	v2 =	vsel vm0, v4, v7  }
0x3ae: {  	v8 =	vld [tilespmem:s24+$0x0];
	v5 =	vsel vm1, v4, v3;
	v2 =	vsel vm2, v1, v2  }
0x3af: {  	v7 =	vsel vm0, v7, v5;
	v3 =	vsel vm1, v3, v5;
	v1 =	vsel vm2, v4, v1  }
0x3b0: {  	vm0 =	vlt.s32 v6, v2;
	vm1 =	vlt.s32 v6, v7;
	vm3 =	vlt.s32 v6, v3  }
0x3b1: {  	v62 =	vld [tilespmem:s24+$0x80];
	v5 =	vsel vm0, v6, v2;
	v61 =	vsel vm1, v6, v7;
	v3 =	vsel vm3, v6, v3  }
0x3b2: {  	v2 =	vsel vm0, v2, v61;
	v3 =	vsel vm1, v7, v3;
	vm0 =	vlt.s32 v6, v1  }
0x3b3: {  	vm1 =	vlt.s32 v8, v2;
	vm2 =	vlt.s32 v8, v3;
	v4 =	vsel vm0, v1, v5  }
0x3b4: {  	v6 =	vsel vm0, v6, v1;
	v3 =	vsel vm2, v8, v3;
	vm0 =	vlt.s32 v8, v4  }
0x3b5: {  	v5 =	vsel vm1, v8, v2;
	v2 =	vsel vm1, v2, v3;
	v3 =	vsel vm0, v8, v4  }
0x3b6: {  	v1 =	vld [tilespmem:s24+$0x100];
	vm1 =	vlt.s32 v8, v6;
	v4 =	vsel vm0, v4, v5;
	vm2 =	vlt.s32 v62, v2  }
0x3b7: {  	v3 =	vsel vm1, v6, v3;
	v5 =	vsel vm1, v8, v6;
	vm1 =	vlt.s32 v62, v4  }
0x3b8: {  	vm0 =	vlt.s32 v62, v3;
	vm3 =	vlt.s32 v62, v5;
	v2 =	vsel vm2, v62, v2  }
0x3b9: {  	v7 =	vsel vm1, v62, v4;
	v6 =	vsel vm0, v62, v3;
	v4 =	vsel vm1, v4, v2;
	v2 =	vld [tilespmem:s24+$0x180]  }
0x3ba: {  	v3 =	vsel vm0, v3, v7;
	v8 =	vsel vm3, v5, v6  }
0x3bb: {  	v7 =	vsel vm3, v62, v5;
	vm0 =	vlt.s32 v1, v3;
	vm2 =	vlt.s32 v1, v8  }
0x3bc: {  	vm1 =	vlt.s32 v1, v7;
	v63 =	vsel vm0, v1, v3;
	v5 =	vsel vm2, v1, v8  }
0x3bd: {  	s23 =	simm.s32 $0x0;
	s24 =	simm.s32 $0x670;
	v6 =	vsel vm1, v7, v5;
	v5 =	vsel vm2, v8, v63;
	vm2 =	vlt.s32 v1, v4  }
.LBB2_30:
0x3be: {  	v8 =	vld [tilespmem:s24+$0xFFFFFE00];
	s23 =	sadd.s32 $0x8, s23;
	v7 =	vsel vm1, v1, v7;
	vm1 =	vlt.s32 v2, v5  }
0x3bf: {  	v1 =	vsel vm2, v1, v4;
	p0 =	slt.u32 s23, $0x78;
	vm2 =	vlt.s32 v2, v7;
	v4 =	vsel vm1, v2, v5  }
0x3c0: {  	v1 =	vsel vm0, v3, v1;
	vm0 =	vlt.s32 v2, v6;
	v3 =	vsel vm2, v2, v7  }
0x3c1: {  	v10 =	vsel vm0, v2, v6;
	v4 =	vsel vm0, v6, v4;
	vm0 =	vlt.s32 v2, v1;
	v9 =	vld [tilespmem:s24+$0xFFFFFE80]  }
0x3c2: {  	v6 =	vsel vm2, v7, v10;
	v1 =	vsel vm0, v2, v1  }
0x3c3: {  	v1 =	vsel vm1, v5, v1;
	vm0 =	vlt.s32 v8, v6;
	vm2 =	vlt.s32 v8, v4  }
0x3c4: {  	vm1 =	vlt.s32 v8, v3;
	v2 =	vsel vm0, v8, v6;
	v5 =	vsel vm2, v8, v4  }
0x3c5: {  	vm3 =	vlt.s32 v8, v1;
	v2 =	vsel vm1, v3, v2;
	v3 =	vsel vm1, v8, v3;
	v7 =	vld [tilespmem:s24+$0xFFFFFF00]  }
0x3c6: {  	v1 =	vsel vm3, v8, v1;
	vm1 =	vlt.s32 v9, v2;
	vm3 =	vlt.s32 v9, v3  }
0x3c7: {  	v5 =	vsel vm0, v6, v5;
	v1 =	vsel vm2, v4, v1;
	v4 =	vsel vm1, v9, v2  }
0x3c8: {  	vm0 =	vlt.s32 v9, v5;
	vm2 =	vlt.s32 v9, v1;
	v4 =	vsel vm3, v3, v4  }
0x3c9: {  	v6 =	vsel vm0, v9, v5;
	v1 =	vsel vm2, v9, v1;
	v3 =	vsel vm3, v9, v3;
	v8 =	vld [tilespmem:s24+$0xFFFFFF80]  }
0x3ca: {  	v2 =	vsel vm1, v2, v6;
	v1 =	vsel vm0, v5, v1;
	vm0 =	vlt.s32 v7, v3  }
0x3cb: {  	vm1 =	vlt.s32 v7, v4;
	vm2 =	vlt.s32 v7, v2;
	vm3 =	vlt.s32 v7, v1  }
0x3cc: {  	v5 =	vsel vm1, v7, v4;
	v6 =	vsel vm2, v7, v2;
	v1 =	vsel vm3, v7, v1;
	v9 =	vld [tilespmem:s24+$0x0]  }
0x3cd: {  	v5 =	vsel vm0, v3, v5;
	v4 =	vsel vm1, v4, v6;
	v1 =	vsel vm2, v2, v1  }
0x3ce: {  	vm1 =	vlt.s32 v8, v5;
	vm2 =	vlt.s32 v8, v4;
	vm3 =	vlt.s32 v8, v1  }
0x3cf: {  	v2 =	vsel vm1, v8, v5;
	v6 =	vsel vm2, v8, v4;
	v1 =	vsel vm3, v8, v1;
	v10 =	vld [tilespmem:s24+$0x80]  }
0x3d0: {  	v3 =	vsel vm0, v7, v3;
	v5 =	vsel vm1, v5, v6;
	v1 =	vsel vm2, v4, v1  }
0x3d1: {  	vm0 =	vlt.s32 v8, v3;
	vm1 =	vlt.s32 v9, v5;
	vm2 =	vlt.s32 v9, v1  }
0x3d2: {  	v2 =	vsel vm0, v3, v2;
	v4 =	vsel vm1, v9, v5;
	v1 =	vsel vm2, v9, v1  }
0x3d3: {  	v3 =	vsel vm0, v8, v3;
	vm0 =	vlt.s32 v9, v2;
	v5 =	vsel vm1, v5, v1  }
0x3d4: {  	v6 =	vsel vm0, v9, v2;
	vm1 =	vlt.s32 v9, v3;
	vm2 =	vlt.s32 v10, v5;
	v1 =	vld [tilespmem:s24+$0x100]  }
0x3d5: {  	v4 =	vsel vm0, v2, v4;
	v6 =	vsel vm1, v3, v6;
	v7 =	vsel vm1, v9, v3  }
0x3d6: {  	vm1 =	vlt.s32 v10, v4;
	vm0 =	vlt.s32 v10, v6;
	vm3 =	vlt.s32 v10, v7  }
.Ltmp14:
0x3d7: {  	v8 =	vsel vm1, v10, v4;
	v5 =	vsel vm2, v10, v5;
	v3 =	vsel vm0, v10, v6;
	v2 =	vld [tilespmem:s24+$0x180];
	(pc) =	sbr.rel @p0 .LBB2_30-.Ltmp14, $4  }
0x3d8: {  	v4 =	vsel vm1, v4, v5;
	v9 =	vsel vm3, v7, v3;
	v3 =	vsel vm0, v6, v8  }
0x3d9: {  	v7 =	vsel vm3, v10, v7;
	vm2 =	vlt.s32 v1, v9;
	vm0 =	vlt.s32 v1, v3  }
0x3da: {  	vm1 =	vlt.s32 v1, v7;
	v5 =	vsel vm2, v1, v9;
	v8 =	vsel vm0, v1, v3  }
0x3db: {  	s24 =	sadd.s32 $0x400, s24;
	v6 =	vsel vm1, v7, v5;
	v5 =	vsel vm2, v9, v8;
	vm2 =	vlt.s32 v1, v4  }
0x3dc: {  	v7 =	vsel vm1, v1, v7;
	vm12 =	vlt.s32 v2, v5;
	v1 =	vsel vm2, v1, v4  }
0x3dd: {  	vm14 =	vlt.s32 v2, v6;
	vm13 =	vlt.s32 v2, v7;
	v4 =	vsel vm12, v2, v5  }
0x3de: {  	v1 =	vsel vm0, v3, v1;
	v8 =	vsel vm14, v2, v6;
	v3 =	vsel vm13, v2, v7  }
0x3df: {  	s24 =	simm.s32 $0x0;
	v6 =	vsel vm14, v6, v4;
	v7 =	vsel vm13, v7, v8;
	v4 =	vand.u32 $0x7F, v3  }
0x3e0: {  	s23 =	simm.s32 $0x4170;
	vm15 =	vlt.s32 v2, v1;
	v3 =	vand.u32 $0x7F, v7;
	v8 =	vor.u32 s24, v4  }
0x3e1: {  	v12 =	vld [tilespmem:s23+$0xFFFFFF00];
	v1 =	vsel vm15, v2, v1;
	v2 =	vand.u32 $0x7F, v6;
	v9 =	vor.u32 s24, v3  }
0x3e2: {  	s30 =	simm.s32 $0x180;
	v6 =	vld [tilespmem:s23+$0x80];
	v10 =	vor.u32 s24, v2  }
0x3e3: {  	v7 =	vld [tilespmem:s23+$0xFFFFFF80];
	v13 =	vor.u32 s30, v4  }
0x3e4: {  	v1 =	vsel vm12, v5, v1;
	v5 =	vld [tilespmem:s23+$0x0];
	v15 =	vor.u32 s30, v3  }
0x3e5: {  	v22 =	vor.u32 s30, v2;
	v1 =	vand.u32 $0x7F, v1;
	v16 =	vld.idx.msk [tilespmem:v8+s8+$0x0], $0xffff  }
0x3e6: {  	v11 =	vor.u32 s24, v1;
	v17 =	vld.idx.msk [tilespmem:v9+s8+$0x0], $0xffff  }
0x3e7: {  	s31 =	simm.s32 $0x100;
	v9 =	vor.u32 s30, v1;
	v19 =	vld.idx.msk [tilespmem:v10+s8+$0x0], $0xffff  }
0x3e8: {  	v14 =	vor.u32 s31, v4;
	v20 =	vld.idx.msk [tilespmem:v13+s8+$0x0], $0xffff  }
0x3e9: {  	v13 =	vor.u32 s31, v3;
	v21 =	vld.idx.msk [tilespmem:v15+s8+$0x0], $0xffff  }
0x3ea: {  	s28 =	simm.s32 $0x80;
	v15 =	vor.u32 s31, v2;
	v22 =	vld.idx.msk [tilespmem:v22+s8+$0x0], $0xffff  }
0x3eb: {  	v25 =	vor.u32 s28, v4;
	v24 =	vor.u32 s31, v1;
	v8 =	vimm.f32 $0.0e+00;
	v18 =	vld.idx.msk [tilespmem:v11+s8+$0x0], $0xffff  }
0x3ec: {  	s24 =	simm.s32 $0x4;
	v10 =	vimm.f32 $0.0e+00;
	v11 =	vimm.f32 $0.0e+00;
	v23 =	vld.idx.msk [tilespmem:v9+s8+$0x0], $0xffff;
	v9 =	vimm.f32 $0.0e+00  }
.LBB2_32:
0x3ed: {  	s25 =	sshll.u32 s24, $0x7;
	p0 =	slt.u32 s24, $0x3C;
	v26 =	vor.u32 s28, v3;
	v27 =	vld.idx.msk [tilespmem:v14+s8+$0x0], $0xffff  }
0x3ee: {  	v30 =	vor.u32 s28, v2;
	v28 =	vor.u32 s25, v4;
	v29 =	vor.u32 s25, v3;
	v31 =	vld.idx.msk [tilespmem:v13+s8+$0x0], $0xffff  }
0x3ef: {  	v34 =	vor.u32 s28, v1;
	v32 =	vor.u32 s25, v2;
	v33 =	vor.u32 s25, v1;
	s29 =	sadd.s32 $0x180, s25;
	v35 =	vld.idx.msk [tilespmem:v15+s8+$0x0], $0xffff  }
0x3f0: {  	v16 =	vsub.f32 v12, v16;
	v36 =	vor.u32 s29, v4;
	v37 =	vor.u32 s29, v3;
	v24 =	vld.idx.msk [tilespmem:v24+s8+$0x0], $0xffff  }
0x3f1: {  	v17 =	vsub.f32 v12, v17;
	v19 =	vsub.f32 v12, v19;
	v38 =	vor.u32 s29, v2;
	v25 =	vld.idx.msk [tilespmem:v25+s8+$0x0], $0xffff  }
0x3f2: {  	v12 =	vsub.f32 v12, v18;
	s26 =	sadd.s32 $0x100, s25;
	v20 =	vsub.f32 v6, v20;
	v39 =	vor.u32 s29, v1;
	v18 =	vld.idx.msk [tilespmem:v26+s8+$0x0], $0xffff  }
0x3f3: {  	v14 =	vor.u32 s26, v4;
	v21 =	vsub.f32 v6, v21;
	v22 =	vsub.f32 v6, v22;
	v26 =	vld.idx.msk [tilespmem:v30+s8+$0x0], $0xffff  }
0x3f4: {  	v13 =	vor.u32 s26, v3;
	v23 =	vsub.f32 v6, v23;
	v27 =	vsub.f32 v5, v27;
	v30 =	vld.idx.msk [tilespmem:v34+s8+$0x0], $0xffff  }
0x3f5: {  	v15 =	vor.u32 s26, v2;
	v31 =	vsub.f32 v5, v31;
	v34 =	vsub.f32 v5, v35  }
0x3f6: {  	s23 =	sadd.s32 $0x200, s23;
	v17 =	vmul.f32 v17, v17;
	v35 =	vmul.f32 v16, v16;
	v24 =	vsub.f32 v5, v24  }
0x3f7: {  	v19 =	vmul.f32 v19, v19;
	v40 =	vmul.f32 v12, v12;
	v16 =	vsub.f32 v7, v25;
	v6 =	vld [tilespmem:s23+$0x80]  }
0x3f8: {  	v41 =	vmul.f32 v21, v21;
	v25 =	vmul.f32 v20, v20;
	v18 =	vsub.f32 v7, v18;
	v5 =	vld [tilespmem:s23+$0x0]  }
0x3f9: {  	v21 =	vmul.f32 v27, v27;
	v20 =	vsub.f32 v7, v26;
	v26 =	vmul.f32 v31, v31;
	v42 =	vld [tilespmem:s23+$0xFFFFFF80]  }
0x3fa: {  	v27 =	vmul.f32 v16, v16;
	v7 =	vsub.f32 v7, v30;
	v18 =	vmul.f32 v18, v18;
	v12 =	vld [tilespmem:s23+$0xFFFFFF00]  }
0x3fb: {  	v11 =	vadd.f32 v17, v11;
	v8 =	vadd.f32 v35, v8;
	v20 =	vmul.f32 v20, v20;
	v16 =	vld.idx.msk [tilespmem:v28+s8+$0x0], $0xffff  }
0x3fc: {  	v10 =	vadd.f32 v19, v10;
	v9 =	vadd.f32 v40, v9;
	v7 =	vmul.f32 v7, v7;
	v17 =	vld.idx.msk [tilespmem:v29+s8+$0x0], $0xffff  }
0x3fd: {  	v8 =	vadd.f32 v27, v8;
	v27 =	vmul.f32 v34, v34;
	v11 =	vadd.f32 v18, v11;
	v19 =	vld.idx.msk [tilespmem:v32+s8+$0x0], $0xffff  }
.Ltmp15:
0x3fe: {  	v10 =	vadd.f32 v20, v10;
	v28 =	vadd.f32 v7, v9;
	v9 =	vmul.f32 v24, v24;
	v18 =	vld.idx.msk [tilespmem:v33+s8+$0x0], $0xffff;
	(pc) =	sbr.rel @p0 .LBB2_32-.Ltmp15, $4  }
0x3ff: {  	v8 =	vadd.f32 v21, v8;
	v11 =	vadd.f32 v26, v11;
	v26 =	vmul.f32 v22, v22;
	v20 =	vld.idx.msk [tilespmem:v36+s8+$0x0], $0xffff  }
0x400: {  	v10 =	vadd.f32 v27, v10;
	v27 =	vmul.f32 v23, v23;
	v9 =	vadd.f32 v9, v28;
	v21 =	vld.idx.msk [tilespmem:v37+s8+$0x0], $0xffff  }
0x401: {  	s28 =	sadd.s32 $0x80, s25;
	v24 =	vor.u32 s26, v1;
	v8 =	vadd.f32 v25, v8;
	v11 =	vadd.f32 v41, v11;
	v7 =	vmovc v42;
	v22 =	vld.idx.msk [tilespmem:v38+s8+$0x0], $0xffff  }
0x402: {  	s24 =	sadd.s32 $0x4, s24;
	v25 =	vor.u32 s28, v4;
	v10 =	vadd.f32 v26, v10;
	v9 =	vadd.f32 v27, v9;
	v23 =	vld.idx.msk [tilespmem:v39+s8+$0x0], $0xffff  }
0x403: {  	_ =	sdelay $0x3  }
0x404: {  	v26 =	vor.u32 s28, v3;
	v14 =	vld.idx.msk [tilespmem:v14+s8+$0x0], $0xffff  }
0x405: {  	v27 =	vor.u32 s28, v2;
	v13 =	vld.idx.msk [tilespmem:v13+s8+$0x0], $0xffff  }
0x406: {  	v16 =	vsub.f32 v12, v16;
	v28 =	vor.u32 s28, v1;
	v25 =	vld.idx.msk [tilespmem:v25+s8+$0x0], $0xffff  }
0x407: {  	v15 =	vld.idx.msk [tilespmem:v15+s8+$0x0], $0xffff;
	v17 =	vsub.f32 v12, v17;
	v19 =	vsub.f32 v12, v19  }
0x408: {  	v24 =	vld.idx.msk [tilespmem:v24+s8+$0x0], $0xffff;
	v12 =	vsub.f32 v12, v18;
	v50 =	vsub.f32 v6, v20  }
0x409: {  	v21 =	vsub.f32 v6, v21;
	v16 =	vmul.f32 v16, v16;
	v17 =	vmul.f32 v17, v17;
	v51 =	vld.idx.msk [tilespmem:v26+s8+$0x0], $0xffff  }
0x40a: {  	v19 =	vmul.f32 v19, v19;
	v22 =	vsub.f32 v6, v22;
	v6 =	vsub.f32 v6, v23;
	v52 =	vld.idx.msk [tilespmem:v27+s8+$0x0], $0xffff  }
0x40b: {  	v12 =	vmul.f32 v12, v12;
	v8 =	vadd.f32 v16, v8;
	v53 =	vld.idx.msk [tilespmem:v28+s8+$0x0], $0xffff;
	v54 =	vsub.f32 v7, v25  }
0x40c: {  	v18 =	vmul.f32 v50, v50;
	v14 =	vsub.f32 v5, v14;
	v13 =	vsub.f32 v5, v13  }
0x40d: {  	v15 =	vsub.f32 v5, v15;
	v5 =	vsub.f32 v5, v24;
	v24 =	vmul.f32 v54, v54  }
0x40e: {  	v21 =	vmul.f32 v21, v21;
	v11 =	vadd.f32 v17, v11;
	v20 =	vsub.f32 v7, v51  }
0x40f: {  	v14 =	vmul.f32 v14, v14;
	v8 =	vadd.f32 v24, v8;
	v55 =	vsub.f32 v7, v52  }
0x410: {  	v10 =	vadd.f32 v19, v10;
	v7 =	vsub.f32 v7, v53;
	v56 =	vmul.f32 v20, v20  }
0x411: {  	v9 =	vadd.f32 v12, v9;
	v8 =	vadd.f32 v14, v8;
	v57 =	vmul.f32 v55, v55  }
0x412: {  	v13 =	vmul.f32 v13, v13;
	v7 =	vmul.f32 v7, v7;
	v11 =	vadd.f32 v56, v11  }
0x413: {  	v12 =	vmul.f32 v15, v15;
	v8 =	vadd.f32 v18, v8;
	v10 =	vadd.f32 v57, v10  }
0x414: {  	v5 =	vmul.f32 v5, v5;
	v7 =	vadd.f32 v7, v9;
	v11 =	vadd.f32 v13, v11  }
0x415: {  	v6 =	vmul.f32 v6, v6;
	v9 =	vmul.f32 v22, v22;
	v10 =	vadd.f32 v12, v10  }
0x416: {  	vm0 =	vlt.f32 v8, $3.000000010e+38;
	v5 =	vadd.f32 v5, v7;
	v11 =	vadd.f32 v21, v11  }
0x417: {  	v8 =	vnsel vm0, $0x7F61B1E6, v8;
	v4 =	vnsel vm0, $0x0, v4;
	v7 =	vadd.f32 v9, v10  }
0x418: {  	v5 =	vadd.f32 v6, v5;
	vm1 =	vlt.f32 v11, $3.000000010e+38;
	vm2 =	vlt.f32 v11, v8  }
0x419: {  	vm12 =	vlt.f32 v7, $3.000000010e+38;
	v6 =	vnsel vm1, $0x7F61B1E6, v11;
	v9 =	vnsel vm1, $0x0, v3  }
0x41a: {  	v3 =	vsel vm2, v3, v4;
	v12 =	vnsel vm12, $0x0, v2;
	v6 =	vsel vm2, v8, v6  }
0x41b: {  	v9 =	vsel vm2, v4, v9;
	v8 =	vsel vm2, v11, v8;
	vm10 =	vlt.f32 v7, v6  }
0x41c: {  	v11 =	vnsel vm12, $0x7F61B1E6, v7;
	vm11 =	vlt.f32 v7, v8;
	v4 =	vsel vm10, v7, v6  }
0x41d: {  	v10 =	vsel vm10, v2, v9;
	v6 =	vsel vm10, v6, v11;
	v9 =	vsel vm10, v9, v12  }
0x41e: {  	v7 =	vsel vm11, v7, v8;
	v2 =	vsel vm11, v2, v3;
	v4 =	vsel vm11, v8, v4  }
0x41f: {  	v10 =	vsel vm11, v3, v10;
	vm13 =	vlt.f32 v5, v7;
	vm14 =	vlt.f32 v5, v4  }
0x420: {  	vm15 =	vlt.f32 v5, v6;
	v4 =	vsel vm13, v1, v2;
	v3 =	vsel vm14, v1, v10  }
0x421: {  	v1 =	vsel vm15, v1, v9;
	v2 =	vsel vm13, v2, v3;
	v3 =	vor.u32 v0, v4  }
0x422: {  	v1 =	vsel vm14, v10, v1;
	[tilespmem:$0xA070] =	vst v3;
	v2 =	vadd.s32 v0, v2  }
0x423: {  	v1 =	vor.u32 v0, v1;
	[tilespmem:$0xA0F0] =	vst v2  }
0x424: {  	[tilespmem:$0xA170] =	vst v1  }
0x425: {  	[tilespmem:s13], [sflag:$0x2] =	stream.indirect.gather [hbm4b:s3+s11], $0x80, s12, s11, $0xb8;
	[tilespmem:$0x16180] =	vst v63  }
0x426: {  	_ = 	snop  }
0x427: {  	[tilespmem:s15], [sflag:$0x3] =	stream.indirect.gather [hbm4b:s3+s11], $0x80, s14, s11, $0xb8;
	[tilespmem:$0x16180] =	vst v63  }
0x428: {  	_ = 	snop  }
0x429: {  	[tilespmem:s17], [sflag:$0x4] =	stream.indirect.gather [hbm4b:s3+s11], $0x80, s16, s11, $0xb8;
	[tilespmem:$0x16180] =	vst v63  }
0x42a: {  	_ =	swait.ge [sflag:s18], $0x4000  }
0x42b: {  	[sflag:s18] =	ssyncset.done $0x0  }
0x42c: {  	[sflag:s18] =	ssyncadd.s32 $0xFFFFC000  }
0x42d: {  	_ =	swait.ge [sflag:s19], $0x4000  }
0x42e: {  	[sflag:s19] =	ssyncset.done $0x0  }
0x42f: {  	[sflag:s19] =	ssyncadd.s32 $0xFFFFC000  }
0x430: {  	_ =	swait.ge [sflag:s20], $0x4000  }
0x431: {  	[sflag:s20] =	ssyncset.done $0x0  }
0x432: {  	s25 =	simm.s32 $0xA200;
	[sflag:s20] =	ssyncadd.s32 $0xFFFFC000  }
0x433: {  	s23 =	simm.s32 $0xE200;
	v1 =	vld [tilespmem:s25+$0x30]  }
0x434: {  	v2 =	vld [tilespmem:s23+$0x30]  }
0x435: {  	s24 =	simm.s32 $0x12200;
	v4 =	vld [tilespmem:s23+$0xFFFFFF80]  }
0x436: {  	v3 =	vld [tilespmem:s24+$0x30]  }
0x437: {  	v5 =	vld [tilespmem:s25+$0xFFFFFF90]  }
0x438: {  	v6 =	vld [tilespmem:s23+$0xFFFFFF90]  }
0x439: {  	v7 =	vld [tilespmem:s25+$0xFFFFFFA0]  }
0x43a: {  	v8 =	vld [tilespmem:s23+$0xFFFFFFA0]  }
0x43b: {  	v9 =	vld [tilespmem:s25+$0xFFFFFFB0]  }
0x43c: {  	v11 =	vld [tilespmem:s23+$0xFFFFFFB0]  }
0x43d: {  	v12 =	vld [tilespmem:s25+$0x0]  }
0x43e: {  	v13 =	vld [tilespmem:s23+$0x0]  }
0x43f: {  	v14 =	vld [tilespmem:s25+$0x10]  }
0x440: {  	v15 =	vld [tilespmem:s23+$0x10]  }
0x441: {  	v58 =	vld [tilespmem:s25+$0x20]  }
0x442: {  	v59 =	vld [tilespmem:s23+$0x20]  }
0x443: {  	v60 =	vld [tilespmem:s25+$0xFFFFFF80]  }
0x444: {  	v62 =	vld [tilespmem:s24+$0xFFFFFF90];
	v1 =	vadd.f32 v2, v1  }
0x445: {  	v61 =	vld [tilespmem:s24+$0xFFFFFF80]  }
0x446: {  	v10 =	vld [tilespmem:s24+$0xFFFFFFA0];
	v63 =	vadd.f32 v6, v5;
	v2 =	vadd.f32 v3, v1  }
0x447: {  	v5 =	vadd.f32 v8, v7;
	v8 =	vld [tilespmem:s24+$0xFFFFFFB0];
	v1 =	vadd.f32 v11, v9  }
0x448: {  	v3 =	vadd.f32 v13, v12;
	v11 =	vadd.f32 v4, v60;
	v9 =	vld [tilespmem:s24+$0x0];
	v7 =	vmul.f32 $3.333333430e-01, v2  }
0x449: {  	s25 =	simm.s32 $0x6080;
	v6 =	vld [tilespmem:s24+$0x10];
	v4 =	vadd.f32 v15, v14;
	v12 =	vadd.f32 v62, v63  }
0x44a: {  	s26 =	simm.s32 $0x0;
	s28 =	simm.s32 $0xA300;
	v2 =	vadd.f32 v59, v58;
	v11 =	vadd.f32 v61, v11;
	[tilespmem:s25+$0x30] =	vst v7;
	v7 =	vld [tilespmem:s24+$0x20]  }
.LBB2_34:
0x44b: {  	v13 =	vld [tilespmem:s28+$0x30];
	v5 =	vadd.f32 v10, v5;
	s23 =	sadd.s32 $0x100, s23  }
0x44c: {  	s26 =	sadd.s32 $0x8, s26;
	v10 =	vld [tilespmem:s23+$0x30];
	v11 =	vmul.f32 $3.333333430e-01, v11;
	v12 =	vmul.f32 $3.333333430e-01, v12;
	v1 =	vadd.f32 v8, v1  }
0x44d: {  	s24 =	sadd.s32 $0x100, s24;
	p0 =	slt.u32 s26, $0x1F8;
	v14 =	vld [tilespmem:s23+$0xFFFFFF80];
	v5 =	vmul.f32 $3.333333430e-01, v5;
	v3 =	vadd.f32 v9, v3  }
0x44e: {  	v8 =	vld [tilespmem:s24+$0x30];
	[tilespmem:s25+$0xFFFFFF80] =	vst v11;
	v1 =	vmul.f32 $3.333333430e-01, v1;
	v4 =	vadd.f32 v6, v4  }
0x44f: {  	v6 =	vld [tilespmem:s28+$0xFFFFFF90];
	[tilespmem:s25+$0xFFFFFF90] =	vst v12;
	v3 =	vmul.f32 $3.333333430e-01, v3;
	v2 =	vadd.f32 v7, v2  }
0x450: {  	v7 =	vld [tilespmem:s23+$0xFFFFFF90];
	[tilespmem:s25+$0xFFFFFFA0] =	vst v5;
	v4 =	vmul.f32 $3.333333430e-01, v4  }
0x451: {  	v5 =	vld [tilespmem:s28+$0xFFFFFFA0];
	v9 =	vadd.f32 v10, v13;
	[tilespmem:s25+$0xFFFFFFB0] =	vst v1;
	v1 =	vmul.f32 $3.333333430e-01, v2  }
0x452: {  	v2 =	vld [tilespmem:s23+$0xFFFFFFA0];
	[tilespmem:s25+$0x0] =	vst v3  }
0x453: {  	v3 =	vld [tilespmem:s28+$0xFFFFFFB0];
	v8 =	vadd.f32 v8, v9;
	[tilespmem:s25+$0x10] =	vst v4  }
0x454: {  	v4 =	vld [tilespmem:s23+$0xFFFFFFB0];
	[tilespmem:s25+$0x20] =	vst v1  }
0x455: {  	v7 =	vadd.f32 v7, v6;
	v6 =	vld [tilespmem:s28+$0x0];
	v1 =	vmul.f32 $3.333333430e-01, v8  }
0x456: {  	s25 =	sadd.s32 $0x100, s25;
	v8 =	vld [tilespmem:s23+$0x0]  }
0x457: {  	v5 =	vadd.f32 v2, v5;
	v2 =	vld [tilespmem:s28+$0x10];
	[tilespmem:s25+$0x30] =	vst v1  }
0x458: {  	v9 =	vld [tilespmem:s23+$0x10]  }
0x459: {  	v1 =	vadd.f32 v4, v3;
	v11 =	vld [tilespmem:s28+$0x20]  }
0x45a: {  	v12 =	vld [tilespmem:s23+$0x20]  }
0x45b: {  	v13 =	vld [tilespmem:s28+$0xFFFFFF80];
	v3 =	vadd.f32 v8, v6  }
0x45c: {  	v15 =	vld [tilespmem:s24+$0xFFFFFF80]  }
0x45d: {  	v16 =	vld [tilespmem:s24+$0xFFFFFF90];
	v4 =	vadd.f32 v9, v2  }
.Ltmp16:
0x45e: {  	v10 =	vld [tilespmem:s24+$0xFFFFFFA0];
	(pc) =	sbr.rel @p0 .LBB2_34-.Ltmp16, $4  }
0x45f: {  	v8 =	vld [tilespmem:s24+$0xFFFFFFB0];
	v2 =	vadd.f32 v12, v11  }
0x460: {  	v11 =	vadd.f32 v14, v13;
	v9 =	vld [tilespmem:s24+$0x0]  }
0x461: {  	v6 =	vld [tilespmem:s24+$0x10]  }
0x462: {  	s28 =	sadd.s32 $0x100, s28;
	v11 =	vadd.f32 v15, v11;
	v12 =	vadd.f32 v16, v7;
	v7 =	vld [tilespmem:s24+$0x20]  }
0x463: {  	_ = 	snop  }
0x464: {  	v5 =	vadd.f32 v10, v5;
	v62 =	vmul.f32 $3.333333430e-01, v11  }
0x465: {  	v63 =	vmul.f32 $3.333333430e-01, v12;
	v1 =	vadd.f32 v8, v1  }
0x466: {  	v5 =	vmul.f32 $3.333333430e-01, v5;
	v3 =	vadd.f32 v9, v3;
	[tilespmem:s25+$0xFFFFFF80] =	vst v62  }
0x467: {  	v1 =	vmul.f32 $3.333333430e-01, v1;
	v4 =	vadd.f32 v6, v4;
	[tilespmem:s25+$0xFFFFFF90] =	vst v63  }
0x468: {  	v3 =	vmul.f32 $3.333333430e-01, v3;
	v2 =	vadd.f32 v7, v2;
	[tilespmem:s25+$0xFFFFFFA0] =	vst v5  }
0x469: {  	v4 =	vmul.f32 $3.333333430e-01, v4;
	[tilespmem:s25+$0xFFFFFFB0] =	vst v1  }
0x46a: {  	s22 =	sadd.s32 $0x1, s22;
	v1 =	vmul.f32 $3.333333430e-01, v2;
	[tilespmem:s25+$0x0] =	vst v3  }
0x46b: {  	p0 =	sne.s32 s22, s7;
	[tilespmem:s25+$0x10] =	vst v4  }
.Ltmp17:
0x46c: {  	[tilespmem:s25+$0x20] =	vst v1;
	(pc) =	sbr.rel @p0 .LBB2_1-.Ltmp17, $4  }
0x46d: {  	[hbm4b:s6+s2] =	stream.linear.scatter [tilespmem:s21], [sflag:$0x5], $0x4000, $0x38;
	[tilespmem:$0x16180] =	vst v63  }
0x46e: {  	_ =	swait.ge [sflag:s9], $0x4000  }
0x46f: {  	[sflag:s9] =	ssyncset.done $0x0  }
0x470: {  	[sflag:s9] =	ssyncadd.s32 $0xFFFFC000  }
0x471: {  	_ =	sfence.sel $0x180000  }
0x472: {  	[bflag:$0x0] =	sbarrier.arrive $0xFFFF  }
0x473: {  	p0 =	sne.s32 s1, $0x0;
	_ =	strace $0x90000047  }
0x474: {  	s0 =	sadd.s32 @!p0 $0x100000, s0;
	[bflag:$0x2] =	sbarrier.arrive $0xFFFF  }
0x475: {  	[sflag:s0] =	ssyncadd.tile.s32 @!p0 $0x1;
	_ =	shalt  }
.Lfunc_end2:
_tile_overlayer_lowered:
.L_overlay_start_2:
0x476: {  	(tag) =	ssettag $0x2  }
0x477: {  	s0 =	rddreg [dreg:$0x0];
	s2 =	stileid.u32  }
0x478: {  	s1 =	rddreg [dreg:$0x1];
	p0 =	sne.s32 s2, $0x0  }
0x479: {  	s3 =	rddreg [dreg:$0x2];
	[bflag:$0x3] =	sbarrier.arrive $0xFFFF;
	s2 =	simm.s32 @!p0 $0x1C05  }
0x47a: {  	[timem:s3], [sflag:s2] =	dma.local @!p0 [hbm:s0], s1  }
0x47b: {  	s0 =	simm.s32 @!p0 $0x5  }
0x47c: {  	_ =	swait.ge @!p0 [sflag:s0], s1  }
0x47d: {  	s1 =	ssub.s32 @!p0 $0x0, s1;
	[sflag:s0] =	ssyncset.done @!p0 $0x0  }
0x47e: {  	[sflag:s0] =	ssyncadd.s32 @!p0 s1  }
0x47f: {  	[bflag:$0x3] =	sbarrier.arrive $0xFFFF  }
0x480: {  	_ =	shalt  }

</sc_bundles>
